<compile_context>
chip_gen: v7x
topology: tpu7x:2x2x1
jax: 0.10.2.dev20260603
libtpu: 0.0.44.dev20260713+nightly
codegen_flags: <defaults>
</compile_context>

<pallas_src>
import functools

import jax
import jax.numpy as jnp
from jax import lax
from jax.experimental import pallas as pl
from jax.experimental.pallas import tpu as pltpu
from jax.experimental.pallas import tpu_sc as plsc

_NC = 2
_NS = 16
_CH = 80
_ZR = 64

_F32 = jnp.float32
_HIGH = jax.lax.Precision.HIGHEST


def _dot(a, b):
    return jax.lax.dot_general(a, b, (((1,), (0,)), ((), ())),
                               precision=_HIGH, preferred_element_type=_F32)


def _make_edge_pass(n_acc, d, e_pad):
    per_tile = e_pad // (_NC * _NS)
    n_chunks = per_tile // _CH
    rows_per_tile = n_acc // _NS
    nz = rows_per_tile // _ZR
    mesh = plsc.VectorSubcoreMesh(core_axis_name="c", subcore_axis_name="s")

    @functools.partial(
        pl.kernel,
        out_type=(jax.ShapeDtypeStruct((_NC, n_acc, d), _F32),
                  jax.ShapeDtypeStruct((_NC, n_acc, d), _F32)),
        mesh=mesh,
        scratch_types=[
            pltpu.VMEM((_CH,), jnp.int32),
            pltpu.VMEM((_CH, d), _F32),
            pltpu.VMEM((_CH, d), _F32),
            pltpu.VMEM((_ZR, d), _F32),
            pltpu.VMEM_SHARED((n_acc, d), _F32),
            pltpu.VMEM_SHARED((n_acc, d), _F32),
        ],
    )
    def edge_pass(ea_hbm, dst_hbm, ea_out, cnt_out,
                  dst_v, rows_v, ones_v, zbuf, acc_e, acc_c):
        c = lax.axis_index("c")
        s = lax.axis_index("s")

        @pl.loop(0, _ZR)
        def _(r):
            @pl.loop(0, d // 16)
            def _(k):
                zbuf[r, pl.ds(k * 16, 16)] = jnp.zeros((16,), _F32)

        @pl.loop(0, _CH)
        def _(r):
            @pl.loop(0, d // 16)
            def _(k):
                ones_v[r, pl.ds(k * 16, 16)] = jnp.ones((16,), _F32)

        base_z = s * rows_per_tile

        @pl.loop(0, nz)
        def _(z):
            pltpu.sync_copy(zbuf, acc_e.at[pl.ds(base_z + z * _ZR, _ZR)])
            pltpu.sync_copy(zbuf, acc_c.at[pl.ds(base_z + z * _ZR, _ZR)])

        plsc.subcore_barrier()

        base_e = (c * _NS + s) * per_tile

        @pl.loop(0, n_chunks)
        def _(i):
            off = base_e + i * _CH
            pltpu.sync_copy(dst_hbm.at[pl.ds(off, _CH)], dst_v)
            pltpu.sync_copy(ea_hbm.at[pl.ds(off, _CH)], rows_v)
            pltpu.sync_copy(rows_v, acc_e.at[dst_v], add=True)
            pltpu.sync_copy(ones_v, acc_c.at[dst_v], add=True)

        plsc.subcore_barrier()
        pltpu.sync_copy(acc_e.at[pl.ds(base_z, rows_per_tile)],
                        ea_out.at[c, pl.ds(base_z, rows_per_tile)])
        pltpu.sync_copy(acc_c.at[pl.ds(base_z, rows_per_tile)],
                        cnt_out.at[c, pl.ds(base_z, rows_per_tile)])

    return edge_pass


def _make_gather_pass(n_acc, d, e_pad):
    per_tile = e_pad // (_NC * _NS)
    n_chunks = per_tile // _CH
    rows_per_tile = n_acc // _NS
    nz = rows_per_tile // _ZR
    mesh = plsc.VectorSubcoreMesh(core_axis_name="c", subcore_axis_name="s")

    @functools.partial(
        pl.kernel,
        out_type=jax.ShapeDtypeStruct((_NC, n_acc, d), _F32),
        mesh=mesh,
        scratch_types=[
            pltpu.VMEM((_CH,), jnp.int32),
            pltpu.VMEM((_CH,), jnp.int32),
            pltpu.VMEM((_CH, d), _F32),
            pltpu.VMEM((_ZR, d), _F32),
            pltpu.VMEM_SHARED((n_acc, d), _F32),
            pltpu.SemaphoreType.DMA,
        ],
    )
    def gather_pass(h_hbm, src_hbm, dst_hbm, out_hbm,
                    src_v, dst_v, rows_v, zbuf, acc, sem):
        c = lax.axis_index("c")
        s = lax.axis_index("s")

        @pl.loop(0, _ZR)
        def _(r):
            @pl.loop(0, d // 16)
            def _(k):
                zbuf[r, pl.ds(k * 16, 16)] = jnp.zeros((16,), _F32)

        base_z = s * rows_per_tile

        @pl.loop(0, nz)
        def _(z):
            pltpu.sync_copy(zbuf, acc.at[pl.ds(base_z + z * _ZR, _ZR)])

        plsc.subcore_barrier()

        base_e = (c * _NS + s) * per_tile

        @pl.loop(0, n_chunks)
        def _(i):
            off = base_e + i * _CH
            pltpu.sync_copy(src_hbm.at[pl.ds(off, _CH)], src_v)
            pltpu.sync_copy(dst_hbm.at[pl.ds(off, _CH)], dst_v)
            pltpu.async_copy(h_hbm.at[src_v], rows_v, sem).wait()
            pltpu.sync_copy(rows_v, acc.at[dst_v], add=True)

        plsc.subcore_barrier()
        pltpu.sync_copy(acc.at[pl.ds(base_z, rows_per_tile)],
                        out_hbm.at[c, pl.ds(base_z, rows_per_tile)])

    return gather_pass


def _make_precompute(n, n_acc, h, de, blk):
    grid = (n // blk,)

    def body(x_ref, ea0, ea1, cn0, cn1, wn_ref, bn_ref,
             g1_ref, p1_ref, q1_ref, g2_ref, p2_ref, q2_ref,
             h0_ref, b1_ref, b2_ref):
        xb = x_ref[...]
        h0_ref[...] = _dot(xb, wn_ref[...]) + bn_ref[...]
        ea = ea0[0] + ea1[0]
        cnt = cn0[0][:, :1] + cn1[0][:, :1]
        b1_ref[...] = cnt * p1_ref[...] + _dot(ea, g1_ref[...]) + q1_ref[...]
        b2_ref[...] = cnt * p2_ref[...] + _dot(ea, g2_ref[...]) + q2_ref[...]

    full = lambda shape: pl.BlockSpec(shape, lambda i: tuple(0 for _ in shape))
    return pl.pallas_call(
        body,
        grid=grid,
        in_specs=[
            pl.BlockSpec((blk, h), lambda i: (i, 0)),
            pl.BlockSpec((1, blk, de), lambda i: (0, i, 0)),
            pl.BlockSpec((1, blk, de), lambda i: (1, i, 0)),
            pl.BlockSpec((1, blk, de), lambda i: (0, i, 0)),
            pl.BlockSpec((1, blk, de), lambda i: (1, i, 0)),
            full((h, h)), full((1, h)),
            full((de, h)), full((1, h)), full((1, h)),
            full((de, h)), full((1, h)), full((1, h)),
        ],
        out_specs=[
            pl.BlockSpec((blk, h), lambda i: (i, 0)),
            pl.BlockSpec((blk, h), lambda i: (i, 0)),
            pl.BlockSpec((blk, h), lambda i: (i, 0)),
        ],
        out_shape=[jax.ShapeDtypeStruct((n, h), _F32)] * 3,
    )


def _make_conv(n, n_acc, h, blk):
    grid = (n // blk,)

    def body(s0_ref, s1_ref, hp_ref, w_ref, b_ref, out_ref):
        agg = s0_ref[0] + s1_ref[0] + hp_ref[...]
        out_ref[...] = jnp.maximum(_dot(agg, w_ref[...]) + b_ref[...], 0.0)

    return pl.pallas_call(
        body,
        grid=grid,
        in_specs=[
            pl.BlockSpec((1, blk, h), lambda i: (0, i, 0)),
            pl.BlockSpec((1, blk, h), lambda i: (1, i, 0)),
            pl.BlockSpec((blk, h), lambda i: (i, 0)),
            pl.BlockSpec((h, h), lambda i: (0, 0)),
            pl.BlockSpec((blk, h), lambda i: (i, 0)),
        ],
        out_specs=pl.BlockSpec((blk, h), lambda i: (i, 0)),
        out_shape=jax.ShapeDtypeStruct((n, h), _F32),
    )


def _make_pool(n, h, num_graphs, out_dim, blk):
    grid = (n // blk,)
    last = n // blk - 1

    def body(h_ref, b_ref, m1_ref, m1b_ref, m2_ref, m2b_ref, out_ref,
             sums, counts, maxs):
        i = pl.program_id(0)

        @pl.when(i == 0)
        def _():
            sums[...] = jnp.zeros((num_graphs, h), _F32)
            counts[...] = jnp.zeros((num_graphs, h), _F32)
            maxs[...] = jnp.full((num_graphs, h), -jnp.inf, _F32)

        hb = h_ref[...]
        bb = b_ref[...]
        iota = lax.broadcasted_iota(jnp.int32, (1, num_graphs), 1)
        onehot = (bb == iota).astype(_F32)
        sums[...] += jax.lax.dot_general(
            onehot, hb, (((0,), (0,)), ((), ())),
            precision=_HIGH, preferred_element_type=_F32)
        counts[...] += jax.lax.dot_general(
            onehot, jnp.ones((blk, h), _F32), (((0,), (0,)), ((), ())),
            precision=_HIGH, preferred_element_type=_F32)
        for g in range(num_graphs):
            masked = jnp.where(bb == g, hb, -jnp.inf)
            m = jnp.max(masked, axis=0, keepdims=True)
            maxs[g:g + 1, :] = jnp.maximum(maxs[g:g + 1, :], m)

        @pl.when(i == last)
        def _():
            mean = sums[...] / jnp.maximum(counts[...], 1.0)
            z = (_dot(mean, m1_ref[:h, :]) + _dot(maxs[...], m1_ref[h:, :])
                 + m1b_ref[...])
            z = jnp.maximum(z, 0.0)
            o = _dot(z, m2_ref[...]) + m2b_ref[...]
            out_ref[...] = jax.nn.sigmoid(o)

    return pl.pallas_call(
        body,
        grid=grid,
        in_specs=[
            pl.BlockSpec((blk, h), lambda i: (i, 0)),
            pl.BlockSpec((blk, 1), lambda i: (i, 0)),
            pl.BlockSpec((2 * h, h), lambda i: (0, 0)),
            pl.BlockSpec((1, h), lambda i: (0, 0)),
            pl.BlockSpec((h, out_dim), lambda i: (0, 0)),
            pl.BlockSpec((1, out_dim), lambda i: (0, 0)),
        ],
        out_specs=pl.BlockSpec((num_graphs, out_dim), lambda i: (0, 0)),
        out_shape=jax.ShapeDtypeStruct((num_graphs, out_dim), _F32),
        scratch_shapes=[
            pltpu.VMEM((num_graphs, h), _F32),
            pltpu.VMEM((num_graphs, h), _F32),
            pltpu.VMEM((num_graphs, h), _F32),
        ],
    )


def kernel(x, edge_index, edge_attr, batch,
           Wn2l, bn2l, We2l, be2l,
           c1_Wn, c1_bn, c1_We, c1_be, c1_Wu, c1_bu,
           c2_Wn, c2_bn, c2_We, c2_be, c2_Wu, c2_bu,
           m1_W, m1_b, m2_W, m2_b):
    n, d_node = x.shape
    e = edge_index.shape[1]
    d_edge = edge_attr.shape[1]
    h = Wn2l.shape[1]
    num_graphs = 64
    out_dim = m2_W.shape[1]

    align = _NC * _NS * _CH
    e_pad = ((e + align - 1) // align) * align
    src = edge_index[0]
    dst = edge_index[1]
    ea = edge_attr
    if e_pad != e:
        pad = e_pad - e
        src = jnp.concatenate([src, jnp.zeros((pad,), jnp.int32)])
        dst = jnp.concatenate([dst, jnp.full((pad,), n, jnp.int32)])
        ea = jnp.concatenate([ea, jnp.zeros((pad, d_edge), _F32)], axis=0)

    n_acc = ((n + 1 + 16 * _ZR - 1) // (16 * _ZR)) * (16 * _ZR)

    W1 = c1_Wn @ c1_Wu
    W2 = c2_Wn @ c2_Wu
    W1e = c1_We @ c1_Wu
    W2e = c2_We @ c2_Wu
    u1 = (c1_bn + c1_be) @ c1_Wu
    u2 = (c2_bn + c2_be) @ c2_Wu
    G1 = We2l @ W1e
    G2 = We2l @ W2e
    p1 = (u1 + be2l @ W1e).reshape(1, h)
    p2 = (u2 + be2l @ W2e).reshape(1, h)
    q1 = (u1 + c1_bu).reshape(1, h)
    q2 = (u2 + c2_bu).reshape(1, h)

    edge_pass = _make_edge_pass(n_acc, d_edge, e_pad)
    gather_pass = _make_gather_pass(n_acc, h, e_pad)
    blk = 1000
    precompute = _make_precompute(n, n_acc, h, d_edge, blk)
    conv = _make_conv(n, n_acc, h, blk)
    pool = _make_pool(n, h, num_graphs, out_dim, blk)

    ea_part, cnt_part = edge_pass(ea, dst)
    h0, B1, B2 = precompute(x, ea_part, ea_part, cnt_part, cnt_part,
                            Wn2l, bn2l.reshape(1, h),
                            G1, p1, q1, G2, p2, q2)

    hcur = h0
    for W, B in ((W1, B1), (W2, B2)) * 3:
        s_part = gather_pass(hcur, src, dst)
        hcur = conv(s_part, s_part, hcur, W, B)

    return pool(hcur, batch.reshape(n, 1).astype(jnp.int32),
                m1_W, m1_b.reshape(1, h),
                m2_W, m2_b.reshape(1, out_dim))

# --- scband reference (transcript-rebuilt; emitter-appended) ---
"""Pipeline reference for scband-graph-classifier-36051955483068 (READ-ONLY COPY).

The authoritative reference and input builder live on the scoring server;
editing this copy changes nothing except your own understanding.
"""

import jax, jax.numpy as jnp
import numpy as np

N = 10000
E = 320000
D_NODE = 128
D_EDGE = 16
H = 128
OUT = 2
MAX_LV = 3
NUM_GRAPHS = 64


def _lin_params(key, fan_in, fan_out):
    k1, k2 = jax.random.split(key)
    w = jax.random.normal(k1, (fan_in, fan_out), dtype=jnp.float32) / np.sqrt(fan_in)
    b = jax.random.normal(k2, (fan_out,), dtype=jnp.float32) * 0.01
    return w, b


def setup_inputs(seed: int = 0) -> dict:
    key = jax.random.key(seed)
    ks = jax.random.split(key, 16)
    x = jax.random.normal(ks[0], (N, D_NODE), dtype=jnp.float32)
    edge_index = jax.random.randint(ks[1], (2, E), 0, N, dtype=jnp.int32)
    edge_attr = jax.random.normal(ks[2], (E, D_EDGE), dtype=jnp.float32)
    batch = jnp.sort(jax.random.randint(ks[3], (N,), 0, NUM_GRAPHS, dtype=jnp.int32))
    Wn2l, bn2l = _lin_params(ks[4], D_NODE, H)
    We2l, be2l = _lin_params(ks[5], D_EDGE, H)
    c1_Wn, c1_bn = _lin_params(ks[6], H, H)
    c1_We, c1_be = _lin_params(ks[7], H, H)
    c1_Wu, c1_bu = _lin_params(ks[8], H, H)
    c2_Wn, c2_bn = _lin_params(ks[9], H, H)
    c2_We, c2_be = _lin_params(ks[10], H, H)
    c2_Wu, c2_bu = _lin_params(ks[11], H, H)
    m1_W, m1_b = _lin_params(ks[12], 2 * H, H)
    m2_W, m2_b = _lin_params(ks[13], H, OUT)
    return {"x": x, "edge_index": edge_index, "edge_attr": edge_attr, "batch": batch,
            "Wn2l": Wn2l, "bn2l": bn2l, "We2l": We2l, "be2l": be2l,
            "c1_Wn": c1_Wn, "c1_bn": c1_bn, "c1_We": c1_We, "c1_be": c1_be, "c1_Wu": c1_Wu, "c1_bu": c1_bu,
            "c2_Wn": c2_Wn, "c2_bn": c2_bn, "c2_We": c2_We, "c2_be": c2_be, "c2_Wu": c2_Wu, "c2_bu": c2_bu,
            "m1_W": m1_W, "m1_b": m1_b, "m2_W": m2_W, "m2_b": m2_b}


def _conv(h, src, dst, ea, Wn, bn, We, be, Wu, bu):
    # message: node_mlp(x_j) + edge_mlp(edge_attr); aggr='add' at dst; update: update_mlp
    msg = h[src] @ Wn + bn + ea @ We + be
    aggr = jax.ops.segment_sum(msg, dst, num_segments=h.shape[0])
    return aggr @ Wu + bu


def reference(x, edge_index, edge_attr, batch,
              Wn2l, bn2l, We2l, be2l,
              c1_Wn, c1_bn, c1_We, c1_be, c1_Wu, c1_bu,
              c2_Wn, c2_bn, c2_We, c2_be, c2_Wu, c2_bu,
              m1_W, m1_b, m2_W, m2_b):
    n = x.shape[0]
    h = x @ Wn2l + bn2l
    ea = edge_attr @ We2l + be2l
    # add_self_loops with fill_value=0 (applied inside each conv in torch, but
    # the original edge_index/edge_attr are never mutated, so precompute once)
    self_idx = jnp.arange(n, dtype=edge_index.dtype)
    src = jnp.concatenate([edge_index[0], self_idx])
    dst = jnp.concatenate([edge_index[1], self_idx])
    ea_full = jnp.concatenate([ea, jnp.zeros((n, ea.shape[1]), dtype=ea.dtype)], axis=0)
    for _ in range(MAX_LV):
        h = jax.nn.relu(_conv(h, src, dst, ea_full, c1_Wn, c1_bn, c1_We, c1_be, c1_Wu, c1_bu))
        h = jax.nn.relu(_conv(h, src, dst, ea_full, c2_Wn, c2_bn, c2_We, c2_be, c2_Wu, c2_bu))
    sums = jax.ops.segment_sum(h, batch, num_segments=NUM_GRAPHS)
    counts = jax.ops.segment_sum(jnp.ones((n,), dtype=h.dtype), batch, num_segments=NUM_GRAPHS)
    mean_pooled = sums / jnp.maximum(counts, 1.0)[:, None]
    max_pooled = jax.ops.segment_max(h, batch, num_segments=NUM_GRAPHS)
    pooled = jnp.concatenate([mean_pooled, max_pooled], axis=1)
    out = jax.nn.relu(pooled @ m1_W + m1_b) @ m2_W + m2_b
    return jax.nn.sigmoid(out)

if __name__ == "__main__":
    import jax
    _d = setup_inputs()
    print(jax.jit(kernel)(*tuple(_d.values())))

</pallas_src>

<mosaic_0001>
#map = affine_map<(d0, d1) -> (0, 0)>
#map1 = affine_map<(d0, d1) -> (0)>
#map2 = affine_map<(d0, d1) -> (0, 0, 0)>
module attributes {stable_mosaic.version = 14 : i64} {
  func.func @gather_pass(%arg0: i32, %arg1: i32, %arg2: memref<10000x128xf32, #tpu.memory_space<hbm>>, %arg3: memref<320000xi32, #tpu.memory_space<hbm>>, %arg4: memref<320000xi32, #tpu.memory_space<hbm>>, %arg5: memref<2x10240x128xf32, #tpu.memory_space<hbm>>, %arg6: memref<80xi32, #tpu.memory_space<vmem>>, %arg7: memref<80xi32, #tpu.memory_space<vmem>>, %arg8: memref<80x128xf32, #tpu.memory_space<vmem>>, %arg9: memref<64x128xf32, #tpu.memory_space<vmem>>, %arg10: memref<10240x128xf32, #tpu.memory_space<vmem_shared>>, %arg11: memref<!tpu.dma_semaphore, #tpu.memory_space<semaphore_mem>>) attributes {dimension_semantics = [#tpu.dimension_semantics<core_parallel>, #tpu.dimension_semantics<subcore_parallel>], iteration_bounds = array<i64: 2, 16>, scalar_prefetch = 0 : i64, scratch_operands = 6 : i64, tpu.core_type = #tpu.core_type<sc_vector_subcore>, window_params = [{transform_indices = #map}, {transform_indices = #map1}, {transform_indices = #map1}, {transform_indices = #map2}]} {
    %scan3A = arith.constant 0 : i32
    %scan3A_0 = arith.constant 64 : i32
    %scan3A_1 = arith.addi %scan3A, %scan3A_0 : i32
    %scan3A_2 = arith.constant 1 : i32
    scf.for %scan3A_20 = %scan3A to %scan3A_1 step %scan3A_2  : i32 {
      %mul3A_21 = arith.constant 1 : i32
      %mul3A_22 = arith.muli %scan3A_20, %mul3A_21 : i32
      %add3A_23 = arith.constant 0 : i32
      %add3A_24 = arith.addi %add3A_23, %mul3A_22 : i32
      %scan3A_25 = arith.constant 0 : i32
      %scan3A_26 = arith.constant 8 : i32
      %scan3A_27 = arith.addi %scan3A_25, %scan3A_26 : i32
      %scan3A_28 = arith.constant 1 : i32
      scf.for %scan3A_30 = %scan3A_25 to %scan3A_27 step %scan3A_28  : i32 {
        %mul3A_31 = arith.constant 1 : i32
        %mul3A_32 = arith.muli %scan3A_30, %mul3A_31 : i32
        %add3A_33 = arith.constant 0 : i32
        %add3A_34 = arith.addi %add3A_33, %mul3A_32 : i32
        %broadcast_in_dim3A = arith.constant 0.000000e+00 : f32
        %broadcast_in_dim3A_35 = vector.broadcast %broadcast_in_dim3A : f32 to vector<16xf32>
        %mul3A_36 = arith.constant 16 : i32
        %mul3A_37 = arith.muli %add3A_34, %mul3A_36 : i32
        %swap3A = arith.index_cast %add3A_24 : i32 to index
        %swap3A_38 = arith.index_cast %mul3A_37 : i32 to index
        %swap3A_39 = tpu.vector_load %arg9[%swap3A, %swap3A_38] {strides = array<i32>} : memref<64x128xf32, #tpu.memory_space<vmem>>, vector<1x16xf32>,
        %swap3A_40 = vector.shape_cast %swap3A_39 : vector<1x16xf32> to vector<16xf32>
        %swap3A_41 = vector.shape_cast %broadcast_in_dim3A_35 : vector<16xf32> to vector<1x16xf32>
        tpu.vector_store %arg9[%swap3A, %swap3A_38], %swap3A_41 {strides = array<i32>} : memref<64x128xf32, #tpu.memory_space<vmem>>, vector<1x16xf32>,
      }
      %scan3A_29 = arith.constant 8 : i32
    }
    %scan3A_3 = arith.constant 64 : i32
    %mul3A = arith.constant 640 : i32
    %mul3A_4 = arith.muli %arg1, %mul3A : i32
    %scan3A_5 = arith.constant 0 : i32
    %scan3A_6 = arith.constant 10 : i32
    %scan3A_7 = arith.addi %scan3A_5, %scan3A_6 : i32
    %scan3A_8 = arith.constant 1 : i32
    scf.for %scan3A_20 = %scan3A_5 to %scan3A_7 step %scan3A_8  : i32 {
      %mul3A_21 = arith.constant 1 : i32
      %mul3A_22 = arith.muli %scan3A_20, %mul3A_21 : i32
      %add3A_23 = arith.constant 0 : i32
      %add3A_24 = arith.addi %add3A_23, %mul3A_22 : i32
      %mul3A_25 = arith.constant 64 : i32
      %mul3A_26 = arith.muli %add3A_24, %mul3A_25 : i32
      %add3A_27 = arith.addi %mul3A_4, %mul3A_26 : i32
      "tpu.region"() ({
        %run_scoped3A = tpu.sem_alloc : memref<!tpu.dma_semaphore, #tpu.memory_space<semaphore_mem>>
        %dma_start3A = arith.constant 0 : i32
        %dma_start3A_28 = tpu.memref_slice %arg10[%add3A_27, %dma_start3A] : memref<10240x128xf32, #tpu.memory_space<vmem_shared>> -> memref<64x128xf32, #tpu.memory_space<vmem_shared>>
        %dma_start3A_29 = arith.constant 0 : i32
        %dma_start3A_30 = tpu.memref_slice %arg10[%add3A_27, %dma_start3A_29] : memref<10240x128xf32, #tpu.memory_space<vmem_shared>> -> memref<64x128xf32, #tpu.memory_space<vmem_shared>>
        tpu.enqueue_dma source(%arg9 : memref<64x128xf32, #tpu.memory_space<vmem>>) target(%dma_start3A_30 : memref<64x128xf32, #tpu.memory_space<vmem_shared>>) target_semaphore(%run_scoped3A : memref<!tpu.dma_semaphore, #tpu.memory_space<semaphore_mem>>)
        %dma_wait3A = arith.constant 0 : i32
        %dma_wait3A_31 = tpu.memref_slice %arg10[%add3A_27, %dma_wait3A] : memref<10240x128xf32, #tpu.memory_space<vmem_shared>> -> memref<64x128xf32, #tpu.memory_space<vmem_shared>>
        %dma_wait3A_32 = arith.constant 0 : i32
        %dma_wait3A_33 = tpu.memref_slice %arg10[%add3A_27, %dma_wait3A_32] : memref<10240x128xf32, #tpu.memory_space<vmem_shared>> -> memref<64x128xf32, #tpu.memory_space<vmem_shared>>
        tpu.wait_dma2 semaphore(%run_scoped3A : memref<!tpu.dma_semaphore, #tpu.memory_space<semaphore_mem>>) src(%arg9 : memref<64x128xf32, #tpu.memory_space<vmem>>) dst(%dma_wait3A_33 : memref<64x128xf32, #tpu.memory_space<vmem_shared>>)
        tpu.yield
      }) : () -> ()
    }
    %scan3A_9 = arith.constant 10 : i32
    %barrier3A = arith.constant 0 : index
    tpu.barrier barrier_id(%barrier3A)
    %mul3A_10 = arith.constant 16 : i32
    %mul3A_11 = arith.muli %arg0, %mul3A_10 : i32
    %add3A = arith.addi %mul3A_11, %arg1 : i32
    %mul3A_12 = arith.constant 10000 : i32
    %mul3A_13 = arith.muli %add3A, %mul3A_12 : i32
    %scan3A_14 = arith.constant 0 : i32
    %scan3A_15 = arith.constant 125 : i32
    %scan3A_16 = arith.addi %scan3A_14, %scan3A_15 : i32
    %scan3A_17 = arith.constant 1 : i32
    scf.for %scan3A_20 = %scan3A_14 to %scan3A_16 step %scan3A_17  : i32 {
      %mul3A_21 = arith.constant 1 : i32
      %mul3A_22 = arith.muli %scan3A_20, %mul3A_21 : i32
      %add3A_23 = arith.constant 0 : i32
      %add3A_24 = arith.addi %add3A_23, %mul3A_22 : i32
      %mul3A_25 = arith.constant 80 : i32
      %mul3A_26 = arith.muli %add3A_24, %mul3A_25 : i32
      %add3A_27 = arith.addi %mul3A_13, %mul3A_26 : i32
      "tpu.region"() ({
        %run_scoped3A = tpu.sem_alloc : memref<!tpu.dma_semaphore, #tpu.memory_space<semaphore_mem>>
        %dma_start3A_32 = tpu.memref_slice %arg3[%add3A_27] : memref<320000xi32, #tpu.memory_space<hbm>> -> memref<80xi32, #tpu.memory_space<hbm>>
        %dma_start3A_33 = tpu.memref_slice %arg3[%add3A_27] : memref<320000xi32, #tpu.memory_space<hbm>> -> memref<80xi32, #tpu.memory_space<hbm>>
        tpu.enqueue_dma source(%dma_start3A_33 : memref<80xi32, #tpu.memory_space<hbm>>) target(%arg6 : memref<80xi32, #tpu.memory_space<vmem>>) target_semaphore(%run_scoped3A : memref<!tpu.dma_semaphore, #tpu.memory_space<semaphore_mem>>)
        %dma_wait3A_34 = tpu.memref_slice %arg3[%add3A_27] : memref<320000xi32, #tpu.memory_space<hbm>> -> memref<80xi32, #tpu.memory_space<hbm>>
        %dma_wait3A_35 = tpu.memref_slice %arg3[%add3A_27] : memref<320000xi32, #tpu.memory_space<hbm>> -> memref<80xi32, #tpu.memory_space<hbm>>
        tpu.wait_dma2 semaphore(%run_scoped3A : memref<!tpu.dma_semaphore, #tpu.memory_space<semaphore_mem>>) src(%dma_wait3A_35 : memref<80xi32, #tpu.memory_space<hbm>>) dst(%arg6 : memref<80xi32, #tpu.memory_space<vmem>>)
        tpu.yield
      }) : () -> ()
      "tpu.region"() ({
        %run_scoped3A = tpu.sem_alloc : memref<!tpu.dma_semaphore, #tpu.memory_space<semaphore_mem>>
        %dma_start3A_32 = tpu.memref_slice %arg4[%add3A_27] : memref<320000xi32, #tpu.memory_space<hbm>> -> memref<80xi32, #tpu.memory_space<hbm>>
        %dma_start3A_33 = tpu.memref_slice %arg4[%add3A_27] : memref<320000xi32, #tpu.memory_space<hbm>> -> memref<80xi32, #tpu.memory_space<hbm>>
        tpu.enqueue_dma source(%dma_start3A_33 : memref<80xi32, #tpu.memory_space<hbm>>) target(%arg7 : memref<80xi32, #tpu.memory_space<vmem>>) target_semaphore(%run_scoped3A : memref<!tpu.dma_semaphore, #tpu.memory_space<semaphore_mem>>)
        %dma_wait3A_34 = tpu.memref_slice %arg4[%add3A_27] : memref<320000xi32, #tpu.memory_space<hbm>> -> memref<80xi32, #tpu.memory_space<hbm>>
        %dma_wait3A_35 = tpu.memref_slice %arg4[%add3A_27] : memref<320000xi32, #tpu.memory_space<hbm>> -> memref<80xi32, #tpu.memory_space<hbm>>
        tpu.wait_dma2 semaphore(%run_scoped3A : memref<!tpu.dma_semaphore, #tpu.memory_space<semaphore_mem>>) src(%dma_wait3A_35 : memref<80xi32, #tpu.memory_space<hbm>>) dst(%arg7 : memref<80xi32, #tpu.memory_space<vmem>>)
        tpu.yield
      }) : () -> ()
      %dma_start3A = arith.constant 0 : i32
      %dma_start3A_28 = arith.constant 0 : i32
      %dma_start3A_29 = tpu.memref_slice %arg2[%dma_start3A, %dma_start3A_28] : memref<10000x128xf32, #tpu.memory_space<hbm>> -> memref<10000x128xf32, #tpu.memory_space<hbm>>
      tpu.enqueue_indirect_dma source(%dma_start3A_29 : memref<10000x128xf32, #tpu.memory_space<hbm>>) target(%arg8 : memref<80x128xf32, #tpu.memory_space<vmem>>) offsets(%arg6 : memref<80xi32, #tpu.memory_space<vmem>>) semaphore(%arg11 : memref<!tpu.dma_semaphore, #tpu.memory_space<semaphore_mem>>)
      %dma_wait3A = arith.constant 0 : i32
      %dma_wait3A_30 = arith.constant 0 : i32
      %dma_wait3A_31 = tpu.memref_slice %arg2[%dma_wait3A, %dma_wait3A_30] : memref<10000x128xf32, #tpu.memory_space<hbm>> -> memref<10000x128xf32, #tpu.memory_space<hbm>>
      tpu.wait_indirect_dma semaphore(%arg11 : memref<!tpu.dma_semaphore, #tpu.memory_space<semaphore_mem>>) src(%dma_wait3A_31 : memref<10000x128xf32, #tpu.memory_space<hbm>>) dst(%arg8 : memref<80x128xf32, #tpu.memory_space<vmem>>)
      "tpu.region"() ({
        %run_scoped3A = tpu.sem_alloc : memref<!tpu.dma_semaphore, #tpu.memory_space<semaphore_mem>>
        %dma_start3A_32 = arith.constant 0 : i32
        %dma_start3A_33 = arith.constant 0 : i32
        %dma_start3A_34 = tpu.memref_slice %arg10[%dma_start3A_32, %dma_start3A_33] : memref<10240x128xf32, #tpu.memory_space<vmem_shared>> -> memref<10240x128xf32, #tpu.memory_space<vmem_shared>>
        tpu.enqueue_indirect_dma source(%arg8 : memref<80x128xf32, #tpu.memory_space<vmem>>) target(%dma_start3A_34 : memref<10240x128xf32, #tpu.memory_space<vmem_shared>>) offsets(%arg7 : memref<80xi32, #tpu.memory_space<vmem>>) semaphore(%run_scoped3A : memref<!tpu.dma_semaphore, #tpu.memory_space<semaphore_mem>>) {add = true}
        %dma_wait3A_35 = arith.constant 0 : i32
        %dma_wait3A_36 = arith.constant 0 : i32
        %dma_wait3A_37 = tpu.memref_slice %arg10[%dma_wait3A_35, %dma_wait3A_36] : memref<10240x128xf32, #tpu.memory_space<vmem_shared>> -> memref<10240x128xf32, #tpu.memory_space<vmem_shared>>
        tpu.wait_indirect_dma semaphore(%run_scoped3A : memref<!tpu.dma_semaphore, #tpu.memory_space<semaphore_mem>>) src(%arg8 : memref<80x128xf32, #tpu.memory_space<vmem>>) dst(%dma_wait3A_37 : memref<10240x128xf32, #tpu.memory_space<vmem_shared>>)
        tpu.yield
      }) : () -> ()
    }
    %scan3A_18 = arith.constant 125 : i32
    %barrier3A_19 = arith.constant 0 : index
    tpu.barrier barrier_id(%barrier3A_19)
    "tpu.region"() ({
      %run_scoped3A = tpu.sem_alloc : memref<!tpu.dma_semaphore, #tpu.memory_space<semaphore_mem>>
      %dma_start3A = arith.constant 0 : i32
      %dma_start3A_20 = tpu.memref_slice %arg5[%arg0, %mul3A_4, %dma_start3A] : memref<2x10240x128xf32, #tpu.memory_space<hbm>> -> memref<1x640x128xf32, #tpu.memory_space<hbm>>
      %dma_start3A_21 = tpu.memref_squeeze %dma_start3A_20 : memref<1x640x128xf32, #tpu.memory_space<hbm>> -> memref<640x128xf32, #tpu.memory_space<hbm>>
      %dma_start3A_22 = arith.constant 0 : i32
      %dma_start3A_23 = tpu.memref_slice %arg10[%mul3A_4, %dma_start3A_22] : memref<10240x128xf32, #tpu.memory_space<vmem_shared>> -> memref<640x128xf32, #tpu.memory_space<vmem_shared>>
      tpu.enqueue_dma source(%dma_start3A_23 : memref<640x128xf32, #tpu.memory_space<vmem_shared>>) target(%dma_start3A_21 : memref<640x128xf32, #tpu.memory_space<hbm>>) target_semaphore(%run_scoped3A : memref<!tpu.dma_semaphore, #tpu.memory_space<semaphore_mem>>)
      %dma_wait3A = arith.constant 0 : i32
      %dma_wait3A_24 = tpu.memref_slice %arg5[%arg0, %mul3A_4, %dma_wait3A] : memref<2x10240x128xf32, #tpu.memory_space<hbm>> -> memref<1x640x128xf32, #tpu.memory_space<hbm>>
      %dma_wait3A_25 = tpu.memref_squeeze %dma_wait3A_24 : memref<1x640x128xf32, #tpu.memory_space<hbm>> -> memref<640x128xf32, #tpu.memory_space<hbm>>
      %dma_wait3A_26 = arith.constant 0 : i32
      %dma_wait3A_27 = tpu.memref_slice %arg10[%mul3A_4, %dma_wait3A_26] : memref<10240x128xf32, #tpu.memory_space<vmem_shared>> -> memref<640x128xf32, #tpu.memory_space<vmem_shared>>
      tpu.wait_dma2 semaphore(%run_scoped3A : memref<!tpu.dma_semaphore, #tpu.memory_space<semaphore_mem>>) src(%dma_wait3A_27 : memref<640x128xf32, #tpu.memory_space<vmem_shared>>) dst(%dma_wait3A_25 : memref<640x128xf32, #tpu.memory_space<hbm>>)
      tpu.yield
    }) : () -> ()
    return
  }
}

#map = affine_map<(d0, d1) -> (0, 0)>
#map1 = affine_map<(d0, d1) -> (0)>
#map2 = affine_map<(d0, d1) -> (0, 0, 0)>
module attributes {stable_mosaic.version = 14 : i64} {
  func.func @gather_pass(%arg0: i32, %arg1: i32, %arg2: memref<10000x128xf32, #tpu.memory_space<hbm>>, %arg3: memref<320000xi32, #tpu.memory_space<hbm>>, %arg4: memref<320000xi32, #tpu.memory_space<hbm>>, %arg5: memref<2x10240x128xf32, #tpu.memory_space<hbm>>, %arg6: memref<80xi32, #tpu.memory_space<vmem>>, %arg7: memref<80xi32, #tpu.memory_space<vmem>>, %arg8: memref<80x128xf32, #tpu.memory_space<vmem>>, %arg9: memref<64x128xf32, #tpu.memory_space<vmem>>, %arg10: memref<10240x128xf32, #tpu.memory_space<vmem_shared>>, %arg11: memref<!tpu.dma_semaphore, #tpu.memory_space<semaphore_mem>>) attributes {dimension_semantics = [#tpu.dimension_semantics<core_parallel>, #tpu.dimension_semantics<subcore_parallel>], iteration_bounds = array<i64: 2, 16>, scalar_prefetch = 0 : i64, scratch_operands = 6 : i64, tpu.core_type = #tpu.core_type<sc_vector_subcore>, window_params = [{transform_indices = #map}, {transform_indices = #map1}, {transform_indices = #map1}, {transform_indices = #map2}]} {
    %scan3A = arith.constant 0 : i32
    %scan3A_0 = arith.constant 64 : i32
    %scan3A_1 = arith.addi %scan3A, %scan3A_0 : i32
    %scan3A_2 = arith.constant 1 : i32
    scf.for %scan3A_20 = %scan3A to %scan3A_1 step %scan3A_2  : i32 {
      %mul3A_21 = arith.constant 1 : i32
      %mul3A_22 = arith.muli %scan3A_20, %mul3A_21 : i32
      %add3A_23 = arith.constant 0 : i32
      %add3A_24 = arith.addi %add3A_23, %mul3A_22 : i32
      %scan3A_25 = arith.constant 0 : i32
      %scan3A_26 = arith.constant 8 : i32
      %scan3A_27 = arith.addi %scan3A_25, %scan3A_26 : i32
      %scan3A_28 = arith.constant 1 : i32
      scf.for %scan3A_30 = %scan3A_25 to %scan3A_27 step %scan3A_28  : i32 {
        %mul3A_31 = arith.constant 1 : i32
        %mul3A_32 = arith.muli %scan3A_30, %mul3A_31 : i32
        %add3A_33 = arith.constant 0 : i32
        %add3A_34 = arith.addi %add3A_33, %mul3A_32 : i32
        %broadcast_in_dim3A = arith.constant 0.000000e+00 : f32
        %broadcast_in_dim3A_35 = vector.broadcast %broadcast_in_dim3A : f32 to vector<16xf32>
        %mul3A_36 = arith.constant 16 : i32
        %mul3A_37 = arith.muli %add3A_34, %mul3A_36 : i32
        %swap3A = arith.index_cast %add3A_24 : i32 to index
        %swap3A_38 = arith.index_cast %mul3A_37 : i32 to index
        %swap3A_39 = tpu.vector_load %arg9[%swap3A, %swap3A_38] {strides = array<i32>} : memref<64x128xf32, #tpu.memory_space<vmem>>, vector<1x16xf32>,
        %swap3A_40 = vector.shape_cast %swap3A_39 : vector<1x16xf32> to vector<16xf32>
        %swap3A_41 = vector.shape_cast %broadcast_in_dim3A_35 : vector<16xf32> to vector<1x16xf32>
        tpu.vector_store %arg9[%swap3A, %swap3A_38], %swap3A_41 {strides = array<i32>} : memref<64x128xf32, #tpu.memory_space<vmem>>, vector<1x16xf32>,
      }
      %scan3A_29 = arith.constant 8 : i32
    }
    %scan3A_3 = arith.constant 64 : i32
    %mul3A = arith.constant 640 : i32
    %mul3A_4 = arith.muli %arg1, %mul3A : i32
    %scan3A_5 = arith.constant 0 : i32
    %scan3A_6 = arith.constant 10 : i32
    %scan3A_7 = arith.addi %scan3A_5, %scan3A_6 : i32
    %scan3A_8 = arith.constant 1 : i32
    scf.for %scan3A_20 = %scan3A_5 to %scan3A_7 step %scan3A_8  : i32 {
      %mul3A_21 = arith.constant 1 : i32
      %mul3A_22 = arith.muli %scan3A_20, %mul3A_21 : i32
      %add3A_23 = arith.constant 0 : i32
      %add3A_24 = arith.addi %add3A_23, %mul3A_22 : i32
      %mul3A_25 = arith.constant 64 : i32
      %mul3A_26 = arith.muli %add3A_24, %mul3A_25 : i32
      %add3A_27 = arith.addi %mul3A_4, %mul3A_26 : i32
      "tpu.region"() ({
        %run_scoped3A = tpu.sem_alloc : memref<!tpu.dma_semaphore, #tpu.memory_space<semaphore_mem>>
        %dma_start3A = arith.constant 0 : i32
        %dma_start3A_28 = tpu.memref_slice %arg10[%add3A_27, %dma_start3A] : memref<10240x128xf32, #tpu.memory_space<vmem_shared>> -> memref<64x128xf32, #tpu.memory_space<vmem_shared>>
        %dma_start3A_29 = arith.constant 0 : i32
        %dma_start3A_30 = tpu.memref_slice %arg10[%add3A_27, %dma_start3A_29] : memref<10240x128xf32, #tpu.memory_space<vmem_shared>> -> memref<64x128xf32, #tpu.memory_space<vmem_shared>>
        tpu.enqueue_dma source(%arg9 : memref<64x128xf32, #tpu.memory_space<vmem>>) target(%dma_start3A_30 : memref<64x128xf32, #tpu.memory_space<vmem_shared>>) target_semaphore(%run_scoped3A : memref<!tpu.dma_semaphore, #tpu.memory_space<semaphore_mem>>)
        %dma_wait3A = arith.constant 0 : i32
        %dma_wait3A_31 = tpu.memref_slice %arg10[%add3A_27, %dma_wait3A] : memref<10240x128xf32, #tpu.memory_space<vmem_shared>> -> memref<64x128xf32, #tpu.memory_space<vmem_shared>>
        %dma_wait3A_32 = arith.constant 0 : i32
        %dma_wait3A_33 = tpu.memref_slice %arg10[%add3A_27, %dma_wait3A_32] : memref<10240x128xf32, #tpu.memory_space<vmem_shared>> -> memref<64x128xf32, #tpu.memory_space<vmem_shared>>
        tpu.wait_dma2 semaphore(%run_scoped3A : memref<!tpu.dma_semaphore, #tpu.memory_space<semaphore_mem>>) src(%arg9 : memref<64x128xf32, #tpu.memory_space<vmem>>) dst(%dma_wait3A_33 : memref<64x128xf32, #tpu.memory_space<vmem_shared>>)
        tpu.yield
      }) : () -> ()
    }
    %scan3A_9 = arith.constant 10 : i32
    %barrier3A = arith.constant 0 : index
    tpu.barrier barrier_id(%barrier3A)
    %mul3A_10 = arith.constant 16 : i32
    %mul3A_11 = arith.muli %arg0, %mul3A_10 : i32
    %add3A = arith.addi %mul3A_11, %arg1 : i32
    %mul3A_12 = arith.constant 10000 : i32
    %mul3A_13 = arith.muli %add3A, %mul3A_12 : i32
    %scan3A_14 = arith.constant 0 : i32
    %scan3A_15 = arith.constant 125 : i32
    %scan3A_16 = arith.addi %scan3A_14, %scan3A_15 : i32
    %scan3A_17 = arith.constant 1 : i32
    scf.for %scan3A_20 = %scan3A_14 to %scan3A_16 step %scan3A_17  : i32 {
      %mul3A_21 = arith.constant 1 : i32
      %mul3A_22 = arith.muli %scan3A_20, %mul3A_21 : i32
      %add3A_23 = arith.constant 0 : i32
      %add3A_24 = arith.addi %add3A_23, %mul3A_22 : i32
      %mul3A_25 = arith.constant 80 : i32
      %mul3A_26 = arith.muli %add3A_24, %mul3A_25 : i32
      %add3A_27 = arith.addi %mul3A_13, %mul3A_26 : i32
      "tpu.region"() ({
        %run_scoped3A = tpu.sem_alloc : memref<!tpu.dma_semaphore, #tpu.memory_space<semaphore_mem>>
        %dma_start3A_32 = tpu.memref_slice %arg3[%add3A_27] : memref<320000xi32, #tpu.memory_space<hbm>> -> memref<80xi32, #tpu.memory_space<hbm>>
        %dma_start3A_33 = tpu.memref_slice %arg3[%add3A_27] : memref<320000xi32, #tpu.memory_space<hbm>> -> memref<80xi32, #tpu.memory_space<hbm>>
        tpu.enqueue_dma source(%dma_start3A_33 : memref<80xi32, #tpu.memory_space<hbm>>) target(%arg6 : memref<80xi32, #tpu.memory_space<vmem>>) target_semaphore(%run_scoped3A : memref<!tpu.dma_semaphore, #tpu.memory_space<semaphore_mem>>)
        %dma_wait3A_34 = tpu.memref_slice %arg3[%add3A_27] : memref<320000xi32, #tpu.memory_space<hbm>> -> memref<80xi32, #tpu.memory_space<hbm>>
        %dma_wait3A_35 = tpu.memref_slice %arg3[%add3A_27] : memref<320000xi32, #tpu.memory_space<hbm>> -> memref<80xi32, #tpu.memory_space<hbm>>
        tpu.wait_dma2 semaphore(%run_scoped3A : memref<!tpu.dma_semaphore, #tpu.memory_space<semaphore_mem>>) src(%dma_wait3A_35 : memref<80xi32, #tpu.memory_space<hbm>>) dst(%arg6 : memref<80xi32, #tpu.memory_space<vmem>>)
        tpu.yield
      }) : () -> ()
      "tpu.region"() ({
        %run_scoped3A = tpu.sem_alloc : memref<!tpu.dma_semaphore, #tpu.memory_space<semaphore_mem>>
        %dma_start3A_32 = tpu.memref_slice %arg4[%add3A_27] : memref<320000xi32, #tpu.memory_space<hbm>> -> memref<80xi32, #tpu.memory_space<hbm>>
        %dma_start3A_33 = tpu.memref_slice %arg4[%add3A_27] : memref<320000xi32, #tpu.memory_space<hbm>> -> memref<80xi32, #tpu.memory_space<hbm>>
        tpu.enqueue_dma source(%dma_start3A_33 : memref<80xi32, #tpu.memory_space<hbm>>) target(%arg7 : memref<80xi32, #tpu.memory_space<vmem>>) target_semaphore(%run_scoped3A : memref<!tpu.dma_semaphore, #tpu.memory_space<semaphore_mem>>)
        %dma_wait3A_34 = tpu.memref_slice %arg4[%add3A_27] : memref<320000xi32, #tpu.memory_space<hbm>> -> memref<80xi32, #tpu.memory_space<hbm>>
        %dma_wait3A_35 = tpu.memref_slice %arg4[%add3A_27] : memref<320000xi32, #tpu.memory_space<hbm>> -> memref<80xi32, #tpu.memory_space<hbm>>
        tpu.wait_dma2 semaphore(%run_scoped3A : memref<!tpu.dma_semaphore, #tpu.memory_space<semaphore_mem>>) src(%dma_wait3A_35 : memref<80xi32, #tpu.memory_space<hbm>>) dst(%arg7 : memref<80xi32, #tpu.memory_space<vmem>>)
        tpu.yield
      }) : () -> ()
      %dma_start3A = arith.constant 0 : i32
      %dma_start3A_28 = arith.constant 0 : i32
      %dma_start3A_29 = tpu.memref_slice %arg2[%dma_start3A, %dma_start3A_28] : memref<10000x128xf32, #tpu.memory_space<hbm>> -> memref<10000x128xf32, #tpu.memory_space<hbm>>
      tpu.enqueue_indirect_dma source(%dma_start3A_29 : memref<10000x128xf32, #tpu.memory_space<hbm>>) target(%arg8 : memref<80x128xf32, #tpu.memory_space<vmem>>) offsets(%arg6 : memref<80xi32, #tpu.memory_space<vmem>>) semaphore(%arg11 : memref<!tpu.dma_semaphore, #tpu.memory_space<semaphore_mem>>)
      %dma_wait3A = arith.constant 0 : i32
      %dma_wait3A_30 = arith.constant 0 : i32
      %dma_wait3A_31 = tpu.memref_slice %arg2[%dma_wait3A, %dma_wait3A_30] : memref<10000x128xf32, #tpu.memory_space<hbm>> -> memref<10000x128xf32, #tpu.memory_space<hbm>>
      tpu.wait_indirect_dma semaphore(%arg11 : memref<!tpu.dma_semaphore, #tpu.memory_space<semaphore_mem>>) src(%dma_wait3A_31 : memref<10000x128xf32, #tpu.memory_space<hbm>>) dst(%arg8 : memref<80x128xf32, #tpu.memory_space<vmem>>)
      "tpu.region"() ({
        %run_scoped3A = tpu.sem_alloc : memref<!tpu.dma_semaphore, #tpu.memory_space<semaphore_mem>>
        %dma_start3A_32 = arith.constant 0 : i32
        %dma_start3A_33 = arith.constant 0 : i32
        %dma_start3A_34 = tpu.memref_slice %arg10[%dma_start3A_32, %dma_start3A_33] : memref<10240x128xf32, #tpu.memory_space<vmem_shared>> -> memref<10240x128xf32, #tpu.memory_space<vmem_shared>>
        tpu.enqueue_indirect_dma source(%arg8 : memref<80x128xf32, #tpu.memory_space<vmem>>) target(%dma_start3A_34 : memref<10240x128xf32, #tpu.memory_space<vmem_shared>>) offsets(%arg7 : memref<80xi32, #tpu.memory_space<vmem>>) semaphore(%run_scoped3A : memref<!tpu.dma_semaphore, #tpu.memory_space<semaphore_mem>>) {add = true}
        %dma_wait3A_35 = arith.constant 0 : i32
        %dma_wait3A_36 = arith.constant 0 : i32
        %dma_wait3A_37 = tpu.memref_slice %arg10[%dma_wait3A_35, %dma_wait3A_36] : memref<10240x128xf32, #tpu.memory_space<vmem_shared>> -> memref<10240x128xf32, #tpu.memory_space<vmem_shared>>
        tpu.wait_indirect_dma semaphore(%run_scoped3A : memref<!tpu.dma_semaphore, #tpu.memory_space<semaphore_mem>>) src(%arg8 : memref<80x128xf32, #tpu.memory_space<vmem>>) dst(%dma_wait3A_37 : memref<10240x128xf32, #tpu.memory_space<vmem_shared>>)
        tpu.yield
      }) : () -> ()
    }
    %scan3A_18 = arith.constant 125 : i32
    %barrier3A_19 = arith.constant 0 : index
    tpu.barrier barrier_id(%barrier3A_19)
    "tpu.region"() ({
      %run_scoped3A = tpu.sem_alloc : memref<!tpu.dma_semaphore, #tpu.memory_space<semaphore_mem>>
      %dma_start3A = arith.constant 0 : i32
      %dma_start3A_20 = tpu.memref_slice %arg5[%arg0, %mul3A_4, %dma_start3A] : memref<2x10240x128xf32, #tpu.memory_space<hbm>> -> memref<1x640x128xf32, #tpu.memory_space<hbm>>
      %dma_start3A_21 = tpu.memref_squeeze %dma_start3A_20 : memref<1x640x128xf32, #tpu.memory_space<hbm>> -> memref<640x128xf32, #tpu.memory_space<hbm>>
      %dma_start3A_22 = arith.constant 0 : i32
      %dma_start3A_23 = tpu.memref_slice %arg10[%mul3A_4, %dma_start3A_22] : memref<10240x128xf32, #tpu.memory_space<vmem_shared>> -> memref<640x128xf32, #tpu.memory_space<vmem_shared>>
      tpu.enqueue_dma source(%dma_start3A_23 : memref<640x128xf32, #tpu.memory_space<vmem_shared>>) target(%dma_start3A_21 : memref<640x128xf32, #tpu.memory_space<hbm>>) target_semaphore(%run_scoped3A : memref<!tpu.dma_semaphore, #tpu.memory_space<semaphore_mem>>)
      %dma_wait3A = arith.constant 0 : i32
      %dma_wait3A_24 = tpu.memref_slice %arg5[%arg0, %mul3A_4, %dma_wait3A] : memref<2x10240x128xf32, #tpu.memory_space<hbm>> -> memref<1x640x128xf32, #tpu.memory_space<hbm>>
      %dma_wait3A_25 = tpu.memref_squeeze %dma_wait3A_24 : memref<1x640x128xf32, #tpu.memory_space<hbm>> -> memref<640x128xf32, #tpu.memory_space<hbm>>
      %dma_wait3A_26 = arith.constant 0 : i32
      %dma_wait3A_27 = tpu.memref_slice %arg10[%mul3A_4, %dma_wait3A_26] : memref<10240x128xf32, #tpu.memory_space<vmem_shared>> -> memref<640x128xf32, #tpu.memory_space<vmem_shared>>
      tpu.wait_dma2 semaphore(%run_scoped3A : memref<!tpu.dma_semaphore, #tpu.memory_space<semaphore_mem>>) src(%dma_wait3A_27 : memref<640x128xf32, #tpu.memory_space<vmem_shared>>) dst(%dma_wait3A_25 : memref<640x128xf32, #tpu.memory_space<hbm>>)
      tpu.yield
    }) : () -> ()
    return
  }
}

#map = affine_map<(d0, d1) -> (0, 0)>
#map1 = affine_map<(d0, d1) -> (0)>
#map2 = affine_map<(d0, d1) -> (0, 0, 0)>
module attributes {stable_mosaic.version = 14 : i64} {
  func.func @edge_pass(%arg0: i32, %arg1: i32, %arg2: memref<320000x16xf32, #tpu.memory_space<hbm>>, %arg3: memref<320000xi32, #tpu.memory_space<hbm>>, %arg4: memref<2x10240x16xf32, #tpu.memory_space<hbm>>, %arg5: memref<2x10240x16xf32, #tpu.memory_space<hbm>>, %arg6: memref<80xi32, #tpu.memory_space<vmem>>, %arg7: memref<80x16xf32, #tpu.memory_space<vmem>>, %arg8: memref<80x16xf32, #tpu.memory_space<vmem>>, %arg9: memref<64x16xf32, #tpu.memory_space<vmem>>, %arg10: memref<10240x16xf32, #tpu.memory_space<vmem_shared>>, %arg11: memref<10240x16xf32, #tpu.memory_space<vmem_shared>>) attributes {dimension_semantics = [#tpu.dimension_semantics<core_parallel>, #tpu.dimension_semantics<subcore_parallel>], iteration_bounds = array<i64: 2, 16>, scalar_prefetch = 0 : i64, scratch_operands = 6 : i64, tpu.core_type = #tpu.core_type<sc_vector_subcore>, window_params = [{transform_indices = #map}, {transform_indices = #map1}, {transform_indices = #map2}, {transform_indices = #map2}]} {
    %scan3A = arith.constant 0 : i32
    %scan3A_0 = arith.constant 64 : i32
    %scan3A_1 = arith.addi %scan3A, %scan3A_0 : i32
    %scan3A_2 = arith.constant 1 : i32
    scf.for %scan3A_25 = %scan3A to %scan3A_1 step %scan3A_2  : i32 {
      %mul3A_26 = arith.constant 1 : i32
      %mul3A_27 = arith.muli %scan3A_25, %mul3A_26 : i32
      %add3A_28 = arith.constant 0 : i32
      %add3A_29 = arith.addi %add3A_28, %mul3A_27 : i32
      %scan3A_30 = arith.constant 0 : i32
      %mul3A_31 = arith.constant 1 : i32
      %mul3A_32 = arith.muli %scan3A_30, %mul3A_31 : i32
      %add3A_33 = arith.constant 0 : i32
      %add3A_34 = arith.addi %add3A_33, %mul3A_32 : i32
      %broadcast_in_dim3A = arith.constant 0.000000e+00 : f32
      %broadcast_in_dim3A_35 = vector.broadcast %broadcast_in_dim3A : f32 to vector<16xf32>
      %mul3A_36 = arith.constant 16 : i32
      %mul3A_37 = arith.muli %add3A_34, %mul3A_36 : i32
      %swap3A = arith.index_cast %add3A_29 : i32 to index
      %swap3A_38 = arith.index_cast %mul3A_37 : i32 to index
      %swap3A_39 = tpu.vector_load %arg9[%swap3A, %swap3A_38] {strides = array<i32>} : memref<64x16xf32, #tpu.memory_space<vmem>>, vector<1x16xf32>,
      %swap3A_40 = vector.shape_cast %swap3A_39 : vector<1x16xf32> to vector<16xf32>
      %swap3A_41 = vector.shape_cast %broadcast_in_dim3A_35 : vector<16xf32> to vector<1x16xf32>
      tpu.vector_store %arg9[%swap3A, %swap3A_38], %swap3A_41 {strides = array<i32>} : memref<64x16xf32, #tpu.memory_space<vmem>>, vector<1x16xf32>,
      %scan3A_42 = arith.constant 1 : i32
    }
    %scan3A_3 = arith.constant 64 : i32
    %scan3A_4 = arith.constant 0 : i32
    %scan3A_5 = arith.constant 80 : i32
    %scan3A_6 = arith.addi %scan3A_4, %scan3A_5 : i32
    %scan3A_7 = arith.constant 1 : i32
    scf.for %scan3A_25 = %scan3A_4 to %scan3A_6 step %scan3A_7  : i32 {
      %mul3A_26 = arith.constant 1 : i32
      %mul3A_27 = arith.muli %scan3A_25, %mul3A_26 : i32
      %add3A_28 = arith.constant 0 : i32
      %add3A_29 = arith.addi %add3A_28, %mul3A_27 : i32
      %scan3A_30 = arith.constant 0 : i32
      %mul3A_31 = arith.constant 1 : i32
      %mul3A_32 = arith.muli %scan3A_30, %mul3A_31 : i32
      %add3A_33 = arith.constant 0 : i32
      %add3A_34 = arith.addi %add3A_33, %mul3A_32 : i32
      %broadcast_in_dim3A = arith.constant 1.000000e+00 : f32
      %broadcast_in_dim3A_35 = vector.broadcast %broadcast_in_dim3A : f32 to vector<16xf32>
      %mul3A_36 = arith.constant 16 : i32
      %mul3A_37 = arith.muli %add3A_34, %mul3A_36 : i32
      %swap3A = arith.index_cast %add3A_29 : i32 to index
      %swap3A_38 = arith.index_cast %mul3A_37 : i32 to index
      %swap3A_39 = tpu.vector_load %arg8[%swap3A, %swap3A_38] {strides = array<i32>} : memref<80x16xf32, #tpu.memory_space<vmem>>, vector<1x16xf32>,
      %swap3A_40 = vector.shape_cast %swap3A_39 : vector<1x16xf32> to vector<16xf32>
      %swap3A_41 = vector.shape_cast %broadcast_in_dim3A_35 : vector<16xf32> to vector<1x16xf32>
      tpu.vector_store %arg8[%swap3A, %swap3A_38], %swap3A_41 {strides = array<i32>} : memref<80x16xf32, #tpu.memory_space<vmem>>, vector<1x16xf32>,
      %scan3A_42 = arith.constant 1 : i32
    }
    %scan3A_8 = arith.constant 80 : i32
    %mul3A = arith.constant 640 : i32
    %mul3A_9 = arith.muli %arg1, %mul3A : i32
    %scan3A_10 = arith.constant 0 : i32
    %scan3A_11 = arith.constant 10 : i32
    %scan3A_12 = arith.addi %scan3A_10, %scan3A_11 : i32
    %scan3A_13 = arith.constant 1 : i32
    scf.for %scan3A_25 = %scan3A_10 to %scan3A_12 step %scan3A_13  : i32 {
      %mul3A_26 = arith.constant 1 : i32
      %mul3A_27 = arith.muli %scan3A_25, %mul3A_26 : i32
      %add3A_28 = arith.constant 0 : i32
      %add3A_29 = arith.addi %add3A_28, %mul3A_27 : i32
      %mul3A_30 = arith.constant 64 : i32
      %mul3A_31 = arith.muli %add3A_29, %mul3A_30 : i32
      %add3A_32 = arith.addi %mul3A_9, %mul3A_31 : i32
      "tpu.region"() ({
        %run_scoped3A = tpu.sem_alloc : memref<!tpu.dma_semaphore, #tpu.memory_space<semaphore_mem>>
        %dma_start3A = arith.constant 0 : i32
        %dma_start3A_36 = tpu.memref_slice %arg10[%add3A_32, %dma_start3A] : memref<10240x16xf32, #tpu.memory_space<vmem_shared>> -> memref<64x16xf32, #tpu.memory_space<vmem_shared>>
        %dma_start3A_37 = arith.constant 0 : i32
        %dma_start3A_38 = tpu.memref_slice %arg10[%add3A_32, %dma_start3A_37] : memref<10240x16xf32, #tpu.memory_space<vmem_shared>> -> memref<64x16xf32, #tpu.memory_space<vmem_shared>>
        tpu.enqueue_dma source(%arg9 : memref<64x16xf32, #tpu.memory_space<vmem>>) target(%dma_start3A_38 : memref<64x16xf32, #tpu.memory_space<vmem_shared>>) target_semaphore(%run_scoped3A : memref<!tpu.dma_semaphore, #tpu.memory_space<semaphore_mem>>)
        %dma_wait3A = arith.constant 0 : i32
        %dma_wait3A_39 = tpu.memref_slice %arg10[%add3A_32, %dma_wait3A] : memref<10240x16xf32, #tpu.memory_space<vmem_shared>> -> memref<64x16xf32, #tpu.memory_space<vmem_shared>>
        %dma_wait3A_40 = arith.constant 0 : i32
        %dma_wait3A_41 = tpu.memref_slice %arg10[%add3A_32, %dma_wait3A_40] : memref<10240x16xf32, #tpu.memory_space<vmem_shared>> -> memref<64x16xf32, #tpu.memory_space<vmem_shared>>
        tpu.wait_dma2 semaphore(%run_scoped3A : memref<!tpu.dma_semaphore, #tpu.memory_space<semaphore_mem>>) src(%arg9 : memref<64x16xf32, #tpu.memory_space<vmem>>) dst(%dma_wait3A_41 : memref<64x16xf32, #tpu.memory_space<vmem_shared>>)
        tpu.yield
      }) : () -> ()
      %mul3A_33 = arith.constant 64 : i32
      %mul3A_34 = arith.muli %add3A_29, %mul3A_33 : i32
      %add3A_35 = arith.addi %mul3A_9, %mul3A_34 : i32
      "tpu.region"() ({
        %run_scoped3A = tpu.sem_alloc : memref<!tpu.dma_semaphore, #tpu.memory_space<semaphore_mem>>
        %dma_start3A = arith.constant 0 : i32
        %dma_start3A_36 = tpu.memref_slice %arg11[%add3A_35, %dma_start3A] : memref<10240x16xf32, #tpu.memory_space<vmem_shared>> -> memref<64x16xf32, #tpu.memory_space<vmem_shared>>
        %dma_start3A_37 = arith.constant 0 : i32
        %dma_start3A_38 = tpu.memref_slice %arg11[%add3A_35, %dma_start3A_37] : memref<10240x16xf32, #tpu.memory_space<vmem_shared>> -> memref<64x16xf32, #tpu.memory_space<vmem_shared>>
        tpu.enqueue_dma source(%arg9 : memref<64x16xf32, #tpu.memory_space<vmem>>) target(%dma_start3A_38 : memref<64x16xf32, #tpu.memory_space<vmem_shared>>) target_semaphore(%run_scoped3A : memref<!tpu.dma_semaphore, #tpu.memory_space<semaphore_mem>>)
        %dma_wait3A = arith.constant 0 : i32
        %dma_wait3A_39 = tpu.memref_slice %arg11[%add3A_35, %dma_wait3A] : memref<10240x16xf32, #tpu.memory_space<vmem_shared>> -> memref<64x16xf32, #tpu.memory_space<vmem_shared>>
        %dma_wait3A_40 = arith.constant 0 : i32
        %dma_wait3A_41 = tpu.memref_slice %arg11[%add3A_35, %dma_wait3A_40] : memref<10240x16xf32, #tpu.memory_space<vmem_shared>> -> memref<64x16xf32, #tpu.memory_space<vmem_shared>>
        tpu.wait_dma2 semaphore(%run_scoped3A : memref<!tpu.dma_semaphore, #tpu.memory_space<semaphore_mem>>) src(%arg9 : memref<64x16xf32, #tpu.memory_space<vmem>>) dst(%dma_wait3A_41 : memref<64x16xf32, #tpu.memory_space<vmem_shared>>)
        tpu.yield
      }) : () -> ()
    }
    %scan3A_14 = arith.constant 10 : i32
    %barrier3A = arith.constant 0 : index
    tpu.barrier barrier_id(%barrier3A)
    %mul3A_15 = arith.constant 16 : i32
    %mul3A_16 = arith.muli %arg0, %mul3A_15 : i32
    %add3A = arith.addi %mul3A_16, %arg1 : i32
    %mul3A_17 = arith.constant 10000 : i32
    %mul3A_18 = arith.muli %add3A, %mul3A_17 : i32
    %scan3A_19 = arith.constant 0 : i32
    %scan3A_20 = arith.constant 125 : i32
    %scan3A_21 = arith.addi %scan3A_19, %scan3A_20 : i32
    %scan3A_22 = arith.constant 1 : i32
    scf.for %scan3A_25 = %scan3A_19 to %scan3A_21 step %scan3A_22  : i32 {
      %mul3A_26 = arith.constant 1 : i32
      %mul3A_27 = arith.muli %scan3A_25, %mul3A_26 : i32
      %add3A_28 = arith.constant 0 : i32
      %add3A_29 = arith.addi %add3A_28, %mul3A_27 : i32
      %mul3A_30 = arith.constant 80 : i32
      %mul3A_31 = arith.muli %add3A_29, %mul3A_30 : i32
      %add3A_32 = arith.addi %mul3A_18, %mul3A_31 : i32
      "tpu.region"() ({
        %run_scoped3A = tpu.sem_alloc : memref<!tpu.dma_semaphore, #tpu.memory_space<semaphore_mem>>
        %dma_start3A = tpu.memref_slice %arg3[%add3A_32] : memref<320000xi32, #tpu.memory_space<hbm>> -> memref<80xi32, #tpu.memory_space<hbm>>
        %dma_start3A_33 = tpu.memref_slice %arg3[%add3A_32] : memref<320000xi32, #tpu.memory_space<hbm>> -> memref<80xi32, #tpu.memory_space<hbm>>
        tpu.enqueue_dma source(%dma_start3A_33 : memref<80xi32, #tpu.memory_space<hbm>>) target(%arg6 : memref<80xi32, #tpu.memory_space<vmem>>) target_semaphore(%run_scoped3A : memref<!tpu.dma_semaphore, #tpu.memory_space<semaphore_mem>>)
        %dma_wait3A = tpu.memref_slice %arg3[%add3A_32] : memref<320000xi32, #tpu.memory_space<hbm>> -> memref<80xi32, #tpu.memory_space<hbm>>
        %dma_wait3A_34 = tpu.memref_slice %arg3[%add3A_32] : memref<320000xi32, #tpu.memory_space<hbm>> -> memref<80xi32, #tpu.memory_space<hbm>>
        tpu.wait_dma2 semaphore(%run_scoped3A : memref<!tpu.dma_semaphore, #tpu.memory_space<semaphore_mem>>) src(%dma_wait3A_34 : memref<80xi32, #tpu.memory_space<hbm>>) dst(%arg6 : memref<80xi32, #tpu.memory_space<vmem>>)
        tpu.yield
      }) : () -> ()
      "tpu.region"() ({
        %run_scoped3A = tpu.sem_alloc : memref<!tpu.dma_semaphore, #tpu.memory_space<semaphore_mem>>
        %dma_start3A = arith.constant 0 : i32
        %dma_start3A_33 = tpu.memref_slice %arg2[%add3A_32, %dma_start3A] : memref<320000x16xf32, #tpu.memory_space<hbm>> -> memref<80x16xf32, #tpu.memory_space<hbm>>
        %dma_start3A_34 = arith.constant 0 : i32
        %dma_start3A_35 = tpu.memref_slice %arg2[%add3A_32, %dma_start3A_34] : memref<320000x16xf32, #tpu.memory_space<hbm>> -> memref<80x16xf32, #tpu.memory_space<hbm>>
        tpu.enqueue_dma source(%dma_start3A_35 : memref<80x16xf32, #tpu.memory_space<hbm>>) target(%arg7 : memref<80x16xf32, #tpu.memory_space<vmem>>) target_semaphore(%run_scoped3A : memref<!tpu.dma_semaphore, #tpu.memory_space<semaphore_mem>>)
        %dma_wait3A = arith.constant 0 : i32
        %dma_wait3A_36 = tpu.memref_slice %arg2[%add3A_32, %dma_wait3A] : memref<320000x16xf32, #tpu.memory_space<hbm>> -> memref<80x16xf32, #tpu.memory_space<hbm>>
        %dma_wait3A_37 = arith.constant 0 : i32
        %dma_wait3A_38 = tpu.memref_slice %arg2[%add3A_32, %dma_wait3A_37] : memref<320000x16xf32, #tpu.memory_space<hbm>> -> memref<80x16xf32, #tpu.memory_space<hbm>>
        tpu.wait_dma2 semaphore(%run_scoped3A : memref<!tpu.dma_semaphore, #tpu.memory_space<semaphore_mem>>) src(%dma_wait3A_38 : memref<80x16xf32, #tpu.memory_space<hbm>>) dst(%arg7 : memref<80x16xf32, #tpu.memory_space<vmem>>)
        tpu.yield
      }) : () -> ()
      "tpu.region"() ({
        %run_scoped3A = tpu.sem_alloc : memref<!tpu.dma_semaphore, #tpu.memory_space<semaphore_mem>>
        %dma_start3A = arith.constant 0 : i32
        %dma_start3A_33 = arith.constant 0 : i32
        %dma_start3A_34 = tpu.memref_slice %arg10[%dma_start3A, %dma_start3A_33] : memref<10240x16xf32, #tpu.memory_space<vmem_shared>> -> memref<10240x16xf32, #tpu.memory_space<vmem_shared>>
        tpu.enqueue_indirect_dma source(%arg7 : memref<80x16xf32, #tpu.memory_space<vmem>>) target(%dma_start3A_34 : memref<10240x16xf32, #tpu.memory_space<vmem_shared>>) offsets(%arg6 : memref<80xi32, #tpu.memory_space<vmem>>) semaphore(%run_scoped3A : memref<!tpu.dma_semaphore, #tpu.memory_space<semaphore_mem>>) {add = true}
        %dma_wait3A = arith.constant 0 : i32
        %dma_wait3A_35 = arith.constant 0 : i32
        %dma_wait3A_36 = tpu.memref_slice %arg10[%dma_wait3A, %dma_wait3A_35] : memref<10240x16xf32, #tpu.memory_space<vmem_shared>> -> memref<10240x16xf32, #tpu.memory_space<vmem_shared>>
        tpu.wait_indirect_dma semaphore(%run_scoped3A : memref<!tpu.dma_semaphore, #tpu.memory_space<semaphore_mem>>) src(%arg7 : memref<80x16xf32, #tpu.memory_space<vmem>>) dst(%dma_wait3A_36 : memref<10240x16xf32, #tpu.memory_space<vmem_shared>>)
        tpu.yield
      }) : () -> ()
      "tpu.region"() ({
        %run_scoped3A = tpu.sem_alloc : memref<!tpu.dma_semaphore, #tpu.memory_space<semaphore_mem>>
        %dma_start3A = arith.constant 0 : i32
        %dma_start3A_33 = arith.constant 0 : i32
        %dma_start3A_34 = tpu.memref_slice %arg11[%dma_start3A, %dma_start3A_33] : memref<10240x16xf32, #tpu.memory_space<vmem_shared>> -> memref<10240x16xf32, #tpu.memory_space<vmem_shared>>
        tpu.enqueue_indirect_dma source(%arg8 : memref<80x16xf32, #tpu.memory_space<vmem>>) target(%dma_start3A_34 : memref<10240x16xf32, #tpu.memory_space<vmem_shared>>) offsets(%arg6 : memref<80xi32, #tpu.memory_space<vmem>>) semaphore(%run_scoped3A : memref<!tpu.dma_semaphore, #tpu.memory_space<semaphore_mem>>) {add = true}
        %dma_wait3A = arith.constant 0 : i32
        %dma_wait3A_35 = arith.constant 0 : i32
        %dma_wait3A_36 = tpu.memref_slice %arg11[%dma_wait3A, %dma_wait3A_35] : memref<10240x16xf32, #tpu.memory_space<vmem_shared>> -> memref<10240x16xf32, #tpu.memory_space<vmem_shared>>
        tpu.wait_indirect_dma semaphore(%run_scoped3A : memref<!tpu.dma_semaphore, #tpu.memory_space<semaphore_mem>>) src(%arg8 : memref<80x16xf32, #tpu.memory_space<vmem>>) dst(%dma_wait3A_36 : memref<10240x16xf32, #tpu.memory_space<vmem_shared>>)
        tpu.yield
      }) : () -> ()
    }
    %scan3A_23 = arith.constant 125 : i32
    %barrier3A_24 = arith.constant 0 : index
    tpu.barrier barrier_id(%barrier3A_24)
    "tpu.region"() ({
      %run_scoped3A = tpu.sem_alloc : memref<!tpu.dma_semaphore, #tpu.memory_space<semaphore_mem>>
      %dma_start3A = arith.constant 0 : i32
      %dma_start3A_25 = tpu.memref_slice %arg4[%arg0, %mul3A_9, %dma_start3A] : memref<2x10240x16xf32, #tpu.memory_space<hbm>> -> memref<1x640x16xf32, #tpu.memory_space<hbm>>
      %dma_start3A_26 = tpu.memref_squeeze %dma_start3A_25 : memref<1x640x16xf32, #tpu.memory_space<hbm>> -> memref<640x16xf32, #tpu.memory_space<hbm>>
      %dma_start3A_27 = arith.constant 0 : i32
      %dma_start3A_28 = tpu.memref_slice %arg10[%mul3A_9, %dma_start3A_27] : memref<10240x16xf32, #tpu.memory_space<vmem_shared>> -> memref<640x16xf32, #tpu.memory_space<vmem_shared>>
      tpu.enqueue_dma source(%dma_start3A_28 : memref<640x16xf32, #tpu.memory_space<vmem_shared>>) target(%dma_start3A_26 : memref<640x16xf32, #tpu.memory_space<hbm>>) target_semaphore(%run_scoped3A : memref<!tpu.dma_semaphore, #tpu.memory_space<semaphore_mem>>)
      %dma_wait3A = arith.constant 0 : i32
      %dma_wait3A_29 = tpu.memref_slice %arg4[%arg0, %mul3A_9, %dma_wait3A] : memref<2x10240x16xf32, #tpu.memory_space<hbm>> -> memref<1x640x16xf32, #tpu.memory_space<hbm>>
      %dma_wait3A_30 = tpu.memref_squeeze %dma_wait3A_29 : memref<1x640x16xf32, #tpu.memory_space<hbm>> -> memref<640x16xf32, #tpu.memory_space<hbm>>
      %dma_wait3A_31 = arith.constant 0 : i32
      %dma_wait3A_32 = tpu.memref_slice %arg10[%mul3A_9, %dma_wait3A_31] : memref<10240x16xf32, #tpu.memory_space<vmem_shared>> -> memref<640x16xf32, #tpu.memory_space<vmem_shared>>
      tpu.wait_dma2 semaphore(%run_scoped3A : memref<!tpu.dma_semaphore, #tpu.memory_space<semaphore_mem>>) src(%dma_wait3A_32 : memref<640x16xf32, #tpu.memory_space<vmem_shared>>) dst(%dma_wait3A_30 : memref<640x16xf32, #tpu.memory_space<hbm>>)
      tpu.yield
    }) : () -> ()
    "tpu.region"() ({
      %run_scoped3A = tpu.sem_alloc : memref<!tpu.dma_semaphore, #tpu.memory_space<semaphore_mem>>
      %dma_start3A = arith.constant 0 : i32
      %dma_start3A_25 = tpu.memref_slice %arg5[%arg0, %mul3A_9, %dma_start3A] : memref<2x10240x16xf32, #tpu.memory_space<hbm>> -> memref<1x640x16xf32, #tpu.memory_space<hbm>>
      %dma_start3A_26 = tpu.memref_squeeze %dma_start3A_25 : memref<1x640x16xf32, #tpu.memory_space<hbm>> -> memref<640x16xf32, #tpu.memory_space<hbm>>
      %dma_start3A_27 = arith.constant 0 : i32
      %dma_start3A_28 = tpu.memref_slice %arg11[%mul3A_9, %dma_start3A_27] : memref<10240x16xf32, #tpu.memory_space<vmem_shared>> -> memref<640x16xf32, #tpu.memory_space<vmem_shared>>
      tpu.enqueue_dma source(%dma_start3A_28 : memref<640x16xf32, #tpu.memory_space<vmem_shared>>) target(%dma_start3A_26 : memref<640x16xf32, #tpu.memory_space<hbm>>) target_semaphore(%run_scoped3A : memref<!tpu.dma_semaphore, #tpu.memory_space<semaphore_mem>>)
      %dma_wait3A = arith.constant 0 : i32
      %dma_wait3A_29 = tpu.memref_slice %arg5[%arg0, %mul3A_9, %dma_wait3A] : memref<2x10240x16xf32, #tpu.memory_space<hbm>> -> memref<1x640x16xf32, #tpu.memory_space<hbm>>
      %dma_wait3A_30 = tpu.memref_squeeze %dma_wait3A_29 : memref<1x640x16xf32, #tpu.memory_space<hbm>> -> memref<640x16xf32, #tpu.memory_space<hbm>>
      %dma_wait3A_31 = arith.constant 0 : i32
      %dma_wait3A_32 = tpu.memref_slice %arg11[%mul3A_9, %dma_wait3A_31] : memref<10240x16xf32, #tpu.memory_space<vmem_shared>> -> memref<640x16xf32, #tpu.memory_space<vmem_shared>>
      tpu.wait_dma2 semaphore(%run_scoped3A : memref<!tpu.dma_semaphore, #tpu.memory_space<semaphore_mem>>) src(%dma_wait3A_32 : memref<640x16xf32, #tpu.memory_space<vmem_shared>>) dst(%dma_wait3A_30 : memref<640x16xf32, #tpu.memory_space<hbm>>)
      tpu.yield
    }) : () -> ()
    return
  }
}

#map = affine_map<(d0, d1) -> (0, 0)>
#map1 = affine_map<(d0, d1) -> (0)>
#map2 = affine_map<(d0, d1) -> (0, 0, 0)>
module attributes {stable_mosaic.version = 14 : i64} {
  func.func @gather_pass(%arg0: i32, %arg1: i32, %arg2: memref<10000x128xf32, #tpu.memory_space<hbm>>, %arg3: memref<320000xi32, #tpu.memory_space<hbm>>, %arg4: memref<320000xi32, #tpu.memory_space<hbm>>, %arg5: memref<2x10240x128xf32, #tpu.memory_space<hbm>>, %arg6: memref<80xi32, #tpu.memory_space<vmem>>, %arg7: memref<80xi32, #tpu.memory_space<vmem>>, %arg8: memref<80x128xf32, #tpu.memory_space<vmem>>, %arg9: memref<64x128xf32, #tpu.memory_space<vmem>>, %arg10: memref<10240x128xf32, #tpu.memory_space<vmem_shared>>, %arg11: memref<!tpu.dma_semaphore, #tpu.memory_space<semaphore_mem>>) attributes {dimension_semantics = [#tpu.dimension_semantics<core_parallel>, #tpu.dimension_semantics<subcore_parallel>], iteration_bounds = array<i64: 2, 16>, scalar_prefetch = 0 : i64, scratch_operands = 6 : i64, tpu.core_type = #tpu.core_type<sc_vector_subcore>, window_params = [{transform_indices = #map}, {transform_indices = #map1}, {transform_indices = #map1}, {transform_indices = #map2}]} {
    %scan3A = arith.constant 0 : i32
    %scan3A_0 = arith.constant 64 : i32
    %scan3A_1 = arith.addi %scan3A, %scan3A_0 : i32
    %scan3A_2 = arith.constant 1 : i32
    scf.for %scan3A_20 = %scan3A to %scan3A_1 step %scan3A_2  : i32 {
      %mul3A_21 = arith.constant 1 : i32
      %mul3A_22 = arith.muli %scan3A_20, %mul3A_21 : i32
      %add3A_23 = arith.constant 0 : i32
      %add3A_24 = arith.addi %add3A_23, %mul3A_22 : i32
      %scan3A_25 = arith.constant 0 : i32
      %scan3A_26 = arith.constant 8 : i32
      %scan3A_27 = arith.addi %scan3A_25, %scan3A_26 : i32
      %scan3A_28 = arith.constant 1 : i32
      scf.for %scan3A_30 = %scan3A_25 to %scan3A_27 step %scan3A_28  : i32 {
        %mul3A_31 = arith.constant 1 : i32
        %mul3A_32 = arith.muli %scan3A_30, %mul3A_31 : i32
        %add3A_33 = arith.constant 0 : i32
        %add3A_34 = arith.addi %add3A_33, %mul3A_32 : i32
        %broadcast_in_dim3A = arith.constant 0.000000e+00 : f32
        %broadcast_in_dim3A_35 = vector.broadcast %broadcast_in_dim3A : f32 to vector<16xf32>
        %mul3A_36 = arith.constant 16 : i32
        %mul3A_37 = arith.muli %add3A_34, %mul3A_36 : i32
        %swap3A = arith.index_cast %add3A_24 : i32 to index
        %swap3A_38 = arith.index_cast %mul3A_37 : i32 to index
        %swap3A_39 = tpu.vector_load %arg9[%swap3A, %swap3A_38] {strides = array<i32>} : memref<64x128xf32, #tpu.memory_space<vmem>>, vector<1x16xf32>,
        %swap3A_40 = vector.shape_cast %swap3A_39 : vector<1x16xf32> to vector<16xf32>
        %swap3A_41 = vector.shape_cast %broadcast_in_dim3A_35 : vector<16xf32> to vector<1x16xf32>
        tpu.vector_store %arg9[%swap3A, %swap3A_38], %swap3A_41 {strides = array<i32>} : memref<64x128xf32, #tpu.memory_space<vmem>>, vector<1x16xf32>,
      }
      %scan3A_29 = arith.constant 8 : i32
    }
    %scan3A_3 = arith.constant 64 : i32
    %mul3A = arith.constant 640 : i32
    %mul3A_4 = arith.muli %arg1, %mul3A : i32
    %scan3A_5 = arith.constant 0 : i32
    %scan3A_6 = arith.constant 10 : i32
    %scan3A_7 = arith.addi %scan3A_5, %scan3A_6 : i32
    %scan3A_8 = arith.constant 1 : i32
    scf.for %scan3A_20 = %scan3A_5 to %scan3A_7 step %scan3A_8  : i32 {
      %mul3A_21 = arith.constant 1 : i32
      %mul3A_22 = arith.muli %scan3A_20, %mul3A_21 : i32
      %add3A_23 = arith.constant 0 : i32
      %add3A_24 = arith.addi %add3A_23, %mul3A_22 : i32
      %mul3A_25 = arith.constant 64 : i32
      %mul3A_26 = arith.muli %add3A_24, %mul3A_25 : i32
      %add3A_27 = arith.addi %mul3A_4, %mul3A_26 : i32
      "tpu.region"() ({
        %run_scoped3A = tpu.sem_alloc : memref<!tpu.dma_semaphore, #tpu.memory_space<semaphore_mem>>
        %dma_start3A = arith.constant 0 : i32
        %dma_start3A_28 = tpu.memref_slice %arg10[%add3A_27, %dma_start3A] : memref<10240x128xf32, #tpu.memory_space<vmem_shared>> -> memref<64x128xf32, #tpu.memory_space<vmem_shared>>
        %dma_start3A_29 = arith.constant 0 : i32
        %dma_start3A_30 = tpu.memref_slice %arg10[%add3A_27, %dma_start3A_29] : memref<10240x128xf32, #tpu.memory_space<vmem_shared>> -> memref<64x128xf32, #tpu.memory_space<vmem_shared>>
        tpu.enqueue_dma source(%arg9 : memref<64x128xf32, #tpu.memory_space<vmem>>) target(%dma_start3A_30 : memref<64x128xf32, #tpu.memory_space<vmem_shared>>) target_semaphore(%run_scoped3A : memref<!tpu.dma_semaphore, #tpu.memory_space<semaphore_mem>>)
        %dma_wait3A = arith.constant 0 : i32
        %dma_wait3A_31 = tpu.memref_slice %arg10[%add3A_27, %dma_wait3A] : memref<10240x128xf32, #tpu.memory_space<vmem_shared>> -> memref<64x128xf32, #tpu.memory_space<vmem_shared>>
        %dma_wait3A_32 = arith.constant 0 : i32
        %dma_wait3A_33 = tpu.memref_slice %arg10[%add3A_27, %dma_wait3A_32] : memref<10240x128xf32, #tpu.memory_space<vmem_shared>> -> memref<64x128xf32, #tpu.memory_space<vmem_shared>>
        tpu.wait_dma2 semaphore(%run_scoped3A : memref<!tpu.dma_semaphore, #tpu.memory_space<semaphore_mem>>) src(%arg9 : memref<64x128xf32, #tpu.memory_space<vmem>>) dst(%dma_wait3A_33 : memref<64x128xf32, #tpu.memory_space<vmem_shared>>)
        tpu.yield
      }) : () -> ()
    }
    %scan3A_9 = arith.constant 10 : i32
    %barrier3A = arith.constant 0 : index
    tpu.barrier barrier_id(%barrier3A)
    %mul3A_10 = arith.constant 16 : i32
    %mul3A_11 = arith.muli %arg0, %mul3A_10 : i32
    %add3A = arith.addi %mul3A_11, %arg1 : i32
    %mul3A_12 = arith.constant 10000 : i32
    %mul3A_13 = arith.muli %add3A, %mul3A_12 : i32
    %scan3A_14 = arith.constant 0 : i32
    %scan3A_15 = arith.constant 125 : i32
    %scan3A_16 = arith.addi %scan3A_14, %scan3A_15 : i32
    %scan3A_17 = arith.constant 1 : i32
    scf.for %scan3A_20 = %scan3A_14 to %scan3A_16 step %scan3A_17  : i32 {
      %mul3A_21 = arith.constant 1 : i32
      %mul3A_22 = arith.muli %scan3A_20, %mul3A_21 : i32
      %add3A_23 = arith.constant 0 : i32
      %add3A_24 = arith.addi %add3A_23, %mul3A_22 : i32
      %mul3A_25 = arith.constant 80 : i32
      %mul3A_26 = arith.muli %add3A_24, %mul3A_25 : i32
      %add3A_27 = arith.addi %mul3A_13, %mul3A_26 : i32
      "tpu.region"() ({
        %run_scoped3A = tpu.sem_alloc : memref<!tpu.dma_semaphore, #tpu.memory_space<semaphore_mem>>
        %dma_start3A_32 = tpu.memref_slice %arg3[%add3A_27] : memref<320000xi32, #tpu.memory_space<hbm>> -> memref<80xi32, #tpu.memory_space<hbm>>
        %dma_start3A_33 = tpu.memref_slice %arg3[%add3A_27] : memref<320000xi32, #tpu.memory_space<hbm>> -> memref<80xi32, #tpu.memory_space<hbm>>
        tpu.enqueue_dma source(%dma_start3A_33 : memref<80xi32, #tpu.memory_space<hbm>>) target(%arg6 : memref<80xi32, #tpu.memory_space<vmem>>) target_semaphore(%run_scoped3A : memref<!tpu.dma_semaphore, #tpu.memory_space<semaphore_mem>>)
        %dma_wait3A_34 = tpu.memref_slice %arg3[%add3A_27] : memref<320000xi32, #tpu.memory_space<hbm>> -> memref<80xi32, #tpu.memory_space<hbm>>
        %dma_wait3A_35 = tpu.memref_slice %arg3[%add3A_27] : memref<320000xi32, #tpu.memory_space<hbm>> -> memref<80xi32, #tpu.memory_space<hbm>>
        tpu.wait_dma2 semaphore(%run_scoped3A : memref<!tpu.dma_semaphore, #tpu.memory_space<semaphore_mem>>) src(%dma_wait3A_35 : memref<80xi32, #tpu.memory_space<hbm>>) dst(%arg6 : memref<80xi32, #tpu.memory_space<vmem>>)
        tpu.yield
      }) : () -> ()
      "tpu.region"() ({
        %run_scoped3A = tpu.sem_alloc : memref<!tpu.dma_semaphore, #tpu.memory_space<semaphore_mem>>
        %dma_start3A_32 = tpu.memref_slice %arg4[%add3A_27] : memref<320000xi32, #tpu.memory_space<hbm>> -> memref<80xi32, #tpu.memory_space<hbm>>
        %dma_start3A_33 = tpu.memref_slice %arg4[%add3A_27] : memref<320000xi32, #tpu.memory_space<hbm>> -> memref<80xi32, #tpu.memory_space<hbm>>
        tpu.enqueue_dma source(%dma_start3A_33 : memref<80xi32, #tpu.memory_space<hbm>>) target(%arg7 : memref<80xi32, #tpu.memory_space<vmem>>) target_semaphore(%run_scoped3A : memref<!tpu.dma_semaphore, #tpu.memory_space<semaphore_mem>>)
        %dma_wait3A_34 = tpu.memref_slice %arg4[%add3A_27] : memref<320000xi32, #tpu.memory_space<hbm>> -> memref<80xi32, #tpu.memory_space<hbm>>
        %dma_wait3A_35 = tpu.memref_slice %arg4[%add3A_27] : memref<320000xi32, #tpu.memory_space<hbm>> -> memref<80xi32, #tpu.memory_space<hbm>>
        tpu.wait_dma2 semaphore(%run_scoped3A : memref<!tpu.dma_semaphore, #tpu.memory_space<semaphore_mem>>) src(%dma_wait3A_35 : memref<80xi32, #tpu.memory_space<hbm>>) dst(%arg7 : memref<80xi32, #tpu.memory_space<vmem>>)
        tpu.yield
      }) : () -> ()
      %dma_start3A = arith.constant 0 : i32
      %dma_start3A_28 = arith.constant 0 : i32
      %dma_start3A_29 = tpu.memref_slice %arg2[%dma_start3A, %dma_start3A_28] : memref<10000x128xf32, #tpu.memory_space<hbm>> -> memref<10000x128xf32, #tpu.memory_space<hbm>>
      tpu.enqueue_indirect_dma source(%dma_start3A_29 : memref<10000x128xf32, #tpu.memory_space<hbm>>) target(%arg8 : memref<80x128xf32, #tpu.memory_space<vmem>>) offsets(%arg6 : memref<80xi32, #tpu.memory_space<vmem>>) semaphore(%arg11 : memref<!tpu.dma_semaphore, #tpu.memory_space<semaphore_mem>>)
      %dma_wait3A = arith.constant 0 : i32
      %dma_wait3A_30 = arith.constant 0 : i32
      %dma_wait3A_31 = tpu.memref_slice %arg2[%dma_wait3A, %dma_wait3A_30] : memref<10000x128xf32, #tpu.memory_space<hbm>> -> memref<10000x128xf32, #tpu.memory_space<hbm>>
      tpu.wait_indirect_dma semaphore(%arg11 : memref<!tpu.dma_semaphore, #tpu.memory_space<semaphore_mem>>) src(%dma_wait3A_31 : memref<10000x128xf32, #tpu.memory_space<hbm>>) dst(%arg8 : memref<80x128xf32, #tpu.memory_space<vmem>>)
      "tpu.region"() ({
        %run_scoped3A = tpu.sem_alloc : memref<!tpu.dma_semaphore, #tpu.memory_space<semaphore_mem>>
        %dma_start3A_32 = arith.constant 0 : i32
        %dma_start3A_33 = arith.constant 0 : i32
        %dma_start3A_34 = tpu.memref_slice %arg10[%dma_start3A_32, %dma_start3A_33] : memref<10240x128xf32, #tpu.memory_space<vmem_shared>> -> memref<10240x128xf32, #tpu.memory_space<vmem_shared>>
        tpu.enqueue_indirect_dma source(%arg8 : memref<80x128xf32, #tpu.memory_space<vmem>>) target(%dma_start3A_34 : memref<10240x128xf32, #tpu.memory_space<vmem_shared>>) offsets(%arg7 : memref<80xi32, #tpu.memory_space<vmem>>) semaphore(%run_scoped3A : memref<!tpu.dma_semaphore, #tpu.memory_space<semaphore_mem>>) {add = true}
        %dma_wait3A_35 = arith.constant 0 : i32
        %dma_wait3A_36 = arith.constant 0 : i32
        %dma_wait3A_37 = tpu.memref_slice %arg10[%dma_wait3A_35, %dma_wait3A_36] : memref<10240x128xf32, #tpu.memory_space<vmem_shared>> -> memref<10240x128xf32, #tpu.memory_space<vmem_shared>>
        tpu.wait_indirect_dma semaphore(%run_scoped3A : memref<!tpu.dma_semaphore, #tpu.memory_space<semaphore_mem>>) src(%arg8 : memref<80x128xf32, #tpu.memory_space<vmem>>) dst(%dma_wait3A_37 : memref<10240x128xf32, #tpu.memory_space<vmem_shared>>)
        tpu.yield
      }) : () -> ()
    }
    %scan3A_18 = arith.constant 125 : i32
    %barrier3A_19 = arith.constant 0 : index
    tpu.barrier barrier_id(%barrier3A_19)
    "tpu.region"() ({
      %run_scoped3A = tpu.sem_alloc : memref<!tpu.dma_semaphore, #tpu.memory_space<semaphore_mem>>
      %dma_start3A = arith.constant 0 : i32
      %dma_start3A_20 = tpu.memref_slice %arg5[%arg0, %mul3A_4, %dma_start3A] : memref<2x10240x128xf32, #tpu.memory_space<hbm>> -> memref<1x640x128xf32, #tpu.memory_space<hbm>>
      %dma_start3A_21 = tpu.memref_squeeze %dma_start3A_20 : memref<1x640x128xf32, #tpu.memory_space<hbm>> -> memref<640x128xf32, #tpu.memory_space<hbm>>
      %dma_start3A_22 = arith.constant 0 : i32
      %dma_start3A_23 = tpu.memref_slice %arg10[%mul3A_4, %dma_start3A_22] : memref<10240x128xf32, #tpu.memory_space<vmem_shared>> -> memref<640x128xf32, #tpu.memory_space<vmem_shared>>
      tpu.enqueue_dma source(%dma_start3A_23 : memref<640x128xf32, #tpu.memory_space<vmem_shared>>) target(%dma_start3A_21 : memref<640x128xf32, #tpu.memory_space<hbm>>) target_semaphore(%run_scoped3A : memref<!tpu.dma_semaphore, #tpu.memory_space<semaphore_mem>>)
      %dma_wait3A = arith.constant 0 : i32
      %dma_wait3A_24 = tpu.memref_slice %arg5[%arg0, %mul3A_4, %dma_wait3A] : memref<2x10240x128xf32, #tpu.memory_space<hbm>> -> memref<1x640x128xf32, #tpu.memory_space<hbm>>
      %dma_wait3A_25 = tpu.memref_squeeze %dma_wait3A_24 : memref<1x640x128xf32, #tpu.memory_space<hbm>> -> memref<640x128xf32, #tpu.memory_space<hbm>>
      %dma_wait3A_26 = arith.constant 0 : i32
      %dma_wait3A_27 = tpu.memref_slice %arg10[%mul3A_4, %dma_wait3A_26] : memref<10240x128xf32, #tpu.memory_space<vmem_shared>> -> memref<640x128xf32, #tpu.memory_space<vmem_shared>>
      tpu.wait_dma2 semaphore(%run_scoped3A : memref<!tpu.dma_semaphore, #tpu.memory_space<semaphore_mem>>) src(%dma_wait3A_27 : memref<640x128xf32, #tpu.memory_space<vmem_shared>>) dst(%dma_wait3A_25 : memref<640x128xf32, #tpu.memory_space<hbm>>)
      tpu.yield
    }) : () -> ()
    return
  }
}

#map = affine_map<(d0, d1) -> (0, 0)>
#map1 = affine_map<(d0, d1) -> (0)>
#map2 = affine_map<(d0, d1) -> (0, 0, 0)>
module attributes {stable_mosaic.version = 14 : i64} {
  func.func @gather_pass(%arg0: i32, %arg1: i32, %arg2: memref<10000x128xf32, #tpu.memory_space<hbm>>, %arg3: memref<320000xi32, #tpu.memory_space<hbm>>, %arg4: memref<320000xi32, #tpu.memory_space<hbm>>, %arg5: memref<2x10240x128xf32, #tpu.memory_space<hbm>>, %arg6: memref<80xi32, #tpu.memory_space<vmem>>, %arg7: memref<80xi32, #tpu.memory_space<vmem>>, %arg8: memref<80x128xf32, #tpu.memory_space<vmem>>, %arg9: memref<64x128xf32, #tpu.memory_space<vmem>>, %arg10: memref<10240x128xf32, #tpu.memory_space<vmem_shared>>, %arg11: memref<!tpu.dma_semaphore, #tpu.memory_space<semaphore_mem>>) attributes {dimension_semantics = [#tpu.dimension_semantics<core_parallel>, #tpu.dimension_semantics<subcore_parallel>], iteration_bounds = array<i64: 2, 16>, scalar_prefetch = 0 : i64, scratch_operands = 6 : i64, tpu.core_type = #tpu.core_type<sc_vector_subcore>, window_params = [{transform_indices = #map}, {transform_indices = #map1}, {transform_indices = #map1}, {transform_indices = #map2}]} {
    %scan3A = arith.constant 0 : i32
    %scan3A_0 = arith.constant 64 : i32
    %scan3A_1 = arith.addi %scan3A, %scan3A_0 : i32
    %scan3A_2 = arith.constant 1 : i32
    scf.for %scan3A_20 = %scan3A to %scan3A_1 step %scan3A_2  : i32 {
      %mul3A_21 = arith.constant 1 : i32
      %mul3A_22 = arith.muli %scan3A_20, %mul3A_21 : i32
      %add3A_23 = arith.constant 0 : i32
      %add3A_24 = arith.addi %add3A_23, %mul3A_22 : i32
      %scan3A_25 = arith.constant 0 : i32
      %scan3A_26 = arith.constant 8 : i32
      %scan3A_27 = arith.addi %scan3A_25, %scan3A_26 : i32
      %scan3A_28 = arith.constant 1 : i32
      scf.for %scan3A_30 = %scan3A_25 to %scan3A_27 step %scan3A_28  : i32 {
        %mul3A_31 = arith.constant 1 : i32
        %mul3A_32 = arith.muli %scan3A_30, %mul3A_31 : i32
        %add3A_33 = arith.constant 0 : i32
        %add3A_34 = arith.addi %add3A_33, %mul3A_32 : i32
        %broadcast_in_dim3A = arith.constant 0.000000e+00 : f32
        %broadcast_in_dim3A_35 = vector.broadcast %broadcast_in_dim3A : f32 to vector<16xf32>
        %mul3A_36 = arith.constant 16 : i32
        %mul3A_37 = arith.muli %add3A_34, %mul3A_36 : i32
        %swap3A = arith.index_cast %add3A_24 : i32 to index
        %swap3A_38 = arith.index_cast %mul3A_37 : i32 to index
        %swap3A_39 = tpu.vector_load %arg9[%swap3A, %swap3A_38] {strides = array<i32>} : memref<64x128xf32, #tpu.memory_space<vmem>>, vector<1x16xf32>,
        %swap3A_40 = vector.shape_cast %swap3A_39 : vector<1x16xf32> to vector<16xf32>
        %swap3A_41 = vector.shape_cast %broadcast_in_dim3A_35 : vector<16xf32> to vector<1x16xf32>
        tpu.vector_store %arg9[%swap3A, %swap3A_38], %swap3A_41 {strides = array<i32>} : memref<64x128xf32, #tpu.memory_space<vmem>>, vector<1x16xf32>,
      }
      %scan3A_29 = arith.constant 8 : i32
    }
    %scan3A_3 = arith.constant 64 : i32
    %mul3A = arith.constant 640 : i32
    %mul3A_4 = arith.muli %arg1, %mul3A : i32
    %scan3A_5 = arith.constant 0 : i32
    %scan3A_6 = arith.constant 10 : i32
    %scan3A_7 = arith.addi %scan3A_5, %scan3A_6 : i32
    %scan3A_8 = arith.constant 1 : i32
    scf.for %scan3A_20 = %scan3A_5 to %scan3A_7 step %scan3A_8  : i32 {
      %mul3A_21 = arith.constant 1 : i32
      %mul3A_22 = arith.muli %scan3A_20, %mul3A_21 : i32
      %add3A_23 = arith.constant 0 : i32
      %add3A_24 = arith.addi %add3A_23, %mul3A_22 : i32
      %mul3A_25 = arith.constant 64 : i32
      %mul3A_26 = arith.muli %add3A_24, %mul3A_25 : i32
      %add3A_27 = arith.addi %mul3A_4, %mul3A_26 : i32
      "tpu.region"() ({
        %run_scoped3A = tpu.sem_alloc : memref<!tpu.dma_semaphore, #tpu.memory_space<semaphore_mem>>
        %dma_start3A = arith.constant 0 : i32
        %dma_start3A_28 = tpu.memref_slice %arg10[%add3A_27, %dma_start3A] : memref<10240x128xf32, #tpu.memory_space<vmem_shared>> -> memref<64x128xf32, #tpu.memory_space<vmem_shared>>
        %dma_start3A_29 = arith.constant 0 : i32
        %dma_start3A_30 = tpu.memref_slice %arg10[%add3A_27, %dma_start3A_29] : memref<10240x128xf32, #tpu.memory_space<vmem_shared>> -> memref<64x128xf32, #tpu.memory_space<vmem_shared>>
        tpu.enqueue_dma source(%arg9 : memref<64x128xf32, #tpu.memory_space<vmem>>) target(%dma_start3A_30 : memref<64x128xf32, #tpu.memory_space<vmem_shared>>) target_semaphore(%run_scoped3A : memref<!tpu.dma_semaphore, #tpu.memory_space<semaphore_mem>>)
        %dma_wait3A = arith.constant 0 : i32
        %dma_wait3A_31 = tpu.memref_slice %arg10[%add3A_27, %dma_wait3A] : memref<10240x128xf32, #tpu.memory_space<vmem_shared>> -> memref<64x128xf32, #tpu.memory_space<vmem_shared>>
        %dma_wait3A_32 = arith.constant 0 : i32
        %dma_wait3A_33 = tpu.memref_slice %arg10[%add3A_27, %dma_wait3A_32] : memref<10240x128xf32, #tpu.memory_space<vmem_shared>> -> memref<64x128xf32, #tpu.memory_space<vmem_shared>>
        tpu.wait_dma2 semaphore(%run_scoped3A : memref<!tpu.dma_semaphore, #tpu.memory_space<semaphore_mem>>) src(%arg9 : memref<64x128xf32, #tpu.memory_space<vmem>>) dst(%dma_wait3A_33 : memref<64x128xf32, #tpu.memory_space<vmem_shared>>)
        tpu.yield
      }) : () -> ()
    }
    %scan3A_9 = arith.constant 10 : i32
    %barrier3A = arith.constant 0 : index
    tpu.barrier barrier_id(%barrier3A)
    %mul3A_10 = arith.constant 16 : i32
    %mul3A_11 = arith.muli %arg0, %mul3A_10 : i32
    %add3A = arith.addi %mul3A_11, %arg1 : i32
    %mul3A_12 = arith.constant 10000 : i32
    %mul3A_13 = arith.muli %add3A, %mul3A_12 : i32
    %scan3A_14 = arith.constant 0 : i32
    %scan3A_15 = arith.constant 125 : i32
    %scan3A_16 = arith.addi %scan3A_14, %scan3A_15 : i32
    %scan3A_17 = arith.constant 1 : i32
    scf.for %scan3A_20 = %scan3A_14 to %scan3A_16 step %scan3A_17  : i32 {
      %mul3A_21 = arith.constant 1 : i32
      %mul3A_22 = arith.muli %scan3A_20, %mul3A_21 : i32
      %add3A_23 = arith.constant 0 : i32
      %add3A_24 = arith.addi %add3A_23, %mul3A_22 : i32
      %mul3A_25 = arith.constant 80 : i32
      %mul3A_26 = arith.muli %add3A_24, %mul3A_25 : i32
      %add3A_27 = arith.addi %mul3A_13, %mul3A_26 : i32
      "tpu.region"() ({
        %run_scoped3A = tpu.sem_alloc : memref<!tpu.dma_semaphore, #tpu.memory_space<semaphore_mem>>
        %dma_start3A_32 = tpu.memref_slice %arg3[%add3A_27] : memref<320000xi32, #tpu.memory_space<hbm>> -> memref<80xi32, #tpu.memory_space<hbm>>
        %dma_start3A_33 = tpu.memref_slice %arg3[%add3A_27] : memref<320000xi32, #tpu.memory_space<hbm>> -> memref<80xi32, #tpu.memory_space<hbm>>
        tpu.enqueue_dma source(%dma_start3A_33 : memref<80xi32, #tpu.memory_space<hbm>>) target(%arg6 : memref<80xi32, #tpu.memory_space<vmem>>) target_semaphore(%run_scoped3A : memref<!tpu.dma_semaphore, #tpu.memory_space<semaphore_mem>>)
        %dma_wait3A_34 = tpu.memref_slice %arg3[%add3A_27] : memref<320000xi32, #tpu.memory_space<hbm>> -> memref<80xi32, #tpu.memory_space<hbm>>
        %dma_wait3A_35 = tpu.memref_slice %arg3[%add3A_27] : memref<320000xi32, #tpu.memory_space<hbm>> -> memref<80xi32, #tpu.memory_space<hbm>>
        tpu.wait_dma2 semaphore(%run_scoped3A : memref<!tpu.dma_semaphore, #tpu.memory_space<semaphore_mem>>) src(%dma_wait3A_35 : memref<80xi32, #tpu.memory_space<hbm>>) dst(%arg6 : memref<80xi32, #tpu.memory_space<vmem>>)
        tpu.yield
      }) : () -> ()
      "tpu.region"() ({
        %run_scoped3A = tpu.sem_alloc : memref<!tpu.dma_semaphore, #tpu.memory_space<semaphore_mem>>
        %dma_start3A_32 = tpu.memref_slice %arg4[%add3A_27] : memref<320000xi32, #tpu.memory_space<hbm>> -> memref<80xi32, #tpu.memory_space<hbm>>
        %dma_start3A_33 = tpu.memref_slice %arg4[%add3A_27] : memref<320000xi32, #tpu.memory_space<hbm>> -> memref<80xi32, #tpu.memory_space<hbm>>
        tpu.enqueue_dma source(%dma_start3A_33 : memref<80xi32, #tpu.memory_space<hbm>>) target(%arg7 : memref<80xi32, #tpu.memory_space<vmem>>) target_semaphore(%run_scoped3A : memref<!tpu.dma_semaphore, #tpu.memory_space<semaphore_mem>>)
        %dma_wait3A_34 = tpu.memref_slice %arg4[%add3A_27] : memref<320000xi32, #tpu.memory_space<hbm>> -> memref<80xi32, #tpu.memory_space<hbm>>
        %dma_wait3A_35 = tpu.memref_slice %arg4[%add3A_27] : memref<320000xi32, #tpu.memory_space<hbm>> -> memref<80xi32, #tpu.memory_space<hbm>>
        tpu.wait_dma2 semaphore(%run_scoped3A : memref<!tpu.dma_semaphore, #tpu.memory_space<semaphore_mem>>) src(%dma_wait3A_35 : memref<80xi32, #tpu.memory_space<hbm>>) dst(%arg7 : memref<80xi32, #tpu.memory_space<vmem>>)
        tpu.yield
      }) : () -> ()
      %dma_start3A = arith.constant 0 : i32
      %dma_start3A_28 = arith.constant 0 : i32
      %dma_start3A_29 = tpu.memref_slice %arg2[%dma_start3A, %dma_start3A_28] : memref<10000x128xf32, #tpu.memory_space<hbm>> -> memref<10000x128xf32, #tpu.memory_space<hbm>>
      tpu.enqueue_indirect_dma source(%dma_start3A_29 : memref<10000x128xf32, #tpu.memory_space<hbm>>) target(%arg8 : memref<80x128xf32, #tpu.memory_space<vmem>>) offsets(%arg6 : memref<80xi32, #tpu.memory_space<vmem>>) semaphore(%arg11 : memref<!tpu.dma_semaphore, #tpu.memory_space<semaphore_mem>>)
      %dma_wait3A = arith.constant 0 : i32
      %dma_wait3A_30 = arith.constant 0 : i32
      %dma_wait3A_31 = tpu.memref_slice %arg2[%dma_wait3A, %dma_wait3A_30] : memref<10000x128xf32, #tpu.memory_space<hbm>> -> memref<10000x128xf32, #tpu.memory_space<hbm>>
      tpu.wait_indirect_dma semaphore(%arg11 : memref<!tpu.dma_semaphore, #tpu.memory_space<semaphore_mem>>) src(%dma_wait3A_31 : memref<10000x128xf32, #tpu.memory_space<hbm>>) dst(%arg8 : memref<80x128xf32, #tpu.memory_space<vmem>>)
      "tpu.region"() ({
        %run_scoped3A = tpu.sem_alloc : memref<!tpu.dma_semaphore, #tpu.memory_space<semaphore_mem>>
        %dma_start3A_32 = arith.constant 0 : i32
        %dma_start3A_33 = arith.constant 0 : i32
        %dma_start3A_34 = tpu.memref_slice %arg10[%dma_start3A_32, %dma_start3A_33] : memref<10240x128xf32, #tpu.memory_space<vmem_shared>> -> memref<10240x128xf32, #tpu.memory_space<vmem_shared>>
        tpu.enqueue_indirect_dma source(%arg8 : memref<80x128xf32, #tpu.memory_space<vmem>>) target(%dma_start3A_34 : memref<10240x128xf32, #tpu.memory_space<vmem_shared>>) offsets(%arg7 : memref<80xi32, #tpu.memory_space<vmem>>) semaphore(%run_scoped3A : memref<!tpu.dma_semaphore, #tpu.memory_space<semaphore_mem>>) {add = true}
        %dma_wait3A_35 = arith.constant 0 : i32
        %dma_wait3A_36 = arith.constant 0 : i32
        %dma_wait3A_37 = tpu.memref_slice %arg10[%dma_wait3A_35, %dma_wait3A_36] : memref<10240x128xf32, #tpu.memory_space<vmem_shared>> -> memref<10240x128xf32, #tpu.memory_space<vmem_shared>>
        tpu.wait_indirect_dma semaphore(%run_scoped3A : memref<!tpu.dma_semaphore, #tpu.memory_space<semaphore_mem>>) src(%arg8 : memref<80x128xf32, #tpu.memory_space<vmem>>) dst(%dma_wait3A_37 : memref<10240x128xf32, #tpu.memory_space<vmem_shared>>)
        tpu.yield
      }) : () -> ()
    }
    %scan3A_18 = arith.constant 125 : i32
    %barrier3A_19 = arith.constant 0 : index
    tpu.barrier barrier_id(%barrier3A_19)
    "tpu.region"() ({
      %run_scoped3A = tpu.sem_alloc : memref<!tpu.dma_semaphore, #tpu.memory_space<semaphore_mem>>
      %dma_start3A = arith.constant 0 : i32
      %dma_start3A_20 = tpu.memref_slice %arg5[%arg0, %mul3A_4, %dma_start3A] : memref<2x10240x128xf32, #tpu.memory_space<hbm>> -> memref<1x640x128xf32, #tpu.memory_space<hbm>>
      %dma_start3A_21 = tpu.memref_squeeze %dma_start3A_20 : memref<1x640x128xf32, #tpu.memory_space<hbm>> -> memref<640x128xf32, #tpu.memory_space<hbm>>
      %dma_start3A_22 = arith.constant 0 : i32
      %dma_start3A_23 = tpu.memref_slice %arg10[%mul3A_4, %dma_start3A_22] : memref<10240x128xf32, #tpu.memory_space<vmem_shared>> -> memref<640x128xf32, #tpu.memory_space<vmem_shared>>
      tpu.enqueue_dma source(%dma_start3A_23 : memref<640x128xf32, #tpu.memory_space<vmem_shared>>) target(%dma_start3A_21 : memref<640x128xf32, #tpu.memory_space<hbm>>) target_semaphore(%run_scoped3A : memref<!tpu.dma_semaphore, #tpu.memory_space<semaphore_mem>>)
      %dma_wait3A = arith.constant 0 : i32
      %dma_wait3A_24 = tpu.memref_slice %arg5[%arg0, %mul3A_4, %dma_wait3A] : memref<2x10240x128xf32, #tpu.memory_space<hbm>> -> memref<1x640x128xf32, #tpu.memory_space<hbm>>
      %dma_wait3A_25 = tpu.memref_squeeze %dma_wait3A_24 : memref<1x640x128xf32, #tpu.memory_space<hbm>> -> memref<640x128xf32, #tpu.memory_space<hbm>>
      %dma_wait3A_26 = arith.constant 0 : i32
      %dma_wait3A_27 = tpu.memref_slice %arg10[%mul3A_4, %dma_wait3A_26] : memref<10240x128xf32, #tpu.memory_space<vmem_shared>> -> memref<640x128xf32, #tpu.memory_space<vmem_shared>>
      tpu.wait_dma2 semaphore(%run_scoped3A : memref<!tpu.dma_semaphore, #tpu.memory_space<semaphore_mem>>) src(%dma_wait3A_27 : memref<640x128xf32, #tpu.memory_space<vmem_shared>>) dst(%dma_wait3A_25 : memref<640x128xf32, #tpu.memory_space<hbm>>)
      tpu.yield
    }) : () -> ()
    return
  }
}

#map = affine_map<(d0, d1) -> (0, 0)>
#map1 = affine_map<(d0, d1) -> (0)>
#map2 = affine_map<(d0, d1) -> (0, 0, 0)>
module attributes {stable_mosaic.version = 14 : i64} {
  func.func @gather_pass(%arg0: i32, %arg1: i32, %arg2: memref<10000x128xf32, #tpu.memory_space<hbm>>, %arg3: memref<320000xi32, #tpu.memory_space<hbm>>, %arg4: memref<320000xi32, #tpu.memory_space<hbm>>, %arg5: memref<2x10240x128xf32, #tpu.memory_space<hbm>>, %arg6: memref<80xi32, #tpu.memory_space<vmem>>, %arg7: memref<80xi32, #tpu.memory_space<vmem>>, %arg8: memref<80x128xf32, #tpu.memory_space<vmem>>, %arg9: memref<64x128xf32, #tpu.memory_space<vmem>>, %arg10: memref<10240x128xf32, #tpu.memory_space<vmem_shared>>, %arg11: memref<!tpu.dma_semaphore, #tpu.memory_space<semaphore_mem>>) attributes {dimension_semantics = [#tpu.dimension_semantics<core_parallel>, #tpu.dimension_semantics<subcore_parallel>], iteration_bounds = array<i64: 2, 16>, scalar_prefetch = 0 : i64, scratch_operands = 6 : i64, tpu.core_type = #tpu.core_type<sc_vector_subcore>, window_params = [{transform_indices = #map}, {transform_indices = #map1}, {transform_indices = #map1}, {transform_indices = #map2}]} {
    %scan3A = arith.constant 0 : i32
    %scan3A_0 = arith.constant 64 : i32
    %scan3A_1 = arith.addi %scan3A, %scan3A_0 : i32
    %scan3A_2 = arith.constant 1 : i32
    scf.for %scan3A_20 = %scan3A to %scan3A_1 step %scan3A_2  : i32 {
      %mul3A_21 = arith.constant 1 : i32
      %mul3A_22 = arith.muli %scan3A_20, %mul3A_21 : i32
      %add3A_23 = arith.constant 0 : i32
      %add3A_24 = arith.addi %add3A_23, %mul3A_22 : i32
      %scan3A_25 = arith.constant 0 : i32
      %scan3A_26 = arith.constant 8 : i32
      %scan3A_27 = arith.addi %scan3A_25, %scan3A_26 : i32
      %scan3A_28 = arith.constant 1 : i32
      scf.for %scan3A_30 = %scan3A_25 to %scan3A_27 step %scan3A_28  : i32 {
        %mul3A_31 = arith.constant 1 : i32
        %mul3A_32 = arith.muli %scan3A_30, %mul3A_31 : i32
        %add3A_33 = arith.constant 0 : i32
        %add3A_34 = arith.addi %add3A_33, %mul3A_32 : i32
        %broadcast_in_dim3A = arith.constant 0.000000e+00 : f32
        %broadcast_in_dim3A_35 = vector.broadcast %broadcast_in_dim3A : f32 to vector<16xf32>
        %mul3A_36 = arith.constant 16 : i32
        %mul3A_37 = arith.muli %add3A_34, %mul3A_36 : i32
        %swap3A = arith.index_cast %add3A_24 : i32 to index
        %swap3A_38 = arith.index_cast %mul3A_37 : i32 to index
        %swap3A_39 = tpu.vector_load %arg9[%swap3A, %swap3A_38] {strides = array<i32>} : memref<64x128xf32, #tpu.memory_space<vmem>>, vector<1x16xf32>,
        %swap3A_40 = vector.shape_cast %swap3A_39 : vector<1x16xf32> to vector<16xf32>
        %swap3A_41 = vector.shape_cast %broadcast_in_dim3A_35 : vector<16xf32> to vector<1x16xf32>
        tpu.vector_store %arg9[%swap3A, %swap3A_38], %swap3A_41 {strides = array<i32>} : memref<64x128xf32, #tpu.memory_space<vmem>>, vector<1x16xf32>,
      }
      %scan3A_29 = arith.constant 8 : i32
    }
    %scan3A_3 = arith.constant 64 : i32
    %mul3A = arith.constant 640 : i32
    %mul3A_4 = arith.muli %arg1, %mul3A : i32
    %scan3A_5 = arith.constant 0 : i32
    %scan3A_6 = arith.constant 10 : i32
    %scan3A_7 = arith.addi %scan3A_5, %scan3A_6 : i32
    %scan3A_8 = arith.constant 1 : i32
    scf.for %scan3A_20 = %scan3A_5 to %scan3A_7 step %scan3A_8  : i32 {
      %mul3A_21 = arith.constant 1 : i32
      %mul3A_22 = arith.muli %scan3A_20, %mul3A_21 : i32
      %add3A_23 = arith.constant 0 : i32
      %add3A_24 = arith.addi %add3A_23, %mul3A_22 : i32
      %mul3A_25 = arith.constant 64 : i32
      %mul3A_26 = arith.muli %add3A_24, %mul3A_25 : i32
      %add3A_27 = arith.addi %mul3A_4, %mul3A_26 : i32
      "tpu.region"() ({
        %run_scoped3A = tpu.sem_alloc : memref<!tpu.dma_semaphore, #tpu.memory_space<semaphore_mem>>
        %dma_start3A = arith.constant 0 : i32
        %dma_start3A_28 = tpu.memref_slice %arg10[%add3A_27, %dma_start3A] : memref<10240x128xf32, #tpu.memory_space<vmem_shared>> -> memref<64x128xf32, #tpu.memory_space<vmem_shared>>
        %dma_start3A_29 = arith.constant 0 : i32
        %dma_start3A_30 = tpu.memref_slice %arg10[%add3A_27, %dma_start3A_29] : memref<10240x128xf32, #tpu.memory_space<vmem_shared>> -> memref<64x128xf32, #tpu.memory_space<vmem_shared>>
        tpu.enqueue_dma source(%arg9 : memref<64x128xf32, #tpu.memory_space<vmem>>) target(%dma_start3A_30 : memref<64x128xf32, #tpu.memory_space<vmem_shared>>) target_semaphore(%run_scoped3A : memref<!tpu.dma_semaphore, #tpu.memory_space<semaphore_mem>>)
        %dma_wait3A = arith.constant 0 : i32
        %dma_wait3A_31 = tpu.memref_slice %arg10[%add3A_27, %dma_wait3A] : memref<10240x128xf32, #tpu.memory_space<vmem_shared>> -> memref<64x128xf32, #tpu.memory_space<vmem_shared>>
        %dma_wait3A_32 = arith.constant 0 : i32
        %dma_wait3A_33 = tpu.memref_slice %arg10[%add3A_27, %dma_wait3A_32] : memref<10240x128xf32, #tpu.memory_space<vmem_shared>> -> memref<64x128xf32, #tpu.memory_space<vmem_shared>>
        tpu.wait_dma2 semaphore(%run_scoped3A : memref<!tpu.dma_semaphore, #tpu.memory_space<semaphore_mem>>) src(%arg9 : memref<64x128xf32, #tpu.memory_space<vmem>>) dst(%dma_wait3A_33 : memref<64x128xf32, #tpu.memory_space<vmem_shared>>)
        tpu.yield
      }) : () -> ()
    }
    %scan3A_9 = arith.constant 10 : i32
    %barrier3A = arith.constant 0 : index
    tpu.barrier barrier_id(%barrier3A)
    %mul3A_10 = arith.constant 16 : i32
    %mul3A_11 = arith.muli %arg0, %mul3A_10 : i32
    %add3A = arith.addi %mul3A_11, %arg1 : i32
    %mul3A_12 = arith.constant 10000 : i32
    %mul3A_13 = arith.muli %add3A, %mul3A_12 : i32
    %scan3A_14 = arith.constant 0 : i32
    %scan3A_15 = arith.constant 125 : i32
    %scan3A_16 = arith.addi %scan3A_14, %scan3A_15 : i32
    %scan3A_17 = arith.constant 1 : i32
    scf.for %scan3A_20 = %scan3A_14 to %scan3A_16 step %scan3A_17  : i32 {
      %mul3A_21 = arith.constant 1 : i32
      %mul3A_22 = arith.muli %scan3A_20, %mul3A_21 : i32
      %add3A_23 = arith.constant 0 : i32
      %add3A_24 = arith.addi %add3A_23, %mul3A_22 : i32
      %mul3A_25 = arith.constant 80 : i32
      %mul3A_26 = arith.muli %add3A_24, %mul3A_25 : i32
      %add3A_27 = arith.addi %mul3A_13, %mul3A_26 : i32
      "tpu.region"() ({
        %run_scoped3A = tpu.sem_alloc : memref<!tpu.dma_semaphore, #tpu.memory_space<semaphore_mem>>
        %dma_start3A_32 = tpu.memref_slice %arg3[%add3A_27] : memref<320000xi32, #tpu.memory_space<hbm>> -> memref<80xi32, #tpu.memory_space<hbm>>
        %dma_start3A_33 = tpu.memref_slice %arg3[%add3A_27] : memref<320000xi32, #tpu.memory_space<hbm>> -> memref<80xi32, #tpu.memory_space<hbm>>
        tpu.enqueue_dma source(%dma_start3A_33 : memref<80xi32, #tpu.memory_space<hbm>>) target(%arg6 : memref<80xi32, #tpu.memory_space<vmem>>) target_semaphore(%run_scoped3A : memref<!tpu.dma_semaphore, #tpu.memory_space<semaphore_mem>>)
        %dma_wait3A_34 = tpu.memref_slice %arg3[%add3A_27] : memref<320000xi32, #tpu.memory_space<hbm>> -> memref<80xi32, #tpu.memory_space<hbm>>
        %dma_wait3A_35 = tpu.memref_slice %arg3[%add3A_27] : memref<320000xi32, #tpu.memory_space<hbm>> -> memref<80xi32, #tpu.memory_space<hbm>>
        tpu.wait_dma2 semaphore(%run_scoped3A : memref<!tpu.dma_semaphore, #tpu.memory_space<semaphore_mem>>) src(%dma_wait3A_35 : memref<80xi32, #tpu.memory_space<hbm>>) dst(%arg6 : memref<80xi32, #tpu.memory_space<vmem>>)
        tpu.yield
      }) : () -> ()
      "tpu.region"() ({
        %run_scoped3A = tpu.sem_alloc : memref<!tpu.dma_semaphore, #tpu.memory_space<semaphore_mem>>
        %dma_start3A_32 = tpu.memref_slice %arg4[%add3A_27] : memref<320000xi32, #tpu.memory_space<hbm>> -> memref<80xi32, #tpu.memory_space<hbm>>
        %dma_start3A_33 = tpu.memref_slice %arg4[%add3A_27] : memref<320000xi32, #tpu.memory_space<hbm>> -> memref<80xi32, #tpu.memory_space<hbm>>
        tpu.enqueue_dma source(%dma_start3A_33 : memref<80xi32, #tpu.memory_space<hbm>>) target(%arg7 : memref<80xi32, #tpu.memory_space<vmem>>) target_semaphore(%run_scoped3A : memref<!tpu.dma_semaphore, #tpu.memory_space<semaphore_mem>>)
        %dma_wait3A_34 = tpu.memref_slice %arg4[%add3A_27] : memref<320000xi32, #tpu.memory_space<hbm>> -> memref<80xi32, #tpu.memory_space<hbm>>
        %dma_wait3A_35 = tpu.memref_slice %arg4[%add3A_27] : memref<320000xi32, #tpu.memory_space<hbm>> -> memref<80xi32, #tpu.memory_space<hbm>>
        tpu.wait_dma2 semaphore(%run_scoped3A : memref<!tpu.dma_semaphore, #tpu.memory_space<semaphore_mem>>) src(%dma_wait3A_35 : memref<80xi32, #tpu.memory_space<hbm>>) dst(%arg7 : memref<80xi32, #tpu.memory_space<vmem>>)
        tpu.yield
      }) : () -> ()
      %dma_start3A = arith.constant 0 : i32
      %dma_start3A_28 = arith.constant 0 : i32
      %dma_start3A_29 = tpu.memref_slice %arg2[%dma_start3A, %dma_start3A_28] : memref<10000x128xf32, #tpu.memory_space<hbm>> -> memref<10000x128xf32, #tpu.memory_space<hbm>>
      tpu.enqueue_indirect_dma source(%dma_start3A_29 : memref<10000x128xf32, #tpu.memory_space<hbm>>) target(%arg8 : memref<80x128xf32, #tpu.memory_space<vmem>>) offsets(%arg6 : memref<80xi32, #tpu.memory_space<vmem>>) semaphore(%arg11 : memref<!tpu.dma_semaphore, #tpu.memory_space<semaphore_mem>>)
      %dma_wait3A = arith.constant 0 : i32
      %dma_wait3A_30 = arith.constant 0 : i32
      %dma_wait3A_31 = tpu.memref_slice %arg2[%dma_wait3A, %dma_wait3A_30] : memref<10000x128xf32, #tpu.memory_space<hbm>> -> memref<10000x128xf32, #tpu.memory_space<hbm>>
      tpu.wait_indirect_dma semaphore(%arg11 : memref<!tpu.dma_semaphore, #tpu.memory_space<semaphore_mem>>) src(%dma_wait3A_31 : memref<10000x128xf32, #tpu.memory_space<hbm>>) dst(%arg8 : memref<80x128xf32, #tpu.memory_space<vmem>>)
      "tpu.region"() ({
        %run_scoped3A = tpu.sem_alloc : memref<!tpu.dma_semaphore, #tpu.memory_space<semaphore_mem>>
        %dma_start3A_32 = arith.constant 0 : i32
        %dma_start3A_33 = arith.constant 0 : i32
        %dma_start3A_34 = tpu.memref_slice %arg10[%dma_start3A_32, %dma_start3A_33] : memref<10240x128xf32, #tpu.memory_space<vmem_shared>> -> memref<10240x128xf32, #tpu.memory_space<vmem_shared>>
        tpu.enqueue_indirect_dma source(%arg8 : memref<80x128xf32, #tpu.memory_space<vmem>>) target(%dma_start3A_34 : memref<10240x128xf32, #tpu.memory_space<vmem_shared>>) offsets(%arg7 : memref<80xi32, #tpu.memory_space<vmem>>) semaphore(%run_scoped3A : memref<!tpu.dma_semaphore, #tpu.memory_space<semaphore_mem>>) {add = true}
        %dma_wait3A_35 = arith.constant 0 : i32
        %dma_wait3A_36 = arith.constant 0 : i32
        %dma_wait3A_37 = tpu.memref_slice %arg10[%dma_wait3A_35, %dma_wait3A_36] : memref<10240x128xf32, #tpu.memory_space<vmem_shared>> -> memref<10240x128xf32, #tpu.memory_space<vmem_shared>>
        tpu.wait_indirect_dma semaphore(%run_scoped3A : memref<!tpu.dma_semaphore, #tpu.memory_space<semaphore_mem>>) src(%arg8 : memref<80x128xf32, #tpu.memory_space<vmem>>) dst(%dma_wait3A_37 : memref<10240x128xf32, #tpu.memory_space<vmem_shared>>)
        tpu.yield
      }) : () -> ()
    }
    %scan3A_18 = arith.constant 125 : i32
    %barrier3A_19 = arith.constant 0 : index
    tpu.barrier barrier_id(%barrier3A_19)
    "tpu.region"() ({
      %run_scoped3A = tpu.sem_alloc : memref<!tpu.dma_semaphore, #tpu.memory_space<semaphore_mem>>
      %dma_start3A = arith.constant 0 : i32
      %dma_start3A_20 = tpu.memref_slice %arg5[%arg0, %mul3A_4, %dma_start3A] : memref<2x10240x128xf32, #tpu.memory_space<hbm>> -> memref<1x640x128xf32, #tpu.memory_space<hbm>>
      %dma_start3A_21 = tpu.memref_squeeze %dma_start3A_20 : memref<1x640x128xf32, #tpu.memory_space<hbm>> -> memref<640x128xf32, #tpu.memory_space<hbm>>
      %dma_start3A_22 = arith.constant 0 : i32
      %dma_start3A_23 = tpu.memref_slice %arg10[%mul3A_4, %dma_start3A_22] : memref<10240x128xf32, #tpu.memory_space<vmem_shared>> -> memref<640x128xf32, #tpu.memory_space<vmem_shared>>
      tpu.enqueue_dma source(%dma_start3A_23 : memref<640x128xf32, #tpu.memory_space<vmem_shared>>) target(%dma_start3A_21 : memref<640x128xf32, #tpu.memory_space<hbm>>) target_semaphore(%run_scoped3A : memref<!tpu.dma_semaphore, #tpu.memory_space<semaphore_mem>>)
      %dma_wait3A = arith.constant 0 : i32
      %dma_wait3A_24 = tpu.memref_slice %arg5[%arg0, %mul3A_4, %dma_wait3A] : memref<2x10240x128xf32, #tpu.memory_space<hbm>> -> memref<1x640x128xf32, #tpu.memory_space<hbm>>
      %dma_wait3A_25 = tpu.memref_squeeze %dma_wait3A_24 : memref<1x640x128xf32, #tpu.memory_space<hbm>> -> memref<640x128xf32, #tpu.memory_space<hbm>>
      %dma_wait3A_26 = arith.constant 0 : i32
      %dma_wait3A_27 = tpu.memref_slice %arg10[%mul3A_4, %dma_wait3A_26] : memref<10240x128xf32, #tpu.memory_space<vmem_shared>> -> memref<640x128xf32, #tpu.memory_space<vmem_shared>>
      tpu.wait_dma2 semaphore(%run_scoped3A : memref<!tpu.dma_semaphore, #tpu.memory_space<semaphore_mem>>) src(%dma_wait3A_27 : memref<640x128xf32, #tpu.memory_space<vmem_shared>>) dst(%dma_wait3A_25 : memref<640x128xf32, #tpu.memory_space<hbm>>)
      tpu.yield
    }) : () -> ()
    return
  }
}

#map = affine_map<(d0, d1) -> (0, 0)>
#map1 = affine_map<(d0, d1) -> (0)>
#map2 = affine_map<(d0, d1) -> (0, 0, 0)>
module attributes {stable_mosaic.version = 14 : i64} {
  func.func @gather_pass(%arg0: i32, %arg1: i32, %arg2: memref<10000x128xf32, #tpu.memory_space<hbm>>, %arg3: memref<320000xi32, #tpu.memory_space<hbm>>, %arg4: memref<320000xi32, #tpu.memory_space<hbm>>, %arg5: memref<2x10240x128xf32, #tpu.memory_space<hbm>>, %arg6: memref<80xi32, #tpu.memory_space<vmem>>, %arg7: memref<80xi32, #tpu.memory_space<vmem>>, %arg8: memref<80x128xf32, #tpu.memory_space<vmem>>, %arg9: memref<64x128xf32, #tpu.memory_space<vmem>>, %arg10: memref<10240x128xf32, #tpu.memory_space<vmem_shared>>, %arg11: memref<!tpu.dma_semaphore, #tpu.memory_space<semaphore_mem>>) attributes {dimension_semantics = [#tpu.dimension_semantics<core_parallel>, #tpu.dimension_semantics<subcore_parallel>], iteration_bounds = array<i64: 2, 16>, scalar_prefetch = 0 : i64, scratch_operands = 6 : i64, tpu.core_type = #tpu.core_type<sc_vector_subcore>, window_params = [{transform_indices = #map}, {transform_indices = #map1}, {transform_indices = #map1}, {transform_indices = #map2}]} {
    %scan3A = arith.constant 0 : i32
    %scan3A_0 = arith.constant 64 : i32
    %scan3A_1 = arith.addi %scan3A, %scan3A_0 : i32
    %scan3A_2 = arith.constant 1 : i32
    scf.for %scan3A_20 = %scan3A to %scan3A_1 step %scan3A_2  : i32 {
      %mul3A_21 = arith.constant 1 : i32
      %mul3A_22 = arith.muli %scan3A_20, %mul3A_21 : i32
      %add3A_23 = arith.constant 0 : i32
      %add3A_24 = arith.addi %add3A_23, %mul3A_22 : i32
      %scan3A_25 = arith.constant 0 : i32
      %scan3A_26 = arith.constant 8 : i32
      %scan3A_27 = arith.addi %scan3A_25, %scan3A_26 : i32
      %scan3A_28 = arith.constant 1 : i32
      scf.for %scan3A_30 = %scan3A_25 to %scan3A_27 step %scan3A_28  : i32 {
        %mul3A_31 = arith.constant 1 : i32
        %mul3A_32 = arith.muli %scan3A_30, %mul3A_31 : i32
        %add3A_33 = arith.constant 0 : i32
        %add3A_34 = arith.addi %add3A_33, %mul3A_32 : i32
        %broadcast_in_dim3A = arith.constant 0.000000e+00 : f32
        %broadcast_in_dim3A_35 = vector.broadcast %broadcast_in_dim3A : f32 to vector<16xf32>
        %mul3A_36 = arith.constant 16 : i32
        %mul3A_37 = arith.muli %add3A_34, %mul3A_36 : i32
        %swap3A = arith.index_cast %add3A_24 : i32 to index
        %swap3A_38 = arith.index_cast %mul3A_37 : i32 to index
        %swap3A_39 = tpu.vector_load %arg9[%swap3A, %swap3A_38] {strides = array<i32>} : memref<64x128xf32, #tpu.memory_space<vmem>>, vector<1x16xf32>,
        %swap3A_40 = vector.shape_cast %swap3A_39 : vector<1x16xf32> to vector<16xf32>
        %swap3A_41 = vector.shape_cast %broadcast_in_dim3A_35 : vector<16xf32> to vector<1x16xf32>
        tpu.vector_store %arg9[%swap3A, %swap3A_38], %swap3A_41 {strides = array<i32>} : memref<64x128xf32, #tpu.memory_space<vmem>>, vector<1x16xf32>,
      }
      %scan3A_29 = arith.constant 8 : i32
    }
    %scan3A_3 = arith.constant 64 : i32
    %mul3A = arith.constant 640 : i32
    %mul3A_4 = arith.muli %arg1, %mul3A : i32
    %scan3A_5 = arith.constant 0 : i32
    %scan3A_6 = arith.constant 10 : i32
    %scan3A_7 = arith.addi %scan3A_5, %scan3A_6 : i32
    %scan3A_8 = arith.constant 1 : i32
    scf.for %scan3A_20 = %scan3A_5 to %scan3A_7 step %scan3A_8  : i32 {
      %mul3A_21 = arith.constant 1 : i32
      %mul3A_22 = arith.muli %scan3A_20, %mul3A_21 : i32
      %add3A_23 = arith.constant 0 : i32
      %add3A_24 = arith.addi %add3A_23, %mul3A_22 : i32
      %mul3A_25 = arith.constant 64 : i32
      %mul3A_26 = arith.muli %add3A_24, %mul3A_25 : i32
      %add3A_27 = arith.addi %mul3A_4, %mul3A_26 : i32
      "tpu.region"() ({
        %run_scoped3A = tpu.sem_alloc : memref<!tpu.dma_semaphore, #tpu.memory_space<semaphore_mem>>
        %dma_start3A = arith.constant 0 : i32
        %dma_start3A_28 = tpu.memref_slice %arg10[%add3A_27, %dma_start3A] : memref<10240x128xf32, #tpu.memory_space<vmem_shared>> -> memref<64x128xf32, #tpu.memory_space<vmem_shared>>
        %dma_start3A_29 = arith.constant 0 : i32
        %dma_start3A_30 = tpu.memref_slice %arg10[%add3A_27, %dma_start3A_29] : memref<10240x128xf32, #tpu.memory_space<vmem_shared>> -> memref<64x128xf32, #tpu.memory_space<vmem_shared>>
        tpu.enqueue_dma source(%arg9 : memref<64x128xf32, #tpu.memory_space<vmem>>) target(%dma_start3A_30 : memref<64x128xf32, #tpu.memory_space<vmem_shared>>) target_semaphore(%run_scoped3A : memref<!tpu.dma_semaphore, #tpu.memory_space<semaphore_mem>>)
        %dma_wait3A = arith.constant 0 : i32
        %dma_wait3A_31 = tpu.memref_slice %arg10[%add3A_27, %dma_wait3A] : memref<10240x128xf32, #tpu.memory_space<vmem_shared>> -> memref<64x128xf32, #tpu.memory_space<vmem_shared>>
        %dma_wait3A_32 = arith.constant 0 : i32
        %dma_wait3A_33 = tpu.memref_slice %arg10[%add3A_27, %dma_wait3A_32] : memref<10240x128xf32, #tpu.memory_space<vmem_shared>> -> memref<64x128xf32, #tpu.memory_space<vmem_shared>>
        tpu.wait_dma2 semaphore(%run_scoped3A : memref<!tpu.dma_semaphore, #tpu.memory_space<semaphore_mem>>) src(%arg9 : memref<64x128xf32, #tpu.memory_space<vmem>>) dst(%dma_wait3A_33 : memref<64x128xf32, #tpu.memory_space<vmem_shared>>)
        tpu.yield
      }) : () -> ()
    }
    %scan3A_9 = arith.constant 10 : i32
    %barrier3A = arith.constant 0 : index
    tpu.barrier barrier_id(%barrier3A)
    %mul3A_10 = arith.constant 16 : i32
    %mul3A_11 = arith.muli %arg0, %mul3A_10 : i32
    %add3A = arith.addi %mul3A_11, %arg1 : i32
    %mul3A_12 = arith.constant 10000 : i32
    %mul3A_13 = arith.muli %add3A, %mul3A_12 : i32
    %scan3A_14 = arith.constant 0 : i32
    %scan3A_15 = arith.constant 125 : i32
    %scan3A_16 = arith.addi %scan3A_14, %scan3A_15 : i32
    %scan3A_17 = arith.constant 1 : i32
    scf.for %scan3A_20 = %scan3A_14 to %scan3A_16 step %scan3A_17  : i32 {
      %mul3A_21 = arith.constant 1 : i32
      %mul3A_22 = arith.muli %scan3A_20, %mul3A_21 : i32
      %add3A_23 = arith.constant 0 : i32
      %add3A_24 = arith.addi %add3A_23, %mul3A_22 : i32
      %mul3A_25 = arith.constant 80 : i32
      %mul3A_26 = arith.muli %add3A_24, %mul3A_25 : i32
      %add3A_27 = arith.addi %mul3A_13, %mul3A_26 : i32
      "tpu.region"() ({
        %run_scoped3A = tpu.sem_alloc : memref<!tpu.dma_semaphore, #tpu.memory_space<semaphore_mem>>
        %dma_start3A_32 = tpu.memref_slice %arg3[%add3A_27] : memref<320000xi32, #tpu.memory_space<hbm>> -> memref<80xi32, #tpu.memory_space<hbm>>
        %dma_start3A_33 = tpu.memref_slice %arg3[%add3A_27] : memref<320000xi32, #tpu.memory_space<hbm>> -> memref<80xi32, #tpu.memory_space<hbm>>
        tpu.enqueue_dma source(%dma_start3A_33 : memref<80xi32, #tpu.memory_space<hbm>>) target(%arg6 : memref<80xi32, #tpu.memory_space<vmem>>) target_semaphore(%run_scoped3A : memref<!tpu.dma_semaphore, #tpu.memory_space<semaphore_mem>>)
        %dma_wait3A_34 = tpu.memref_slice %arg3[%add3A_27] : memref<320000xi32, #tpu.memory_space<hbm>> -> memref<80xi32, #tpu.memory_space<hbm>>
        %dma_wait3A_35 = tpu.memref_slice %arg3[%add3A_27] : memref<320000xi32, #tpu.memory_space<hbm>> -> memref<80xi32, #tpu.memory_space<hbm>>
        tpu.wait_dma2 semaphore(%run_scoped3A : memref<!tpu.dma_semaphore, #tpu.memory_space<semaphore_mem>>) src(%dma_wait3A_35 : memref<80xi32, #tpu.memory_space<hbm>>) dst(%arg6 : memref<80xi32, #tpu.memory_space<vmem>>)
        tpu.yield
      }) : () -> ()
      "tpu.region"() ({
        %run_scoped3A = tpu.sem_alloc : memref<!tpu.dma_semaphore, #tpu.memory_space<semaphore_mem>>
        %dma_start3A_32 = tpu.memref_slice %arg4[%add3A_27] : memref<320000xi32, #tpu.memory_space<hbm>> -> memref<80xi32, #tpu.memory_space<hbm>>
        %dma_start3A_33 = tpu.memref_slice %arg4[%add3A_27] : memref<320000xi32, #tpu.memory_space<hbm>> -> memref<80xi32, #tpu.memory_space<hbm>>
        tpu.enqueue_dma source(%dma_start3A_33 : memref<80xi32, #tpu.memory_space<hbm>>) target(%arg7 : memref<80xi32, #tpu.memory_space<vmem>>) target_semaphore(%run_scoped3A : memref<!tpu.dma_semaphore, #tpu.memory_space<semaphore_mem>>)
        %dma_wait3A_34 = tpu.memref_slice %arg4[%add3A_27] : memref<320000xi32, #tpu.memory_space<hbm>> -> memref<80xi32, #tpu.memory_space<hbm>>
        %dma_wait3A_35 = tpu.memref_slice %arg4[%add3A_27] : memref<320000xi32, #tpu.memory_space<hbm>> -> memref<80xi32, #tpu.memory_space<hbm>>
        tpu.wait_dma2 semaphore(%run_scoped3A : memref<!tpu.dma_semaphore, #tpu.memory_space<semaphore_mem>>) src(%dma_wait3A_35 : memref<80xi32, #tpu.memory_space<hbm>>) dst(%arg7 : memref<80xi32, #tpu.memory_space<vmem>>)
        tpu.yield
      }) : () -> ()
      %dma_start3A = arith.constant 0 : i32
      %dma_start3A_28 = arith.constant 0 : i32
      %dma_start3A_29 = tpu.memref_slice %arg2[%dma_start3A, %dma_start3A_28] : memref<10000x128xf32, #tpu.memory_space<hbm>> -> memref<10000x128xf32, #tpu.memory_space<hbm>>
      tpu.enqueue_indirect_dma source(%dma_start3A_29 : memref<10000x128xf32, #tpu.memory_space<hbm>>) target(%arg8 : memref<80x128xf32, #tpu.memory_space<vmem>>) offsets(%arg6 : memref<80xi32, #tpu.memory_space<vmem>>) semaphore(%arg11 : memref<!tpu.dma_semaphore, #tpu.memory_space<semaphore_mem>>)
      %dma_wait3A = arith.constant 0 : i32
      %dma_wait3A_30 = arith.constant 0 : i32
      %dma_wait3A_31 = tpu.memref_slice %arg2[%dma_wait3A, %dma_wait3A_30] : memref<10000x128xf32, #tpu.memory_space<hbm>> -> memref<10000x128xf32, #tpu.memory_space<hbm>>
      tpu.wait_indirect_dma semaphore(%arg11 : memref<!tpu.dma_semaphore, #tpu.memory_space<semaphore_mem>>) src(%dma_wait3A_31 : memref<10000x128xf32, #tpu.memory_space<hbm>>) dst(%arg8 : memref<80x128xf32, #tpu.memory_space<vmem>>)
      "tpu.region"() ({
        %run_scoped3A = tpu.sem_alloc : memref<!tpu.dma_semaphore, #tpu.memory_space<semaphore_mem>>
        %dma_start3A_32 = arith.constant 0 : i32
        %dma_start3A_33 = arith.constant 0 : i32
        %dma_start3A_34 = tpu.memref_slice %arg10[%dma_start3A_32, %dma_start3A_33] : memref<10240x128xf32, #tpu.memory_space<vmem_shared>> -> memref<10240x128xf32, #tpu.memory_space<vmem_shared>>
        tpu.enqueue_indirect_dma source(%arg8 : memref<80x128xf32, #tpu.memory_space<vmem>>) target(%dma_start3A_34 : memref<10240x128xf32, #tpu.memory_space<vmem_shared>>) offsets(%arg7 : memref<80xi32, #tpu.memory_space<vmem>>) semaphore(%run_scoped3A : memref<!tpu.dma_semaphore, #tpu.memory_space<semaphore_mem>>) {add = true}
        %dma_wait3A_35 = arith.constant 0 : i32
        %dma_wait3A_36 = arith.constant 0 : i32
        %dma_wait3A_37 = tpu.memref_slice %arg10[%dma_wait3A_35, %dma_wait3A_36] : memref<10240x128xf32, #tpu.memory_space<vmem_shared>> -> memref<10240x128xf32, #tpu.memory_space<vmem_shared>>
        tpu.wait_indirect_dma semaphore(%run_scoped3A : memref<!tpu.dma_semaphore, #tpu.memory_space<semaphore_mem>>) src(%arg8 : memref<80x128xf32, #tpu.memory_space<vmem>>) dst(%dma_wait3A_37 : memref<10240x128xf32, #tpu.memory_space<vmem_shared>>)
        tpu.yield
      }) : () -> ()
    }
    %scan3A_18 = arith.constant 125 : i32
    %barrier3A_19 = arith.constant 0 : index
    tpu.barrier barrier_id(%barrier3A_19)
    "tpu.region"() ({
      %run_scoped3A = tpu.sem_alloc : memref<!tpu.dma_semaphore, #tpu.memory_space<semaphore_mem>>
      %dma_start3A = arith.constant 0 : i32
      %dma_start3A_20 = tpu.memref_slice %arg5[%arg0, %mul3A_4, %dma_start3A] : memref<2x10240x128xf32, #tpu.memory_space<hbm>> -> memref<1x640x128xf32, #tpu.memory_space<hbm>>
      %dma_start3A_21 = tpu.memref_squeeze %dma_start3A_20 : memref<1x640x128xf32, #tpu.memory_space<hbm>> -> memref<640x128xf32, #tpu.memory_space<hbm>>
      %dma_start3A_22 = arith.constant 0 : i32
      %dma_start3A_23 = tpu.memref_slice %arg10[%mul3A_4, %dma_start3A_22] : memref<10240x128xf32, #tpu.memory_space<vmem_shared>> -> memref<640x128xf32, #tpu.memory_space<vmem_shared>>
      tpu.enqueue_dma source(%dma_start3A_23 : memref<640x128xf32, #tpu.memory_space<vmem_shared>>) target(%dma_start3A_21 : memref<640x128xf32, #tpu.memory_space<hbm>>) target_semaphore(%run_scoped3A : memref<!tpu.dma_semaphore, #tpu.memory_space<semaphore_mem>>)
      %dma_wait3A = arith.constant 0 : i32
      %dma_wait3A_24 = tpu.memref_slice %arg5[%arg0, %mul3A_4, %dma_wait3A] : memref<2x10240x128xf32, #tpu.memory_space<hbm>> -> memref<1x640x128xf32, #tpu.memory_space<hbm>>
      %dma_wait3A_25 = tpu.memref_squeeze %dma_wait3A_24 : memref<1x640x128xf32, #tpu.memory_space<hbm>> -> memref<640x128xf32, #tpu.memory_space<hbm>>
      %dma_wait3A_26 = arith.constant 0 : i32
      %dma_wait3A_27 = tpu.memref_slice %arg10[%mul3A_4, %dma_wait3A_26] : memref<10240x128xf32, #tpu.memory_space<vmem_shared>> -> memref<640x128xf32, #tpu.memory_space<vmem_shared>>
      tpu.wait_dma2 semaphore(%run_scoped3A : memref<!tpu.dma_semaphore, #tpu.memory_space<semaphore_mem>>) src(%dma_wait3A_27 : memref<640x128xf32, #tpu.memory_space<vmem_shared>>) dst(%dma_wait3A_25 : memref<640x128xf32, #tpu.memory_space<hbm>>)
      tpu.yield
    }) : () -> ()
    return
  }
}

module attributes {stable_mosaic.version = 14 : i64} {
  func.func @body(%arg0: i32, %arg1: memref<1x1000x128xf32, #tpu.memory_space<vmem>>, %arg2: memref<1x1000x128xf32, #tpu.memory_space<vmem>>, %arg3: memref<1000x128xf32, #tpu.memory_space<vmem>>, %arg4: memref<128x128xf32, #tpu.memory_space<vmem>>, %arg5: memref<1000x128xf32, #tpu.memory_space<vmem>>, %arg6: memref<1000x128xf32, #tpu.memory_space<vmem>>) attributes {dimension_semantics = [#tpu.dimension_semantics<arbitrary>], iteration_bounds = array<i64: 10>, scalar_prefetch = 0 : i64, scratch_operands = 0 : i64, tpu.core_type = #tpu.core_type<tc>, window_params = [{transform_indices = @transform_0, window_bounds = array<i64: 1, 1000, 128>}, {transform_indices = @transform_1, window_bounds = array<i64: 1, 1000, 128>}, {transform_indices = @transform_2, window_bounds = array<i64: 1000, 128>}, {pipeline_mode = #tpu.pipeline_mode<synchronous>, transform_indices = @transform_3, window_bounds = array<i64: 128, 128>}, {transform_indices = @transform_4, window_bounds = array<i64: 1000, 128>}, {transform_indices = @transform_5, window_bounds = array<i64: 1000, 128>}]} {
    %get3A = arith.constant 0 : index
    %get3A_0 = arith.constant 0 : index
    %get3A_1 = arith.constant 0 : index
    %get3A_2 = vector.load %arg1[%get3A, %get3A_0, %get3A_1] : memref<1x1000x128xf32, #tpu.memory_space<vmem>>, vector<1x1000x128xf32>
    %get3A_3 = vector.shape_cast %get3A_2 : vector<1x1000x128xf32> to vector<1000x128xf32>
    %get3A_4 = arith.constant 0 : index
    %get3A_5 = arith.constant 0 : index
    %get3A_6 = arith.constant 0 : index
    %get3A_7 = vector.load %arg2[%get3A_4, %get3A_5, %get3A_6] : memref<1x1000x128xf32, #tpu.memory_space<vmem>>, vector<1x1000x128xf32>
    %get3A_8 = vector.shape_cast %get3A_7 : vector<1x1000x128xf32> to vector<1000x128xf32>
    %add3A = arith.addf %get3A_3, %get3A_8 : vector<1000x128xf32>
    %get3A_9 = arith.constant 0 : index
    %get3A_10 = arith.constant 0 : index
    %get3A_11 = vector.load %arg3[%get3A_9, %get3A_10] : memref<1000x128xf32, #tpu.memory_space<vmem>>, vector<1000x128xf32>
    %add3A_12 = arith.addf %add3A, %get3A_11 : vector<1000x128xf32>
    %get3A_13 = arith.constant 0 : index
    %get3A_14 = arith.constant 0 : index
    %get3A_15 = vector.load %arg4[%get3A_13, %get3A_14] : memref<128x128xf32, #tpu.memory_space<vmem>>, vector<128x128xf32>
    %dot_general3A = arith.constant dense<0.000000e+00> : vector<1000x128xf32>
    %dot_general3A_16 = tpu.matmul %add3A_12, %get3A_15, %dot_general3A {dimension_numbers = #tpu.dot_dimension_numbers<[1], [0], [0], [1], [0, 0, 1, 1], [], []>, precision = #tpu.contract_precision<fp32>, transpose_lhs_hint = false} : vector<1000x128xf32>, vector<128x128xf32>, vector<1000x128xf32> -> vector<1000x128xf32>
    %get3A_17 = arith.constant 0 : index
    %get3A_18 = arith.constant 0 : index
    %get3A_19 = vector.load %arg5[%get3A_17, %get3A_18] : memref<1000x128xf32, #tpu.memory_space<vmem>>, vector<1000x128xf32>
    %add3A_20 = arith.addf %dot_general3A_16, %get3A_19 : vector<1000x128xf32>
    %max3A = arith.constant 0.000000e+00 : f32
    %max3A_21 = vector.broadcast %max3A : f32 to vector<1000x128xf32>
    %max3A_22 = arith.maximumf %add3A_20, %max3A_21 : vector<1000x128xf32>
    %swap3A = arith.constant 0 : index
    %swap3A_23 = arith.constant 0 : index
    %swap3A_24 = vector.load %arg6[%swap3A, %swap3A_23] : memref<1000x128xf32, #tpu.memory_space<vmem>>, vector<1000x128xf32>
    tpu.vector_store %arg6[%swap3A, %swap3A_23], %max3A_22 {strides = array<i32>} : memref<1000x128xf32, #tpu.memory_space<vmem>>, vector<1000x128xf32>,
    return
  }
  func.func @transform_0(%arg0: i32) -> (i32, i32, i32) {
    %c0_i32 = arith.constant 0 : i32
    %c0_i32_0 = arith.constant 0 : i32
    %c0_i32_1 = arith.constant 0 : i32
    return %c0_i32, %arg0, %c0_i32_0 : i32, i32, i32
  }
  func.func @transform_1(%arg0: i32) -> (i32, i32, i32) {
    %c1_i32 = arith.constant 1 : i32
    %c0_i32 = arith.constant 0 : i32
    %c0_i32_0 = arith.constant 0 : i32
    return %c1_i32, %arg0, %c0_i32 : i32, i32, i32
  }
  func.func @transform_2(%arg0: i32) -> (i32, i32) {
    %c0_i32 = arith.constant 0 : i32
    %c0_i32_0 = arith.constant 0 : i32
    return %arg0, %c0_i32 : i32, i32
  }
  func.func @transform_3(%arg0: i32) -> (i32, i32) {
    %c0_i32 = arith.constant 0 : i32
    %c0_i32_0 = arith.constant 0 : i32
    %c0_i32_1 = arith.constant 0 : i32
    return %c0_i32, %c0_i32_0 : i32, i32
  }
  func.func @transform_4(%arg0: i32) -> (i32, i32) {
    %c0_i32 = arith.constant 0 : i32
    %c0_i32_0 = arith.constant 0 : i32
    return %arg0, %c0_i32 : i32, i32
  }
  func.func @transform_5(%arg0: i32) -> (i32, i32) {
    %c0_i32 = arith.constant 0 : i32
    %c0_i32_0 = arith.constant 0 : i32
    return %arg0, %c0_i32 : i32, i32
  }
}

module attributes {stable_mosaic.version = 14 : i64} {
  func.func @body(%arg0: i32, %arg1: memref<1000x128xf32, #tpu.memory_space<vmem>>, %arg2: memref<1x1000x16xf32, #tpu.memory_space<vmem>>, %arg3: memref<1x1000x16xf32, #tpu.memory_space<vmem>>, %arg4: memref<1x1000x16xf32, #tpu.memory_space<vmem>>, %arg5: memref<1x1000x16xf32, #tpu.memory_space<vmem>>, %arg6: memref<128x128xf32, #tpu.memory_space<vmem>>, %arg7: memref<1x128xf32, #tpu.memory_space<vmem>>, %arg8: memref<16x128xf32, #tpu.memory_space<vmem>>, %arg9: memref<1x128xf32, #tpu.memory_space<vmem>>, %arg10: memref<1x128xf32, #tpu.memory_space<vmem>>, %arg11: memref<16x128xf32, #tpu.memory_space<vmem>>, %arg12: memref<1x128xf32, #tpu.memory_space<vmem>>, %arg13: memref<1x128xf32, #tpu.memory_space<vmem>>, %arg14: memref<1000x128xf32, #tpu.memory_space<vmem>>, %arg15: memref<1000x128xf32, #tpu.memory_space<vmem>>, %arg16: memref<1000x128xf32, #tpu.memory_space<vmem>>) attributes {dimension_semantics = [#tpu.dimension_semantics<arbitrary>], iteration_bounds = array<i64: 10>, scalar_prefetch = 0 : i64, scratch_operands = 0 : i64, tpu.core_type = #tpu.core_type<tc>, window_params = [{transform_indices = @transform_0, window_bounds = array<i64: 1000, 128>}, {transform_indices = @transform_1, window_bounds = array<i64: 1, 1000, 16>}, {transform_indices = @transform_2, window_bounds = array<i64: 1, 1000, 16>}, {transform_indices = @transform_3, window_bounds = array<i64: 1, 1000, 16>}, {transform_indices = @transform_4, window_bounds = array<i64: 1, 1000, 16>}, {pipeline_mode = #tpu.pipeline_mode<synchronous>, transform_indices = @transform_5, window_bounds = array<i64: 128, 128>}, {pipeline_mode = #tpu.pipeline_mode<synchronous>, transform_indices = @transform_6, window_bounds = array<i64: 1, 128>}, {pipeline_mode = #tpu.pipeline_mode<synchronous>, transform_indices = @transform_7, window_bounds = array<i64: 16, 128>}, {pipeline_mode = #tpu.pipeline_mode<synchronous>, transform_indices = @transform_8, window_bounds = array<i64: 1, 128>}, {pipeline_mode = #tpu.pipeline_mode<synchronous>, transform_indices = @transform_9, window_bounds = array<i64: 1, 128>}, {pipeline_mode = #tpu.pipeline_mode<synchronous>, transform_indices = @transform_10, window_bounds = array<i64: 16, 128>}, {pipeline_mode = #tpu.pipeline_mode<synchronous>, transform_indices = @transform_11, window_bounds = array<i64: 1, 128>}, {pipeline_mode = #tpu.pipeline_mode<synchronous>, transform_indices = @transform_12, window_bounds = array<i64: 1, 128>}, {transform_indices = @transform_13, window_bounds = array<i64: 1000, 128>}, {transform_indices = @transform_14, window_bounds = array<i64: 1000, 128>}, {transform_indices = @transform_15, window_bounds = array<i64: 1000, 128>}]} {
    %get3A = arith.constant 0 : index
    %get3A_0 = arith.constant 0 : index
    %get3A_1 = vector.load %arg1[%get3A, %get3A_0] : memref<1000x128xf32, #tpu.memory_space<vmem>>, vector<1000x128xf32>
    %get3A_2 = arith.constant 0 : index
    %get3A_3 = arith.constant 0 : index
    %get3A_4 = vector.load %arg6[%get3A_2, %get3A_3] : memref<128x128xf32, #tpu.memory_space<vmem>>, vector<128x128xf32>
    %dot_general3A = arith.constant dense<0.000000e+00> : vector<1000x128xf32>
    %dot_general3A_5 = tpu.matmul %get3A_1, %get3A_4, %dot_general3A {dimension_numbers = #tpu.dot_dimension_numbers<[1], [0], [0], [1], [0, 0, 1, 1], [], []>, precision = #tpu.contract_precision<fp32>, transpose_lhs_hint = false} : vector<1000x128xf32>, vector<128x128xf32>, vector<1000x128xf32> -> vector<1000x128xf32>
    %get3A_6 = arith.constant 0 : index
    %get3A_7 = arith.constant 0 : index
    %get3A_8 = vector.load %arg7[%get3A_6, %get3A_7] : memref<1x128xf32, #tpu.memory_space<vmem>>, vector<1x128xf32>
    %add3A = vector.broadcast %get3A_8 : vector<1x128xf32> to vector<1000x128xf32>
    %add3A_9 = arith.addf %dot_general3A_5, %add3A : vector<1000x128xf32>
    %swap3A = arith.constant 0 : index
    %swap3A_10 = arith.constant 0 : index
    %swap3A_11 = vector.load %arg14[%swap3A, %swap3A_10] : memref<1000x128xf32, #tpu.memory_space<vmem>>, vector<1000x128xf32>
    tpu.vector_store %arg14[%swap3A, %swap3A_10], %add3A_9 {strides = array<i32>} : memref<1000x128xf32, #tpu.memory_space<vmem>>, vector<1000x128xf32>,
    %get3A_12 = arith.constant 0 : index
    %get3A_13 = arith.constant 0 : index
    %get3A_14 = arith.constant 0 : index
    %get3A_15 = vector.load %arg2[%get3A_12, %get3A_13, %get3A_14] : memref<1x1000x16xf32, #tpu.memory_space<vmem>>, vector<1x1000x16xf32>
    %get3A_16 = vector.shape_cast %get3A_15 : vector<1x1000x16xf32> to vector<1000x16xf32>
    %get3A_17 = arith.constant 0 : index
    %get3A_18 = arith.constant 0 : index
    %get3A_19 = arith.constant 0 : index
    %get3A_20 = vector.load %arg3[%get3A_17, %get3A_18, %get3A_19] : memref<1x1000x16xf32, #tpu.memory_space<vmem>>, vector<1x1000x16xf32>
    %get3A_21 = vector.shape_cast %get3A_20 : vector<1x1000x16xf32> to vector<1000x16xf32>
    %add3A_22 = arith.addf %get3A_16, %get3A_21 : vector<1000x16xf32>
    %get3A_23 = arith.constant 0 : index
    %get3A_24 = arith.constant 0 : index
    %get3A_25 = arith.constant 0 : index
    %get3A_26 = vector.load %arg4[%get3A_23, %get3A_24, %get3A_25] : memref<1x1000x16xf32, #tpu.memory_space<vmem>>, vector<1x1000x16xf32>
    %get3A_27 = vector.shape_cast %get3A_26 : vector<1x1000x16xf32> to vector<1000x16xf32>
    %slice3A = vector.extract_strided_slice %get3A_27 {offsets = [0, 0], sizes = [1000, 1], strides = [1, 1]} : vector<1000x16xf32> to vector<1000x1xf32>
    %get3A_28 = arith.constant 0 : index
    %get3A_29 = arith.constant 0 : index
    %get3A_30 = arith.constant 0 : index
    %get3A_31 = vector.load %arg5[%get3A_28, %get3A_29, %get3A_30] : memref<1x1000x16xf32, #tpu.memory_space<vmem>>, vector<1x1000x16xf32>
    %get3A_32 = vector.shape_cast %get3A_31 : vector<1x1000x16xf32> to vector<1000x16xf32>
    %slice3A_33 = vector.extract_strided_slice %get3A_32 {offsets = [0, 0], sizes = [1000, 1], strides = [1, 1]} : vector<1000x16xf32> to vector<1000x1xf32>
    %add3A_34 = arith.addf %slice3A, %slice3A_33 : vector<1000x1xf32>
    %get3A_35 = arith.constant 0 : index
    %get3A_36 = arith.constant 0 : index
    %get3A_37 = vector.load %arg9[%get3A_35, %get3A_36] : memref<1x128xf32, #tpu.memory_space<vmem>>, vector<1x128xf32>
    %mul3A = vector.broadcast %add3A_34 : vector<1000x1xf32> to vector<1000x128xf32>
    %mul3A_38 = vector.broadcast %get3A_37 : vector<1x128xf32> to vector<1000x128xf32>
    %mul3A_39 = arith.mulf %mul3A, %mul3A_38 : vector<1000x128xf32>
    %get3A_40 = arith.constant 0 : index
    %get3A_41 = arith.constant 0 : index
    %get3A_42 = vector.load %arg8[%get3A_40, %get3A_41] : memref<16x128xf32, #tpu.memory_space<vmem>>, vector<16x128xf32>
    %dot_general3A_43 = arith.constant dense<0.000000e+00> : vector<1000x128xf32>
    %dot_general3A_44 = tpu.matmul %add3A_22, %get3A_42, %dot_general3A_43 {dimension_numbers = #tpu.dot_dimension_numbers<[1], [0], [0], [1], [0, 0, 1, 1], [], []>, precision = #tpu.contract_precision<fp32>, transpose_lhs_hint = false} : vector<1000x16xf32>, vector<16x128xf32>, vector<1000x128xf32> -> vector<1000x128xf32>
    %add3A_45 = arith.addf %mul3A_39, %dot_general3A_44 : vector<1000x128xf32>
    %get3A_46 = arith.constant 0 : index
    %get3A_47 = arith.constant 0 : index
    %get3A_48 = vector.load %arg10[%get3A_46, %get3A_47] : memref<1x128xf32, #tpu.memory_space<vmem>>, vector<1x128xf32>
    %add3A_49 = vector.broadcast %get3A_48 : vector<1x128xf32> to vector<1000x128xf32>
    %add3A_50 = arith.addf %add3A_45, %add3A_49 : vector<1000x128xf32>
    %swap3A_51 = arith.constant 0 : index
    %swap3A_52 = arith.constant 0 : index
    %swap3A_53 = vector.load %arg15[%swap3A_51, %swap3A_52] : memref<1000x128xf32, #tpu.memory_space<vmem>>, vector<1000x128xf32>
    tpu.vector_store %arg15[%swap3A_51, %swap3A_52], %add3A_50 {strides = array<i32>} : memref<1000x128xf32, #tpu.memory_space<vmem>>, vector<1000x128xf32>,
    %get3A_54 = arith.constant 0 : index
    %get3A_55 = arith.constant 0 : index
    %get3A_56 = vector.load %arg12[%get3A_54, %get3A_55] : memref<1x128xf32, #tpu.memory_space<vmem>>, vector<1x128xf32>
    %mul3A_57 = vector.broadcast %add3A_34 : vector<1000x1xf32> to vector<1000x128xf32>
    %mul3A_58 = vector.broadcast %get3A_56 : vector<1x128xf32> to vector<1000x128xf32>
    %mul3A_59 = arith.mulf %mul3A_57, %mul3A_58 : vector<1000x128xf32>
    %get3A_60 = arith.constant 0 : index
    %get3A_61 = arith.constant 0 : index
    %get3A_62 = vector.load %arg11[%get3A_60, %get3A_61] : memref<16x128xf32, #tpu.memory_space<vmem>>, vector<16x128xf32>
    %dot_general3A_63 = arith.constant dense<0.000000e+00> : vector<1000x128xf32>
    %dot_general3A_64 = tpu.matmul %add3A_22, %get3A_62, %dot_general3A_63 {dimension_numbers = #tpu.dot_dimension_numbers<[1], [0], [0], [1], [0, 0, 1, 1], [], []>, precision = #tpu.contract_precision<fp32>, transpose_lhs_hint = false} : vector<1000x16xf32>, vector<16x128xf32>, vector<1000x128xf32> -> vector<1000x128xf32>
    %add3A_65 = arith.addf %mul3A_59, %dot_general3A_64 : vector<1000x128xf32>
    %get3A_66 = arith.constant 0 : index
    %get3A_67 = arith.constant 0 : index
    %get3A_68 = vector.load %arg13[%get3A_66, %get3A_67] : memref<1x128xf32, #tpu.memory_space<vmem>>, vector<1x128xf32>
    %add3A_69 = vector.broadcast %get3A_68 : vector<1x128xf32> to vector<1000x128xf32>
    %add3A_70 = arith.addf %add3A_65, %add3A_69 : vector<1000x128xf32>
    %swap3A_71 = arith.constant 0 : index
    %swap3A_72 = arith.constant 0 : index
    %swap3A_73 = vector.load %arg16[%swap3A_71, %swap3A_72] : memref<1000x128xf32, #tpu.memory_space<vmem>>, vector<1000x128xf32>
    tpu.vector_store %arg16[%swap3A_71, %swap3A_72], %add3A_70 {strides = array<i32>} : memref<1000x128xf32, #tpu.memory_space<vmem>>, vector<1000x128xf32>,
    return
  }
  func.func @transform_0(%arg0: i32) -> (i32, i32) {
    %c0_i32 = arith.constant 0 : i32
    %c0_i32_0 = arith.constant 0 : i32
    return %arg0, %c0_i32 : i32, i32
  }
  func.func @transform_1(%arg0: i32) -> (i32, i32, i32) {
    %c0_i32 = arith.constant 0 : i32
    %c0_i32_0 = arith.constant 0 : i32
    %c0_i32_1 = arith.constant 0 : i32
    return %c0_i32, %arg0, %c0_i32_0 : i32, i32, i32
  }
  func.func @transform_2(%arg0: i32) -> (i32, i32, i32) {
    %c1_i32 = arith.constant 1 : i32
    %c0_i32 = arith.constant 0 : i32
    %c0_i32_0 = arith.constant 0 : i32
    return %c1_i32, %arg0, %c0_i32 : i32, i32, i32
  }
  func.func @transform_3(%arg0: i32) -> (i32, i32, i32) {
    %c0_i32 = arith.constant 0 : i32
    %c0_i32_0 = arith.constant 0 : i32
    %c0_i32_1 = arith.constant 0 : i32
    return %c0_i32, %arg0, %c0_i32_0 : i32, i32, i32
  }
  func.func @transform_4(%arg0: i32) -> (i32, i32, i32) {
    %c1_i32 = arith.constant 1 : i32
    %c0_i32 = arith.constant 0 : i32
    %c0_i32_0 = arith.constant 0 : i32
    return %c1_i32, %arg0, %c0_i32 : i32, i32, i32
  }
  func.func @transform_5(%arg0: i32) -> (i32, i32) {
    %c0_i32 = arith.constant 0 : i32
    %c0_i32_0 = arith.constant 0 : i32
    %c0_i32_1 = arith.constant 0 : i32
    return %c0_i32, %c0_i32_0 : i32, i32
  }
  func.func @transform_6(%arg0: i32) -> (i32, i32) {
    %c0_i32 = arith.constant 0 : i32
    %c0_i32_0 = arith.constant 0 : i32
    %c0_i32_1 = arith.constant 0 : i32
    return %c0_i32, %c0_i32_0 : i32, i32
  }
  func.func @transform_7(%arg0: i32) -> (i32, i32) {
    %c0_i32 = arith.constant 0 : i32
    %c0_i32_0 = arith.constant 0 : i32
    %c0_i32_1 = arith.constant 0 : i32
    return %c0_i32, %c0_i32_0 : i32, i32
  }
  func.func @transform_8(%arg0: i32) -> (i32, i32) {
    %c0_i32 = arith.constant 0 : i32
    %c0_i32_0 = arith.constant 0 : i32
    %c0_i32_1 = arith.constant 0 : i32
    return %c0_i32, %c0_i32_0 : i32, i32
  }
  func.func @transform_9(%arg0: i32) -> (i32, i32) {
    %c0_i32 = arith.constant 0 : i32
    %c0_i32_0 = arith.constant 0 : i32
    %c0_i32_1 = arith.constant 0 : i32
    return %c0_i32, %c0_i32_0 : i32, i32
  }
  func.func @transform_10(%arg0: i32) -> (i32, i32) {
    %c0_i32 = arith.constant 0 : i32
    %c0_i32_0 = arith.constant 0 : i32
    %c0_i32_1 = arith.constant 0 : i32
    return %c0_i32, %c0_i32_0 : i32, i32
  }
  func.func @transform_11(%arg0: i32) -> (i32, i32) {
    %c0_i32 = arith.constant 0 : i32
    %c0_i32_0 = arith.constant 0 : i32
    %c0_i32_1 = arith.constant 0 : i32
    return %c0_i32, %c0_i32_0 : i32, i32
  }
  func.func @transform_12(%arg0: i32) -> (i32, i32) {
    %c0_i32 = arith.constant 0 : i32
    %c0_i32_0 = arith.constant 0 : i32
    %c0_i32_1 = arith.constant 0 : i32
    return %c0_i32, %c0_i32_0 : i32, i32
  }
  func.func @transform_13(%arg0: i32) -> (i32, i32) {
    %c0_i32 = arith.constant 0 : i32
    %c0_i32_0 = arith.constant 0 : i32
    return %arg0, %c0_i32 : i32, i32
  }
  func.func @transform_14(%arg0: i32) -> (i32, i32) {
    %c0_i32 = arith.constant 0 : i32
    %c0_i32_0 = arith.constant 0 : i32
    return %arg0, %c0_i32 : i32, i32
  }
  func.func @transform_15(%arg0: i32) -> (i32, i32) {
    %c0_i32 = arith.constant 0 : i32
    %c0_i32_0 = arith.constant 0 : i32
    return %arg0, %c0_i32 : i32, i32
  }
}

module attributes {stable_mosaic.version = 14 : i64} {
  func.func @body(%arg0: i32, %arg1: memref<1000x128xf32, #tpu.memory_space<vmem>>, %arg2: memref<1000x1xi32, #tpu.memory_space<vmem>>, %arg3: memref<256x128xf32, #tpu.memory_space<vmem>>, %arg4: memref<1x128xf32, #tpu.memory_space<vmem>>, %arg5: memref<128x2xf32, #tpu.memory_space<vmem>>, %arg6: memref<1x2xf32, #tpu.memory_space<vmem>>, %arg7: memref<64x2xf32, #tpu.memory_space<vmem>>, %arg8: memref<64x128xf32, #tpu.memory_space<vmem>>, %arg9: memref<64x128xf32, #tpu.memory_space<vmem>>, %arg10: memref<64x128xf32, #tpu.memory_space<vmem>>) attributes {dimension_semantics = [#tpu.dimension_semantics<arbitrary>], iteration_bounds = array<i64: 10>, scalar_prefetch = 0 : i64, scratch_operands = 3 : i64, tpu.core_type = #tpu.core_type<tc>, window_params = [{transform_indices = @transform_0, window_bounds = array<i64: 1000, 128>}, {transform_indices = @transform_1, window_bounds = array<i64: 1000, 1>}, {pipeline_mode = #tpu.pipeline_mode<synchronous>, transform_indices = @transform_2, window_bounds = array<i64: 256, 128>}, {pipeline_mode = #tpu.pipeline_mode<synchronous>, transform_indices = @transform_3, window_bounds = array<i64: 1, 128>}, {pipeline_mode = #tpu.pipeline_mode<synchronous>, transform_indices = @transform_4, window_bounds = array<i64: 128, 2>}, {pipeline_mode = #tpu.pipeline_mode<synchronous>, transform_indices = @transform_5, window_bounds = array<i64: 1, 2>}, {pipeline_mode = #tpu.pipeline_mode<synchronous>, transform_indices = @transform_6, window_bounds = array<i64: 64, 2>}]} {
    %eq3A = arith.constant 0 : i32
    %eq3A_0 = arith.cmpi eq, %arg0, %eq3A : i32
    %convert_element_type3A = arith.extui %eq3A_0 : i1 to i32
    %cond3A = arith.constant 0 : i32
    %cond3A_1 = arith.cmpi ne, %convert_element_type3A, %cond3A : i32
    scf.if %cond3A_1 {
      %broadcast_in_dim3A_1181 = arith.constant 0.000000e+00 : f32
      %broadcast_in_dim3A_1182 = vector.broadcast %broadcast_in_dim3A_1181 : f32 to vector<64x128xf32>
      %swap3A_1183 = arith.constant 0 : index
      %swap3A_1184 = arith.constant 0 : index
      %swap3A_1185 = vector.load %arg8[%swap3A_1183, %swap3A_1184] : memref<64x128xf32, #tpu.memory_space<vmem>>, vector<64x128xf32>
      tpu.vector_store %arg8[%swap3A_1183, %swap3A_1184], %broadcast_in_dim3A_1182 {strides = array<i32>} : memref<64x128xf32, #tpu.memory_space<vmem>>, vector<64x128xf32>,
      %broadcast_in_dim3A_1186 = arith.constant 0.000000e+00 : f32
      %broadcast_in_dim3A_1187 = vector.broadcast %broadcast_in_dim3A_1186 : f32 to vector<64x128xf32>
      %swap3A_1188 = arith.constant 0 : index
      %swap3A_1189 = arith.constant 0 : index
      %swap3A_1190 = vector.load %arg9[%swap3A_1188, %swap3A_1189] : memref<64x128xf32, #tpu.memory_space<vmem>>, vector<64x128xf32>
      tpu.vector_store %arg9[%swap3A_1188, %swap3A_1189], %broadcast_in_dim3A_1187 {strides = array<i32>} : memref<64x128xf32, #tpu.memory_space<vmem>>, vector<64x128xf32>,
      %broadcast_in_dim3A_1191 = arith.constant 0xFF800000 : f32
      %broadcast_in_dim3A_1192 = vector.broadcast %broadcast_in_dim3A_1191 : f32 to vector<64x128xf32>
      %swap3A_1193 = arith.constant 0 : index
      %swap3A_1194 = arith.constant 0 : index
      %swap3A_1195 = vector.load %arg10[%swap3A_1193, %swap3A_1194] : memref<64x128xf32, #tpu.memory_space<vmem>>, vector<64x128xf32>
      tpu.vector_store %arg10[%swap3A_1193, %swap3A_1194], %broadcast_in_dim3A_1192 {strides = array<i32>} : memref<64x128xf32, #tpu.memory_space<vmem>>, vector<64x128xf32>,
    } else {
    }
    %get3A = arith.constant 0 : index
    %get3A_2 = arith.constant 0 : index
    %get3A_3 = vector.load %arg1[%get3A, %get3A_2] : memref<1000x128xf32, #tpu.memory_space<vmem>>, vector<1000x128xf32>
    %get3A_4 = arith.constant 0 : index
    %get3A_5 = arith.constant 0 : index
    %get3A_6 = vector.load %arg2[%get3A_4, %get3A_5] : memref<1000x1xi32, #tpu.memory_space<vmem>>, vector<1000x1xi32>
    %iota3A = tpu.iota {dimensions = array<i32: 1>} : vector<1x64xi32>
    %eq3A_7 = vector.broadcast %get3A_6 : vector<1000x1xi32> to vector<1000x64xi32>
    %eq3A_8 = vector.broadcast %iota3A : vector<1x64xi32> to vector<1000x64xi32>
    %eq3A_9 = arith.cmpi eq, %eq3A_7, %eq3A_8 : vector<1000x64xi32>
    %convert_element_type3A_10 = arith.extui %eq3A_9 : vector<1000x64xi1> to vector<1000x64xi32>
    %convert_element_type3A_11 = arith.sitofp %convert_element_type3A_10 : vector<1000x64xi32> to vector<1000x64xf32>
    %get3A_12 = arith.constant 0 : index
    %get3A_13 = arith.constant 0 : index
    %get3A_14 = vector.load %arg8[%get3A_12, %get3A_13] : memref<64x128xf32, #tpu.memory_space<vmem>>, vector<64x128xf32>
    %dot_general3A = arith.constant dense<0.000000e+00> : vector<64x128xf32>
    %dot_general3A_15 = tpu.matmul %convert_element_type3A_11, %get3A_3, %dot_general3A {dimension_numbers = #tpu.dot_dimension_numbers<[0], [0], [1], [1], [0, 1, 1, 1], [], []>, precision = #tpu.contract_precision<fp32>, transpose_lhs_hint = false} : vector<1000x64xf32>, vector<1000x128xf32>, vector<64x128xf32> -> vector<64x128xf32>
    %add3A = arith.addf %get3A_14, %dot_general3A_15 : vector<64x128xf32>
    %swap3A = arith.constant 0 : index
    %swap3A_16 = arith.constant 0 : index
    %swap3A_17 = vector.load %arg8[%swap3A, %swap3A_16] : memref<64x128xf32, #tpu.memory_space<vmem>>, vector<64x128xf32>
    tpu.vector_store %arg8[%swap3A, %swap3A_16], %add3A {strides = array<i32>} : memref<64x128xf32, #tpu.memory_space<vmem>>, vector<64x128xf32>,
    %get3A_18 = arith.constant 0 : index
    %get3A_19 = arith.constant 0 : index
    %get3A_20 = vector.load %arg9[%get3A_18, %get3A_19] : memref<64x128xf32, #tpu.memory_space<vmem>>, vector<64x128xf32>
    %broadcast_in_dim3A = arith.constant 1.000000e+00 : f32
    %broadcast_in_dim3A_21 = vector.broadcast %broadcast_in_dim3A : f32 to vector<1000x128xf32>
    %dot_general3A_22 = arith.constant dense<0.000000e+00> : vector<64x128xf32>
    %dot_general3A_23 = tpu.matmul %convert_element_type3A_11, %broadcast_in_dim3A_21, %dot_general3A_22 {dimension_numbers = #tpu.dot_dimension_numbers<[0], [0], [1], [1], [0, 1, 1, 1], [], []>, precision = #tpu.contract_precision<fp32>, transpose_lhs_hint = false} : vector<1000x64xf32>, vector<1000x128xf32>, vector<64x128xf32> -> vector<64x128xf32>
    %add3A_24 = arith.addf %get3A_20, %dot_general3A_23 : vector<64x128xf32>
    %swap3A_25 = arith.constant 0 : index
    %swap3A_26 = arith.constant 0 : index
    %swap3A_27 = vector.load %arg9[%swap3A_25, %swap3A_26] : memref<64x128xf32, #tpu.memory_space<vmem>>, vector<64x128xf32>
    tpu.vector_store %arg9[%swap3A_25, %swap3A_26], %add3A_24 {strides = array<i32>} : memref<64x128xf32, #tpu.memory_space<vmem>>, vector<64x128xf32>,
    %eq3A_28 = arith.constant 0 : i32
    %eq3A_29 = vector.broadcast %eq3A_28 : i32 to vector<1000x1xi32>
    %eq3A_30 = arith.cmpi eq, %get3A_6, %eq3A_29 : vector<1000x1xi32>
    %jit3A = arith.constant 0xFF800000 : f32
    %broadcast_in_dim3A_31 = vector.shape_cast %eq3A_30 : vector<1000x1xi1> to vector<1000x1xi1>
    %broadcast_in_dim3A_32 = vector.broadcast %broadcast_in_dim3A_31 : vector<1000x1xi1> to vector<1000x128xi1>
    %broadcast_in_dim3A_33 = vector.broadcast %jit3A : f32 to vector<1000x128xf32>
    %select_n3A = arith.select %broadcast_in_dim3A_32, %get3A_3, %broadcast_in_dim3A_33 : vector<1000x128xi1>, vector<1000x128xf32>
    %reduce_max3A = arith.constant dense<0xFF800000> : vector<128xf32>
    %reduce_max3A_34 = vector.multi_reduction <maximumf>, %select_n3A, %reduce_max3A [0] : vector<1000x128xf32> to vector<128xf32>
    %broadcast_in_dim3A_35 = vector.shape_cast %reduce_max3A_34 : vector<128xf32> to vector<1x128xf32>
    %get3A_36 = arith.constant 0 : index
    %get3A_37 = arith.constant 0 : index
    %get3A_38 = vector.load %arg10[%get3A_36, %get3A_37] : memref<64x128xf32, #tpu.memory_space<vmem>>, vector<1x128xf32>
    %max3A = arith.maximumf %get3A_38, %broadcast_in_dim3A_35 : vector<1x128xf32>
    %swap3A_39 = arith.constant 0 : index
    %swap3A_40 = arith.constant 0 : index
    %swap3A_41 = vector.load %arg10[%swap3A_39, %swap3A_40] : memref<64x128xf32, #tpu.memory_space<vmem>>, vector<1x128xf32>
    tpu.vector_store %arg10[%swap3A_39, %swap3A_40], %max3A {strides = array<i32>} : memref<64x128xf32, #tpu.memory_space<vmem>>, vector<1x128xf32>,
    %eq3A_42 = arith.constant 1 : i32
    %eq3A_43 = vector.broadcast %eq3A_42 : i32 to vector<1000x1xi32>
    %eq3A_44 = arith.cmpi eq, %get3A_6, %eq3A_43 : vector<1000x1xi32>
    %jit3A_45 = arith.constant 0xFF800000 : f32
    %broadcast_in_dim3A_46 = vector.shape_cast %eq3A_44 : vector<1000x1xi1> to vector<1000x1xi1>
    %broadcast_in_dim3A_47 = vector.broadcast %broadcast_in_dim3A_46 : vector<1000x1xi1> to vector<1000x128xi1>
    %broadcast_in_dim3A_48 = vector.broadcast %jit3A_45 : f32 to vector<1000x128xf32>
    %select_n3A_49 = arith.select %broadcast_in_dim3A_47, %get3A_3, %broadcast_in_dim3A_48 : vector<1000x128xi1>, vector<1000x128xf32>
    %reduce_max3A_50 = arith.constant dense<0xFF800000> : vector<128xf32>
    %reduce_max3A_51 = vector.multi_reduction <maximumf>, %select_n3A_49, %reduce_max3A_50 [0] : vector<1000x128xf32> to vector<128xf32>
    %broadcast_in_dim3A_52 = vector.shape_cast %reduce_max3A_51 : vector<128xf32> to vector<1x128xf32>
    %get3A_53 = arith.constant 1 : index
    %get3A_54 = arith.constant 0 : index
    %get3A_55 = vector.load %arg10[%get3A_53, %get3A_54] : memref<64x128xf32, #tpu.memory_space<vmem>>, vector<1x128xf32>
    %max3A_56 = arith.maximumf %get3A_55, %broadcast_in_dim3A_52 : vector<1x128xf32>
    %swap3A_57 = arith.constant 1 : index
    %swap3A_58 = arith.constant 0 : index
    %swap3A_59 = vector.load %arg10[%swap3A_57, %swap3A_58] : memref<64x128xf32, #tpu.memory_space<vmem>>, vector<1x128xf32>
    tpu.vector_store %arg10[%swap3A_57, %swap3A_58], %max3A_56 {strides = array<i32>} : memref<64x128xf32, #tpu.memory_space<vmem>>, vector<1x128xf32>,
    %eq3A_60 = arith.constant 2 : i32
    %eq3A_61 = vector.broadcast %eq3A_60 : i32 to vector<1000x1xi32>
    %eq3A_62 = arith.cmpi eq, %get3A_6, %eq3A_61 : vector<1000x1xi32>
    %jit3A_63 = arith.constant 0xFF800000 : f32
    %broadcast_in_dim3A_64 = vector.shape_cast %eq3A_62 : vector<1000x1xi1> to vector<1000x1xi1>
    %broadcast_in_dim3A_65 = vector.broadcast %broadcast_in_dim3A_64 : vector<1000x1xi1> to vector<1000x128xi1>
    %broadcast_in_dim3A_66 = vector.broadcast %jit3A_63 : f32 to vector<1000x128xf32>
    %select_n3A_67 = arith.select %broadcast_in_dim3A_65, %get3A_3, %broadcast_in_dim3A_66 : vector<1000x128xi1>, vector<1000x128xf32>
    %reduce_max3A_68 = arith.constant dense<0xFF800000> : vector<128xf32>
    %reduce_max3A_69 = vector.multi_reduction <maximumf>, %select_n3A_67, %reduce_max3A_68 [0] : vector<1000x128xf32> to vector<128xf32>
    %broadcast_in_dim3A_70 = vector.shape_cast %reduce_max3A_69 : vector<128xf32> to vector<1x128xf32>
    %get3A_71 = arith.constant 2 : index
    %get3A_72 = arith.constant 0 : index
    %get3A_73 = vector.load %arg10[%get3A_71, %get3A_72] : memref<64x128xf32, #tpu.memory_space<vmem>>, vector<1x128xf32>
    %max3A_74 = arith.maximumf %get3A_73, %broadcast_in_dim3A_70 : vector<1x128xf32>
    %swap3A_75 = arith.constant 2 : index
    %swap3A_76 = arith.constant 0 : index
    %swap3A_77 = vector.load %arg10[%swap3A_75, %swap3A_76] : memref<64x128xf32, #tpu.memory_space<vmem>>, vector<1x128xf32>
    tpu.vector_store %arg10[%swap3A_75, %swap3A_76], %max3A_74 {strides = array<i32>} : memref<64x128xf32, #tpu.memory_space<vmem>>, vector<1x128xf32>,
    %eq3A_78 = arith.constant 3 : i32
    %eq3A_79 = vector.broadcast %eq3A_78 : i32 to vector<1000x1xi32>
    %eq3A_80 = arith.cmpi eq, %get3A_6, %eq3A_79 : vector<1000x1xi32>
    %jit3A_81 = arith.constant 0xFF800000 : f32
    %broadcast_in_dim3A_82 = vector.shape_cast %eq3A_80 : vector<1000x1xi1> to vector<1000x1xi1>
    %broadcast_in_dim3A_83 = vector.broadcast %broadcast_in_dim3A_82 : vector<1000x1xi1> to vector<1000x128xi1>
    %broadcast_in_dim3A_84 = vector.broadcast %jit3A_81 : f32 to vector<1000x128xf32>
    %select_n3A_85 = arith.select %broadcast_in_dim3A_83, %get3A_3, %broadcast_in_dim3A_84 : vector<1000x128xi1>, vector<1000x128xf32>
    %reduce_max3A_86 = arith.constant dense<0xFF800000> : vector<128xf32>
    %reduce_max3A_87 = vector.multi_reduction <maximumf>, %select_n3A_85, %reduce_max3A_86 [0] : vector<1000x128xf32> to vector<128xf32>
    %broadcast_in_dim3A_88 = vector.shape_cast %reduce_max3A_87 : vector<128xf32> to vector<1x128xf32>
    %get3A_89 = arith.constant 3 : index
    %get3A_90 = arith.constant 0 : index
    %get3A_91 = vector.load %arg10[%get3A_89, %get3A_90] : memref<64x128xf32, #tpu.memory_space<vmem>>, vector<1x128xf32>
    %max3A_92 = arith.maximumf %get3A_91, %broadcast_in_dim3A_88 : vector<1x128xf32>
    %swap3A_93 = arith.constant 3 : index
    %swap3A_94 = arith.constant 0 : index
    %swap3A_95 = vector.load %arg10[%swap3A_93, %swap3A_94] : memref<64x128xf32, #tpu.memory_space<vmem>>, vector<1x128xf32>
    tpu.vector_store %arg10[%swap3A_93, %swap3A_94], %max3A_92 {strides = array<i32>} : memref<64x128xf32, #tpu.memory_space<vmem>>, vector<1x128xf32>,
    %eq3A_96 = arith.constant 4 : i32
    %eq3A_97 = vector.broadcast %eq3A_96 : i32 to vector<1000x1xi32>
    %eq3A_98 = arith.cmpi eq, %get3A_6, %eq3A_97 : vector<1000x1xi32>
    %jit3A_99 = arith.constant 0xFF800000 : f32
    %broadcast_in_dim3A_100 = vector.shape_cast %eq3A_98 : vector<1000x1xi1> to vector<1000x1xi1>
    %broadcast_in_dim3A_101 = vector.broadcast %broadcast_in_dim3A_100 : vector<1000x1xi1> to vector<1000x128xi1>
    %broadcast_in_dim3A_102 = vector.broadcast %jit3A_99 : f32 to vector<1000x128xf32>
    %select_n3A_103 = arith.select %broadcast_in_dim3A_101, %get3A_3, %broadcast_in_dim3A_102 : vector<1000x128xi1>, vector<1000x128xf32>
    %reduce_max3A_104 = arith.constant dense<0xFF800000> : vector<128xf32>
    %reduce_max3A_105 = vector.multi_reduction <maximumf>, %select_n3A_103, %reduce_max3A_104 [0] : vector<1000x128xf32> to vector<128xf32>
    %broadcast_in_dim3A_106 = vector.shape_cast %reduce_max3A_105 : vector<128xf32> to vector<1x128xf32>
    %get3A_107 = arith.constant 4 : index
    %get3A_108 = arith.constant 0 : index
    %get3A_109 = vector.load %arg10[%get3A_107, %get3A_108] : memref<64x128xf32, #tpu.memory_space<vmem>>, vector<1x128xf32>
    %max3A_110 = arith.maximumf %get3A_109, %broadcast_in_dim3A_106 : vector<1x128xf32>
    %swap3A_111 = arith.constant 4 : index
    %swap3A_112 = arith.constant 0 : index
    %swap3A_113 = vector.load %arg10[%swap3A_111, %swap3A_112] : memref<64x128xf32, #tpu.memory_space<vmem>>, vector<1x128xf32>
    tpu.vector_store %arg10[%swap3A_111, %swap3A_112], %max3A_110 {strides = array<i32>} : memref<64x128xf32, #tpu.memory_space<vmem>>, vector<1x128xf32>,
    %eq3A_114 = arith.constant 5 : i32
    %eq3A_115 = vector.broadcast %eq3A_114 : i32 to vector<1000x1xi32>
    %eq3A_116 = arith.cmpi eq, %get3A_6, %eq3A_115 : vector<1000x1xi32>
    %jit3A_117 = arith.constant 0xFF800000 : f32
    %broadcast_in_dim3A_118 = vector.shape_cast %eq3A_116 : vector<1000x1xi1> to vector<1000x1xi1>
    %broadcast_in_dim3A_119 = vector.broadcast %broadcast_in_dim3A_118 : vector<1000x1xi1> to vector<1000x128xi1>
    %broadcast_in_dim3A_120 = vector.broadcast %jit3A_117 : f32 to vector<1000x128xf32>
    %select_n3A_121 = arith.select %broadcast_in_dim3A_119, %get3A_3, %broadcast_in_dim3A_120 : vector<1000x128xi1>, vector<1000x128xf32>
    %reduce_max3A_122 = arith.constant dense<0xFF800000> : vector<128xf32>
    %reduce_max3A_123 = vector.multi_reduction <maximumf>, %select_n3A_121, %reduce_max3A_122 [0] : vector<1000x128xf32> to vector<128xf32>
    %broadcast_in_dim3A_124 = vector.shape_cast %reduce_max3A_123 : vector<128xf32> to vector<1x128xf32>
    %get3A_125 = arith.constant 5 : index
    %get3A_126 = arith.constant 0 : index
    %get3A_127 = vector.load %arg10[%get3A_125, %get3A_126] : memref<64x128xf32, #tpu.memory_space<vmem>>, vector<1x128xf32>
    %max3A_128 = arith.maximumf %get3A_127, %broadcast_in_dim3A_124 : vector<1x128xf32>
    %swap3A_129 = arith.constant 5 : index
    %swap3A_130 = arith.constant 0 : index
    %swap3A_131 = vector.load %arg10[%swap3A_129, %swap3A_130] : memref<64x128xf32, #tpu.memory_space<vmem>>, vector<1x128xf32>
    tpu.vector_store %arg10[%swap3A_129, %swap3A_130], %max3A_128 {strides = array<i32>} : memref<64x128xf32, #tpu.memory_space<vmem>>, vector<1x128xf32>,
    %eq3A_132 = arith.constant 6 : i32
    %eq3A_133 = vector.broadcast %eq3A_132 : i32 to vector<1000x1xi32>
    %eq3A_134 = arith.cmpi eq, %get3A_6, %eq3A_133 : vector<1000x1xi32>
    %jit3A_135 = arith.constant 0xFF800000 : f32
    %broadcast_in_dim3A_136 = vector.shape_cast %eq3A_134 : vector<1000x1xi1> to vector<1000x1xi1>
    %broadcast_in_dim3A_137 = vector.broadcast %broadcast_in_dim3A_136 : vector<1000x1xi1> to vector<1000x128xi1>
    %broadcast_in_dim3A_138 = vector.broadcast %jit3A_135 : f32 to vector<1000x128xf32>
    %select_n3A_139 = arith.select %broadcast_in_dim3A_137, %get3A_3, %broadcast_in_dim3A_138 : vector<1000x128xi1>, vector<1000x128xf32>
    %reduce_max3A_140 = arith.constant dense<0xFF800000> : vector<128xf32>
    %reduce_max3A_141 = vector.multi_reduction <maximumf>, %select_n3A_139, %reduce_max3A_140 [0] : vector<1000x128xf32> to vector<128xf32>
    %broadcast_in_dim3A_142 = vector.shape_cast %reduce_max3A_141 : vector<128xf32> to vector<1x128xf32>
    %get3A_143 = arith.constant 6 : index
    %get3A_144 = arith.constant 0 : index
    %get3A_145 = vector.load %arg10[%get3A_143, %get3A_144] : memref<64x128xf32, #tpu.memory_space<vmem>>, vector<1x128xf32>
    %max3A_146 = arith.maximumf %get3A_145, %broadcast_in_dim3A_142 : vector<1x128xf32>
    %swap3A_147 = arith.constant 6 : index
    %swap3A_148 = arith.constant 0 : index
    %swap3A_149 = vector.load %arg10[%swap3A_147, %swap3A_148] : memref<64x128xf32, #tpu.memory_space<vmem>>, vector<1x128xf32>
    tpu.vector_store %arg10[%swap3A_147, %swap3A_148], %max3A_146 {strides = array<i32>} : memref<64x128xf32, #tpu.memory_space<vmem>>, vector<1x128xf32>,
    %eq3A_150 = arith.constant 7 : i32
    %eq3A_151 = vector.broadcast %eq3A_150 : i32 to vector<1000x1xi32>
    %eq3A_152 = arith.cmpi eq, %get3A_6, %eq3A_151 : vector<1000x1xi32>
    %jit3A_153 = arith.constant 0xFF800000 : f32
    %broadcast_in_dim3A_154 = vector.shape_cast %eq3A_152 : vector<1000x1xi1> to vector<1000x1xi1>
    %broadcast_in_dim3A_155 = vector.broadcast %broadcast_in_dim3A_154 : vector<1000x1xi1> to vector<1000x128xi1>
    %broadcast_in_dim3A_156 = vector.broadcast %jit3A_153 : f32 to vector<1000x128xf32>
    %select_n3A_157 = arith.select %broadcast_in_dim3A_155, %get3A_3, %broadcast_in_dim3A_156 : vector<1000x128xi1>, vector<1000x128xf32>
    %reduce_max3A_158 = arith.constant dense<0xFF800000> : vector<128xf32>
    %reduce_max3A_159 = vector.multi_reduction <maximumf>, %select_n3A_157, %reduce_max3A_158 [0] : vector<1000x128xf32> to vector<128xf32>
    %broadcast_in_dim3A_160 = vector.shape_cast %reduce_max3A_159 : vector<128xf32> to vector<1x128xf32>
    %get3A_161 = arith.constant 7 : index
    %get3A_162 = arith.constant 0 : index
    %get3A_163 = vector.load %arg10[%get3A_161, %get3A_162] : memref<64x128xf32, #tpu.memory_space<vmem>>, vector<1x128xf32>
    %max3A_164 = arith.maximumf %get3A_163, %broadcast_in_dim3A_160 : vector<1x128xf32>
    %swap3A_165 = arith.constant 7 : index
    %swap3A_166 = arith.constant 0 : index
    %swap3A_167 = vector.load %arg10[%swap3A_165, %swap3A_166] : memref<64x128xf32, #tpu.memory_space<vmem>>, vector<1x128xf32>
    tpu.vector_store %arg10[%swap3A_165, %swap3A_166], %max3A_164 {strides = array<i32>} : memref<64x128xf32, #tpu.memory_space<vmem>>, vector<1x128xf32>,
    %eq3A_168 = arith.constant 8 : i32
    %eq3A_169 = vector.broadcast %eq3A_168 : i32 to vector<1000x1xi32>
    %eq3A_170 = arith.cmpi eq, %get3A_6, %eq3A_169 : vector<1000x1xi32>
    %jit3A_171 = arith.constant 0xFF800000 : f32
    %broadcast_in_dim3A_172 = vector.shape_cast %eq3A_170 : vector<1000x1xi1> to vector<1000x1xi1>
    %broadcast_in_dim3A_173 = vector.broadcast %broadcast_in_dim3A_172 : vector<1000x1xi1> to vector<1000x128xi1>
    %broadcast_in_dim3A_174 = vector.broadcast %jit3A_171 : f32 to vector<1000x128xf32>
    %select_n3A_175 = arith.select %broadcast_in_dim3A_173, %get3A_3, %broadcast_in_dim3A_174 : vector<1000x128xi1>, vector<1000x128xf32>
    %reduce_max3A_176 = arith.constant dense<0xFF800000> : vector<128xf32>
    %reduce_max3A_177 = vector.multi_reduction <maximumf>, %select_n3A_175, %reduce_max3A_176 [0] : vector<1000x128xf32> to vector<128xf32>
    %broadcast_in_dim3A_178 = vector.shape_cast %reduce_max3A_177 : vector<128xf32> to vector<1x128xf32>
    %get3A_179 = arith.constant 8 : index
    %get3A_180 = arith.constant 0 : index
    %get3A_181 = vector.load %arg10[%get3A_179, %get3A_180] : memref<64x128xf32, #tpu.memory_space<vmem>>, vector<1x128xf32>
    %max3A_182 = arith.maximumf %get3A_181, %broadcast_in_dim3A_178 : vector<1x128xf32>
    %swap3A_183 = arith.constant 8 : index
    %swap3A_184 = arith.constant 0 : index
    %swap3A_185 = vector.load %arg10[%swap3A_183, %swap3A_184] : memref<64x128xf32, #tpu.memory_space<vmem>>, vector<1x128xf32>
    tpu.vector_store %arg10[%swap3A_183, %swap3A_184], %max3A_182 {strides = array<i32>} : memref<64x128xf32, #tpu.memory_space<vmem>>, vector<1x128xf32>,
    %eq3A_186 = arith.constant 9 : i32
    %eq3A_187 = vector.broadcast %eq3A_186 : i32 to vector<1000x1xi32>
    %eq3A_188 = arith.cmpi eq, %get3A_6, %eq3A_187 : vector<1000x1xi32>
    %jit3A_189 = arith.constant 0xFF800000 : f32
    %broadcast_in_dim3A_190 = vector.shape_cast %eq3A_188 : vector<1000x1xi1> to vector<1000x1xi1>
    %broadcast_in_dim3A_191 = vector.broadcast %broadcast_in_dim3A_190 : vector<1000x1xi1> to vector<1000x128xi1>
    %broadcast_in_dim3A_192 = vector.broadcast %jit3A_189 : f32 to vector<1000x128xf32>
    %select_n3A_193 = arith.select %broadcast_in_dim3A_191, %get3A_3, %broadcast_in_dim3A_192 : vector<1000x128xi1>, vector<1000x128xf32>
    %reduce_max3A_194 = arith.constant dense<0xFF800000> : vector<128xf32>
    %reduce_max3A_195 = vector.multi_reduction <maximumf>, %select_n3A_193, %reduce_max3A_194 [0] : vector<1000x128xf32> to vector<128xf32>
    %broadcast_in_dim3A_196 = vector.shape_cast %reduce_max3A_195 : vector<128xf32> to vector<1x128xf32>
    %get3A_197 = arith.constant 9 : index
    %get3A_198 = arith.constant 0 : index
    %get3A_199 = vector.load %arg10[%get3A_197, %get3A_198] : memref<64x128xf32, #tpu.memory_space<vmem>>, vector<1x128xf32>
    %max3A_200 = arith.maximumf %get3A_199, %broadcast_in_dim3A_196 : vector<1x128xf32>
    %swap3A_201 = arith.constant 9 : index
    %swap3A_202 = arith.constant 0 : index
    %swap3A_203 = vector.load %arg10[%swap3A_201, %swap3A_202] : memref<64x128xf32, #tpu.memory_space<vmem>>, vector<1x128xf32>
    tpu.vector_store %arg10[%swap3A_201, %swap3A_202], %max3A_200 {strides = array<i32>} : memref<64x128xf32, #tpu.memory_space<vmem>>, vector<1x128xf32>,
    %eq3A_204 = arith.constant 10 : i32
    %eq3A_205 = vector.broadcast %eq3A_204 : i32 to vector<1000x1xi32>
    %eq3A_206 = arith.cmpi eq, %get3A_6, %eq3A_205 : vector<1000x1xi32>
    %jit3A_207 = arith.constant 0xFF800000 : f32
    %broadcast_in_dim3A_208 = vector.shape_cast %eq3A_206 : vector<1000x1xi1> to vector<1000x1xi1>
    %broadcast_in_dim3A_209 = vector.broadcast %broadcast_in_dim3A_208 : vector<1000x1xi1> to vector<1000x128xi1>
    %broadcast_in_dim3A_210 = vector.broadcast %jit3A_207 : f32 to vector<1000x128xf32>
    %select_n3A_211 = arith.select %broadcast_in_dim3A_209, %get3A_3, %broadcast_in_dim3A_210 : vector<1000x128xi1>, vector<1000x128xf32>
    %reduce_max3A_212 = arith.constant dense<0xFF800000> : vector<128xf32>
    %reduce_max3A_213 = vector.multi_reduction <maximumf>, %select_n3A_211, %reduce_max3A_212 [0] : vector<1000x128xf32> to vector<128xf32>
    %broadcast_in_dim3A_214 = vector.shape_cast %reduce_max3A_213 : vector<128xf32> to vector<1x128xf32>
    %get3A_215 = arith.constant 10 : index
    %get3A_216 = arith.constant 0 : index
    %get3A_217 = vector.load %arg10[%get3A_215, %get3A_216] : memref<64x128xf32, #tpu.memory_space<vmem>>, vector<1x128xf32>
    %max3A_218 = arith.maximumf %get3A_217, %broadcast_in_dim3A_214 : vector<1x128xf32>
    %swap3A_219 = arith.constant 10 : index
    %swap3A_220 = arith.constant 0 : index
    %swap3A_221 = vector.load %arg10[%swap3A_219, %swap3A_220] : memref<64x128xf32, #tpu.memory_space<vmem>>, vector<1x128xf32>
    tpu.vector_store %arg10[%swap3A_219, %swap3A_220], %max3A_218 {strides = array<i32>} : memref<64x128xf32, #tpu.memory_space<vmem>>, vector<1x128xf32>,
    %eq3A_222 = arith.constant 11 : i32
    %eq3A_223 = vector.broadcast %eq3A_222 : i32 to vector<1000x1xi32>
    %eq3A_224 = arith.cmpi eq, %get3A_6, %eq3A_223 : vector<1000x1xi32>
    %jit3A_225 = arith.constant 0xFF800000 : f32
    %broadcast_in_dim3A_226 = vector.shape_cast %eq3A_224 : vector<1000x1xi1> to vector<1000x1xi1>
    %broadcast_in_dim3A_227 = vector.broadcast %broadcast_in_dim3A_226 : vector<1000x1xi1> to vector<1000x128xi1>
    %broadcast_in_dim3A_228 = vector.broadcast %jit3A_225 : f32 to vector<1000x128xf32>
    %select_n3A_229 = arith.select %broadcast_in_dim3A_227, %get3A_3, %broadcast_in_dim3A_228 : vector<1000x128xi1>, vector<1000x128xf32>
    %reduce_max3A_230 = arith.constant dense<0xFF800000> : vector<128xf32>
    %reduce_max3A_231 = vector.multi_reduction <maximumf>, %select_n3A_229, %reduce_max3A_230 [0] : vector<1000x128xf32> to vector<128xf32>
    %broadcast_in_dim3A_232 = vector.shape_cast %reduce_max3A_231 : vector<128xf32> to vector<1x128xf32>
    %get3A_233 = arith.constant 11 : index
    %get3A_234 = arith.constant 0 : index
    %get3A_235 = vector.load %arg10[%get3A_233, %get3A_234] : memref<64x128xf32, #tpu.memory_space<vmem>>, vector<1x128xf32>
    %max3A_236 = arith.maximumf %get3A_235, %broadcast_in_dim3A_232 : vector<1x128xf32>
    %swap3A_237 = arith.constant 11 : index
    %swap3A_238 = arith.constant 0 : index
    %swap3A_239 = vector.load %arg10[%swap3A_237, %swap3A_238] : memref<64x128xf32, #tpu.memory_space<vmem>>, vector<1x128xf32>
    tpu.vector_store %arg10[%swap3A_237, %swap3A_238], %max3A_236 {strides = array<i32>} : memref<64x128xf32, #tpu.memory_space<vmem>>, vector<1x128xf32>,
    %eq3A_240 = arith.constant 12 : i32
    %eq3A_241 = vector.broadcast %eq3A_240 : i32 to vector<1000x1xi32>
    %eq3A_242 = arith.cmpi eq, %get3A_6, %eq3A_241 : vector<1000x1xi32>
    %jit3A_243 = arith.constant 0xFF800000 : f32
    %broadcast_in_dim3A_244 = vector.shape_cast %eq3A_242 : vector<1000x1xi1> to vector<1000x1xi1>
    %broadcast_in_dim3A_245 = vector.broadcast %broadcast_in_dim3A_244 : vector<1000x1xi1> to vector<1000x128xi1>
    %broadcast_in_dim3A_246 = vector.broadcast %jit3A_243 : f32 to vector<1000x128xf32>
    %select_n3A_247 = arith.select %broadcast_in_dim3A_245, %get3A_3, %broadcast_in_dim3A_246 : vector<1000x128xi1>, vector<1000x128xf32>
    %reduce_max3A_248 = arith.constant dense<0xFF800000> : vector<128xf32>
    %reduce_max3A_249 = vector.multi_reduction <maximumf>, %select_n3A_247, %reduce_max3A_248 [0] : vector<1000x128xf32> to vector<128xf32>
    %broadcast_in_dim3A_250 = vector.shape_cast %reduce_max3A_249 : vector<128xf32> to vector<1x128xf32>
    %get3A_251 = arith.constant 12 : index
    %get3A_252 = arith.constant 0 : index
    %get3A_253 = vector.load %arg10[%get3A_251, %get3A_252] : memref<64x128xf32, #tpu.memory_space<vmem>>, vector<1x128xf32>
    %max3A_254 = arith.maximumf %get3A_253, %broadcast_in_dim3A_250 : vector<1x128xf32>
    %swap3A_255 = arith.constant 12 : index
    %swap3A_256 = arith.constant 0 : index
    %swap3A_257 = vector.load %arg10[%swap3A_255, %swap3A_256] : memref<64x128xf32, #tpu.memory_space<vmem>>, vector<1x128xf32>
    tpu.vector_store %arg10[%swap3A_255, %swap3A_256], %max3A_254 {strides = array<i32>} : memref<64x128xf32, #tpu.memory_space<vmem>>, vector<1x128xf32>,
    %eq3A_258 = arith.constant 13 : i32
    %eq3A_259 = vector.broadcast %eq3A_258 : i32 to vector<1000x1xi32>
    %eq3A_260 = arith.cmpi eq, %get3A_6, %eq3A_259 : vector<1000x1xi32>
    %jit3A_261 = arith.constant 0xFF800000 : f32
    %broadcast_in_dim3A_262 = vector.shape_cast %eq3A_260 : vector<1000x1xi1> to vector<1000x1xi1>
    %broadcast_in_dim3A_263 = vector.broadcast %broadcast_in_dim3A_262 : vector<1000x1xi1> to vector<1000x128xi1>
    %broadcast_in_dim3A_264 = vector.broadcast %jit3A_261 : f32 to vector<1000x128xf32>
    %select_n3A_265 = arith.select %broadcast_in_dim3A_263, %get3A_3, %broadcast_in_dim3A_264 : vector<1000x128xi1>, vector<1000x128xf32>
    %reduce_max3A_266 = arith.constant dense<0xFF800000> : vector<128xf32>
    %reduce_max3A_267 = vector.multi_reduction <maximumf>, %select_n3A_265, %reduce_max3A_266 [0] : vector<1000x128xf32> to vector<128xf32>
    %broadcast_in_dim3A_268 = vector.shape_cast %reduce_max3A_267 : vector<128xf32> to vector<1x128xf32>
    %get3A_269 = arith.constant 13 : index
    %get3A_270 = arith.constant 0 : index
    %get3A_271 = vector.load %arg10[%get3A_269, %get3A_270] : memref<64x128xf32, #tpu.memory_space<vmem>>, vector<1x128xf32>
    %max3A_272 = arith.maximumf %get3A_271, %broadcast_in_dim3A_268 : vector<1x128xf32>
    %swap3A_273 = arith.constant 13 : index
    %swap3A_274 = arith.constant 0 : index
    %swap3A_275 = vector.load %arg10[%swap3A_273, %swap3A_274] : memref<64x128xf32, #tpu.memory_space<vmem>>, vector<1x128xf32>
    tpu.vector_store %arg10[%swap3A_273, %swap3A_274], %max3A_272 {strides = array<i32>} : memref<64x128xf32, #tpu.memory_space<vmem>>, vector<1x128xf32>,
    %eq3A_276 = arith.constant 14 : i32
    %eq3A_277 = vector.broadcast %eq3A_276 : i32 to vector<1000x1xi32>
    %eq3A_278 = arith.cmpi eq, %get3A_6, %eq3A_277 : vector<1000x1xi32>
    %jit3A_279 = arith.constant 0xFF800000 : f32
    %broadcast_in_dim3A_280 = vector.shape_cast %eq3A_278 : vector<1000x1xi1> to vector<1000x1xi1>
    %broadcast_in_dim3A_281 = vector.broadcast %broadcast_in_dim3A_280 : vector<1000x1xi1> to vector<1000x128xi1>
    %broadcast_in_dim3A_282 = vector.broadcast %jit3A_279 : f32 to vector<1000x128xf32>
    %select_n3A_283 = arith.select %broadcast_in_dim3A_281, %get3A_3, %broadcast_in_dim3A_282 : vector<1000x128xi1>, vector<1000x128xf32>
    %reduce_max3A_284 = arith.constant dense<0xFF800000> : vector<128xf32>
    %reduce_max3A_285 = vector.multi_reduction <maximumf>, %select_n3A_283, %reduce_max3A_284 [0] : vector<1000x128xf32> to vector<128xf32>
    %broadcast_in_dim3A_286 = vector.shape_cast %reduce_max3A_285 : vector<128xf32> to vector<1x128xf32>
    %get3A_287 = arith.constant 14 : index
    %get3A_288 = arith.constant 0 : index
    %get3A_289 = vector.load %arg10[%get3A_287, %get3A_288] : memref<64x128xf32, #tpu.memory_space<vmem>>, vector<1x128xf32>
    %max3A_290 = arith.maximumf %get3A_289, %broadcast_in_dim3A_286 : vector<1x128xf32>
    %swap3A_291 = arith.constant 14 : index
    %swap3A_292 = arith.constant 0 : index
    %swap3A_293 = vector.load %arg10[%swap3A_291, %swap3A_292] : memref<64x128xf32, #tpu.memory_space<vmem>>, vector<1x128xf32>
    tpu.vector_store %arg10[%swap3A_291, %swap3A_292], %max3A_290 {strides = array<i32>} : memref<64x128xf32, #tpu.memory_space<vmem>>, vector<1x128xf32>,
    %eq3A_294 = arith.constant 15 : i32
    %eq3A_295 = vector.broadcast %eq3A_294 : i32 to vector<1000x1xi32>
    %eq3A_296 = arith.cmpi eq, %get3A_6, %eq3A_295 : vector<1000x1xi32>
    %jit3A_297 = arith.constant 0xFF800000 : f32
    %broadcast_in_dim3A_298 = vector.shape_cast %eq3A_296 : vector<1000x1xi1> to vector<1000x1xi1>
    %broadcast_in_dim3A_299 = vector.broadcast %broadcast_in_dim3A_298 : vector<1000x1xi1> to vector<1000x128xi1>
    %broadcast_in_dim3A_300 = vector.broadcast %jit3A_297 : f32 to vector<1000x128xf32>
    %select_n3A_301 = arith.select %broadcast_in_dim3A_299, %get3A_3, %broadcast_in_dim3A_300 : vector<1000x128xi1>, vector<1000x128xf32>
    %reduce_max3A_302 = arith.constant dense<0xFF800000> : vector<128xf32>
    %reduce_max3A_303 = vector.multi_reduction <maximumf>, %select_n3A_301, %reduce_max3A_302 [0] : vector<1000x128xf32> to vector<128xf32>
    %broadcast_in_dim3A_304 = vector.shape_cast %reduce_max3A_303 : vector<128xf32> to vector<1x128xf32>
    %get3A_305 = arith.constant 15 : index
    %get3A_306 = arith.constant 0 : index
    %get3A_307 = vector.load %arg10[%get3A_305, %get3A_306] : memref<64x128xf32, #tpu.memory_space<vmem>>, vector<1x128xf32>
    %max3A_308 = arith.maximumf %get3A_307, %broadcast_in_dim3A_304 : vector<1x128xf32>
    %swap3A_309 = arith.constant 15 : index
    %swap3A_310 = arith.constant 0 : index
    %swap3A_311 = vector.load %arg10[%swap3A_309, %swap3A_310] : memref<64x128xf32, #tpu.memory_space<vmem>>, vector<1x128xf32>
    tpu.vector_store %arg10[%swap3A_309, %swap3A_310], %max3A_308 {strides = array<i32>} : memref<64x128xf32, #tpu.memory_space<vmem>>, vector<1x128xf32>,
    %eq3A_312 = arith.constant 16 : i32
    %eq3A_313 = vector.broadcast %eq3A_312 : i32 to vector<1000x1xi32>
    %eq3A_314 = arith.cmpi eq, %get3A_6, %eq3A_313 : vector<1000x1xi32>
    %jit3A_315 = arith.constant 0xFF800000 : f32
    %broadcast_in_dim3A_316 = vector.shape_cast %eq3A_314 : vector<1000x1xi1> to vector<1000x1xi1>
    %broadcast_in_dim3A_317 = vector.broadcast %broadcast_in_dim3A_316 : vector<1000x1xi1> to vector<1000x128xi1>
    %broadcast_in_dim3A_318 = vector.broadcast %jit3A_315 : f32 to vector<1000x128xf32>
    %select_n3A_319 = arith.select %broadcast_in_dim3A_317, %get3A_3, %broadcast_in_dim3A_318 : vector<1000x128xi1>, vector<1000x128xf32>
    %reduce_max3A_320 = arith.constant dense<0xFF800000> : vector<128xf32>
    %reduce_max3A_321 = vector.multi_reduction <maximumf>, %select_n3A_319, %reduce_max3A_320 [0] : vector<1000x128xf32> to vector<128xf32>
    %broadcast_in_dim3A_322 = vector.shape_cast %reduce_max3A_321 : vector<128xf32> to vector<1x128xf32>
    %get3A_323 = arith.constant 16 : index
    %get3A_324 = arith.constant 0 : index
    %get3A_325 = vector.load %arg10[%get3A_323, %get3A_324] : memref<64x128xf32, #tpu.memory_space<vmem>>, vector<1x128xf32>
    %max3A_326 = arith.maximumf %get3A_325, %broadcast_in_dim3A_322 : vector<1x128xf32>
    %swap3A_327 = arith.constant 16 : index
    %swap3A_328 = arith.constant 0 : index
    %swap3A_329 = vector.load %arg10[%swap3A_327, %swap3A_328] : memref<64x128xf32, #tpu.memory_space<vmem>>, vector<1x128xf32>
    tpu.vector_store %arg10[%swap3A_327, %swap3A_328], %max3A_326 {strides = array<i32>} : memref<64x128xf32, #tpu.memory_space<vmem>>, vector<1x128xf32>,
    %eq3A_330 = arith.constant 17 : i32
    %eq3A_331 = vector.broadcast %eq3A_330 : i32 to vector<1000x1xi32>
    %eq3A_332 = arith.cmpi eq, %get3A_6, %eq3A_331 : vector<1000x1xi32>
    %jit3A_333 = arith.constant 0xFF800000 : f32
    %broadcast_in_dim3A_334 = vector.shape_cast %eq3A_332 : vector<1000x1xi1> to vector<1000x1xi1>
    %broadcast_in_dim3A_335 = vector.broadcast %broadcast_in_dim3A_334 : vector<1000x1xi1> to vector<1000x128xi1>
    %broadcast_in_dim3A_336 = vector.broadcast %jit3A_333 : f32 to vector<1000x128xf32>
    %select_n3A_337 = arith.select %broadcast_in_dim3A_335, %get3A_3, %broadcast_in_dim3A_336 : vector<1000x128xi1>, vector<1000x128xf32>
    %reduce_max3A_338 = arith.constant dense<0xFF800000> : vector<128xf32>
    %reduce_max3A_339 = vector.multi_reduction <maximumf>, %select_n3A_337, %reduce_max3A_338 [0] : vector<1000x128xf32> to vector<128xf32>
    %broadcast_in_dim3A_340 = vector.shape_cast %reduce_max3A_339 : vector<128xf32> to vector<1x128xf32>
    %get3A_341 = arith.constant 17 : index
    %get3A_342 = arith.constant 0 : index
    %get3A_343 = vector.load %arg10[%get3A_341, %get3A_342] : memref<64x128xf32, #tpu.memory_space<vmem>>, vector<1x128xf32>
    %max3A_344 = arith.maximumf %get3A_343, %broadcast_in_dim3A_340 : vector<1x128xf32>
    %swap3A_345 = arith.constant 17 : index
    %swap3A_346 = arith.constant 0 : index
    %swap3A_347 = vector.load %arg10[%swap3A_345, %swap3A_346] : memref<64x128xf32, #tpu.memory_space<vmem>>, vector<1x128xf32>
    tpu.vector_store %arg10[%swap3A_345, %swap3A_346], %max3A_344 {strides = array<i32>} : memref<64x128xf32, #tpu.memory_space<vmem>>, vector<1x128xf32>,
    %eq3A_348 = arith.constant 18 : i32
    %eq3A_349 = vector.broadcast %eq3A_348 : i32 to vector<1000x1xi32>
    %eq3A_350 = arith.cmpi eq, %get3A_6, %eq3A_349 : vector<1000x1xi32>
    %jit3A_351 = arith.constant 0xFF800000 : f32
    %broadcast_in_dim3A_352 = vector.shape_cast %eq3A_350 : vector<1000x1xi1> to vector<1000x1xi1>
    %broadcast_in_dim3A_353 = vector.broadcast %broadcast_in_dim3A_352 : vector<1000x1xi1> to vector<1000x128xi1>
    %broadcast_in_dim3A_354 = vector.broadcast %jit3A_351 : f32 to vector<1000x128xf32>
    %select_n3A_355 = arith.select %broadcast_in_dim3A_353, %get3A_3, %broadcast_in_dim3A_354 : vector<1000x128xi1>, vector<1000x128xf32>
    %reduce_max3A_356 = arith.constant dense<0xFF800000> : vector<128xf32>
    %reduce_max3A_357 = vector.multi_reduction <maximumf>, %select_n3A_355, %reduce_max3A_356 [0] : vector<1000x128xf32> to vector<128xf32>
    %broadcast_in_dim3A_358 = vector.shape_cast %reduce_max3A_357 : vector<128xf32> to vector<1x128xf32>
    %get3A_359 = arith.constant 18 : index
    %get3A_360 = arith.constant 0 : index
    %get3A_361 = vector.load %arg10[%get3A_359, %get3A_360] : memref<64x128xf32, #tpu.memory_space<vmem>>, vector<1x128xf32>
    %max3A_362 = arith.maximumf %get3A_361, %broadcast_in_dim3A_358 : vector<1x128xf32>
    %swap3A_363 = arith.constant 18 : index
    %swap3A_364 = arith.constant 0 : index
    %swap3A_365 = vector.load %arg10[%swap3A_363, %swap3A_364] : memref<64x128xf32, #tpu.memory_space<vmem>>, vector<1x128xf32>
    tpu.vector_store %arg10[%swap3A_363, %swap3A_364], %max3A_362 {strides = array<i32>} : memref<64x128xf32, #tpu.memory_space<vmem>>, vector<1x128xf32>,
    %eq3A_366 = arith.constant 19 : i32
    %eq3A_367 = vector.broadcast %eq3A_366 : i32 to vector<1000x1xi32>
    %eq3A_368 = arith.cmpi eq, %get3A_6, %eq3A_367 : vector<1000x1xi32>
    %jit3A_369 = arith.constant 0xFF800000 : f32
    %broadcast_in_dim3A_370 = vector.shape_cast %eq3A_368 : vector<1000x1xi1> to vector<1000x1xi1>
    %broadcast_in_dim3A_371 = vector.broadcast %broadcast_in_dim3A_370 : vector<1000x1xi1> to vector<1000x128xi1>
    %broadcast_in_dim3A_372 = vector.broadcast %jit3A_369 : f32 to vector<1000x128xf32>
    %select_n3A_373 = arith.select %broadcast_in_dim3A_371, %get3A_3, %broadcast_in_dim3A_372 : vector<1000x128xi1>, vector<1000x128xf32>
    %reduce_max3A_374 = arith.constant dense<0xFF800000> : vector<128xf32>
    %reduce_max3A_375 = vector.multi_reduction <maximumf>, %select_n3A_373, %reduce_max3A_374 [0] : vector<1000x128xf32> to vector<128xf32>
    %broadcast_in_dim3A_376 = vector.shape_cast %reduce_max3A_375 : vector<128xf32> to vector<1x128xf32>
    %get3A_377 = arith.constant 19 : index
    %get3A_378 = arith.constant 0 : index
    %get3A_379 = vector.load %arg10[%get3A_377, %get3A_378] : memref<64x128xf32, #tpu.memory_space<vmem>>, vector<1x128xf32>
    %max3A_380 = arith.maximumf %get3A_379, %broadcast_in_dim3A_376 : vector<1x128xf32>
    %swap3A_381 = arith.constant 19 : index
    %swap3A_382 = arith.constant 0 : index
    %swap3A_383 = vector.load %arg10[%swap3A_381, %swap3A_382] : memref<64x128xf32, #tpu.memory_space<vmem>>, vector<1x128xf32>
    tpu.vector_store %arg10[%swap3A_381, %swap3A_382], %max3A_380 {strides = array<i32>} : memref<64x128xf32, #tpu.memory_space<vmem>>, vector<1x128xf32>,
    %eq3A_384 = arith.constant 20 : i32
    %eq3A_385 = vector.broadcast %eq3A_384 : i32 to vector<1000x1xi32>
    %eq3A_386 = arith.cmpi eq, %get3A_6, %eq3A_385 : vector<1000x1xi32>
    %jit3A_387 = arith.constant 0xFF800000 : f32
    %broadcast_in_dim3A_388 = vector.shape_cast %eq3A_386 : vector<1000x1xi1> to vector<1000x1xi1>
    %broadcast_in_dim3A_389 = vector.broadcast %broadcast_in_dim3A_388 : vector<1000x1xi1> to vector<1000x128xi1>
    %broadcast_in_dim3A_390 = vector.broadcast %jit3A_387 : f32 to vector<1000x128xf32>
    %select_n3A_391 = arith.select %broadcast_in_dim3A_389, %get3A_3, %broadcast_in_dim3A_390 : vector<1000x128xi1>, vector<1000x128xf32>
    %reduce_max3A_392 = arith.constant dense<0xFF800000> : vector<128xf32>
    %reduce_max3A_393 = vector.multi_reduction <maximumf>, %select_n3A_391, %reduce_max3A_392 [0] : vector<1000x128xf32> to vector<128xf32>
    %broadcast_in_dim3A_394 = vector.shape_cast %reduce_max3A_393 : vector<128xf32> to vector<1x128xf32>
    %get3A_395 = arith.constant 20 : index
    %get3A_396 = arith.constant 0 : index
    %get3A_397 = vector.load %arg10[%get3A_395, %get3A_396] : memref<64x128xf32, #tpu.memory_space<vmem>>, vector<1x128xf32>
    %max3A_398 = arith.maximumf %get3A_397, %broadcast_in_dim3A_394 : vector<1x128xf32>
    %swap3A_399 = arith.constant 20 : index
    %swap3A_400 = arith.constant 0 : index
    %swap3A_401 = vector.load %arg10[%swap3A_399, %swap3A_400] : memref<64x128xf32, #tpu.memory_space<vmem>>, vector<1x128xf32>
    tpu.vector_store %arg10[%swap3A_399, %swap3A_400], %max3A_398 {strides = array<i32>} : memref<64x128xf32, #tpu.memory_space<vmem>>, vector<1x128xf32>,
    %eq3A_402 = arith.constant 21 : i32
    %eq3A_403 = vector.broadcast %eq3A_402 : i32 to vector<1000x1xi32>
    %eq3A_404 = arith.cmpi eq, %get3A_6, %eq3A_403 : vector<1000x1xi32>
    %jit3A_405 = arith.constant 0xFF800000 : f32
    %broadcast_in_dim3A_406 = vector.shape_cast %eq3A_404 : vector<1000x1xi1> to vector<1000x1xi1>
    %broadcast_in_dim3A_407 = vector.broadcast %broadcast_in_dim3A_406 : vector<1000x1xi1> to vector<1000x128xi1>
    %broadcast_in_dim3A_408 = vector.broadcast %jit3A_405 : f32 to vector<1000x128xf32>
    %select_n3A_409 = arith.select %broadcast_in_dim3A_407, %get3A_3, %broadcast_in_dim3A_408 : vector<1000x128xi1>, vector<1000x128xf32>
    %reduce_max3A_410 = arith.constant dense<0xFF800000> : vector<128xf32>
    %reduce_max3A_411 = vector.multi_reduction <maximumf>, %select_n3A_409, %reduce_max3A_410 [0] : vector<1000x128xf32> to vector<128xf32>
    %broadcast_in_dim3A_412 = vector.shape_cast %reduce_max3A_411 : vector<128xf32> to vector<1x128xf32>
    %get3A_413 = arith.constant 21 : index
    %get3A_414 = arith.constant 0 : index
    %get3A_415 = vector.load %arg10[%get3A_413, %get3A_414] : memref<64x128xf32, #tpu.memory_space<vmem>>, vector<1x128xf32>
    %max3A_416 = arith.maximumf %get3A_415, %broadcast_in_dim3A_412 : vector<1x128xf32>
    %swap3A_417 = arith.constant 21 : index
    %swap3A_418 = arith.constant 0 : index
    %swap3A_419 = vector.load %arg10[%swap3A_417, %swap3A_418] : memref<64x128xf32, #tpu.memory_space<vmem>>, vector<1x128xf32>
    tpu.vector_store %arg10[%swap3A_417, %swap3A_418], %max3A_416 {strides = array<i32>} : memref<64x128xf32, #tpu.memory_space<vmem>>, vector<1x128xf32>,
    %eq3A_420 = arith.constant 22 : i32
    %eq3A_421 = vector.broadcast %eq3A_420 : i32 to vector<1000x1xi32>
    %eq3A_422 = arith.cmpi eq, %get3A_6, %eq3A_421 : vector<1000x1xi32>
    %jit3A_423 = arith.constant 0xFF800000 : f32
    %broadcast_in_dim3A_424 = vector.shape_cast %eq3A_422 : vector<1000x1xi1> to vector<1000x1xi1>
    %broadcast_in_dim3A_425 = vector.broadcast %broadcast_in_dim3A_424 : vector<1000x1xi1> to vector<1000x128xi1>
    %broadcast_in_dim3A_426 = vector.broadcast %jit3A_423 : f32 to vector<1000x128xf32>
    %select_n3A_427 = arith.select %broadcast_in_dim3A_425, %get3A_3, %broadcast_in_dim3A_426 : vector<1000x128xi1>, vector<1000x128xf32>
    %reduce_max3A_428 = arith.constant dense<0xFF800000> : vector<128xf32>
    %reduce_max3A_429 = vector.multi_reduction <maximumf>, %select_n3A_427, %reduce_max3A_428 [0] : vector<1000x128xf32> to vector<128xf32>
    %broadcast_in_dim3A_430 = vector.shape_cast %reduce_max3A_429 : vector<128xf32> to vector<1x128xf32>
    %get3A_431 = arith.constant 22 : index
    %get3A_432 = arith.constant 0 : index
    %get3A_433 = vector.load %arg10[%get3A_431, %get3A_432] : memref<64x128xf32, #tpu.memory_space<vmem>>, vector<1x128xf32>
    %max3A_434 = arith.maximumf %get3A_433, %broadcast_in_dim3A_430 : vector<1x128xf32>
    %swap3A_435 = arith.constant 22 : index
    %swap3A_436 = arith.constant 0 : index
    %swap3A_437 = vector.load %arg10[%swap3A_435, %swap3A_436] : memref<64x128xf32, #tpu.memory_space<vmem>>, vector<1x128xf32>
    tpu.vector_store %arg10[%swap3A_435, %swap3A_436], %max3A_434 {strides = array<i32>} : memref<64x128xf32, #tpu.memory_space<vmem>>, vector<1x128xf32>,
    %eq3A_438 = arith.constant 23 : i32
    %eq3A_439 = vector.broadcast %eq3A_438 : i32 to vector<1000x1xi32>
    %eq3A_440 = arith.cmpi eq, %get3A_6, %eq3A_439 : vector<1000x1xi32>
    %jit3A_441 = arith.constant 0xFF800000 : f32
    %broadcast_in_dim3A_442 = vector.shape_cast %eq3A_440 : vector<1000x1xi1> to vector<1000x1xi1>
    %broadcast_in_dim3A_443 = vector.broadcast %broadcast_in_dim3A_442 : vector<1000x1xi1> to vector<1000x128xi1>
    %broadcast_in_dim3A_444 = vector.broadcast %jit3A_441 : f32 to vector<1000x128xf32>
    %select_n3A_445 = arith.select %broadcast_in_dim3A_443, %get3A_3, %broadcast_in_dim3A_444 : vector<1000x128xi1>, vector<1000x128xf32>
    %reduce_max3A_446 = arith.constant dense<0xFF800000> : vector<128xf32>
    %reduce_max3A_447 = vector.multi_reduction <maximumf>, %select_n3A_445, %reduce_max3A_446 [0] : vector<1000x128xf32> to vector<128xf32>
    %broadcast_in_dim3A_448 = vector.shape_cast %reduce_max3A_447 : vector<128xf32> to vector<1x128xf32>
    %get3A_449 = arith.constant 23 : index
    %get3A_450 = arith.constant 0 : index
    %get3A_451 = vector.load %arg10[%get3A_449, %get3A_450] : memref<64x128xf32, #tpu.memory_space<vmem>>, vector<1x128xf32>
    %max3A_452 = arith.maximumf %get3A_451, %broadcast_in_dim3A_448 : vector<1x128xf32>
    %swap3A_453 = arith.constant 23 : index
    %swap3A_454 = arith.constant 0 : index
    %swap3A_455 = vector.load %arg10[%swap3A_453, %swap3A_454] : memref<64x128xf32, #tpu.memory_space<vmem>>, vector<1x128xf32>
    tpu.vector_store %arg10[%swap3A_453, %swap3A_454], %max3A_452 {strides = array<i32>} : memref<64x128xf32, #tpu.memory_space<vmem>>, vector<1x128xf32>,
    %eq3A_456 = arith.constant 24 : i32
    %eq3A_457 = vector.broadcast %eq3A_456 : i32 to vector<1000x1xi32>
    %eq3A_458 = arith.cmpi eq, %get3A_6, %eq3A_457 : vector<1000x1xi32>
    %jit3A_459 = arith.constant 0xFF800000 : f32
    %broadcast_in_dim3A_460 = vector.shape_cast %eq3A_458 : vector<1000x1xi1> to vector<1000x1xi1>
    %broadcast_in_dim3A_461 = vector.broadcast %broadcast_in_dim3A_460 : vector<1000x1xi1> to vector<1000x128xi1>
    %broadcast_in_dim3A_462 = vector.broadcast %jit3A_459 : f32 to vector<1000x128xf32>
    %select_n3A_463 = arith.select %broadcast_in_dim3A_461, %get3A_3, %broadcast_in_dim3A_462 : vector<1000x128xi1>, vector<1000x128xf32>
    %reduce_max3A_464 = arith.constant dense<0xFF800000> : vector<128xf32>
    %reduce_max3A_465 = vector.multi_reduction <maximumf>, %select_n3A_463, %reduce_max3A_464 [0] : vector<1000x128xf32> to vector<128xf32>
    %broadcast_in_dim3A_466 = vector.shape_cast %reduce_max3A_465 : vector<128xf32> to vector<1x128xf32>
    %get3A_467 = arith.constant 24 : index
    %get3A_468 = arith.constant 0 : index
    %get3A_469 = vector.load %arg10[%get3A_467, %get3A_468] : memref<64x128xf32, #tpu.memory_space<vmem>>, vector<1x128xf32>
    %max3A_470 = arith.maximumf %get3A_469, %broadcast_in_dim3A_466 : vector<1x128xf32>
    %swap3A_471 = arith.constant 24 : index
    %swap3A_472 = arith.constant 0 : index
    %swap3A_473 = vector.load %arg10[%swap3A_471, %swap3A_472] : memref<64x128xf32, #tpu.memory_space<vmem>>, vector<1x128xf32>
    tpu.vector_store %arg10[%swap3A_471, %swap3A_472], %max3A_470 {strides = array<i32>} : memref<64x128xf32, #tpu.memory_space<vmem>>, vector<1x128xf32>,
    %eq3A_474 = arith.constant 25 : i32
    %eq3A_475 = vector.broadcast %eq3A_474 : i32 to vector<1000x1xi32>
    %eq3A_476 = arith.cmpi eq, %get3A_6, %eq3A_475 : vector<1000x1xi32>
    %jit3A_477 = arith.constant 0xFF800000 : f32
    %broadcast_in_dim3A_478 = vector.shape_cast %eq3A_476 : vector<1000x1xi1> to vector<1000x1xi1>
    %broadcast_in_dim3A_479 = vector.broadcast %broadcast_in_dim3A_478 : vector<1000x1xi1> to vector<1000x128xi1>
    %broadcast_in_dim3A_480 = vector.broadcast %jit3A_477 : f32 to vector<1000x128xf32>
    %select_n3A_481 = arith.select %broadcast_in_dim3A_479, %get3A_3, %broadcast_in_dim3A_480 : vector<1000x128xi1>, vector<1000x128xf32>
    %reduce_max3A_482 = arith.constant dense<0xFF800000> : vector<128xf32>
    %reduce_max3A_483 = vector.multi_reduction <maximumf>, %select_n3A_481, %reduce_max3A_482 [0] : vector<1000x128xf32> to vector<128xf32>
    %broadcast_in_dim3A_484 = vector.shape_cast %reduce_max3A_483 : vector<128xf32> to vector<1x128xf32>
    %get3A_485 = arith.constant 25 : index
    %get3A_486 = arith.constant 0 : index
    %get3A_487 = vector.load %arg10[%get3A_485, %get3A_486] : memref<64x128xf32, #tpu.memory_space<vmem>>, vector<1x128xf32>
    %max3A_488 = arith.maximumf %get3A_487, %broadcast_in_dim3A_484 : vector<1x128xf32>
    %swap3A_489 = arith.constant 25 : index
    %swap3A_490 = arith.constant 0 : index
    %swap3A_491 = vector.load %arg10[%swap3A_489, %swap3A_490] : memref<64x128xf32, #tpu.memory_space<vmem>>, vector<1x128xf32>
    tpu.vector_store %arg10[%swap3A_489, %swap3A_490], %max3A_488 {strides = array<i32>} : memref<64x128xf32, #tpu.memory_space<vmem>>, vector<1x128xf32>,
    %eq3A_492 = arith.constant 26 : i32
    %eq3A_493 = vector.broadcast %eq3A_492 : i32 to vector<1000x1xi32>
    %eq3A_494 = arith.cmpi eq, %get3A_6, %eq3A_493 : vector<1000x1xi32>
    %jit3A_495 = arith.constant 0xFF800000 : f32
    %broadcast_in_dim3A_496 = vector.shape_cast %eq3A_494 : vector<1000x1xi1> to vector<1000x1xi1>
    %broadcast_in_dim3A_497 = vector.broadcast %broadcast_in_dim3A_496 : vector<1000x1xi1> to vector<1000x128xi1>
    %broadcast_in_dim3A_498 = vector.broadcast %jit3A_495 : f32 to vector<1000x128xf32>
    %select_n3A_499 = arith.select %broadcast_in_dim3A_497, %get3A_3, %broadcast_in_dim3A_498 : vector<1000x128xi1>, vector<1000x128xf32>
    %reduce_max3A_500 = arith.constant dense<0xFF800000> : vector<128xf32>
    %reduce_max3A_501 = vector.multi_reduction <maximumf>, %select_n3A_499, %reduce_max3A_500 [0] : vector<1000x128xf32> to vector<128xf32>
    %broadcast_in_dim3A_502 = vector.shape_cast %reduce_max3A_501 : vector<128xf32> to vector<1x128xf32>
    %get3A_503 = arith.constant 26 : index
    %get3A_504 = arith.constant 0 : index
    %get3A_505 = vector.load %arg10[%get3A_503, %get3A_504] : memref<64x128xf32, #tpu.memory_space<vmem>>, vector<1x128xf32>
    %max3A_506 = arith.maximumf %get3A_505, %broadcast_in_dim3A_502 : vector<1x128xf32>
    %swap3A_507 = arith.constant 26 : index
    %swap3A_508 = arith.constant 0 : index
    %swap3A_509 = vector.load %arg10[%swap3A_507, %swap3A_508] : memref<64x128xf32, #tpu.memory_space<vmem>>, vector<1x128xf32>
    tpu.vector_store %arg10[%swap3A_507, %swap3A_508], %max3A_506 {strides = array<i32>} : memref<64x128xf32, #tpu.memory_space<vmem>>, vector<1x128xf32>,
    %eq3A_510 = arith.constant 27 : i32
    %eq3A_511 = vector.broadcast %eq3A_510 : i32 to vector<1000x1xi32>
    %eq3A_512 = arith.cmpi eq, %get3A_6, %eq3A_511 : vector<1000x1xi32>
    %jit3A_513 = arith.constant 0xFF800000 : f32
    %broadcast_in_dim3A_514 = vector.shape_cast %eq3A_512 : vector<1000x1xi1> to vector<1000x1xi1>
    %broadcast_in_dim3A_515 = vector.broadcast %broadcast_in_dim3A_514 : vector<1000x1xi1> to vector<1000x128xi1>
    %broadcast_in_dim3A_516 = vector.broadcast %jit3A_513 : f32 to vector<1000x128xf32>
    %select_n3A_517 = arith.select %broadcast_in_dim3A_515, %get3A_3, %broadcast_in_dim3A_516 : vector<1000x128xi1>, vector<1000x128xf32>
    %reduce_max3A_518 = arith.constant dense<0xFF800000> : vector<128xf32>
    %reduce_max3A_519 = vector.multi_reduction <maximumf>, %select_n3A_517, %reduce_max3A_518 [0] : vector<1000x128xf32> to vector<128xf32>
    %broadcast_in_dim3A_520 = vector.shape_cast %reduce_max3A_519 : vector<128xf32> to vector<1x128xf32>
    %get3A_521 = arith.constant 27 : index
    %get3A_522 = arith.constant 0 : index
    %get3A_523 = vector.load %arg10[%get3A_521, %get3A_522] : memref<64x128xf32, #tpu.memory_space<vmem>>, vector<1x128xf32>
    %max3A_524 = arith.maximumf %get3A_523, %broadcast_in_dim3A_520 : vector<1x128xf32>
    %swap3A_525 = arith.constant 27 : index
    %swap3A_526 = arith.constant 0 : index
    %swap3A_527 = vector.load %arg10[%swap3A_525, %swap3A_526] : memref<64x128xf32, #tpu.memory_space<vmem>>, vector<1x128xf32>
    tpu.vector_store %arg10[%swap3A_525, %swap3A_526], %max3A_524 {strides = array<i32>} : memref<64x128xf32, #tpu.memory_space<vmem>>, vector<1x128xf32>,
    %eq3A_528 = arith.constant 28 : i32
    %eq3A_529 = vector.broadcast %eq3A_528 : i32 to vector<1000x1xi32>
    %eq3A_530 = arith.cmpi eq, %get3A_6, %eq3A_529 : vector<1000x1xi32>
    %jit3A_531 = arith.constant 0xFF800000 : f32
    %broadcast_in_dim3A_532 = vector.shape_cast %eq3A_530 : vector<1000x1xi1> to vector<1000x1xi1>
    %broadcast_in_dim3A_533 = vector.broadcast %broadcast_in_dim3A_532 : vector<1000x1xi1> to vector<1000x128xi1>
    %broadcast_in_dim3A_534 = vector.broadcast %jit3A_531 : f32 to vector<1000x128xf32>
    %select_n3A_535 = arith.select %broadcast_in_dim3A_533, %get3A_3, %broadcast_in_dim3A_534 : vector<1000x128xi1>, vector<1000x128xf32>
    %reduce_max3A_536 = arith.constant dense<0xFF800000> : vector<128xf32>
    %reduce_max3A_537 = vector.multi_reduction <maximumf>, %select_n3A_535, %reduce_max3A_536 [0] : vector<1000x128xf32> to vector<128xf32>
    %broadcast_in_dim3A_538 = vector.shape_cast %reduce_max3A_537 : vector<128xf32> to vector<1x128xf32>
    %get3A_539 = arith.constant 28 : index
    %get3A_540 = arith.constant 0 : index
    %get3A_541 = vector.load %arg10[%get3A_539, %get3A_540] : memref<64x128xf32, #tpu.memory_space<vmem>>, vector<1x128xf32>
    %max3A_542 = arith.maximumf %get3A_541, %broadcast_in_dim3A_538 : vector<1x128xf32>
    %swap3A_543 = arith.constant 28 : index
    %swap3A_544 = arith.constant 0 : index
    %swap3A_545 = vector.load %arg10[%swap3A_543, %swap3A_544] : memref<64x128xf32, #tpu.memory_space<vmem>>, vector<1x128xf32>
    tpu.vector_store %arg10[%swap3A_543, %swap3A_544], %max3A_542 {strides = array<i32>} : memref<64x128xf32, #tpu.memory_space<vmem>>, vector<1x128xf32>,
    %eq3A_546 = arith.constant 29 : i32
    %eq3A_547 = vector.broadcast %eq3A_546 : i32 to vector<1000x1xi32>
    %eq3A_548 = arith.cmpi eq, %get3A_6, %eq3A_547 : vector<1000x1xi32>
    %jit3A_549 = arith.constant 0xFF800000 : f32
    %broadcast_in_dim3A_550 = vector.shape_cast %eq3A_548 : vector<1000x1xi1> to vector<1000x1xi1>
    %broadcast_in_dim3A_551 = vector.broadcast %broadcast_in_dim3A_550 : vector<1000x1xi1> to vector<1000x128xi1>
    %broadcast_in_dim3A_552 = vector.broadcast %jit3A_549 : f32 to vector<1000x128xf32>
    %select_n3A_553 = arith.select %broadcast_in_dim3A_551, %get3A_3, %broadcast_in_dim3A_552 : vector<1000x128xi1>, vector<1000x128xf32>
    %reduce_max3A_554 = arith.constant dense<0xFF800000> : vector<128xf32>
    %reduce_max3A_555 = vector.multi_reduction <maximumf>, %select_n3A_553, %reduce_max3A_554 [0] : vector<1000x128xf32> to vector<128xf32>
    %broadcast_in_dim3A_556 = vector.shape_cast %reduce_max3A_555 : vector<128xf32> to vector<1x128xf32>
    %get3A_557 = arith.constant 29 : index
    %get3A_558 = arith.constant 0 : index
    %get3A_559 = vector.load %arg10[%get3A_557, %get3A_558] : memref<64x128xf32, #tpu.memory_space<vmem>>, vector<1x128xf32>
    %max3A_560 = arith.maximumf %get3A_559, %broadcast_in_dim3A_556 : vector<1x128xf32>
    %swap3A_561 = arith.constant 29 : index
    %swap3A_562 = arith.constant 0 : index
    %swap3A_563 = vector.load %arg10[%swap3A_561, %swap3A_562] : memref<64x128xf32, #tpu.memory_space<vmem>>, vector<1x128xf32>
    tpu.vector_store %arg10[%swap3A_561, %swap3A_562], %max3A_560 {strides = array<i32>} : memref<64x128xf32, #tpu.memory_space<vmem>>, vector<1x128xf32>,
    %eq3A_564 = arith.constant 30 : i32
    %eq3A_565 = vector.broadcast %eq3A_564 : i32 to vector<1000x1xi32>
    %eq3A_566 = arith.cmpi eq, %get3A_6, %eq3A_565 : vector<1000x1xi32>
    %jit3A_567 = arith.constant 0xFF800000 : f32
    %broadcast_in_dim3A_568 = vector.shape_cast %eq3A_566 : vector<1000x1xi1> to vector<1000x1xi1>
    %broadcast_in_dim3A_569 = vector.broadcast %broadcast_in_dim3A_568 : vector<1000x1xi1> to vector<1000x128xi1>
    %broadcast_in_dim3A_570 = vector.broadcast %jit3A_567 : f32 to vector<1000x128xf32>
    %select_n3A_571 = arith.select %broadcast_in_dim3A_569, %get3A_3, %broadcast_in_dim3A_570 : vector<1000x128xi1>, vector<1000x128xf32>
    %reduce_max3A_572 = arith.constant dense<0xFF800000> : vector<128xf32>
    %reduce_max3A_573 = vector.multi_reduction <maximumf>, %select_n3A_571, %reduce_max3A_572 [0] : vector<1000x128xf32> to vector<128xf32>
    %broadcast_in_dim3A_574 = vector.shape_cast %reduce_max3A_573 : vector<128xf32> to vector<1x128xf32>
    %get3A_575 = arith.constant 30 : index
    %get3A_576 = arith.constant 0 : index
    %get3A_577 = vector.load %arg10[%get3A_575, %get3A_576] : memref<64x128xf32, #tpu.memory_space<vmem>>, vector<1x128xf32>
    %max3A_578 = arith.maximumf %get3A_577, %broadcast_in_dim3A_574 : vector<1x128xf32>
    %swap3A_579 = arith.constant 30 : index
    %swap3A_580 = arith.constant 0 : index
    %swap3A_581 = vector.load %arg10[%swap3A_579, %swap3A_580] : memref<64x128xf32, #tpu.memory_space<vmem>>, vector<1x128xf32>
    tpu.vector_store %arg10[%swap3A_579, %swap3A_580], %max3A_578 {strides = array<i32>} : memref<64x128xf32, #tpu.memory_space<vmem>>, vector<1x128xf32>,
    %eq3A_582 = arith.constant 31 : i32
    %eq3A_583 = vector.broadcast %eq3A_582 : i32 to vector<1000x1xi32>
    %eq3A_584 = arith.cmpi eq, %get3A_6, %eq3A_583 : vector<1000x1xi32>
    %jit3A_585 = arith.constant 0xFF800000 : f32
    %broadcast_in_dim3A_586 = vector.shape_cast %eq3A_584 : vector<1000x1xi1> to vector<1000x1xi1>
    %broadcast_in_dim3A_587 = vector.broadcast %broadcast_in_dim3A_586 : vector<1000x1xi1> to vector<1000x128xi1>
    %broadcast_in_dim3A_588 = vector.broadcast %jit3A_585 : f32 to vector<1000x128xf32>
    %select_n3A_589 = arith.select %broadcast_in_dim3A_587, %get3A_3, %broadcast_in_dim3A_588 : vector<1000x128xi1>, vector<1000x128xf32>
    %reduce_max3A_590 = arith.constant dense<0xFF800000> : vector<128xf32>
    %reduce_max3A_591 = vector.multi_reduction <maximumf>, %select_n3A_589, %reduce_max3A_590 [0] : vector<1000x128xf32> to vector<128xf32>
    %broadcast_in_dim3A_592 = vector.shape_cast %reduce_max3A_591 : vector<128xf32> to vector<1x128xf32>
    %get3A_593 = arith.constant 31 : index
    %get3A_594 = arith.constant 0 : index
    %get3A_595 = vector.load %arg10[%get3A_593, %get3A_594] : memref<64x128xf32, #tpu.memory_space<vmem>>, vector<1x128xf32>
    %max3A_596 = arith.maximumf %get3A_595, %broadcast_in_dim3A_592 : vector<1x128xf32>
    %swap3A_597 = arith.constant 31 : index
    %swap3A_598 = arith.constant 0 : index
    %swap3A_599 = vector.load %arg10[%swap3A_597, %swap3A_598] : memref<64x128xf32, #tpu.memory_space<vmem>>, vector<1x128xf32>
    tpu.vector_store %arg10[%swap3A_597, %swap3A_598], %max3A_596 {strides = array<i32>} : memref<64x128xf32, #tpu.memory_space<vmem>>, vector<1x128xf32>,
    %eq3A_600 = arith.constant 32 : i32
    %eq3A_601 = vector.broadcast %eq3A_600 : i32 to vector<1000x1xi32>
    %eq3A_602 = arith.cmpi eq, %get3A_6, %eq3A_601 : vector<1000x1xi32>
    %jit3A_603 = arith.constant 0xFF800000 : f32
    %broadcast_in_dim3A_604 = vector.shape_cast %eq3A_602 : vector<1000x1xi1> to vector<1000x1xi1>
    %broadcast_in_dim3A_605 = vector.broadcast %broadcast_in_dim3A_604 : vector<1000x1xi1> to vector<1000x128xi1>
    %broadcast_in_dim3A_606 = vector.broadcast %jit3A_603 : f32 to vector<1000x128xf32>
    %select_n3A_607 = arith.select %broadcast_in_dim3A_605, %get3A_3, %broadcast_in_dim3A_606 : vector<1000x128xi1>, vector<1000x128xf32>
    %reduce_max3A_608 = arith.constant dense<0xFF800000> : vector<128xf32>
    %reduce_max3A_609 = vector.multi_reduction <maximumf>, %select_n3A_607, %reduce_max3A_608 [0] : vector<1000x128xf32> to vector<128xf32>
    %broadcast_in_dim3A_610 = vector.shape_cast %reduce_max3A_609 : vector<128xf32> to vector<1x128xf32>
    %get3A_611 = arith.constant 32 : index
    %get3A_612 = arith.constant 0 : index
    %get3A_613 = vector.load %arg10[%get3A_611, %get3A_612] : memref<64x128xf32, #tpu.memory_space<vmem>>, vector<1x128xf32>
    %max3A_614 = arith.maximumf %get3A_613, %broadcast_in_dim3A_610 : vector<1x128xf32>
    %swap3A_615 = arith.constant 32 : index
    %swap3A_616 = arith.constant 0 : index
    %swap3A_617 = vector.load %arg10[%swap3A_615, %swap3A_616] : memref<64x128xf32, #tpu.memory_space<vmem>>, vector<1x128xf32>
    tpu.vector_store %arg10[%swap3A_615, %swap3A_616], %max3A_614 {strides = array<i32>} : memref<64x128xf32, #tpu.memory_space<vmem>>, vector<1x128xf32>,
    %eq3A_618 = arith.constant 33 : i32
    %eq3A_619 = vector.broadcast %eq3A_618 : i32 to vector<1000x1xi32>
    %eq3A_620 = arith.cmpi eq, %get3A_6, %eq3A_619 : vector<1000x1xi32>
    %jit3A_621 = arith.constant 0xFF800000 : f32
    %broadcast_in_dim3A_622 = vector.shape_cast %eq3A_620 : vector<1000x1xi1> to vector<1000x1xi1>
    %broadcast_in_dim3A_623 = vector.broadcast %broadcast_in_dim3A_622 : vector<1000x1xi1> to vector<1000x128xi1>
    %broadcast_in_dim3A_624 = vector.broadcast %jit3A_621 : f32 to vector<1000x128xf32>
    %select_n3A_625 = arith.select %broadcast_in_dim3A_623, %get3A_3, %broadcast_in_dim3A_624 : vector<1000x128xi1>, vector<1000x128xf32>
    %reduce_max3A_626 = arith.constant dense<0xFF800000> : vector<128xf32>
    %reduce_max3A_627 = vector.multi_reduction <maximumf>, %select_n3A_625, %reduce_max3A_626 [0] : vector<1000x128xf32> to vector<128xf32>
    %broadcast_in_dim3A_628 = vector.shape_cast %reduce_max3A_627 : vector<128xf32> to vector<1x128xf32>
    %get3A_629 = arith.constant 33 : index
    %get3A_630 = arith.constant 0 : index
    %get3A_631 = vector.load %arg10[%get3A_629, %get3A_630] : memref<64x128xf32, #tpu.memory_space<vmem>>, vector<1x128xf32>
    %max3A_632 = arith.maximumf %get3A_631, %broadcast_in_dim3A_628 : vector<1x128xf32>
    %swap3A_633 = arith.constant 33 : index
    %swap3A_634 = arith.constant 0 : index
    %swap3A_635 = vector.load %arg10[%swap3A_633, %swap3A_634] : memref<64x128xf32, #tpu.memory_space<vmem>>, vector<1x128xf32>
    tpu.vector_store %arg10[%swap3A_633, %swap3A_634], %max3A_632 {strides = array<i32>} : memref<64x128xf32, #tpu.memory_space<vmem>>, vector<1x128xf32>,
    %eq3A_636 = arith.constant 34 : i32
    %eq3A_637 = vector.broadcast %eq3A_636 : i32 to vector<1000x1xi32>
    %eq3A_638 = arith.cmpi eq, %get3A_6, %eq3A_637 : vector<1000x1xi32>
    %jit3A_639 = arith.constant 0xFF800000 : f32
    %broadcast_in_dim3A_640 = vector.shape_cast %eq3A_638 : vector<1000x1xi1> to vector<1000x1xi1>
    %broadcast_in_dim3A_641 = vector.broadcast %broadcast_in_dim3A_640 : vector<1000x1xi1> to vector<1000x128xi1>
    %broadcast_in_dim3A_642 = vector.broadcast %jit3A_639 : f32 to vector<1000x128xf32>
    %select_n3A_643 = arith.select %broadcast_in_dim3A_641, %get3A_3, %broadcast_in_dim3A_642 : vector<1000x128xi1>, vector<1000x128xf32>
    %reduce_max3A_644 = arith.constant dense<0xFF800000> : vector<128xf32>
    %reduce_max3A_645 = vector.multi_reduction <maximumf>, %select_n3A_643, %reduce_max3A_644 [0] : vector<1000x128xf32> to vector<128xf32>
    %broadcast_in_dim3A_646 = vector.shape_cast %reduce_max3A_645 : vector<128xf32> to vector<1x128xf32>
    %get3A_647 = arith.constant 34 : index
    %get3A_648 = arith.constant 0 : index
    %get3A_649 = vector.load %arg10[%get3A_647, %get3A_648] : memref<64x128xf32, #tpu.memory_space<vmem>>, vector<1x128xf32>
    %max3A_650 = arith.maximumf %get3A_649, %broadcast_in_dim3A_646 : vector<1x128xf32>
    %swap3A_651 = arith.constant 34 : index
    %swap3A_652 = arith.constant 0 : index
    %swap3A_653 = vector.load %arg10[%swap3A_651, %swap3A_652] : memref<64x128xf32, #tpu.memory_space<vmem>>, vector<1x128xf32>
    tpu.vector_store %arg10[%swap3A_651, %swap3A_652], %max3A_650 {strides = array<i32>} : memref<64x128xf32, #tpu.memory_space<vmem>>, vector<1x128xf32>,
    %eq3A_654 = arith.constant 35 : i32
    %eq3A_655 = vector.broadcast %eq3A_654 : i32 to vector<1000x1xi32>
    %eq3A_656 = arith.cmpi eq, %get3A_6, %eq3A_655 : vector<1000x1xi32>
    %jit3A_657 = arith.constant 0xFF800000 : f32
    %broadcast_in_dim3A_658 = vector.shape_cast %eq3A_656 : vector<1000x1xi1> to vector<1000x1xi1>
    %broadcast_in_dim3A_659 = vector.broadcast %broadcast_in_dim3A_658 : vector<1000x1xi1> to vector<1000x128xi1>
    %broadcast_in_dim3A_660 = vector.broadcast %jit3A_657 : f32 to vector<1000x128xf32>
    %select_n3A_661 = arith.select %broadcast_in_dim3A_659, %get3A_3, %broadcast_in_dim3A_660 : vector<1000x128xi1>, vector<1000x128xf32>
    %reduce_max3A_662 = arith.constant dense<0xFF800000> : vector<128xf32>
    %reduce_max3A_663 = vector.multi_reduction <maximumf>, %select_n3A_661, %reduce_max3A_662 [0] : vector<1000x128xf32> to vector<128xf32>
    %broadcast_in_dim3A_664 = vector.shape_cast %reduce_max3A_663 : vector<128xf32> to vector<1x128xf32>
    %get3A_665 = arith.constant 35 : index
    %get3A_666 = arith.constant 0 : index
    %get3A_667 = vector.load %arg10[%get3A_665, %get3A_666] : memref<64x128xf32, #tpu.memory_space<vmem>>, vector<1x128xf32>
    %max3A_668 = arith.maximumf %get3A_667, %broadcast_in_dim3A_664 : vector<1x128xf32>
    %swap3A_669 = arith.constant 35 : index
    %swap3A_670 = arith.constant 0 : index
    %swap3A_671 = vector.load %arg10[%swap3A_669, %swap3A_670] : memref<64x128xf32, #tpu.memory_space<vmem>>, vector<1x128xf32>
    tpu.vector_store %arg10[%swap3A_669, %swap3A_670], %max3A_668 {strides = array<i32>} : memref<64x128xf32, #tpu.memory_space<vmem>>, vector<1x128xf32>,
    %eq3A_672 = arith.constant 36 : i32
    %eq3A_673 = vector.broadcast %eq3A_672 : i32 to vector<1000x1xi32>
    %eq3A_674 = arith.cmpi eq, %get3A_6, %eq3A_673 : vector<1000x1xi32>
    %jit3A_675 = arith.constant 0xFF800000 : f32
    %broadcast_in_dim3A_676 = vector.shape_cast %eq3A_674 : vector<1000x1xi1> to vector<1000x1xi1>
    %broadcast_in_dim3A_677 = vector.broadcast %broadcast_in_dim3A_676 : vector<1000x1xi1> to vector<1000x128xi1>
    %broadcast_in_dim3A_678 = vector.broadcast %jit3A_675 : f32 to vector<1000x128xf32>
    %select_n3A_679 = arith.select %broadcast_in_dim3A_677, %get3A_3, %broadcast_in_dim3A_678 : vector<1000x128xi1>, vector<1000x128xf32>
    %reduce_max3A_680 = arith.constant dense<0xFF800000> : vector<128xf32>
    %reduce_max3A_681 = vector.multi_reduction <maximumf>, %select_n3A_679, %reduce_max3A_680 [0] : vector<1000x128xf32> to vector<128xf32>
    %broadcast_in_dim3A_682 = vector.shape_cast %reduce_max3A_681 : vector<128xf32> to vector<1x128xf32>
    %get3A_683 = arith.constant 36 : index
    %get3A_684 = arith.constant 0 : index
    %get3A_685 = vector.load %arg10[%get3A_683, %get3A_684] : memref<64x128xf32, #tpu.memory_space<vmem>>, vector<1x128xf32>
    %max3A_686 = arith.maximumf %get3A_685, %broadcast_in_dim3A_682 : vector<1x128xf32>
    %swap3A_687 = arith.constant 36 : index
    %swap3A_688 = arith.constant 0 : index
    %swap3A_689 = vector.load %arg10[%swap3A_687, %swap3A_688] : memref<64x128xf32, #tpu.memory_space<vmem>>, vector<1x128xf32>
    tpu.vector_store %arg10[%swap3A_687, %swap3A_688], %max3A_686 {strides = array<i32>} : memref<64x128xf32, #tpu.memory_space<vmem>>, vector<1x128xf32>,
    %eq3A_690 = arith.constant 37 : i32
    %eq3A_691 = vector.broadcast %eq3A_690 : i32 to vector<1000x1xi32>
    %eq3A_692 = arith.cmpi eq, %get3A_6, %eq3A_691 : vector<1000x1xi32>
    %jit3A_693 = arith.constant 0xFF800000 : f32
    %broadcast_in_dim3A_694 = vector.shape_cast %eq3A_692 : vector<1000x1xi1> to vector<1000x1xi1>
    %broadcast_in_dim3A_695 = vector.broadcast %broadcast_in_dim3A_694 : vector<1000x1xi1> to vector<1000x128xi1>
    %broadcast_in_dim3A_696 = vector.broadcast %jit3A_693 : f32 to vector<1000x128xf32>
    %select_n3A_697 = arith.select %broadcast_in_dim3A_695, %get3A_3, %broadcast_in_dim3A_696 : vector<1000x128xi1>, vector<1000x128xf32>
    %reduce_max3A_698 = arith.constant dense<0xFF800000> : vector<128xf32>
    %reduce_max3A_699 = vector.multi_reduction <maximumf>, %select_n3A_697, %reduce_max3A_698 [0] : vector<1000x128xf32> to vector<128xf32>
    %broadcast_in_dim3A_700 = vector.shape_cast %reduce_max3A_699 : vector<128xf32> to vector<1x128xf32>
    %get3A_701 = arith.constant 37 : index
    %get3A_702 = arith.constant 0 : index
    %get3A_703 = vector.load %arg10[%get3A_701, %get3A_702] : memref<64x128xf32, #tpu.memory_space<vmem>>, vector<1x128xf32>
    %max3A_704 = arith.maximumf %get3A_703, %broadcast_in_dim3A_700 : vector<1x128xf32>
    %swap3A_705 = arith.constant 37 : index
    %swap3A_706 = arith.constant 0 : index
    %swap3A_707 = vector.load %arg10[%swap3A_705, %swap3A_706] : memref<64x128xf32, #tpu.memory_space<vmem>>, vector<1x128xf32>
    tpu.vector_store %arg10[%swap3A_705, %swap3A_706], %max3A_704 {strides = array<i32>} : memref<64x128xf32, #tpu.memory_space<vmem>>, vector<1x128xf32>,
    %eq3A_708 = arith.constant 38 : i32
    %eq3A_709 = vector.broadcast %eq3A_708 : i32 to vector<1000x1xi32>
    %eq3A_710 = arith.cmpi eq, %get3A_6, %eq3A_709 : vector<1000x1xi32>
    %jit3A_711 = arith.constant 0xFF800000 : f32
    %broadcast_in_dim3A_712 = vector.shape_cast %eq3A_710 : vector<1000x1xi1> to vector<1000x1xi1>
    %broadcast_in_dim3A_713 = vector.broadcast %broadcast_in_dim3A_712 : vector<1000x1xi1> to vector<1000x128xi1>
    %broadcast_in_dim3A_714 = vector.broadcast %jit3A_711 : f32 to vector<1000x128xf32>
    %select_n3A_715 = arith.select %broadcast_in_dim3A_713, %get3A_3, %broadcast_in_dim3A_714 : vector<1000x128xi1>, vector<1000x128xf32>
    %reduce_max3A_716 = arith.constant dense<0xFF800000> : vector<128xf32>
    %reduce_max3A_717 = vector.multi_reduction <maximumf>, %select_n3A_715, %reduce_max3A_716 [0] : vector<1000x128xf32> to vector<128xf32>
    %broadcast_in_dim3A_718 = vector.shape_cast %reduce_max3A_717 : vector<128xf32> to vector<1x128xf32>
    %get3A_719 = arith.constant 38 : index
    %get3A_720 = arith.constant 0 : index
    %get3A_721 = vector.load %arg10[%get3A_719, %get3A_720] : memref<64x128xf32, #tpu.memory_space<vmem>>, vector<1x128xf32>
    %max3A_722 = arith.maximumf %get3A_721, %broadcast_in_dim3A_718 : vector<1x128xf32>
    %swap3A_723 = arith.constant 38 : index
    %swap3A_724 = arith.constant 0 : index
    %swap3A_725 = vector.load %arg10[%swap3A_723, %swap3A_724] : memref<64x128xf32, #tpu.memory_space<vmem>>, vector<1x128xf32>
    tpu.vector_store %arg10[%swap3A_723, %swap3A_724], %max3A_722 {strides = array<i32>} : memref<64x128xf32, #tpu.memory_space<vmem>>, vector<1x128xf32>,
    %eq3A_726 = arith.constant 39 : i32
    %eq3A_727 = vector.broadcast %eq3A_726 : i32 to vector<1000x1xi32>
    %eq3A_728 = arith.cmpi eq, %get3A_6, %eq3A_727 : vector<1000x1xi32>
    %jit3A_729 = arith.constant 0xFF800000 : f32
    %broadcast_in_dim3A_730 = vector.shape_cast %eq3A_728 : vector<1000x1xi1> to vector<1000x1xi1>
    %broadcast_in_dim3A_731 = vector.broadcast %broadcast_in_dim3A_730 : vector<1000x1xi1> to vector<1000x128xi1>
    %broadcast_in_dim3A_732 = vector.broadcast %jit3A_729 : f32 to vector<1000x128xf32>
    %select_n3A_733 = arith.select %broadcast_in_dim3A_731, %get3A_3, %broadcast_in_dim3A_732 : vector<1000x128xi1>, vector<1000x128xf32>
    %reduce_max3A_734 = arith.constant dense<0xFF800000> : vector<128xf32>
    %reduce_max3A_735 = vector.multi_reduction <maximumf>, %select_n3A_733, %reduce_max3A_734 [0] : vector<1000x128xf32> to vector<128xf32>
    %broadcast_in_dim3A_736 = vector.shape_cast %reduce_max3A_735 : vector<128xf32> to vector<1x128xf32>
    %get3A_737 = arith.constant 39 : index
    %get3A_738 = arith.constant 0 : index
    %get3A_739 = vector.load %arg10[%get3A_737, %get3A_738] : memref<64x128xf32, #tpu.memory_space<vmem>>, vector<1x128xf32>
    %max3A_740 = arith.maximumf %get3A_739, %broadcast_in_dim3A_736 : vector<1x128xf32>
    %swap3A_741 = arith.constant 39 : index
    %swap3A_742 = arith.constant 0 : index
    %swap3A_743 = vector.load %arg10[%swap3A_741, %swap3A_742] : memref<64x128xf32, #tpu.memory_space<vmem>>, vector<1x128xf32>
    tpu.vector_store %arg10[%swap3A_741, %swap3A_742], %max3A_740 {strides = array<i32>} : memref<64x128xf32, #tpu.memory_space<vmem>>, vector<1x128xf32>,
    %eq3A_744 = arith.constant 40 : i32
    %eq3A_745 = vector.broadcast %eq3A_744 : i32 to vector<1000x1xi32>
    %eq3A_746 = arith.cmpi eq, %get3A_6, %eq3A_745 : vector<1000x1xi32>
    %jit3A_747 = arith.constant 0xFF800000 : f32
    %broadcast_in_dim3A_748 = vector.shape_cast %eq3A_746 : vector<1000x1xi1> to vector<1000x1xi1>
    %broadcast_in_dim3A_749 = vector.broadcast %broadcast_in_dim3A_748 : vector<1000x1xi1> to vector<1000x128xi1>
    %broadcast_in_dim3A_750 = vector.broadcast %jit3A_747 : f32 to vector<1000x128xf32>
    %select_n3A_751 = arith.select %broadcast_in_dim3A_749, %get3A_3, %broadcast_in_dim3A_750 : vector<1000x128xi1>, vector<1000x128xf32>
    %reduce_max3A_752 = arith.constant dense<0xFF800000> : vector<128xf32>
    %reduce_max3A_753 = vector.multi_reduction <maximumf>, %select_n3A_751, %reduce_max3A_752 [0] : vector<1000x128xf32> to vector<128xf32>
    %broadcast_in_dim3A_754 = vector.shape_cast %reduce_max3A_753 : vector<128xf32> to vector<1x128xf32>
    %get3A_755 = arith.constant 40 : index
    %get3A_756 = arith.constant 0 : index
    %get3A_757 = vector.load %arg10[%get3A_755, %get3A_756] : memref<64x128xf32, #tpu.memory_space<vmem>>, vector<1x128xf32>
    %max3A_758 = arith.maximumf %get3A_757, %broadcast_in_dim3A_754 : vector<1x128xf32>
    %swap3A_759 = arith.constant 40 : index
    %swap3A_760 = arith.constant 0 : index
    %swap3A_761 = vector.load %arg10[%swap3A_759, %swap3A_760] : memref<64x128xf32, #tpu.memory_space<vmem>>, vector<1x128xf32>
    tpu.vector_store %arg10[%swap3A_759, %swap3A_760], %max3A_758 {strides = array<i32>} : memref<64x128xf32, #tpu.memory_space<vmem>>, vector<1x128xf32>,
    %eq3A_762 = arith.constant 41 : i32
    %eq3A_763 = vector.broadcast %eq3A_762 : i32 to vector<1000x1xi32>
    %eq3A_764 = arith.cmpi eq, %get3A_6, %eq3A_763 : vector<1000x1xi32>
    %jit3A_765 = arith.constant 0xFF800000 : f32
    %broadcast_in_dim3A_766 = vector.shape_cast %eq3A_764 : vector<1000x1xi1> to vector<1000x1xi1>
    %broadcast_in_dim3A_767 = vector.broadcast %broadcast_in_dim3A_766 : vector<1000x1xi1> to vector<1000x128xi1>
    %broadcast_in_dim3A_768 = vector.broadcast %jit3A_765 : f32 to vector<1000x128xf32>
    %select_n3A_769 = arith.select %broadcast_in_dim3A_767, %get3A_3, %broadcast_in_dim3A_768 : vector<1000x128xi1>, vector<1000x128xf32>
    %reduce_max3A_770 = arith.constant dense<0xFF800000> : vector<128xf32>
    %reduce_max3A_771 = vector.multi_reduction <maximumf>, %select_n3A_769, %reduce_max3A_770 [0] : vector<1000x128xf32> to vector<128xf32>
    %broadcast_in_dim3A_772 = vector.shape_cast %reduce_max3A_771 : vector<128xf32> to vector<1x128xf32>
    %get3A_773 = arith.constant 41 : index
    %get3A_774 = arith.constant 0 : index
    %get3A_775 = vector.load %arg10[%get3A_773, %get3A_774] : memref<64x128xf32, #tpu.memory_space<vmem>>, vector<1x128xf32>
    %max3A_776 = arith.maximumf %get3A_775, %broadcast_in_dim3A_772 : vector<1x128xf32>
    %swap3A_777 = arith.constant 41 : index
    %swap3A_778 = arith.constant 0 : index
    %swap3A_779 = vector.load %arg10[%swap3A_777, %swap3A_778] : memref<64x128xf32, #tpu.memory_space<vmem>>, vector<1x128xf32>
    tpu.vector_store %arg10[%swap3A_777, %swap3A_778], %max3A_776 {strides = array<i32>} : memref<64x128xf32, #tpu.memory_space<vmem>>, vector<1x128xf32>,
    %eq3A_780 = arith.constant 42 : i32
    %eq3A_781 = vector.broadcast %eq3A_780 : i32 to vector<1000x1xi32>
    %eq3A_782 = arith.cmpi eq, %get3A_6, %eq3A_781 : vector<1000x1xi32>
    %jit3A_783 = arith.constant 0xFF800000 : f32
    %broadcast_in_dim3A_784 = vector.shape_cast %eq3A_782 : vector<1000x1xi1> to vector<1000x1xi1>
    %broadcast_in_dim3A_785 = vector.broadcast %broadcast_in_dim3A_784 : vector<1000x1xi1> to vector<1000x128xi1>
    %broadcast_in_dim3A_786 = vector.broadcast %jit3A_783 : f32 to vector<1000x128xf32>
    %select_n3A_787 = arith.select %broadcast_in_dim3A_785, %get3A_3, %broadcast_in_dim3A_786 : vector<1000x128xi1>, vector<1000x128xf32>
    %reduce_max3A_788 = arith.constant dense<0xFF800000> : vector<128xf32>
    %reduce_max3A_789 = vector.multi_reduction <maximumf>, %select_n3A_787, %reduce_max3A_788 [0] : vector<1000x128xf32> to vector<128xf32>
    %broadcast_in_dim3A_790 = vector.shape_cast %reduce_max3A_789 : vector<128xf32> to vector<1x128xf32>
    %get3A_791 = arith.constant 42 : index
    %get3A_792 = arith.constant 0 : index
    %get3A_793 = vector.load %arg10[%get3A_791, %get3A_792] : memref<64x128xf32, #tpu.memory_space<vmem>>, vector<1x128xf32>
    %max3A_794 = arith.maximumf %get3A_793, %broadcast_in_dim3A_790 : vector<1x128xf32>
    %swap3A_795 = arith.constant 42 : index
    %swap3A_796 = arith.constant 0 : index
    %swap3A_797 = vector.load %arg10[%swap3A_795, %swap3A_796] : memref<64x128xf32, #tpu.memory_space<vmem>>, vector<1x128xf32>
    tpu.vector_store %arg10[%swap3A_795, %swap3A_796], %max3A_794 {strides = array<i32>} : memref<64x128xf32, #tpu.memory_space<vmem>>, vector<1x128xf32>,
    %eq3A_798 = arith.constant 43 : i32
    %eq3A_799 = vector.broadcast %eq3A_798 : i32 to vector<1000x1xi32>
    %eq3A_800 = arith.cmpi eq, %get3A_6, %eq3A_799 : vector<1000x1xi32>
    %jit3A_801 = arith.constant 0xFF800000 : f32
    %broadcast_in_dim3A_802 = vector.shape_cast %eq3A_800 : vector<1000x1xi1> to vector<1000x1xi1>
    %broadcast_in_dim3A_803 = vector.broadcast %broadcast_in_dim3A_802 : vector<1000x1xi1> to vector<1000x128xi1>
    %broadcast_in_dim3A_804 = vector.broadcast %jit3A_801 : f32 to vector<1000x128xf32>
    %select_n3A_805 = arith.select %broadcast_in_dim3A_803, %get3A_3, %broadcast_in_dim3A_804 : vector<1000x128xi1>, vector<1000x128xf32>
    %reduce_max3A_806 = arith.constant dense<0xFF800000> : vector<128xf32>
    %reduce_max3A_807 = vector.multi_reduction <maximumf>, %select_n3A_805, %reduce_max3A_806 [0] : vector<1000x128xf32> to vector<128xf32>
    %broadcast_in_dim3A_808 = vector.shape_cast %reduce_max3A_807 : vector<128xf32> to vector<1x128xf32>
    %get3A_809 = arith.constant 43 : index
    %get3A_810 = arith.constant 0 : index
    %get3A_811 = vector.load %arg10[%get3A_809, %get3A_810] : memref<64x128xf32, #tpu.memory_space<vmem>>, vector<1x128xf32>
    %max3A_812 = arith.maximumf %get3A_811, %broadcast_in_dim3A_808 : vector<1x128xf32>
    %swap3A_813 = arith.constant 43 : index
    %swap3A_814 = arith.constant 0 : index
    %swap3A_815 = vector.load %arg10[%swap3A_813, %swap3A_814] : memref<64x128xf32, #tpu.memory_space<vmem>>, vector<1x128xf32>
    tpu.vector_store %arg10[%swap3A_813, %swap3A_814], %max3A_812 {strides = array<i32>} : memref<64x128xf32, #tpu.memory_space<vmem>>, vector<1x128xf32>,
    %eq3A_816 = arith.constant 44 : i32
    %eq3A_817 = vector.broadcast %eq3A_816 : i32 to vector<1000x1xi32>
    %eq3A_818 = arith.cmpi eq, %get3A_6, %eq3A_817 : vector<1000x1xi32>
    %jit3A_819 = arith.constant 0xFF800000 : f32
    %broadcast_in_dim3A_820 = vector.shape_cast %eq3A_818 : vector<1000x1xi1> to vector<1000x1xi1>
    %broadcast_in_dim3A_821 = vector.broadcast %broadcast_in_dim3A_820 : vector<1000x1xi1> to vector<1000x128xi1>
    %broadcast_in_dim3A_822 = vector.broadcast %jit3A_819 : f32 to vector<1000x128xf32>
    %select_n3A_823 = arith.select %broadcast_in_dim3A_821, %get3A_3, %broadcast_in_dim3A_822 : vector<1000x128xi1>, vector<1000x128xf32>
    %reduce_max3A_824 = arith.constant dense<0xFF800000> : vector<128xf32>
    %reduce_max3A_825 = vector.multi_reduction <maximumf>, %select_n3A_823, %reduce_max3A_824 [0] : vector<1000x128xf32> to vector<128xf32>
    %broadcast_in_dim3A_826 = vector.shape_cast %reduce_max3A_825 : vector<128xf32> to vector<1x128xf32>
    %get3A_827 = arith.constant 44 : index
    %get3A_828 = arith.constant 0 : index
    %get3A_829 = vector.load %arg10[%get3A_827, %get3A_828] : memref<64x128xf32, #tpu.memory_space<vmem>>, vector<1x128xf32>
    %max3A_830 = arith.maximumf %get3A_829, %broadcast_in_dim3A_826 : vector<1x128xf32>
    %swap3A_831 = arith.constant 44 : index
    %swap3A_832 = arith.constant 0 : index
    %swap3A_833 = vector.load %arg10[%swap3A_831, %swap3A_832] : memref<64x128xf32, #tpu.memory_space<vmem>>, vector<1x128xf32>
    tpu.vector_store %arg10[%swap3A_831, %swap3A_832], %max3A_830 {strides = array<i32>} : memref<64x128xf32, #tpu.memory_space<vmem>>, vector<1x128xf32>,
    %eq3A_834 = arith.constant 45 : i32
    %eq3A_835 = vector.broadcast %eq3A_834 : i32 to vector<1000x1xi32>
    %eq3A_836 = arith.cmpi eq, %get3A_6, %eq3A_835 : vector<1000x1xi32>
    %jit3A_837 = arith.constant 0xFF800000 : f32
    %broadcast_in_dim3A_838 = vector.shape_cast %eq3A_836 : vector<1000x1xi1> to vector<1000x1xi1>
    %broadcast_in_dim3A_839 = vector.broadcast %broadcast_in_dim3A_838 : vector<1000x1xi1> to vector<1000x128xi1>
    %broadcast_in_dim3A_840 = vector.broadcast %jit3A_837 : f32 to vector<1000x128xf32>
    %select_n3A_841 = arith.select %broadcast_in_dim3A_839, %get3A_3, %broadcast_in_dim3A_840 : vector<1000x128xi1>, vector<1000x128xf32>
    %reduce_max3A_842 = arith.constant dense<0xFF800000> : vector<128xf32>
    %reduce_max3A_843 = vector.multi_reduction <maximumf>, %select_n3A_841, %reduce_max3A_842 [0] : vector<1000x128xf32> to vector<128xf32>
    %broadcast_in_dim3A_844 = vector.shape_cast %reduce_max3A_843 : vector<128xf32> to vector<1x128xf32>
    %get3A_845 = arith.constant 45 : index
    %get3A_846 = arith.constant 0 : index
    %get3A_847 = vector.load %arg10[%get3A_845, %get3A_846] : memref<64x128xf32, #tpu.memory_space<vmem>>, vector<1x128xf32>
    %max3A_848 = arith.maximumf %get3A_847, %broadcast_in_dim3A_844 : vector<1x128xf32>
    %swap3A_849 = arith.constant 45 : index
    %swap3A_850 = arith.constant 0 : index
    %swap3A_851 = vector.load %arg10[%swap3A_849, %swap3A_850] : memref<64x128xf32, #tpu.memory_space<vmem>>, vector<1x128xf32>
    tpu.vector_store %arg10[%swap3A_849, %swap3A_850], %max3A_848 {strides = array<i32>} : memref<64x128xf32, #tpu.memory_space<vmem>>, vector<1x128xf32>,
    %eq3A_852 = arith.constant 46 : i32
    %eq3A_853 = vector.broadcast %eq3A_852 : i32 to vector<1000x1xi32>
    %eq3A_854 = arith.cmpi eq, %get3A_6, %eq3A_853 : vector<1000x1xi32>
    %jit3A_855 = arith.constant 0xFF800000 : f32
    %broadcast_in_dim3A_856 = vector.shape_cast %eq3A_854 : vector<1000x1xi1> to vector<1000x1xi1>
    %broadcast_in_dim3A_857 = vector.broadcast %broadcast_in_dim3A_856 : vector<1000x1xi1> to vector<1000x128xi1>
    %broadcast_in_dim3A_858 = vector.broadcast %jit3A_855 : f32 to vector<1000x128xf32>
    %select_n3A_859 = arith.select %broadcast_in_dim3A_857, %get3A_3, %broadcast_in_dim3A_858 : vector<1000x128xi1>, vector<1000x128xf32>
    %reduce_max3A_860 = arith.constant dense<0xFF800000> : vector<128xf32>
    %reduce_max3A_861 = vector.multi_reduction <maximumf>, %select_n3A_859, %reduce_max3A_860 [0] : vector<1000x128xf32> to vector<128xf32>
    %broadcast_in_dim3A_862 = vector.shape_cast %reduce_max3A_861 : vector<128xf32> to vector<1x128xf32>
    %get3A_863 = arith.constant 46 : index
    %get3A_864 = arith.constant 0 : index
    %get3A_865 = vector.load %arg10[%get3A_863, %get3A_864] : memref<64x128xf32, #tpu.memory_space<vmem>>, vector<1x128xf32>
    %max3A_866 = arith.maximumf %get3A_865, %broadcast_in_dim3A_862 : vector<1x128xf32>
    %swap3A_867 = arith.constant 46 : index
    %swap3A_868 = arith.constant 0 : index
    %swap3A_869 = vector.load %arg10[%swap3A_867, %swap3A_868] : memref<64x128xf32, #tpu.memory_space<vmem>>, vector<1x128xf32>
    tpu.vector_store %arg10[%swap3A_867, %swap3A_868], %max3A_866 {strides = array<i32>} : memref<64x128xf32, #tpu.memory_space<vmem>>, vector<1x128xf32>,
    %eq3A_870 = arith.constant 47 : i32
    %eq3A_871 = vector.broadcast %eq3A_870 : i32 to vector<1000x1xi32>
    %eq3A_872 = arith.cmpi eq, %get3A_6, %eq3A_871 : vector<1000x1xi32>
    %jit3A_873 = arith.constant 0xFF800000 : f32
    %broadcast_in_dim3A_874 = vector.shape_cast %eq3A_872 : vector<1000x1xi1> to vector<1000x1xi1>
    %broadcast_in_dim3A_875 = vector.broadcast %broadcast_in_dim3A_874 : vector<1000x1xi1> to vector<1000x128xi1>
    %broadcast_in_dim3A_876 = vector.broadcast %jit3A_873 : f32 to vector<1000x128xf32>
    %select_n3A_877 = arith.select %broadcast_in_dim3A_875, %get3A_3, %broadcast_in_dim3A_876 : vector<1000x128xi1>, vector<1000x128xf32>
    %reduce_max3A_878 = arith.constant dense<0xFF800000> : vector<128xf32>
    %reduce_max3A_879 = vector.multi_reduction <maximumf>, %select_n3A_877, %reduce_max3A_878 [0] : vector<1000x128xf32> to vector<128xf32>
    %broadcast_in_dim3A_880 = vector.shape_cast %reduce_max3A_879 : vector<128xf32> to vector<1x128xf32>
    %get3A_881 = arith.constant 47 : index
    %get3A_882 = arith.constant 0 : index
    %get3A_883 = vector.load %arg10[%get3A_881, %get3A_882] : memref<64x128xf32, #tpu.memory_space<vmem>>, vector<1x128xf32>
    %max3A_884 = arith.maximumf %get3A_883, %broadcast_in_dim3A_880 : vector<1x128xf32>
    %swap3A_885 = arith.constant 47 : index
    %swap3A_886 = arith.constant 0 : index
    %swap3A_887 = vector.load %arg10[%swap3A_885, %swap3A_886] : memref<64x128xf32, #tpu.memory_space<vmem>>, vector<1x128xf32>
    tpu.vector_store %arg10[%swap3A_885, %swap3A_886], %max3A_884 {strides = array<i32>} : memref<64x128xf32, #tpu.memory_space<vmem>>, vector<1x128xf32>,
    %eq3A_888 = arith.constant 48 : i32
    %eq3A_889 = vector.broadcast %eq3A_888 : i32 to vector<1000x1xi32>
    %eq3A_890 = arith.cmpi eq, %get3A_6, %eq3A_889 : vector<1000x1xi32>
    %jit3A_891 = arith.constant 0xFF800000 : f32
    %broadcast_in_dim3A_892 = vector.shape_cast %eq3A_890 : vector<1000x1xi1> to vector<1000x1xi1>
    %broadcast_in_dim3A_893 = vector.broadcast %broadcast_in_dim3A_892 : vector<1000x1xi1> to vector<1000x128xi1>
    %broadcast_in_dim3A_894 = vector.broadcast %jit3A_891 : f32 to vector<1000x128xf32>
    %select_n3A_895 = arith.select %broadcast_in_dim3A_893, %get3A_3, %broadcast_in_dim3A_894 : vector<1000x128xi1>, vector<1000x128xf32>
    %reduce_max3A_896 = arith.constant dense<0xFF800000> : vector<128xf32>
    %reduce_max3A_897 = vector.multi_reduction <maximumf>, %select_n3A_895, %reduce_max3A_896 [0] : vector<1000x128xf32> to vector<128xf32>
    %broadcast_in_dim3A_898 = vector.shape_cast %reduce_max3A_897 : vector<128xf32> to vector<1x128xf32>
    %get3A_899 = arith.constant 48 : index
    %get3A_900 = arith.constant 0 : index
    %get3A_901 = vector.load %arg10[%get3A_899, %get3A_900] : memref<64x128xf32, #tpu.memory_space<vmem>>, vector<1x128xf32>
    %max3A_902 = arith.maximumf %get3A_901, %broadcast_in_dim3A_898 : vector<1x128xf32>
    %swap3A_903 = arith.constant 48 : index
    %swap3A_904 = arith.constant 0 : index
    %swap3A_905 = vector.load %arg10[%swap3A_903, %swap3A_904] : memref<64x128xf32, #tpu.memory_space<vmem>>, vector<1x128xf32>
    tpu.vector_store %arg10[%swap3A_903, %swap3A_904], %max3A_902 {strides = array<i32>} : memref<64x128xf32, #tpu.memory_space<vmem>>, vector<1x128xf32>,
    %eq3A_906 = arith.constant 49 : i32
    %eq3A_907 = vector.broadcast %eq3A_906 : i32 to vector<1000x1xi32>
    %eq3A_908 = arith.cmpi eq, %get3A_6, %eq3A_907 : vector<1000x1xi32>
    %jit3A_909 = arith.constant 0xFF800000 : f32
    %broadcast_in_dim3A_910 = vector.shape_cast %eq3A_908 : vector<1000x1xi1> to vector<1000x1xi1>
    %broadcast_in_dim3A_911 = vector.broadcast %broadcast_in_dim3A_910 : vector<1000x1xi1> to vector<1000x128xi1>
    %broadcast_in_dim3A_912 = vector.broadcast %jit3A_909 : f32 to vector<1000x128xf32>
    %select_n3A_913 = arith.select %broadcast_in_dim3A_911, %get3A_3, %broadcast_in_dim3A_912 : vector<1000x128xi1>, vector<1000x128xf32>
    %reduce_max3A_914 = arith.constant dense<0xFF800000> : vector<128xf32>
    %reduce_max3A_915 = vector.multi_reduction <maximumf>, %select_n3A_913, %reduce_max3A_914 [0] : vector<1000x128xf32> to vector<128xf32>
    %broadcast_in_dim3A_916 = vector.shape_cast %reduce_max3A_915 : vector<128xf32> to vector<1x128xf32>
    %get3A_917 = arith.constant 49 : index
    %get3A_918 = arith.constant 0 : index
    %get3A_919 = vector.load %arg10[%get3A_917, %get3A_918] : memref<64x128xf32, #tpu.memory_space<vmem>>, vector<1x128xf32>
    %max3A_920 = arith.maximumf %get3A_919, %broadcast_in_dim3A_916 : vector<1x128xf32>
    %swap3A_921 = arith.constant 49 : index
    %swap3A_922 = arith.constant 0 : index
    %swap3A_923 = vector.load %arg10[%swap3A_921, %swap3A_922] : memref<64x128xf32, #tpu.memory_space<vmem>>, vector<1x128xf32>
    tpu.vector_store %arg10[%swap3A_921, %swap3A_922], %max3A_920 {strides = array<i32>} : memref<64x128xf32, #tpu.memory_space<vmem>>, vector<1x128xf32>,
    %eq3A_924 = arith.constant 50 : i32
    %eq3A_925 = vector.broadcast %eq3A_924 : i32 to vector<1000x1xi32>
    %eq3A_926 = arith.cmpi eq, %get3A_6, %eq3A_925 : vector<1000x1xi32>
    %jit3A_927 = arith.constant 0xFF800000 : f32
    %broadcast_in_dim3A_928 = vector.shape_cast %eq3A_926 : vector<1000x1xi1> to vector<1000x1xi1>
    %broadcast_in_dim3A_929 = vector.broadcast %broadcast_in_dim3A_928 : vector<1000x1xi1> to vector<1000x128xi1>
    %broadcast_in_dim3A_930 = vector.broadcast %jit3A_927 : f32 to vector<1000x128xf32>
    %select_n3A_931 = arith.select %broadcast_in_dim3A_929, %get3A_3, %broadcast_in_dim3A_930 : vector<1000x128xi1>, vector<1000x128xf32>
    %reduce_max3A_932 = arith.constant dense<0xFF800000> : vector<128xf32>
    %reduce_max3A_933 = vector.multi_reduction <maximumf>, %select_n3A_931, %reduce_max3A_932 [0] : vector<1000x128xf32> to vector<128xf32>
    %broadcast_in_dim3A_934 = vector.shape_cast %reduce_max3A_933 : vector<128xf32> to vector<1x128xf32>
    %get3A_935 = arith.constant 50 : index
    %get3A_936 = arith.constant 0 : index
    %get3A_937 = vector.load %arg10[%get3A_935, %get3A_936] : memref<64x128xf32, #tpu.memory_space<vmem>>, vector<1x128xf32>
    %max3A_938 = arith.maximumf %get3A_937, %broadcast_in_dim3A_934 : vector<1x128xf32>
    %swap3A_939 = arith.constant 50 : index
    %swap3A_940 = arith.constant 0 : index
    %swap3A_941 = vector.load %arg10[%swap3A_939, %swap3A_940] : memref<64x128xf32, #tpu.memory_space<vmem>>, vector<1x128xf32>
    tpu.vector_store %arg10[%swap3A_939, %swap3A_940], %max3A_938 {strides = array<i32>} : memref<64x128xf32, #tpu.memory_space<vmem>>, vector<1x128xf32>,
    %eq3A_942 = arith.constant 51 : i32
    %eq3A_943 = vector.broadcast %eq3A_942 : i32 to vector<1000x1xi32>
    %eq3A_944 = arith.cmpi eq, %get3A_6, %eq3A_943 : vector<1000x1xi32>
    %jit3A_945 = arith.constant 0xFF800000 : f32
    %broadcast_in_dim3A_946 = vector.shape_cast %eq3A_944 : vector<1000x1xi1> to vector<1000x1xi1>
    %broadcast_in_dim3A_947 = vector.broadcast %broadcast_in_dim3A_946 : vector<1000x1xi1> to vector<1000x128xi1>
    %broadcast_in_dim3A_948 = vector.broadcast %jit3A_945 : f32 to vector<1000x128xf32>
    %select_n3A_949 = arith.select %broadcast_in_dim3A_947, %get3A_3, %broadcast_in_dim3A_948 : vector<1000x128xi1>, vector<1000x128xf32>
    %reduce_max3A_950 = arith.constant dense<0xFF800000> : vector<128xf32>
    %reduce_max3A_951 = vector.multi_reduction <maximumf>, %select_n3A_949, %reduce_max3A_950 [0] : vector<1000x128xf32> to vector<128xf32>
    %broadcast_in_dim3A_952 = vector.shape_cast %reduce_max3A_951 : vector<128xf32> to vector<1x128xf32>
    %get3A_953 = arith.constant 51 : index
    %get3A_954 = arith.constant 0 : index
    %get3A_955 = vector.load %arg10[%get3A_953, %get3A_954] : memref<64x128xf32, #tpu.memory_space<vmem>>, vector<1x128xf32>
    %max3A_956 = arith.maximumf %get3A_955, %broadcast_in_dim3A_952 : vector<1x128xf32>
    %swap3A_957 = arith.constant 51 : index
    %swap3A_958 = arith.constant 0 : index
    %swap3A_959 = vector.load %arg10[%swap3A_957, %swap3A_958] : memref<64x128xf32, #tpu.memory_space<vmem>>, vector<1x128xf32>
    tpu.vector_store %arg10[%swap3A_957, %swap3A_958], %max3A_956 {strides = array<i32>} : memref<64x128xf32, #tpu.memory_space<vmem>>, vector<1x128xf32>,
    %eq3A_960 = arith.constant 52 : i32
    %eq3A_961 = vector.broadcast %eq3A_960 : i32 to vector<1000x1xi32>
    %eq3A_962 = arith.cmpi eq, %get3A_6, %eq3A_961 : vector<1000x1xi32>
    %jit3A_963 = arith.constant 0xFF800000 : f32
    %broadcast_in_dim3A_964 = vector.shape_cast %eq3A_962 : vector<1000x1xi1> to vector<1000x1xi1>
    %broadcast_in_dim3A_965 = vector.broadcast %broadcast_in_dim3A_964 : vector<1000x1xi1> to vector<1000x128xi1>
    %broadcast_in_dim3A_966 = vector.broadcast %jit3A_963 : f32 to vector<1000x128xf32>
    %select_n3A_967 = arith.select %broadcast_in_dim3A_965, %get3A_3, %broadcast_in_dim3A_966 : vector<1000x128xi1>, vector<1000x128xf32>
    %reduce_max3A_968 = arith.constant dense<0xFF800000> : vector<128xf32>
    %reduce_max3A_969 = vector.multi_reduction <maximumf>, %select_n3A_967, %reduce_max3A_968 [0] : vector<1000x128xf32> to vector<128xf32>
    %broadcast_in_dim3A_970 = vector.shape_cast %reduce_max3A_969 : vector<128xf32> to vector<1x128xf32>
    %get3A_971 = arith.constant 52 : index
    %get3A_972 = arith.constant 0 : index
    %get3A_973 = vector.load %arg10[%get3A_971, %get3A_972] : memref<64x128xf32, #tpu.memory_space<vmem>>, vector<1x128xf32>
    %max3A_974 = arith.maximumf %get3A_973, %broadcast_in_dim3A_970 : vector<1x128xf32>
    %swap3A_975 = arith.constant 52 : index
    %swap3A_976 = arith.constant 0 : index
    %swap3A_977 = vector.load %arg10[%swap3A_975, %swap3A_976] : memref<64x128xf32, #tpu.memory_space<vmem>>, vector<1x128xf32>
    tpu.vector_store %arg10[%swap3A_975, %swap3A_976], %max3A_974 {strides = array<i32>} : memref<64x128xf32, #tpu.memory_space<vmem>>, vector<1x128xf32>,
    %eq3A_978 = arith.constant 53 : i32
    %eq3A_979 = vector.broadcast %eq3A_978 : i32 to vector<1000x1xi32>
    %eq3A_980 = arith.cmpi eq, %get3A_6, %eq3A_979 : vector<1000x1xi32>
    %jit3A_981 = arith.constant 0xFF800000 : f32
    %broadcast_in_dim3A_982 = vector.shape_cast %eq3A_980 : vector<1000x1xi1> to vector<1000x1xi1>
    %broadcast_in_dim3A_983 = vector.broadcast %broadcast_in_dim3A_982 : vector<1000x1xi1> to vector<1000x128xi1>
    %broadcast_in_dim3A_984 = vector.broadcast %jit3A_981 : f32 to vector<1000x128xf32>
    %select_n3A_985 = arith.select %broadcast_in_dim3A_983, %get3A_3, %broadcast_in_dim3A_984 : vector<1000x128xi1>, vector<1000x128xf32>
    %reduce_max3A_986 = arith.constant dense<0xFF800000> : vector<128xf32>
    %reduce_max3A_987 = vector.multi_reduction <maximumf>, %select_n3A_985, %reduce_max3A_986 [0] : vector<1000x128xf32> to vector<128xf32>
    %broadcast_in_dim3A_988 = vector.shape_cast %reduce_max3A_987 : vector<128xf32> to vector<1x128xf32>
    %get3A_989 = arith.constant 53 : index
    %get3A_990 = arith.constant 0 : index
    %get3A_991 = vector.load %arg10[%get3A_989, %get3A_990] : memref<64x128xf32, #tpu.memory_space<vmem>>, vector<1x128xf32>
    %max3A_992 = arith.maximumf %get3A_991, %broadcast_in_dim3A_988 : vector<1x128xf32>
    %swap3A_993 = arith.constant 53 : index
    %swap3A_994 = arith.constant 0 : index
    %swap3A_995 = vector.load %arg10[%swap3A_993, %swap3A_994] : memref<64x128xf32, #tpu.memory_space<vmem>>, vector<1x128xf32>
    tpu.vector_store %arg10[%swap3A_993, %swap3A_994], %max3A_992 {strides = array<i32>} : memref<64x128xf32, #tpu.memory_space<vmem>>, vector<1x128xf32>,
    %eq3A_996 = arith.constant 54 : i32
    %eq3A_997 = vector.broadcast %eq3A_996 : i32 to vector<1000x1xi32>
    %eq3A_998 = arith.cmpi eq, %get3A_6, %eq3A_997 : vector<1000x1xi32>
    %jit3A_999 = arith.constant 0xFF800000 : f32
    %broadcast_in_dim3A_1000 = vector.shape_cast %eq3A_998 : vector<1000x1xi1> to vector<1000x1xi1>
    %broadcast_in_dim3A_1001 = vector.broadcast %broadcast_in_dim3A_1000 : vector<1000x1xi1> to vector<1000x128xi1>
    %broadcast_in_dim3A_1002 = vector.broadcast %jit3A_999 : f32 to vector<1000x128xf32>
    %select_n3A_1003 = arith.select %broadcast_in_dim3A_1001, %get3A_3, %broadcast_in_dim3A_1002 : vector<1000x128xi1>, vector<1000x128xf32>
    %reduce_max3A_1004 = arith.constant dense<0xFF800000> : vector<128xf32>
    %reduce_max3A_1005 = vector.multi_reduction <maximumf>, %select_n3A_1003, %reduce_max3A_1004 [0] : vector<1000x128xf32> to vector<128xf32>
    %broadcast_in_dim3A_1006 = vector.shape_cast %reduce_max3A_1005 : vector<128xf32> to vector<1x128xf32>
    %get3A_1007 = arith.constant 54 : index
    %get3A_1008 = arith.constant 0 : index
    %get3A_1009 = vector.load %arg10[%get3A_1007, %get3A_1008] : memref<64x128xf32, #tpu.memory_space<vmem>>, vector<1x128xf32>
    %max3A_1010 = arith.maximumf %get3A_1009, %broadcast_in_dim3A_1006 : vector<1x128xf32>
    %swap3A_1011 = arith.constant 54 : index
    %swap3A_1012 = arith.constant 0 : index
    %swap3A_1013 = vector.load %arg10[%swap3A_1011, %swap3A_1012] : memref<64x128xf32, #tpu.memory_space<vmem>>, vector<1x128xf32>
    tpu.vector_store %arg10[%swap3A_1011, %swap3A_1012], %max3A_1010 {strides = array<i32>} : memref<64x128xf32, #tpu.memory_space<vmem>>, vector<1x128xf32>,
    %eq3A_1014 = arith.constant 55 : i32
    %eq3A_1015 = vector.broadcast %eq3A_1014 : i32 to vector<1000x1xi32>
    %eq3A_1016 = arith.cmpi eq, %get3A_6, %eq3A_1015 : vector<1000x1xi32>
    %jit3A_1017 = arith.constant 0xFF800000 : f32
    %broadcast_in_dim3A_1018 = vector.shape_cast %eq3A_1016 : vector<1000x1xi1> to vector<1000x1xi1>
    %broadcast_in_dim3A_1019 = vector.broadcast %broadcast_in_dim3A_1018 : vector<1000x1xi1> to vector<1000x128xi1>
    %broadcast_in_dim3A_1020 = vector.broadcast %jit3A_1017 : f32 to vector<1000x128xf32>
    %select_n3A_1021 = arith.select %broadcast_in_dim3A_1019, %get3A_3, %broadcast_in_dim3A_1020 : vector<1000x128xi1>, vector<1000x128xf32>
    %reduce_max3A_1022 = arith.constant dense<0xFF800000> : vector<128xf32>
    %reduce_max3A_1023 = vector.multi_reduction <maximumf>, %select_n3A_1021, %reduce_max3A_1022 [0] : vector<1000x128xf32> to vector<128xf32>
    %broadcast_in_dim3A_1024 = vector.shape_cast %reduce_max3A_1023 : vector<128xf32> to vector<1x128xf32>
    %get3A_1025 = arith.constant 55 : index
    %get3A_1026 = arith.constant 0 : index
    %get3A_1027 = vector.load %arg10[%get3A_1025, %get3A_1026] : memref<64x128xf32, #tpu.memory_space<vmem>>, vector<1x128xf32>
    %max3A_1028 = arith.maximumf %get3A_1027, %broadcast_in_dim3A_1024 : vector<1x128xf32>
    %swap3A_1029 = arith.constant 55 : index
    %swap3A_1030 = arith.constant 0 : index
    %swap3A_1031 = vector.load %arg10[%swap3A_1029, %swap3A_1030] : memref<64x128xf32, #tpu.memory_space<vmem>>, vector<1x128xf32>
    tpu.vector_store %arg10[%swap3A_1029, %swap3A_1030], %max3A_1028 {strides = array<i32>} : memref<64x128xf32, #tpu.memory_space<vmem>>, vector<1x128xf32>,
    %eq3A_1032 = arith.constant 56 : i32
    %eq3A_1033 = vector.broadcast %eq3A_1032 : i32 to vector<1000x1xi32>
    %eq3A_1034 = arith.cmpi eq, %get3A_6, %eq3A_1033 : vector<1000x1xi32>
    %jit3A_1035 = arith.constant 0xFF800000 : f32
    %broadcast_in_dim3A_1036 = vector.shape_cast %eq3A_1034 : vector<1000x1xi1> to vector<1000x1xi1>
    %broadcast_in_dim3A_1037 = vector.broadcast %broadcast_in_dim3A_1036 : vector<1000x1xi1> to vector<1000x128xi1>
    %broadcast_in_dim3A_1038 = vector.broadcast %jit3A_1035 : f32 to vector<1000x128xf32>
    %select_n3A_1039 = arith.select %broadcast_in_dim3A_1037, %get3A_3, %broadcast_in_dim3A_1038 : vector<1000x128xi1>, vector<1000x128xf32>
    %reduce_max3A_1040 = arith.constant dense<0xFF800000> : vector<128xf32>
    %reduce_max3A_1041 = vector.multi_reduction <maximumf>, %select_n3A_1039, %reduce_max3A_1040 [0] : vector<1000x128xf32> to vector<128xf32>
    %broadcast_in_dim3A_1042 = vector.shape_cast %reduce_max3A_1041 : vector<128xf32> to vector<1x128xf32>
    %get3A_1043 = arith.constant 56 : index
    %get3A_1044 = arith.constant 0 : index
    %get3A_1045 = vector.load %arg10[%get3A_1043, %get3A_1044] : memref<64x128xf32, #tpu.memory_space<vmem>>, vector<1x128xf32>
    %max3A_1046 = arith.maximumf %get3A_1045, %broadcast_in_dim3A_1042 : vector<1x128xf32>
    %swap3A_1047 = arith.constant 56 : index
    %swap3A_1048 = arith.constant 0 : index
    %swap3A_1049 = vector.load %arg10[%swap3A_1047, %swap3A_1048] : memref<64x128xf32, #tpu.memory_space<vmem>>, vector<1x128xf32>
    tpu.vector_store %arg10[%swap3A_1047, %swap3A_1048], %max3A_1046 {strides = array<i32>} : memref<64x128xf32, #tpu.memory_space<vmem>>, vector<1x128xf32>,
    %eq3A_1050 = arith.constant 57 : i32
    %eq3A_1051 = vector.broadcast %eq3A_1050 : i32 to vector<1000x1xi32>
    %eq3A_1052 = arith.cmpi eq, %get3A_6, %eq3A_1051 : vector<1000x1xi32>
    %jit3A_1053 = arith.constant 0xFF800000 : f32
    %broadcast_in_dim3A_1054 = vector.shape_cast %eq3A_1052 : vector<1000x1xi1> to vector<1000x1xi1>
    %broadcast_in_dim3A_1055 = vector.broadcast %broadcast_in_dim3A_1054 : vector<1000x1xi1> to vector<1000x128xi1>
    %broadcast_in_dim3A_1056 = vector.broadcast %jit3A_1053 : f32 to vector<1000x128xf32>
    %select_n3A_1057 = arith.select %broadcast_in_dim3A_1055, %get3A_3, %broadcast_in_dim3A_1056 : vector<1000x128xi1>, vector<1000x128xf32>
    %reduce_max3A_1058 = arith.constant dense<0xFF800000> : vector<128xf32>
    %reduce_max3A_1059 = vector.multi_reduction <maximumf>, %select_n3A_1057, %reduce_max3A_1058 [0] : vector<1000x128xf32> to vector<128xf32>
    %broadcast_in_dim3A_1060 = vector.shape_cast %reduce_max3A_1059 : vector<128xf32> to vector<1x128xf32>
    %get3A_1061 = arith.constant 57 : index
    %get3A_1062 = arith.constant 0 : index
    %get3A_1063 = vector.load %arg10[%get3A_1061, %get3A_1062] : memref<64x128xf32, #tpu.memory_space<vmem>>, vector<1x128xf32>
    %max3A_1064 = arith.maximumf %get3A_1063, %broadcast_in_dim3A_1060 : vector<1x128xf32>
    %swap3A_1065 = arith.constant 57 : index
    %swap3A_1066 = arith.constant 0 : index
    %swap3A_1067 = vector.load %arg10[%swap3A_1065, %swap3A_1066] : memref<64x128xf32, #tpu.memory_space<vmem>>, vector<1x128xf32>
    tpu.vector_store %arg10[%swap3A_1065, %swap3A_1066], %max3A_1064 {strides = array<i32>} : memref<64x128xf32, #tpu.memory_space<vmem>>, vector<1x128xf32>,
    %eq3A_1068 = arith.constant 58 : i32
    %eq3A_1069 = vector.broadcast %eq3A_1068 : i32 to vector<1000x1xi32>
    %eq3A_1070 = arith.cmpi eq, %get3A_6, %eq3A_1069 : vector<1000x1xi32>
    %jit3A_1071 = arith.constant 0xFF800000 : f32
    %broadcast_in_dim3A_1072 = vector.shape_cast %eq3A_1070 : vector<1000x1xi1> to vector<1000x1xi1>
    %broadcast_in_dim3A_1073 = vector.broadcast %broadcast_in_dim3A_1072 : vector<1000x1xi1> to vector<1000x128xi1>
    %broadcast_in_dim3A_1074 = vector.broadcast %jit3A_1071 : f32 to vector<1000x128xf32>
    %select_n3A_1075 = arith.select %broadcast_in_dim3A_1073, %get3A_3, %broadcast_in_dim3A_1074 : vector<1000x128xi1>, vector<1000x128xf32>
    %reduce_max3A_1076 = arith.constant dense<0xFF800000> : vector<128xf32>
    %reduce_max3A_1077 = vector.multi_reduction <maximumf>, %select_n3A_1075, %reduce_max3A_1076 [0] : vector<1000x128xf32> to vector<128xf32>
    %broadcast_in_dim3A_1078 = vector.shape_cast %reduce_max3A_1077 : vector<128xf32> to vector<1x128xf32>
    %get3A_1079 = arith.constant 58 : index
    %get3A_1080 = arith.constant 0 : index
    %get3A_1081 = vector.load %arg10[%get3A_1079, %get3A_1080] : memref<64x128xf32, #tpu.memory_space<vmem>>, vector<1x128xf32>
    %max3A_1082 = arith.maximumf %get3A_1081, %broadcast_in_dim3A_1078 : vector<1x128xf32>
    %swap3A_1083 = arith.constant 58 : index
    %swap3A_1084 = arith.constant 0 : index
    %swap3A_1085 = vector.load %arg10[%swap3A_1083, %swap3A_1084] : memref<64x128xf32, #tpu.memory_space<vmem>>, vector<1x128xf32>
    tpu.vector_store %arg10[%swap3A_1083, %swap3A_1084], %max3A_1082 {strides = array<i32>} : memref<64x128xf32, #tpu.memory_space<vmem>>, vector<1x128xf32>,
    %eq3A_1086 = arith.constant 59 : i32
    %eq3A_1087 = vector.broadcast %eq3A_1086 : i32 to vector<1000x1xi32>
    %eq3A_1088 = arith.cmpi eq, %get3A_6, %eq3A_1087 : vector<1000x1xi32>
    %jit3A_1089 = arith.constant 0xFF800000 : f32
    %broadcast_in_dim3A_1090 = vector.shape_cast %eq3A_1088 : vector<1000x1xi1> to vector<1000x1xi1>
    %broadcast_in_dim3A_1091 = vector.broadcast %broadcast_in_dim3A_1090 : vector<1000x1xi1> to vector<1000x128xi1>
    %broadcast_in_dim3A_1092 = vector.broadcast %jit3A_1089 : f32 to vector<1000x128xf32>
    %select_n3A_1093 = arith.select %broadcast_in_dim3A_1091, %get3A_3, %broadcast_in_dim3A_1092 : vector<1000x128xi1>, vector<1000x128xf32>
    %reduce_max3A_1094 = arith.constant dense<0xFF800000> : vector<128xf32>
    %reduce_max3A_1095 = vector.multi_reduction <maximumf>, %select_n3A_1093, %reduce_max3A_1094 [0] : vector<1000x128xf32> to vector<128xf32>
    %broadcast_in_dim3A_1096 = vector.shape_cast %reduce_max3A_1095 : vector<128xf32> to vector<1x128xf32>
    %get3A_1097 = arith.constant 59 : index
    %get3A_1098 = arith.constant 0 : index
    %get3A_1099 = vector.load %arg10[%get3A_1097, %get3A_1098] : memref<64x128xf32, #tpu.memory_space<vmem>>, vector<1x128xf32>
    %max3A_1100 = arith.maximumf %get3A_1099, %broadcast_in_dim3A_1096 : vector<1x128xf32>
    %swap3A_1101 = arith.constant 59 : index
    %swap3A_1102 = arith.constant 0 : index
    %swap3A_1103 = vector.load %arg10[%swap3A_1101, %swap3A_1102] : memref<64x128xf32, #tpu.memory_space<vmem>>, vector<1x128xf32>
    tpu.vector_store %arg10[%swap3A_1101, %swap3A_1102], %max3A_1100 {strides = array<i32>} : memref<64x128xf32, #tpu.memory_space<vmem>>, vector<1x128xf32>,
    %eq3A_1104 = arith.constant 60 : i32
    %eq3A_1105 = vector.broadcast %eq3A_1104 : i32 to vector<1000x1xi32>
    %eq3A_1106 = arith.cmpi eq, %get3A_6, %eq3A_1105 : vector<1000x1xi32>
    %jit3A_1107 = arith.constant 0xFF800000 : f32
    %broadcast_in_dim3A_1108 = vector.shape_cast %eq3A_1106 : vector<1000x1xi1> to vector<1000x1xi1>
    %broadcast_in_dim3A_1109 = vector.broadcast %broadcast_in_dim3A_1108 : vector<1000x1xi1> to vector<1000x128xi1>
    %broadcast_in_dim3A_1110 = vector.broadcast %jit3A_1107 : f32 to vector<1000x128xf32>
    %select_n3A_1111 = arith.select %broadcast_in_dim3A_1109, %get3A_3, %broadcast_in_dim3A_1110 : vector<1000x128xi1>, vector<1000x128xf32>
    %reduce_max3A_1112 = arith.constant dense<0xFF800000> : vector<128xf32>
    %reduce_max3A_1113 = vector.multi_reduction <maximumf>, %select_n3A_1111, %reduce_max3A_1112 [0] : vector<1000x128xf32> to vector<128xf32>
    %broadcast_in_dim3A_1114 = vector.shape_cast %reduce_max3A_1113 : vector<128xf32> to vector<1x128xf32>
    %get3A_1115 = arith.constant 60 : index
    %get3A_1116 = arith.constant 0 : index
    %get3A_1117 = vector.load %arg10[%get3A_1115, %get3A_1116] : memref<64x128xf32, #tpu.memory_space<vmem>>, vector<1x128xf32>
    %max3A_1118 = arith.maximumf %get3A_1117, %broadcast_in_dim3A_1114 : vector<1x128xf32>
    %swap3A_1119 = arith.constant 60 : index
    %swap3A_1120 = arith.constant 0 : index
    %swap3A_1121 = vector.load %arg10[%swap3A_1119, %swap3A_1120] : memref<64x128xf32, #tpu.memory_space<vmem>>, vector<1x128xf32>
    tpu.vector_store %arg10[%swap3A_1119, %swap3A_1120], %max3A_1118 {strides = array<i32>} : memref<64x128xf32, #tpu.memory_space<vmem>>, vector<1x128xf32>,
    %eq3A_1122 = arith.constant 61 : i32
    %eq3A_1123 = vector.broadcast %eq3A_1122 : i32 to vector<1000x1xi32>
    %eq3A_1124 = arith.cmpi eq, %get3A_6, %eq3A_1123 : vector<1000x1xi32>
    %jit3A_1125 = arith.constant 0xFF800000 : f32
    %broadcast_in_dim3A_1126 = vector.shape_cast %eq3A_1124 : vector<1000x1xi1> to vector<1000x1xi1>
    %broadcast_in_dim3A_1127 = vector.broadcast %broadcast_in_dim3A_1126 : vector<1000x1xi1> to vector<1000x128xi1>
    %broadcast_in_dim3A_1128 = vector.broadcast %jit3A_1125 : f32 to vector<1000x128xf32>
    %select_n3A_1129 = arith.select %broadcast_in_dim3A_1127, %get3A_3, %broadcast_in_dim3A_1128 : vector<1000x128xi1>, vector<1000x128xf32>
    %reduce_max3A_1130 = arith.constant dense<0xFF800000> : vector<128xf32>
    %reduce_max3A_1131 = vector.multi_reduction <maximumf>, %select_n3A_1129, %reduce_max3A_1130 [0] : vector<1000x128xf32> to vector<128xf32>
    %broadcast_in_dim3A_1132 = vector.shape_cast %reduce_max3A_1131 : vector<128xf32> to vector<1x128xf32>
    %get3A_1133 = arith.constant 61 : index
    %get3A_1134 = arith.constant 0 : index
    %get3A_1135 = vector.load %arg10[%get3A_1133, %get3A_1134] : memref<64x128xf32, #tpu.memory_space<vmem>>, vector<1x128xf32>
    %max3A_1136 = arith.maximumf %get3A_1135, %broadcast_in_dim3A_1132 : vector<1x128xf32>
    %swap3A_1137 = arith.constant 61 : index
    %swap3A_1138 = arith.constant 0 : index
    %swap3A_1139 = vector.load %arg10[%swap3A_1137, %swap3A_1138] : memref<64x128xf32, #tpu.memory_space<vmem>>, vector<1x128xf32>
    tpu.vector_store %arg10[%swap3A_1137, %swap3A_1138], %max3A_1136 {strides = array<i32>} : memref<64x128xf32, #tpu.memory_space<vmem>>, vector<1x128xf32>,
    %eq3A_1140 = arith.constant 62 : i32
    %eq3A_1141 = vector.broadcast %eq3A_1140 : i32 to vector<1000x1xi32>
    %eq3A_1142 = arith.cmpi eq, %get3A_6, %eq3A_1141 : vector<1000x1xi32>
    %jit3A_1143 = arith.constant 0xFF800000 : f32
    %broadcast_in_dim3A_1144 = vector.shape_cast %eq3A_1142 : vector<1000x1xi1> to vector<1000x1xi1>
    %broadcast_in_dim3A_1145 = vector.broadcast %broadcast_in_dim3A_1144 : vector<1000x1xi1> to vector<1000x128xi1>
    %broadcast_in_dim3A_1146 = vector.broadcast %jit3A_1143 : f32 to vector<1000x128xf32>
    %select_n3A_1147 = arith.select %broadcast_in_dim3A_1145, %get3A_3, %broadcast_in_dim3A_1146 : vector<1000x128xi1>, vector<1000x128xf32>
    %reduce_max3A_1148 = arith.constant dense<0xFF800000> : vector<128xf32>
    %reduce_max3A_1149 = vector.multi_reduction <maximumf>, %select_n3A_1147, %reduce_max3A_1148 [0] : vector<1000x128xf32> to vector<128xf32>
    %broadcast_in_dim3A_1150 = vector.shape_cast %reduce_max3A_1149 : vector<128xf32> to vector<1x128xf32>
    %get3A_1151 = arith.constant 62 : index
    %get3A_1152 = arith.constant 0 : index
    %get3A_1153 = vector.load %arg10[%get3A_1151, %get3A_1152] : memref<64x128xf32, #tpu.memory_space<vmem>>, vector<1x128xf32>
    %max3A_1154 = arith.maximumf %get3A_1153, %broadcast_in_dim3A_1150 : vector<1x128xf32>
    %swap3A_1155 = arith.constant 62 : index
    %swap3A_1156 = arith.constant 0 : index
    %swap3A_1157 = vector.load %arg10[%swap3A_1155, %swap3A_1156] : memref<64x128xf32, #tpu.memory_space<vmem>>, vector<1x128xf32>
    tpu.vector_store %arg10[%swap3A_1155, %swap3A_1156], %max3A_1154 {strides = array<i32>} : memref<64x128xf32, #tpu.memory_space<vmem>>, vector<1x128xf32>,
    %eq3A_1158 = arith.constant 63 : i32
    %eq3A_1159 = vector.broadcast %eq3A_1158 : i32 to vector<1000x1xi32>
    %eq3A_1160 = arith.cmpi eq, %get3A_6, %eq3A_1159 : vector<1000x1xi32>
    %jit3A_1161 = arith.constant 0xFF800000 : f32
    %broadcast_in_dim3A_1162 = vector.shape_cast %eq3A_1160 : vector<1000x1xi1> to vector<1000x1xi1>
    %broadcast_in_dim3A_1163 = vector.broadcast %broadcast_in_dim3A_1162 : vector<1000x1xi1> to vector<1000x128xi1>
    %broadcast_in_dim3A_1164 = vector.broadcast %jit3A_1161 : f32 to vector<1000x128xf32>
    %select_n3A_1165 = arith.select %broadcast_in_dim3A_1163, %get3A_3, %broadcast_in_dim3A_1164 : vector<1000x128xi1>, vector<1000x128xf32>
    %reduce_max3A_1166 = arith.constant dense<0xFF800000> : vector<128xf32>
    %reduce_max3A_1167 = vector.multi_reduction <maximumf>, %select_n3A_1165, %reduce_max3A_1166 [0] : vector<1000x128xf32> to vector<128xf32>
    %broadcast_in_dim3A_1168 = vector.shape_cast %reduce_max3A_1167 : vector<128xf32> to vector<1x128xf32>
    %get3A_1169 = arith.constant 63 : index
    %get3A_1170 = arith.constant 0 : index
    %get3A_1171 = vector.load %arg10[%get3A_1169, %get3A_1170] : memref<64x128xf32, #tpu.memory_space<vmem>>, vector<1x128xf32>
    %max3A_1172 = arith.maximumf %get3A_1171, %broadcast_in_dim3A_1168 : vector<1x128xf32>
    %swap3A_1173 = arith.constant 63 : index
    %swap3A_1174 = arith.constant 0 : index
    %swap3A_1175 = vector.load %arg10[%swap3A_1173, %swap3A_1174] : memref<64x128xf32, #tpu.memory_space<vmem>>, vector<1x128xf32>
    tpu.vector_store %arg10[%swap3A_1173, %swap3A_1174], %max3A_1172 {strides = array<i32>} : memref<64x128xf32, #tpu.memory_space<vmem>>, vector<1x128xf32>,
    %eq3A_1176 = arith.constant 9 : i32
    %eq3A_1177 = arith.cmpi eq, %arg0, %eq3A_1176 : i32
    %convert_element_type3A_1178 = arith.extui %eq3A_1177 : i1 to i32
    %cond3A_1179 = arith.constant 0 : i32
    %cond3A_1180 = arith.cmpi ne, %convert_element_type3A_1178, %cond3A_1179 : i32
    scf.if %cond3A_1180 {
      %get3A_1181 = arith.constant 0 : index
      %get3A_1182 = arith.constant 0 : index
      %get3A_1183 = vector.load %arg8[%get3A_1181, %get3A_1182] : memref<64x128xf32, #tpu.memory_space<vmem>>, vector<64x128xf32>
      %get3A_1184 = arith.constant 0 : index
      %get3A_1185 = arith.constant 0 : index
      %get3A_1186 = vector.load %arg9[%get3A_1184, %get3A_1185] : memref<64x128xf32, #tpu.memory_space<vmem>>, vector<64x128xf32>
      %max3A_1187 = arith.constant 1.000000e+00 : f32
      %max3A_1188 = vector.broadcast %max3A_1187 : f32 to vector<64x128xf32>
      %max3A_1189 = arith.maximumf %get3A_1186, %max3A_1188 : vector<64x128xf32>
      %div3A = arith.divf %get3A_1183, %max3A_1189 : vector<64x128xf32>
      %get3A_1190 = arith.constant 0 : index
      %get3A_1191 = arith.constant 0 : index
      %get3A_1192 = vector.load %arg3[%get3A_1190, %get3A_1191] : memref<256x128xf32, #tpu.memory_space<vmem>>, vector<128x128xf32>
      %dot_general3A_1193 = arith.constant dense<0.000000e+00> : vector<64x128xf32>
      %dot_general3A_1194 = tpu.matmul %div3A, %get3A_1192, %dot_general3A_1193 {dimension_numbers = #tpu.dot_dimension_numbers<[1], [0], [0], [1], [0, 0, 1, 1], [], []>, precision = #tpu.contract_precision<fp32>, transpose_lhs_hint = false} : vector<64x128xf32>, vector<128x128xf32>, vector<64x128xf32> -> vector<64x128xf32>
      %get3A_1195 = arith.constant 0 : index
      %get3A_1196 = arith.constant 0 : index
      %get3A_1197 = vector.load %arg10[%get3A_1195, %get3A_1196] : memref<64x128xf32, #tpu.memory_space<vmem>>, vector<64x128xf32>
      %get3A_1198 = arith.constant 128 : index
      %get3A_1199 = arith.constant 0 : index
      %get3A_1200 = vector.load %arg3[%get3A_1198, %get3A_1199] : memref<256x128xf32, #tpu.memory_space<vmem>>, vector<128x128xf32>
      %dot_general3A_1201 = arith.constant dense<0.000000e+00> : vector<64x128xf32>
      %dot_general3A_1202 = tpu.matmul %get3A_1197, %get3A_1200, %dot_general3A_1201 {dimension_numbers = #tpu.dot_dimension_numbers<[1], [0], [0], [1], [0, 0, 1, 1], [], []>, precision = #tpu.contract_precision<fp32>, transpose_lhs_hint = false} : vector<64x128xf32>, vector<128x128xf32>, vector<64x128xf32> -> vector<64x128xf32>
      %add3A_1203 = arith.addf %dot_general3A_1194, %dot_general3A_1202 : vector<64x128xf32>
      %get3A_1204 = arith.constant 0 : index
      %get3A_1205 = arith.constant 0 : index
      %get3A_1206 = vector.load %arg4[%get3A_1204, %get3A_1205] : memref<1x128xf32, #tpu.memory_space<vmem>>, vector<1x128xf32>
      %add3A_1207 = vector.broadcast %get3A_1206 : vector<1x128xf32> to vector<64x128xf32>
      %add3A_1208 = arith.addf %add3A_1203, %add3A_1207 : vector<64x128xf32>
      %max3A_1209 = arith.constant 0.000000e+00 : f32
      %max3A_1210 = vector.broadcast %max3A_1209 : f32 to vector<64x128xf32>
      %max3A_1211 = arith.maximumf %add3A_1208, %max3A_1210 : vector<64x128xf32>
      %get3A_1212 = arith.constant 0 : index
      %get3A_1213 = arith.constant 0 : index
      %get3A_1214 = vector.load %arg5[%get3A_1212, %get3A_1213] : memref<128x2xf32, #tpu.memory_space<vmem>>, vector<128x2xf32>
      %dot_general3A_1215 = arith.constant dense<0.000000e+00> : vector<64x2xf32>
      %dot_general3A_1216 = tpu.matmul %max3A_1211, %get3A_1214, %dot_general3A_1215 {dimension_numbers = #tpu.dot_dimension_numbers<[1], [0], [0], [1], [0, 0, 1, 1], [], []>, precision = #tpu.contract_precision<fp32>, transpose_lhs_hint = false} : vector<64x128xf32>, vector<128x2xf32>, vector<64x2xf32> -> vector<64x2xf32>
      %get3A_1217 = arith.constant 0 : index
      %get3A_1218 = arith.constant 0 : index
      %get3A_1219 = vector.load %arg6[%get3A_1217, %get3A_1218] : memref<1x2xf32, #tpu.memory_space<vmem>>, vector<1x2xf32>
      %add3A_1220 = vector.broadcast %get3A_1219 : vector<1x2xf32> to vector<64x2xf32>
      %add3A_1221 = arith.addf %dot_general3A_1216, %add3A_1220 : vector<64x2xf32>
      %logistic3A = arith.negf %add3A_1221 : vector<64x2xf32>
      %logistic3A_1222 = math.exp %logistic3A : vector<64x2xf32>
      %logistic3A_1223 = arith.constant 1.000000e+00 : f32
      %logistic3A_1224 = vector.broadcast %logistic3A_1223 : f32 to vector<64x2xf32>
      %logistic3A_1225 = arith.addf %logistic3A_1224, %logistic3A_1222 : vector<64x2xf32>
      %logistic3A_1226 = arith.divf %logistic3A_1224, %logistic3A_1225 : vector<64x2xf32>
      %swap3A_1227 = arith.constant 0 : index
      %swap3A_1228 = arith.constant 0 : index
      %swap3A_1229 = vector.load %arg7[%swap3A_1227, %swap3A_1228] : memref<64x2xf32, #tpu.memory_space<vmem>>, vector<64x2xf32>
      tpu.vector_store %arg7[%swap3A_1227, %swap3A_1228], %logistic3A_1226 {strides = array<i32>} : memref<64x2xf32, #tpu.memory_space<vmem>>, vector<64x2xf32>,
    } else {
    }
    return
  }
  func.func @transform_0(%arg0: i32) -> (i32, i32) {
    %c0_i32 = arith.constant 0 : i32
    %c0_i32_0 = arith.constant 0 : i32
    return %arg0, %c0_i32 : i32, i32
  }
  func.func @transform_1(%arg0: i32) -> (i32, i32) {
    %c0_i32 = arith.constant 0 : i32
    %c0_i32_0 = arith.constant 0 : i32
    return %arg0, %c0_i32 : i32, i32
  }
  func.func @transform_2(%arg0: i32) -> (i32, i32) {
    %c0_i32 = arith.constant 0 : i32
    %c0_i32_0 = arith.constant 0 : i32
    %c0_i32_1 = arith.constant 0 : i32
    return %c0_i32, %c0_i32_0 : i32, i32
  }
  func.func @transform_3(%arg0: i32) -> (i32, i32) {
    %c0_i32 = arith.constant 0 : i32
    %c0_i32_0 = arith.constant 0 : i32
    %c0_i32_1 = arith.constant 0 : i32
    return %c0_i32, %c0_i32_0 : i32, i32
  }
  func.func @transform_4(%arg0: i32) -> (i32, i32) {
    %c0_i32 = arith.constant 0 : i32
    %c0_i32_0 = arith.constant 0 : i32
    %c0_i32_1 = arith.constant 0 : i32
    return %c0_i32, %c0_i32_0 : i32, i32
  }
  func.func @transform_5(%arg0: i32) -> (i32, i32) {
    %c0_i32 = arith.constant 0 : i32
    %c0_i32_0 = arith.constant 0 : i32
    %c0_i32_1 = arith.constant 0 : i32
    return %c0_i32, %c0_i32_0 : i32, i32
  }
  func.func @transform_6(%arg0: i32) -> (i32, i32) {
    %c0_i32 = arith.constant 0 : i32
    %c0_i32_0 = arith.constant 0 : i32
    %c0_i32_1 = arith.constant 0 : i32
    return %c0_i32, %c0_i32_0 : i32, i32
  }
}

</mosaic_0001>

<sc_bundles>
// kernel: kernel.17.cloned.1.call-start
scs
__scs_entry_jumppad:
0x0: {  	(pc) =	sbr.rel $0x88, $3  }
0x1: {  	(tag) =	ssettag $0x0;
	lr =	simm.s32 $0x1  }
0x2: {  	[smem:$0x3F89] =	sst lr;
	_ =	strace $0xD0000000  }
0x3: {  	_ = 	snop  }
0x4: {  	_ = 	snop  }
0x5: {  	_ = 	snop  }
0x6: {  	_ = 	snop  }
0x7: {  	_ = 	snop  }
__scs_overlays_trampoline_lowered:
0x8: {  	[smem:$0x3F98] =	sst s0  }
0x9: {  	[smem:$0x3F99] =	sst s1  }
0xa: {  	[smem:$0x3F9A] =	sst s2  }
0xb: {  	[smem:$0x3F9B] =	sst s3  }
0xc: {  	[smem:$0x3F9C] =	sst s4  }
0xd: {  	[smem:$0x3F9D] =	sst s5  }
0xe: {  	[smem:$0x3F9E] =	sst s6  }
0xf: {  	[smem:$0x3F9F] =	sst s7  }
0x10: {  	[smem:$0x3FA0] =	sst s8  }
0x11: {  	[smem:$0x3FA1] =	sst s9;
	s0 =	simm.s32 @!p0 $0x0  }
0x12: {  	s1 =	sld [smem:$0x3F87];
	s0 =	simm.s32 @p0 $0x1  }
0x13: {  	[smem:$0x3FA2] =	sst s0;
	s0 =	simm.s32 @!p1 $0x0  }
0x14: {  	s2 =	sld [smem:$0x3F86];
	s0 =	simm.s32 @p1 $0x1  }
0x15: {  	[smem:$0x3FA3] =	sst s0;
	s0 =	simm.s32 @!p2 $0x0  }
0x16: {  	s3 =	sld [smem:$0x3FDB];
	s0 =	simm.s32 @p2 $0x1  }
0x17: {  	s4 =	simm.s32 $0x1BF5;
	[smem:$0x3FA5] =	sst s0  }
0x18: {  	s0 =	sld [smem:$0x3F88];
	_ =	swait.ge [sflag:s4], $0x0  }
0x19: {  	s7 =	sld [smem:$0x3F89]  }
0x1a: {  	s8 =	sadd.s32 $0xFFFFE003, lr  }
0x1b: {  	s9 =	sadd.s32 $0xFFFFFEF7, lr;
	s5 =	simm.s32 $0xFFFFFFFF;
	p2 =	slt.u32 s8, $0xFFFFF086  }
0x1c: {  	p1 =	slt.u32 s9, $0xF7A;
	s5 =	simm.s32 @!p2 $0x0  }
0x1d: {  	s5 =	simm.s32 @p1 $0x1;
	p0 =	seq.s32 s7, s2  }
0x1e: {  	s7 =	smul.u32 @!p0 $0xF7A, s2;
	p2 =	seq.s32 @!p0 s5, $0x0  }
0x1f: {  	s9 =	smul.u32 $0xF7A, s1;
	s8 =	simm.s32 @!p0 $0x1BF5;
	p2 =	por !p2, p0  }
0x20: {  	[sflag:s8] =	ssyncset.s32 @!p0 $0xFFFFF086;
	s6 =	sadd.s32 @!p0 s3, s7;
	s7 =	simm.s32 @!p0 $0x108  }
0x21: {  	s3 =	sadd.s32 s3, s9;
	s6 =	sadd.s32 @!p0 $0x88, s6;
	s7 =	simm.s32 @p2 $0x1082  }
0x22: {  	[simem:s7], [sflag:s8] =	dma.local @!p0 [hbm:s6], $0xF7A  }
0x23: {  	s9 =	sor.u32 $0xD0000000, s2;
	s6 =	simm.s32 $0x108;
	_ =	swait.ge @!p0 [sflag:s8], $0x0  }
0x24: {  	s3 =	sadd.s32 $0x88, s3;
	s6 =	simm.s32 @!p1 $0x1082;
	[sflag:s4] =	ssyncset.s32 $0xFFFFF086  }
0x25: {  	[simem:s6], [sflag:s4] =	dma.local [hbm:s3], $0xF7A  }
0x26: {  	[smem:$0x3F89] =	sst s1;
	(tag) =	ssettag s2;
	_ =	strace s9  }
0x27: {  	s1 =	sld [smem:$0x3F99]  }
0x28: {  	s2 =	sld [smem:$0x3F9A]  }
0x29: {  	s4 =	sld [smem:$0x3F9C]  }
0x2a: {  	p0 =	seq.s32 s5, $0x0;
	s5 =	sld [smem:$0x3F9D]  }
0x2b: {  	s6 =	sld [smem:$0x3F9E]  }
0x2c: {  	s7 =	sld [smem:$0x3F9F]  }
0x2d: {  	s3 =	simm.s32 $0x108;
	s8 =	sld [smem:$0x3FA0]  }
0x2e: {  	s3 =	simm.s32 @!p0 $0x1082;
	s9 =	sld [smem:$0x3FA1]  }
0x2f: {  	lr =	sadd.s32 s0, s3;
	s0 =	sld [smem:$0x3F98]  }
0x30: {  	s3 =	sld [smem:$0x3F9B]  }
0x31: {  	[smem:$0x3FA4] =	sst s10  }
0x32: {  	s10 =	sld [smem:$0x3FA2];
	_ =	sdelay $0x3  }
0x33: {  	p0 =	seq.s32 s10, $0x1;
	s10 =	sld [smem:$0x3FA4];
	_ =	sdelay $0x3  }
0x34: {  	[smem:$0x3FA4] =	sst s10  }
0x35: {  	s10 =	sld [smem:$0x3FA3];
	_ =	sdelay $0x3  }
0x36: {  	p1 =	seq.s32 s10, $0x1;
	s10 =	sld [smem:$0x3FA4];
	_ =	sdelay $0x3  }
0x37: {  	[smem:$0x3FA4] =	sst s10  }
0x38: {  	s10 =	sld [smem:$0x3FA5]  }
0x39: {  	_ = 	snop;
	(pc) =	sbr.ind lr, $3  }
0x3a: {  	_ = 	snop  }
0x3b: {  	_ = 	snop  }
0x3c: {  	p2 =	seq.s32 s10, $0x1;
	s10 =	sld [smem:$0x3FA4]  }
0x3d: {  	_ =	shalt  }
0x3e: {  	_ =	shalt  }
0x3f: {  	_ =	shalt  }
0x40: {  	_ =	shalt  }
0x41: {  	_ =	shalt  }
0x42: {  	_ =	shalt  }
0x43: {  	_ =	shalt  }
0x44: {  	_ =	shalt  }
0x45: {  	_ =	shalt  }
0x46: {  	_ =	shalt  }
0x47: {  	_ =	shalt  }
0x48: {  	_ =	shalt  }
0x49: {  	_ =	shalt  }
0x4a: {  	_ =	shalt  }
0x4b: {  	_ =	shalt  }
0x4c: {  	_ =	shalt  }
0x4d: {  	_ =	shalt  }
0x4e: {  	_ =	shalt  }
0x4f: {  	_ =	shalt  }
0x50: {  	_ =	shalt  }
0x51: {  	_ =	shalt  }
0x52: {  	_ =	shalt  }
0x53: {  	_ =	shalt  }
0x54: {  	_ =	shalt  }
0x55: {  	_ =	shalt  }
0x56: {  	_ =	shalt  }
0x57: {  	_ =	shalt  }
0x58: {  	_ =	shalt  }
0x59: {  	_ =	shalt  }
0x5a: {  	_ =	shalt  }
0x5b: {  	_ =	shalt  }
0x5c: {  	_ =	shalt  }
0x5d: {  	_ =	shalt  }
0x5e: {  	_ =	shalt  }
0x5f: {  	_ =	shalt  }
0x60: {  	_ =	shalt  }
0x61: {  	_ =	shalt  }
0x62: {  	_ =	shalt  }
0x63: {  	_ =	shalt  }
0x64: {  	_ =	shalt  }
0x65: {  	_ =	shalt  }
0x66: {  	_ =	shalt  }
0x67: {  	_ =	shalt  }
0x68: {  	_ =	shalt  }
0x69: {  	_ =	shalt  }
0x6a: {  	_ =	shalt  }
0x6b: {  	_ =	shalt  }
0x6c: {  	_ =	shalt  }
0x6d: {  	_ =	shalt  }
0x6e: {  	_ =	shalt  }
0x6f: {  	_ =	shalt  }
0x70: {  	_ =	shalt  }
0x71: {  	_ =	shalt  }
0x72: {  	_ =	shalt  }
0x73: {  	_ =	shalt  }
0x74: {  	_ =	shalt  }
0x75: {  	_ =	shalt  }
0x76: {  	_ =	shalt  }
0x77: {  	_ =	shalt  }
0x78: {  	_ =	shalt  }
0x79: {  	_ =	shalt  }
0x7a: {  	_ =	shalt  }
0x7b: {  	_ =	shalt  }
0x7c: {  	_ =	shalt  }
0x7d: {  	_ =	shalt  }
0x7e: {  	_ =	shalt  }
0x7f: {  	_ =	shalt  }
0x80: {  	_ =	shalt  }
0x81: {  	_ =	shalt  }
0x82: {  	_ =	shalt  }
0x83: {  	_ =	shalt  }
0x84: {  	_ =	shalt  }
0x85: {  	_ =	shalt  }
0x86: {  	_ =	shalt  }
0x87: {  	_ =	shalt  }
.Lfunc_end0:
.L_simem_size_0:
called_computation_lowered:
.L_overlay_start_0:
0x88: {  	s2 =	sld [smem:$0x3FD9]  }
0x89: {  	s3 =	sld [smem:$0x3FFE];
	_ =	sdelay $0x1  }
0x8a: {  	s1 =	srdreg.scid  }
0x8b: {  	s0 =	sand.u32 $0x1, s1  }
0x8c: {  	s16 =	sshll.u32 s0, $0xA;
	s2 =	sadd.s32 s3, s2  }
0x8d: {  	s2 =	sadd.s32 s2, s16  }
0x8e: {  	[smem:$0x3FB0] =	sst s2  }
0x8f: {  	_ = 	snop  }
0x90: {  	(tm) =	ssettm $0x1  }
0x91: {  	s17 =	sld [smem:$0x3FFB];
	_ =	sdelay $0x3  }
0x92: {  	_ =	strace s17  }
0x93: {  	s2 =	sld [smem:$0x3FFC];
	_ =	sdelay $0x3  }
0x94: {  	_ =	strace s2  }
0x95: {  	s2 =	sld [smem:$0x3FFD];
	_ =	sdelay $0x3  }
0x96: {  	_ =	strace s2  }
0x97: {  	_ =	strace $0x8FFFFFFF  }
0x98: {  	s18 =	sld [smem:$0x3FDB];
	_ =	sdelay $0x1  }
0x99: {  	s19 =	simm.s32 $_scs_section_size  }
0x9a: {  	s4 =	simm.s32 $_size__tile_overlayer_lowered;
	s5 =	simm.s32 $_tile_overlayer_lowered  }
0x9b: {  	s22 =	simm.s32 $0x1BFF;
	s21 =	sshll.u32 s5, $0x1;
	s2 =	sadd.s32 s19, s18  }
0x9c: {  	s6 =	simm.s32 $0x0;
	s20 =	sshll.u32 s4, $0x1;
	s4 =	sadd.s32 s21, s2  }
0x9d: {  	[timem:s6], [sflag:s22] =	dma.local [hbm:s4], s20  }
0x9e: {  	_ =	swait.ge [sflag:s22], s20  }
0x9f: {  	s3 =	ssub.s32 $0x0, s20;
	[sflag:s22] =	ssyncset.done $0x0  }
0xa0: {  	[sflag:s22] =	ssyncadd.s32 s3;
	_ =	sdelay $0x1  }
0xa1: {  	s23 =	simm.s32 $0x1B8B  }
0xa2: {  	_ =	swait.ge [sflag:s23], $0x1  }
0xa3: {  	[sflag:s23] =	ssyncset.done $0x0  }
0xa4: {  	s25 =	simm.s32 $0x1B8E;
	s24 =	sld [smem:$0x3FFE];
	[sflag:s23] =	ssyncadd.s32 $0xFFFFFFFF  }
0xa5: {  	s26 =	simm.s32 $execute0_lowered;
	[smem:$0x3FD2] =	sst s25  }
0xa6: {  	s4 =	sshll.u32 s26, $0x1;
	_ =	strace $0x80000046;
	[dreg:$0x1] =	wrdreg $0xFFFFFFFF  }
0xa7: {  	s28 =	simm.s32 $_size_execute0_lowered;
	s2 =	sadd.s32 s2, s4;
	[dreg:$0x0] =	wrdreg $0x0  }
0xa8: {  	s4 =	sshll.u32 s28, $0x1;
	[dreg:$0x2] =	wrdreg s2  }
0xa9: {  	[dreg:$0x3] =	wrdreg s4  }
0xaa: {  	[dreg:$0x4] =	wrdreg $0xC0  }
0xab: {  	_ =	task [dreg:s6], $0x5FFFF  }
0xac: {  	[dreg:$0x1] =	wrdreg $0xFFFFFFFF  }
0xad: {  	[dreg:$0x0] =	wrdreg $0x60  }
0xae: {  	[dreg:$0x2] =	wrdreg s24  }
0xaf: {  	[dreg:$0x3] =	wrdreg $0x70800  }
0xb0: {  	[dreg:$0x4] =	wrdreg $0x98800  }
0xb1: {  	[dreg:$0x5] =	wrdreg $0x9  }
0xb2: {  	_ =	task.clear_ibuf [dreg:s6], $0x6FFFF;
	_ =	strace $0x90000046  }
0xb3: {  	s29 =	simm.s32 $0x9;
	_ =	strace $0x80000048  }
0xb4: {  	_ =	swait.ge [sflag:s29], $0x1  }
0xb5: {  	[sflag:s29] =	ssyncadd.s32 $0xFFFFFFFF  }
0xb6: {  	_ =	strace $0x90000048  }
0xb7: {  	_ =	sfence  }
0xb8: {  	s30 =	sld [smem:$0x0];
	_ =	sdelay $0x2  }
0xb9: {  	s31 =	sshll.u32 s1, $0xD;
	s1 =	sshrl.u32 s1, $0x2  }
0xba: {  	s3 =	sand.u32 $0x4000, s31;
	s1 =	sadd.s32 s1, s30  }
0xbb: {  	s0 =	sor.u32 s3, s0;
	s1 =	sshll.u32 s1, $0x11  }
0xbc: {  	s0 =	sor.u32 s1, s0  }
0xbd: {  	s0 =	sadd.s32 $0x8F2B, s0  }
0xbe: {  	[sflag:s0] =	ssyncadd.remote.s32 $0x1  }
0xbf: {  	_ =	sfence.sel $0xFFFF  }
0xc0: {  	[dreg:$0x0] =	wrdreg $0xFFFFFFFF;
	(pc) =	sbr.abs _section_cstart, $3  }
0xc1: {  	[dreg:$0x1] =	wrdreg $0xFFFFFFFF  }
0xc2: {  	_ =	task.clear_ibuf [dreg:s6], $0x2FFFF;
	_ =	strace $0x9FFFFFFF  }
0xc3: {  	(tm) =	ssettm $0x7FFFFFFF  }
tec
execute0_lowered:
.L_overlay_start_1:
0x0: {  	(tag) =	ssettag $0x1  }
0x1: {  	s0 =	srdreg.scid  }
0x2: {  	s1 =	rddreg [dreg:$0x0];
	s11 =	stileid.u32  }
0x3: {  	s2 =	rddreg [dreg:$0x1];
	s0 =	sand.u32 $0x1, s0;
	s8 =	smul.u32 $0x14000, s11  }
0x4: {  	s3 =	rddreg [dreg:$0x2];
	s5 =	smul.u32 $0x271000, s0  }
0x5: {  	s4 =	simm.s32 $0x0;
	s31 =	simm.s32 $0x5080;
	s6 =	smul.u32 $0x27100, s0  }
0x6: {  	[smem:$0x7FF] =	sst s4;
	s9 =	smul.u32 $0x140000, s0;
	s0 =	ssub.s32 $0x2, s0  }
0x7: {  	s7 =	smul.u32 $0x2710, s11;
	_ =	strace $0x80000047;
	s16 =	sshrl.u32 s0, $0x1  }
0x8: {  	s18 =	sor.u32 $0x2000, s8;
	s21 =	sadd.s32 $0x4000, s8;
	s22 =	sadd.s32 $0x6000, s8  }
0x9: {  	s25 =	sadd.s32 $0x8000, s8;
	s26 =	sadd.s32 $0xA000, s8;
	s12 =	sadd.s32 $0x10000, s8  }
0xa: {  	s13 =	sadd.s32 $0x12000, s8;
	s5 =	sadd.s32 s5, s1;
	s6 =	sadd.s32 s7, s6  }
0xb: {  	s15 =	sadd.s32 s8, s9;
	s0 =	ssub.s32 s0, s16;
	s19 =	sadd.s32 s18, s2  }
0xc: {  	s20 =	sadd.s32 s18, s3;
	s23 =	sadd.s32 s21, s2;
	s24 =	sadd.s32 s22, s2  }
0xd: {  	s14 =	sadd.s32 s22, s3;
	s16 =	sadd.s32 s25, s3;
	s18 =	sadd.s32 s26, s3  }
0xe: {  	s9 =	smul.u32 $0x27100, s11;
	s11 =	sadd.s32 $0xE000, s8;
	[dreg:$0x7] =	wrdreg s19  }
0xf: {  	s28 =	sadd.s32 s13, s3;
	s6 =	sshrl.u32 s6, $0x3;
	[dreg:$0x8] =	wrdreg s20  }
0x10: {  	s7 =	sshrl.u32 s15, $0x3;
	s0 =	smax.u32 s0, $0x1;
	[dreg:$0x9] =	wrdreg s23  }
0x11: {  	[dreg:$0xb] =	wrdreg s24;
	s15 =	sadd.s32 s25, s2;
	s22 =	sadd.s32 s11, s3  }
0x12: {  	s23 =	sadd.s32 s8, s3;
	s24 =	sadd.s32 s12, s2;
	s25 =	sadd.s32 s12, s3  }
0x13: {  	s10 =	sadd.s32 s6, s1;
	s1 =	sadd.s32 s7, s1;
	s6 =	sadd.s32 s8, s2  }
0x14: {  	[dreg:$0x6] =	wrdreg s0;
	s0 =	sadd.s32 s21, s3;
	s7 =	sadd.s32 $0xC000, s8  }
0x15: {  	s21 =	sadd.s32 s11, s2;
	s8 =	simm.s32 $0x0;
	s17 =	sadd.s32 $0x4FBE00, s1  }
0x16: {  	s1 =	sadd.s32 $0x54BE00, s1;
	[dreg:$0xa] =	wrdreg s0;
	s19 =	sadd.s32 s7, s2  }
0x17: {  	s20 =	sadd.s32 s7, s3;
	s30 =	sadd.s32 $0x10000, s10;
	[dreg:$0x4] =	wrdreg s17  }
0x18: {  	s0 =	simm.s32 $0x80;
	s7 =	simm.s32 $0x2880;
	[dreg:$0x5] =	wrdreg s1  }
0x19: {  	s17 =	sadd.s32 s26, s2;
	s1 =	sadd.s32 s9, s5;
	s26 =	sadd.s32 s13, s2  }
0x1a: {  	v0 =	vimm.f32 $0.0e+00;
	v1 =	vimm.f32 $1.000000000e+00;
	s5 =	simm.s32 $0x50;
	s29 =	sadd.s32 $0x19E00, s1;
	s1 =	simm.s32 $0x1  }
.LBB2_1:
0x1b: {  	s9 =	simm.s32 $0x0  }
.LBB2_2:
0x1c: {  	p0 =	sne.s32 s9, $0x7E00  }
.Ltmp0:
0x1d: {  	_ = 	snop;
	(pc) =	sbr.rel @p0 .LBB2_2-.Ltmp0, $3  }
0x1e: {  	_ =	sdelay $0x1  }
0x1f: {  	s10 =	sshra.s32 s9, $0x2  }
0x20: {  	s9 =	sadd.s32 $0x200, s9;
	[tilespmem:s10+$0x5080] =	vst v0  }
0x21: {  	s9 =	simm.s32 $0x200;
	s10 =	simm.s32 $0x0  }
.LBB2_4:
0x22: {  	p0 =	sne.s32 s9, $0x9E00;
	[tilespmem:s10+$0x2880] =	vst v1;
	s10 =	smov.u32 s9;
	s9 =	sadd.s32 $0x200, s9  }
.Ltmp1:
0x23: {  	(pc) =	sbr.rel @p0 .LBB2_4-.Ltmp1, $2  }
0x24: {  	_ =	sdelay $0x2  }
0x25: {  	s10 =	sshra.s32 s10, $0x2  }
0x26: {  	[tilespmem:s10+$0x2880] =	vst v1  }
0x27: {  	[spmem:s6] =	stream.linear.scatter [tilespmem:s31], [sflag:$0x1], $0x2000, $0x38;
	[tilespmem:$0xC080] =	vst v63  }
0x28: {  	_ =	swait.ge [sflag:s1], $0x2000  }
0x29: {  	[sflag:s1] =	ssyncset.done $0x0  }
0x2a: {  	[sflag:s1] =	ssyncadd.s32 $0xFFFFE000  }
0x2b: {  	[spmem:s23] =	stream.linear.scatter [tilespmem:s31], [sflag:$0x1], $0x2000, $0x38;
	[tilespmem:$0xC080] =	vst v63  }
0x2c: {  	_ =	swait.ge [sflag:s1], $0x2000  }
0x2d: {  	[sflag:s1] =	ssyncset.done $0x0  }
0x2e: {  	s9 =	rddreg [dreg:$0x7];
	[sflag:s1] =	ssyncadd.s32 $0xFFFFE000  }
0x2f: {  	[spmem:s9] =	stream.linear.scatter [tilespmem:s31], [sflag:$0x1], $0x2000, $0x38;
	[tilespmem:$0xC080] =	vst v63  }
0x30: {  	_ =	swait.ge [sflag:s1], $0x2000  }
0x31: {  	[sflag:s1] =	ssyncset.done $0x0  }
0x32: {  	s13 =	rddreg [dreg:$0x8];
	[sflag:s1] =	ssyncadd.s32 $0xFFFFE000  }
0x33: {  	[spmem:s13] =	stream.linear.scatter [tilespmem:s31], [sflag:$0x1], $0x2000, $0x38;
	[tilespmem:$0xC080] =	vst v63  }
0x34: {  	_ =	swait.ge [sflag:s1], $0x2000  }
0x35: {  	[sflag:s1] =	ssyncset.done $0x0  }
0x36: {  	s10 =	rddreg [dreg:$0x9];
	[sflag:s1] =	ssyncadd.s32 $0xFFFFE000  }
0x37: {  	[spmem:s10] =	stream.linear.scatter [tilespmem:s31], [sflag:$0x1], $0x2000, $0x38;
	[tilespmem:$0xC080] =	vst v63  }
0x38: {  	_ =	swait.ge [sflag:s1], $0x2000  }
0x39: {  	[sflag:s1] =	ssyncset.done $0x0  }
0x3a: {  	s11 =	rddreg [dreg:$0xa];
	[sflag:s1] =	ssyncadd.s32 $0xFFFFE000  }
0x3b: {  	[spmem:s11] =	stream.linear.scatter [tilespmem:s31], [sflag:$0x1], $0x2000, $0x38;
	[tilespmem:$0xC080] =	vst v63  }
0x3c: {  	_ =	swait.ge [sflag:s1], $0x2000  }
0x3d: {  	[sflag:s1] =	ssyncset.done $0x0  }
0x3e: {  	s12 =	rddreg [dreg:$0xb];
	[sflag:s1] =	ssyncadd.s32 $0xFFFFE000  }
0x3f: {  	[spmem:s12] =	stream.linear.scatter [tilespmem:s31], [sflag:$0x1], $0x2000, $0x38;
	[tilespmem:$0xC080] =	vst v63  }
0x40: {  	_ =	swait.ge [sflag:s1], $0x2000  }
0x41: {  	[sflag:s1] =	ssyncset.done $0x0  }
0x42: {  	[sflag:s1] =	ssyncadd.s32 $0xFFFFE000  }
0x43: {  	[spmem:s14] =	stream.linear.scatter [tilespmem:s31], [sflag:$0x1], $0x2000, $0x38;
	[tilespmem:$0xC080] =	vst v63  }
0x44: {  	_ =	swait.ge [sflag:s1], $0x2000  }
0x45: {  	[sflag:s1] =	ssyncset.done $0x0  }
0x46: {  	[sflag:s1] =	ssyncadd.s32 $0xFFFFE000  }
0x47: {  	[spmem:s15] =	stream.linear.scatter [tilespmem:s31], [sflag:$0x1], $0x2000, $0x38;
	[tilespmem:$0xC080] =	vst v63  }
0x48: {  	_ =	swait.ge [sflag:s1], $0x2000  }
0x49: {  	[sflag:s1] =	ssyncset.done $0x0  }
0x4a: {  	[sflag:s1] =	ssyncadd.s32 $0xFFFFE000  }
0x4b: {  	[spmem:s16] =	stream.linear.scatter [tilespmem:s31], [sflag:$0x1], $0x2000, $0x38;
	[tilespmem:$0xC080] =	vst v63  }
0x4c: {  	_ =	swait.ge [sflag:s1], $0x2000  }
0x4d: {  	[sflag:s1] =	ssyncset.done $0x0  }
0x4e: {  	[sflag:s1] =	ssyncadd.s32 $0xFFFFE000  }
0x4f: {  	[spmem:s17] =	stream.linear.scatter [tilespmem:s31], [sflag:$0x1], $0x2000, $0x38;
	[tilespmem:$0xC080] =	vst v63  }
0x50: {  	_ =	swait.ge [sflag:s1], $0x2000  }
0x51: {  	[sflag:s1] =	ssyncset.done $0x0  }
0x52: {  	[sflag:s1] =	ssyncadd.s32 $0xFFFFE000  }
0x53: {  	[spmem:s18] =	stream.linear.scatter [tilespmem:s31], [sflag:$0x1], $0x2000, $0x38;
	[tilespmem:$0xC080] =	vst v63  }
0x54: {  	_ =	swait.ge [sflag:s1], $0x2000  }
0x55: {  	[sflag:s1] =	ssyncset.done $0x0  }
0x56: {  	[sflag:s1] =	ssyncadd.s32 $0xFFFFE000  }
0x57: {  	[spmem:s19] =	stream.linear.scatter [tilespmem:s31], [sflag:$0x1], $0x2000, $0x38;
	[tilespmem:$0xC080] =	vst v63  }
0x58: {  	_ =	swait.ge [sflag:s1], $0x2000  }
0x59: {  	[sflag:s1] =	ssyncset.done $0x0  }
0x5a: {  	[sflag:s1] =	ssyncadd.s32 $0xFFFFE000  }
0x5b: {  	[spmem:s20] =	stream.linear.scatter [tilespmem:s31], [sflag:$0x1], $0x2000, $0x38;
	[tilespmem:$0xC080] =	vst v63  }
0x5c: {  	_ =	swait.ge [sflag:s1], $0x2000  }
0x5d: {  	[sflag:s1] =	ssyncset.done $0x0  }
0x5e: {  	[sflag:s1] =	ssyncadd.s32 $0xFFFFE000  }
0x5f: {  	[spmem:s21] =	stream.linear.scatter [tilespmem:s31], [sflag:$0x1], $0x2000, $0x38;
	[tilespmem:$0xC080] =	vst v63  }
0x60: {  	_ =	swait.ge [sflag:s1], $0x2000  }
0x61: {  	[sflag:s1] =	ssyncset.done $0x0  }
0x62: {  	[sflag:s1] =	ssyncadd.s32 $0xFFFFE000  }
0x63: {  	[spmem:s22] =	stream.linear.scatter [tilespmem:s31], [sflag:$0x1], $0x2000, $0x38;
	[tilespmem:$0xC080] =	vst v63  }
0x64: {  	_ =	swait.ge [sflag:s1], $0x2000  }
0x65: {  	[sflag:s1] =	ssyncset.done $0x0  }
0x66: {  	[sflag:s1] =	ssyncadd.s32 $0xFFFFE000  }
0x67: {  	[spmem:s24] =	stream.linear.scatter [tilespmem:s31], [sflag:$0x1], $0x2000, $0x38;
	[tilespmem:$0xC080] =	vst v63  }
0x68: {  	_ =	swait.ge [sflag:s1], $0x2000  }
0x69: {  	[sflag:s1] =	ssyncset.done $0x0  }
0x6a: {  	[sflag:s1] =	ssyncadd.s32 $0xFFFFE000  }
0x6b: {  	[spmem:s25] =	stream.linear.scatter [tilespmem:s31], [sflag:$0x1], $0x2000, $0x38;
	[tilespmem:$0xC080] =	vst v63  }
0x6c: {  	_ =	swait.ge [sflag:s1], $0x2000  }
0x6d: {  	[sflag:s1] =	ssyncset.done $0x0  }
0x6e: {  	[sflag:s1] =	ssyncadd.s32 $0xFFFFE000  }
0x6f: {  	[spmem:s26] =	stream.linear.scatter [tilespmem:s31], [sflag:$0x1], $0x2000, $0x38;
	[tilespmem:$0xC080] =	vst v63  }
0x70: {  	_ =	swait.ge [sflag:s1], $0x2000  }
0x71: {  	[sflag:s1] =	ssyncset.done $0x0  }
0x72: {  	[sflag:s1] =	ssyncadd.s32 $0xFFFFE000  }
0x73: {  	[spmem:s28] =	stream.linear.scatter [tilespmem:s31], [sflag:$0x1], $0x2000, $0x38;
	[tilespmem:$0xC080] =	vst v63  }
0x74: {  	_ =	swait.ge [sflag:s1], $0x2000  }
0x75: {  	[sflag:s1] =	ssyncset.done $0x0  }
0x76: {  	[sflag:s1] =	ssyncadd.s32 $0xFFFFE000  }
0x77: {  	s13 =	sadd.s32 $0x0, s30;
	[bflag:$0x0] =	sbarrier.arrive $0xFFFF  }
0x78: {  	[tilespmem:s4], [sflag:$0x1] =	stream.linear.gather [hbm4b:s13+s4], $0x50, $0x38;
	[tilespmem:$0xC080] =	vst v63  }
0x79: {  	_ =	swait.ge [sflag:s1], $0x50  }
0x7a: {  	[sflag:s1] =	ssyncset.done $0x0  }
0x7b: {  	[sflag:s1] =	ssyncadd.s32 $0xFFFFFFB0  }
0x7c: {  	[tilespmem:s0], [sflag:$0x1] =	stream.linear.gather [hbm4b:s29+s4], $0x2800, $0x38;
	[tilespmem:$0xC080] =	vst v63  }
0x7d: {  	_ =	swait.ge [sflag:s1], $0x2800  }
0x7e: {  	[sflag:s1] =	ssyncset.done $0x0  }
0x7f: {  	[sflag:s1] =	ssyncadd.s32 $0xFFFFD800  }
0x80: {  	[spmem:s2] =	stream.indirect.scatter.add.f32 [tilespmem:s0], [sflag:$0x1], $0x10, s4, s5, $0xb8;
	[tilespmem:$0xC080] =	vst v63  }
0x81: {  	_ =	swait.ge [sflag:s1], $0x500  }
0x82: {  	[sflag:s1] =	ssyncset.done $0x0  }
0x83: {  	[sflag:s1] =	ssyncadd.s32 $0xFFFFFB00  }
0x84: {  	[spmem:s3] =	stream.indirect.scatter.add.f32 [tilespmem:s7], [sflag:$0x1], $0x10, s4, s5, $0xb8;
	[tilespmem:$0xC080] =	vst v63  }
0x85: {  	s9 =	sadd.s32 $0x500, s29;
	_ =	swait.ge [sflag:s1], $0x500  }
0x86: {  	s10 =	simm.s32 $0xA;
	s11 =	simm.s32 $0x14;
	[sflag:s1] =	ssyncset.done $0x0  }
.LBB2_6:
0x87: {  	s12 =	sadd.s32 s10, s30  }
0x88: {  	[sflag:s1] =	ssyncadd.s32 $0xFFFFFB00;
	s10 =	smov.u32 s11;
	s13 =	sadd.s32 $0xA, s11  }
0x89: {  	[tilespmem:s4], [sflag:$0x1] =	stream.linear.gather [hbm4b:s12+s4], $0x50, $0x38;
	[tilespmem:$0xC080] =	vst v63  }
0x8a: {  	p0 =	sne.s32 s11, $0x4D8;
	_ =	swait.ge [sflag:s1], $0x50  }
0x8b: {  	[sflag:s1] =	ssyncset.done $0x0  }
0x8c: {  	[sflag:s1] =	ssyncadd.s32 $0xFFFFFFB0  }
0x8d: {  	[tilespmem:s0], [sflag:$0x1] =	stream.linear.gather [hbm4b:s9+s4], $0x2800, $0x38;
	[tilespmem:$0xC080] =	vst v63  }
0x8e: {  	_ =	swait.ge [sflag:s1], $0x2800  }
0x8f: {  	[sflag:s1] =	ssyncset.done $0x0  }
0x90: {  	[sflag:s1] =	ssyncadd.s32 $0xFFFFD800  }
0x91: {  	[spmem:s2] =	stream.indirect.scatter.add.f32 [tilespmem:s0], [sflag:$0x1], $0x10, s4, s5, $0xb8;
	[tilespmem:$0xC080] =	vst v63  }
0x92: {  	_ =	swait.ge [sflag:s1], $0x500  }
.Ltmp2:
0x93: {  	[sflag:s1] =	ssyncset.done $0x0;
	(pc) =	sbr.rel @p0 .LBB2_6-.Ltmp2, $4  }
0x94: {  	[sflag:s1] =	ssyncadd.s32 $0xFFFFFB00  }
0x95: {  	[spmem:s3] =	stream.indirect.scatter.add.f32 [tilespmem:s7], [sflag:$0x1], $0x10, s4, s5, $0xb8;
	[tilespmem:$0xC080] =	vst v63  }
0x96: {  	_ =	swait.ge [sflag:s1], $0x500  }
0x97: {  	s11 =	smov.u32 s13;
	s9 =	sadd.s32 $0x500, s9;
	[sflag:s1] =	ssyncset.done $0x0  }
0x98: {  	s10 =	sadd.s32 s10, s30;
	[sflag:s1] =	ssyncadd.s32 $0xFFFFFB00  }
0x99: {  	[tilespmem:s4], [sflag:$0x1] =	stream.linear.gather [hbm4b:s10+s4], $0x50, $0x38;
	[tilespmem:$0xC080] =	vst v63  }
0x9a: {  	_ =	swait.ge [sflag:s1], $0x50  }
0x9b: {  	[sflag:s1] =	ssyncset.done $0x0  }
0x9c: {  	[sflag:s1] =	ssyncadd.s32 $0xFFFFFFB0  }
0x9d: {  	[tilespmem:s0], [sflag:$0x1] =	stream.linear.gather [hbm4b:s9+s4], $0x2800, $0x38;
	[tilespmem:$0xC080] =	vst v63  }
0x9e: {  	_ =	swait.ge [sflag:s1], $0x2800  }
0x9f: {  	[sflag:s1] =	ssyncset.done $0x0  }
0xa0: {  	[sflag:s1] =	ssyncadd.s32 $0xFFFFD800  }
0xa1: {  	[spmem:s2] =	stream.indirect.scatter.add.f32 [tilespmem:s0], [sflag:$0x1], $0x10, s4, s5, $0xb8;
	[tilespmem:$0xC080] =	vst v63  }
0xa2: {  	_ =	swait.ge [sflag:s1], $0x500  }
0xa3: {  	[sflag:s1] =	ssyncset.done $0x0  }
0xa4: {  	[sflag:s1] =	ssyncadd.s32 $0xFFFFFB00  }
0xa5: {  	[spmem:s3] =	stream.indirect.scatter.add.f32 [tilespmem:s7], [sflag:$0x1], $0x10, s4, s5, $0xb8;
	[tilespmem:$0xC080] =	vst v63  }
0xa6: {  	_ =	swait.ge [sflag:s1], $0x500  }
0xa7: {  	[sflag:s1] =	ssyncset.done $0x0  }
0xa8: {  	s12 =	stileid.u32;
	[sflag:s1] =	ssyncadd.s32 $0xFFFFFB00  }
0xa9: {  	s9 =	sshll.u32 s12, $0x6;
	[bflag:$0x0] =	sbarrier.arrive $0xFFFF  }
0xaa: {  	s13 =	sshrl.u32 s6, $0x3;
	s9 =	sor.u32 $0x1C01, s9;
	s11 =	rddreg [dreg:$0x4]  }
0xab: {  	[hbm:s11], [sflag:s9] =	dma.local [spmem:s13], $0x2800  }
0xac: {  	_ =	swait.ge [sflag:s1], $0x2800  }
0xad: {  	[sflag:s1] =	ssyncset.done $0x0  }
0xae: {  	s11 =	sshrl.u32 s23, $0x3;
	s12 =	rddreg [dreg:$0x5];
	[sflag:s1] =	ssyncadd.s32 $0xFFFFD800  }
0xaf: {  	[hbm:s12], [sflag:s9] =	dma.local [spmem:s11], $0x2800  }
0xb0: {  	_ =	swait.ge [sflag:s1], $0x2800  }
0xb1: {  	s8 =	sadd.s32 $0x1, s8;
	s13 =	rddreg [dreg:$0x6]  }
0xb2: {  	p0 =	sne.s32 s8, s13  }
.Ltmp3:
0xb3: {  	_ = 	snop;
	(pc) =	sbr.rel @p0 .LBB2_1-.Ltmp3, $3  }
0xb4: {  	_ =	sdelay $0x1  }
0xb5: {  	[sflag:s1] =	ssyncset.done $0x0  }
0xb6: {  	[sflag:s1] =	ssyncadd.s32 $0xFFFFD800  }
0xb7: {  	_ =	sfence.sel $0x180000  }
0xb8: {  	[bflag:$0x0] =	sbarrier.arrive $0xFFFF  }
0xb9: {  	_ =	strace $0x90000047  }
0xba: {  	s0 =	stileid.u32;
	[bflag:$0x2] =	sbarrier.arrive $0xFFFF  }
0xbb: {  	p0 =	sne.s32 s0, $0x0;
	s0 =	rddreg [dreg:$0x3]  }
0xbc: {  	s0 =	sadd.s32 @!p0 $0x100000, s0  }
0xbd: {  	[sflag:s0] =	ssyncadd.tile.s32 @!p0 $0x1;
	_ =	shalt  }
.Lfunc_end2:
_tile_overlayer_lowered:
.L_overlay_start_2:
0xbe: {  	(tag) =	ssettag $0x2  }
0xbf: {  	s0 =	rddreg [dreg:$0x0];
	s2 =	stileid.u32  }
0xc0: {  	s1 =	rddreg [dreg:$0x1];
	p0 =	sne.s32 s2, $0x0  }
0xc1: {  	s3 =	rddreg [dreg:$0x2];
	[bflag:$0x3] =	sbarrier.arrive $0xFFFF;
	s2 =	simm.s32 @!p0 $0x1C01  }
0xc2: {  	[timem:s3], [sflag:s2] =	dma.local @!p0 [hbm:s0], s1  }
0xc3: {  	s0 =	simm.s32 @!p0 $0x1  }
0xc4: {  	_ =	swait.ge @!p0 [sflag:s0], s1  }
0xc5: {  	s1 =	ssub.s32 @!p0 $0x0, s1;
	[sflag:s0] =	ssyncset.done @!p0 $0x0  }
0xc6: {  	[sflag:s0] =	ssyncadd.s32 @!p0 s1  }
0xc7: {  	[bflag:$0x3] =	sbarrier.arrive $0xFFFF  }
0xc8: {  	_ =	shalt  }

// kernel: kernel.20.cloned.1.call-start
scs
__scs_entry_jumppad:
0x0: {  	(pc) =	sbr.rel $0x88, $3  }
0x1: {  	(tag) =	ssettag $0x0;
	lr =	simm.s32 $0x1  }
0x2: {  	[smem:$0x3F89] =	sst lr;
	_ =	strace $0xD0000000  }
0x3: {  	_ = 	snop  }
0x4: {  	_ = 	snop  }
0x5: {  	_ = 	snop  }
0x6: {  	_ = 	snop  }
0x7: {  	_ = 	snop  }
__scs_overlays_trampoline_lowered:
0x8: {  	[smem:$0x3F98] =	sst s0  }
0x9: {  	[smem:$0x3F99] =	sst s1  }
0xa: {  	[smem:$0x3F9A] =	sst s2  }
0xb: {  	[smem:$0x3F9B] =	sst s3  }
0xc: {  	[smem:$0x3F9C] =	sst s4  }
0xd: {  	[smem:$0x3F9D] =	sst s5  }
0xe: {  	[smem:$0x3F9E] =	sst s6  }
0xf: {  	[smem:$0x3F9F] =	sst s7  }
0x10: {  	[smem:$0x3FA0] =	sst s8  }
0x11: {  	[smem:$0x3FA1] =	sst s9;
	s0 =	simm.s32 @!p0 $0x0  }
0x12: {  	s1 =	sld [smem:$0x3F87];
	s0 =	simm.s32 @p0 $0x1  }
0x13: {  	[smem:$0x3FA2] =	sst s0;
	s0 =	simm.s32 @!p1 $0x0  }
0x14: {  	s2 =	sld [smem:$0x3F86];
	s0 =	simm.s32 @p1 $0x1  }
0x15: {  	[smem:$0x3FA3] =	sst s0;
	s0 =	simm.s32 @!p2 $0x0  }
0x16: {  	s3 =	sld [smem:$0x3FDB];
	s0 =	simm.s32 @p2 $0x1  }
0x17: {  	s4 =	simm.s32 $0x1BF5;
	[smem:$0x3FA5] =	sst s0  }
0x18: {  	s0 =	sld [smem:$0x3F88];
	_ =	swait.ge [sflag:s4], $0x0  }
0x19: {  	s7 =	sld [smem:$0x3F89]  }
0x1a: {  	s8 =	sadd.s32 $0xFFFFE003, lr  }
0x1b: {  	s9 =	sadd.s32 $0xFFFFFEF7, lr;
	s5 =	simm.s32 $0xFFFFFFFF;
	p2 =	slt.u32 s8, $0xFFFFF086  }
0x1c: {  	p1 =	slt.u32 s9, $0xF7A;
	s5 =	simm.s32 @!p2 $0x0  }
0x1d: {  	s5 =	simm.s32 @p1 $0x1;
	p0 =	seq.s32 s7, s2  }
0x1e: {  	s7 =	smul.u32 @!p0 $0xF7A, s2;
	p2 =	seq.s32 @!p0 s5, $0x0  }
0x1f: {  	s9 =	smul.u32 $0xF7A, s1;
	s8 =	simm.s32 @!p0 $0x1BF5;
	p2 =	por !p2, p0  }
0x20: {  	[sflag:s8] =	ssyncset.s32 @!p0 $0xFFFFF086;
	s6 =	sadd.s32 @!p0 s3, s7;
	s7 =	simm.s32 @!p0 $0x108  }
0x21: {  	s3 =	sadd.s32 s3, s9;
	s6 =	sadd.s32 @!p0 $0x88, s6;
	s7 =	simm.s32 @p2 $0x1082  }
0x22: {  	[simem:s7], [sflag:s8] =	dma.local @!p0 [hbm:s6], $0xF7A  }
0x23: {  	s9 =	sor.u32 $0xD0000000, s2;
	s6 =	simm.s32 $0x108;
	_ =	swait.ge @!p0 [sflag:s8], $0x0  }
0x24: {  	s3 =	sadd.s32 $0x88, s3;
	s6 =	simm.s32 @!p1 $0x1082;
	[sflag:s4] =	ssyncset.s32 $0xFFFFF086  }
0x25: {  	[simem:s6], [sflag:s4] =	dma.local [hbm:s3], $0xF7A  }
0x26: {  	[smem:$0x3F89] =	sst s1;
	(tag) =	ssettag s2;
	_ =	strace s9  }
0x27: {  	s1 =	sld [smem:$0x3F99]  }
0x28: {  	s2 =	sld [smem:$0x3F9A]  }
0x29: {  	s4 =	sld [smem:$0x3F9C]  }
0x2a: {  	p0 =	seq.s32 s5, $0x0;
	s5 =	sld [smem:$0x3F9D]  }
0x2b: {  	s6 =	sld [smem:$0x3F9E]  }
0x2c: {  	s7 =	sld [smem:$0x3F9F]  }
0x2d: {  	s3 =	simm.s32 $0x108;
	s8 =	sld [smem:$0x3FA0]  }
0x2e: {  	s3 =	simm.s32 @!p0 $0x1082;
	s9 =	sld [smem:$0x3FA1]  }
0x2f: {  	lr =	sadd.s32 s0, s3;
	s0 =	sld [smem:$0x3F98]  }
0x30: {  	s3 =	sld [smem:$0x3F9B]  }
0x31: {  	[smem:$0x3FA4] =	sst s10  }
0x32: {  	s10 =	sld [smem:$0x3FA2];
	_ =	sdelay $0x3  }
0x33: {  	p0 =	seq.s32 s10, $0x1;
	s10 =	sld [smem:$0x3FA4];
	_ =	sdelay $0x3  }
0x34: {  	[smem:$0x3FA4] =	sst s10  }
0x35: {  	s10 =	sld [smem:$0x3FA3];
	_ =	sdelay $0x3  }
0x36: {  	p1 =	seq.s32 s10, $0x1;
	s10 =	sld [smem:$0x3FA4];
	_ =	sdelay $0x3  }
0x37: {  	[smem:$0x3FA4] =	sst s10  }
0x38: {  	s10 =	sld [smem:$0x3FA5]  }
0x39: {  	_ = 	snop;
	(pc) =	sbr.ind lr, $3  }
0x3a: {  	_ = 	snop  }
0x3b: {  	_ = 	snop  }
0x3c: {  	p2 =	seq.s32 s10, $0x1;
	s10 =	sld [smem:$0x3FA4]  }
0x3d: {  	_ =	shalt  }
0x3e: {  	_ =	shalt  }
0x3f: {  	_ =	shalt  }
0x40: {  	_ =	shalt  }
0x41: {  	_ =	shalt  }
0x42: {  	_ =	shalt  }
0x43: {  	_ =	shalt  }
0x44: {  	_ =	shalt  }
0x45: {  	_ =	shalt  }
0x46: {  	_ =	shalt  }
0x47: {  	_ =	shalt  }
0x48: {  	_ =	shalt  }
0x49: {  	_ =	shalt  }
0x4a: {  	_ =	shalt  }
0x4b: {  	_ =	shalt  }
0x4c: {  	_ =	shalt  }
0x4d: {  	_ =	shalt  }
0x4e: {  	_ =	shalt  }
0x4f: {  	_ =	shalt  }
0x50: {  	_ =	shalt  }
0x51: {  	_ =	shalt  }
0x52: {  	_ =	shalt  }
0x53: {  	_ =	shalt  }
0x54: {  	_ =	shalt  }
0x55: {  	_ =	shalt  }
0x56: {  	_ =	shalt  }
0x57: {  	_ =	shalt  }
0x58: {  	_ =	shalt  }
0x59: {  	_ =	shalt  }
0x5a: {  	_ =	shalt  }
0x5b: {  	_ =	shalt  }
0x5c: {  	_ =	shalt  }
0x5d: {  	_ =	shalt  }
0x5e: {  	_ =	shalt  }
0x5f: {  	_ =	shalt  }
0x60: {  	_ =	shalt  }
0x61: {  	_ =	shalt  }
0x62: {  	_ =	shalt  }
0x63: {  	_ =	shalt  }
0x64: {  	_ =	shalt  }
0x65: {  	_ =	shalt  }
0x66: {  	_ =	shalt  }
0x67: {  	_ =	shalt  }
0x68: {  	_ =	shalt  }
0x69: {  	_ =	shalt  }
0x6a: {  	_ =	shalt  }
0x6b: {  	_ =	shalt  }
0x6c: {  	_ =	shalt  }
0x6d: {  	_ =	shalt  }
0x6e: {  	_ =	shalt  }
0x6f: {  	_ =	shalt  }
0x70: {  	_ =	shalt  }
0x71: {  	_ =	shalt  }
0x72: {  	_ =	shalt  }
0x73: {  	_ =	shalt  }
0x74: {  	_ =	shalt  }
0x75: {  	_ =	shalt  }
0x76: {  	_ =	shalt  }
0x77: {  	_ =	shalt  }
0x78: {  	_ =	shalt  }
0x79: {  	_ =	shalt  }
0x7a: {  	_ =	shalt  }
0x7b: {  	_ =	shalt  }
0x7c: {  	_ =	shalt  }
0x7d: {  	_ =	shalt  }
0x7e: {  	_ =	shalt  }
0x7f: {  	_ =	shalt  }
0x80: {  	_ =	shalt  }
0x81: {  	_ =	shalt  }
0x82: {  	_ =	shalt  }
0x83: {  	_ =	shalt  }
0x84: {  	_ =	shalt  }
0x85: {  	_ =	shalt  }
0x86: {  	_ =	shalt  }
0x87: {  	_ =	shalt  }
.Lfunc_end0:
.L_simem_size_0:
called_computation.1_lowered:
.L_overlay_start_0:
0x88: {  	s2 =	sld [smem:$0x3FD9]  }
0x89: {  	s3 =	sld [smem:$0x3FFE];
	_ =	sdelay $0x1  }
0x8a: {  	s1 =	srdreg.scid  }
0x8b: {  	s0 =	sand.u32 $0x1, s1  }
0x8c: {  	s16 =	sshll.u32 s0, $0xA;
	s2 =	sadd.s32 s3, s2  }
0x8d: {  	s2 =	sadd.s32 s2, s16  }
0x8e: {  	[smem:$0x3FB0] =	sst s2  }
0x8f: {  	_ = 	snop  }
0x90: {  	(tm) =	ssettm $0x1  }
0x91: {  	s17 =	sld [smem:$0x3FFB];
	_ =	sdelay $0x3  }
0x92: {  	_ =	strace s17  }
0x93: {  	s2 =	sld [smem:$0x3FFC];
	_ =	sdelay $0x3  }
0x94: {  	_ =	strace s2  }
0x95: {  	s2 =	sld [smem:$0x3FFD];
	_ =	sdelay $0x3  }
0x96: {  	_ =	strace s2  }
0x97: {  	_ =	strace $0x8FFFFFFF  }
0x98: {  	s18 =	sld [smem:$0x3FDB];
	_ =	sdelay $0x1  }
0x99: {  	s19 =	simm.s32 $_scs_section_size  }
0x9a: {  	s4 =	simm.s32 $_size__tile_overlayer_lowered;
	s5 =	simm.s32 $_tile_overlayer_lowered  }
0x9b: {  	s22 =	simm.s32 $0x1BFF;
	s21 =	sshll.u32 s5, $0x1;
	s2 =	sadd.s32 s19, s18  }
0x9c: {  	s6 =	simm.s32 $0x0;
	s20 =	sshll.u32 s4, $0x1;
	s4 =	sadd.s32 s21, s2  }
0x9d: {  	[timem:s6], [sflag:s22] =	dma.local [hbm:s4], s20  }
0x9e: {  	_ =	swait.ge [sflag:s22], s20  }
0x9f: {  	s3 =	ssub.s32 $0x0, s20;
	[sflag:s22] =	ssyncset.done $0x0  }
0xa0: {  	[sflag:s22] =	ssyncadd.s32 s3;
	_ =	sdelay $0x1  }
0xa1: {  	s23 =	simm.s32 $0x1B8B  }
0xa2: {  	_ =	swait.ge [sflag:s23], $0x1  }
0xa3: {  	[sflag:s23] =	ssyncset.done $0x0  }
0xa4: {  	s25 =	simm.s32 $0x1B8E;
	s24 =	sld [smem:$0x3FFE];
	[sflag:s23] =	ssyncadd.s32 $0xFFFFFFFF  }
0xa5: {  	s26 =	simm.s32 $execute0_lowered;
	[smem:$0x3FD2] =	sst s25  }
0xa6: {  	s4 =	sshll.u32 s26, $0x1;
	_ =	strace $0x80000049;
	[dreg:$0x1] =	wrdreg $0xFFFFFFFF  }
0xa7: {  	s28 =	simm.s32 $_size_execute0_lowered;
	s2 =	sadd.s32 s2, s4;
	[dreg:$0x0] =	wrdreg $0x0  }
0xa8: {  	s4 =	sshll.u32 s28, $0x1;
	[dreg:$0x2] =	wrdreg s2  }
0xa9: {  	[dreg:$0x3] =	wrdreg s4  }
0xaa: {  	[dreg:$0x4] =	wrdreg $0xC0  }
0xab: {  	_ =	task [dreg:s6], $0x5FFFF  }
0xac: {  	[dreg:$0x1] =	wrdreg $0xFFFFFFFF  }
0xad: {  	[dreg:$0x0] =	wrdreg $0x60  }
0xae: {  	[dreg:$0x2] =	wrdreg s24  }
0xaf: {  	[dreg:$0x3] =	wrdreg $0x49000  }
0xb0: {  	[dreg:$0x4] =	wrdreg $0x9  }
0xb1: {  	_ =	task.clear_ibuf [dreg:s6], $0x5FFFF;
	_ =	strace $0x90000049  }
0xb2: {  	s29 =	simm.s32 $0x9;
	_ =	strace $0x8000004B  }
0xb3: {  	_ =	swait.ge [sflag:s29], $0x1  }
0xb4: {  	[sflag:s29] =	ssyncadd.s32 $0xFFFFFFFF  }
0xb5: {  	_ =	strace $0x9000004B  }
0xb6: {  	_ =	sfence  }
0xb7: {  	s30 =	sld [smem:$0x0];
	_ =	sdelay $0x2  }
0xb8: {  	s31 =	sshll.u32 s1, $0xD;
	s1 =	sshrl.u32 s1, $0x2  }
0xb9: {  	s3 =	sand.u32 $0x4000, s31;
	s1 =	sadd.s32 s1, s30  }
0xba: {  	s0 =	sor.u32 s3, s0;
	s1 =	sshll.u32 s1, $0x11  }
0xbb: {  	s0 =	sor.u32 s1, s0  }
0xbc: {  	s0 =	sadd.s32 $0x8F2B, s0  }
0xbd: {  	[sflag:s0] =	ssyncadd.remote.s32 $0x1  }
0xbe: {  	_ =	sfence.sel $0xFFFF  }
0xbf: {  	[dreg:$0x0] =	wrdreg $0xFFFFFFFF;
	(pc) =	sbr.abs _section_cstart, $3  }
0xc0: {  	[dreg:$0x1] =	wrdreg $0xFFFFFFFF  }
0xc1: {  	_ =	task.clear_ibuf [dreg:s6], $0x2FFFF;
	_ =	strace $0x9FFFFFFF  }
0xc2: {  	(tm) =	ssettm $0x7FFFFFFF  }
0xc3: {  	_ =	shalt  }
tec
execute0_lowered:
.L_overlay_start_1:
0x0: {  	(tag) =	ssettag $0x1  }
0x1: {  	s5 =	rddreg [dreg:$0x0]  }
0x2: {  	s2 =	rddreg [dreg:$0x1]  }
0x3: {  	s0 =	srdreg.scid;
	s1 =	rddreg [dreg:$0x2]  }
0x4: {  	s3 =	simm.s32 $0x0;
	s19 =	simm.s32 $0x2900;
	s6 =	sand.u32 $0x1, s0  }
0x5: {  	s20 =	simm.s32 $0x2;
	s0 =	stileid.u32;
	s4 =	smul.u32 $0x27100, s6  }
0x6: {  	s21 =	simm.s32 $0x80;
	s22 =	simm.s32 $0x50;
	s7 =	smul.u32 $0x2710, s0  }
0x7: {  	s23 =	simm.s32 $0x100;
	s24 =	simm.s32 $0x1;
	s8 =	smul.u32 $0x140000, s6  }
0x8: {  	s25 =	simm.s32 $0x0;
	[smem:$0x7FF] =	sst s3;
	s9 =	smul.u32 $0x14000, s0  }
0x9: {  	_ =	strace $0x8000004A;
	s6 =	ssub.s32 $0x2, s6;
	s28 =	smul.u32 $0x50000, s0  }
0xa: {  	s30 =	sshrl.u32 s6, $0x1;
	s7 =	sadd.s32 s7, s4;
	s8 =	sadd.s32 s9, s8  }
0xb: {  	s4 =	sadd.s32 $0x19E00, s5;
	s7 =	sshrl.u32 s7, $0x3;
	s29 =	sshrl.u32 s8, $0x3  }
0xc: {  	s31 =	sshrl.u32 s28, $0x2;
	s18 =	sadd.s32 s7, s5;
	s7 =	sadd.s32 s29, s5  }
0xd: {  	s8 =	ssub.s32 s6, s30;
	s5 =	sadd.s32 s31, s2;
	s6 =	sadd.s32 $0x41000, s7  }
0xe: {  	s7 =	smax.u32 s8, $0x1;
	s8 =	sadd.s32 $0x2000, s5;
	s9 =	sadd.s32 $0x4000, s5  }
0xf: {  	s10 =	sadd.s32 $0x6000, s5;
	s11 =	sadd.s32 $0x8000, s5;
	s12 =	sadd.s32 $0xA000, s5  }
0x10: {  	s13 =	sadd.s32 $0xC000, s5;
	s14 =	sadd.s32 $0xE000, s5;
	s15 =	sadd.s32 $0x10000, s5  }
0x11: {  	v0 =	vimm.f32 $0.0e+00;
	s16 =	sadd.s32 $0x12000, s5;
	s17 =	sadd.s32 $0x10000, s18;
	s18 =	sadd.s32 $0x6200, s18  }
.LBB2_1:
0x12: {  	s26 =	simm.s32 $0x0;
	s28 =	simm.s32 $0x200  }
.LBB2_2:
0x13: {  	p0 =	sne.s32 s28, $0x7E00;
	[tilespmem:s26+$0x2970] =	vst v0  }
0x14: {  	[tilespmem:s26+$0x2900] =	vst v0  }
0x15: {  	[tilespmem:s26+$0x2910] =	vst v0  }
.Ltmp0:
0x16: {  	[tilespmem:s26+$0x2920] =	vst v0;
	(pc) =	sbr.rel @p0 .LBB2_2-.Ltmp0, $4  }
0x17: {  	[tilespmem:s26+$0x2930] =	vst v0  }
0x18: {  	[tilespmem:s26+$0x2940] =	vst v0  }
0x19: {  	[tilespmem:s26+$0x2950] =	vst v0  }
0x1a: {  	[tilespmem:s26+$0x2960] =	vst v0;
	s26 =	sshra.s32 s28, $0x2;
	s28 =	sadd.s32 $0x200, s28  }
0x1b: {  	[tilespmem:s26+$0x2970] =	vst v0  }
0x1c: {  	[tilespmem:s26+$0x2900] =	vst v0  }
0x1d: {  	[tilespmem:s26+$0x2910] =	vst v0  }
0x1e: {  	[tilespmem:s26+$0x2920] =	vst v0  }
0x1f: {  	[tilespmem:s26+$0x2930] =	vst v0  }
0x20: {  	[tilespmem:s26+$0x2940] =	vst v0  }
0x21: {  	[tilespmem:s26+$0x2950] =	vst v0  }
0x22: {  	[tilespmem:s26+$0x2960] =	vst v0  }
0x23: {  	[spmem:s5] =	stream.linear.scatter [tilespmem:s19], [sflag:$0x2], $0x2000, $0x38;
	[tilespmem:$0x18900] =	vst v63  }
0x24: {  	_ =	swait.ge [sflag:s20], $0x2000  }
0x25: {  	[sflag:s20] =	ssyncset.done $0x0  }
0x26: {  	[sflag:s20] =	ssyncadd.s32 $0xFFFFE000  }
0x27: {  	[spmem:s8] =	stream.linear.scatter [tilespmem:s19], [sflag:$0x2], $0x2000, $0x38;
	[tilespmem:$0x18900] =	vst v63  }
0x28: {  	_ =	swait.ge [sflag:s20], $0x2000  }
0x29: {  	[sflag:s20] =	ssyncset.done $0x0  }
0x2a: {  	[sflag:s20] =	ssyncadd.s32 $0xFFFFE000  }
0x2b: {  	[spmem:s9] =	stream.linear.scatter [tilespmem:s19], [sflag:$0x2], $0x2000, $0x38;
	[tilespmem:$0x18900] =	vst v63  }
0x2c: {  	_ =	swait.ge [sflag:s20], $0x2000  }
0x2d: {  	[sflag:s20] =	ssyncset.done $0x0  }
0x2e: {  	[sflag:s20] =	ssyncadd.s32 $0xFFFFE000  }
0x2f: {  	[spmem:s10] =	stream.linear.scatter [tilespmem:s19], [sflag:$0x2], $0x2000, $0x38;
	[tilespmem:$0x18900] =	vst v63  }
0x30: {  	_ =	swait.ge [sflag:s20], $0x2000  }
0x31: {  	[sflag:s20] =	ssyncset.done $0x0  }
0x32: {  	[sflag:s20] =	ssyncadd.s32 $0xFFFFE000  }
0x33: {  	[spmem:s11] =	stream.linear.scatter [tilespmem:s19], [sflag:$0x2], $0x2000, $0x38;
	[tilespmem:$0x18900] =	vst v63  }
0x34: {  	_ =	swait.ge [sflag:s20], $0x2000  }
0x35: {  	[sflag:s20] =	ssyncset.done $0x0  }
0x36: {  	[sflag:s20] =	ssyncadd.s32 $0xFFFFE000  }
0x37: {  	[spmem:s12] =	stream.linear.scatter [tilespmem:s19], [sflag:$0x2], $0x2000, $0x38;
	[tilespmem:$0x18900] =	vst v63  }
0x38: {  	_ =	swait.ge [sflag:s20], $0x2000  }
0x39: {  	[sflag:s20] =	ssyncset.done $0x0  }
0x3a: {  	[sflag:s20] =	ssyncadd.s32 $0xFFFFE000  }
0x3b: {  	[spmem:s13] =	stream.linear.scatter [tilespmem:s19], [sflag:$0x2], $0x2000, $0x38;
	[tilespmem:$0x18900] =	vst v63  }
0x3c: {  	_ =	swait.ge [sflag:s20], $0x2000  }
0x3d: {  	[sflag:s20] =	ssyncset.done $0x0  }
0x3e: {  	[sflag:s20] =	ssyncadd.s32 $0xFFFFE000  }
0x3f: {  	[spmem:s14] =	stream.linear.scatter [tilespmem:s19], [sflag:$0x2], $0x2000, $0x38;
	[tilespmem:$0x18900] =	vst v63  }
0x40: {  	_ =	swait.ge [sflag:s20], $0x2000  }
0x41: {  	[sflag:s20] =	ssyncset.done $0x0  }
0x42: {  	[sflag:s20] =	ssyncadd.s32 $0xFFFFE000  }
0x43: {  	[spmem:s15] =	stream.linear.scatter [tilespmem:s19], [sflag:$0x2], $0x2000, $0x38;
	[tilespmem:$0x18900] =	vst v63  }
0x44: {  	_ =	swait.ge [sflag:s20], $0x2000  }
0x45: {  	[sflag:s20] =	ssyncset.done $0x0  }
0x46: {  	[sflag:s20] =	ssyncadd.s32 $0xFFFFE000  }
0x47: {  	[spmem:s16] =	stream.linear.scatter [tilespmem:s19], [sflag:$0x2], $0x2000, $0x38;
	[tilespmem:$0x18900] =	vst v63  }
0x48: {  	_ =	swait.ge [sflag:s20], $0x2000  }
0x49: {  	[sflag:s20] =	ssyncset.done $0x0  }
0x4a: {  	[sflag:s20] =	ssyncadd.s32 $0xFFFFE000  }
0x4b: {  	s30 =	sadd.s32 $0x0, s18;
	[bflag:$0x0] =	sbarrier.arrive $0xFFFF  }
0x4c: {  	[tilespmem:s3], [sflag:$0x2] =	stream.linear.gather [hbm4b:s30+s3], $0x50, $0x38;
	[tilespmem:$0x18900] =	vst v63  }
0x4d: {  	_ =	swait.ge [sflag:s20], $0x50  }
0x4e: {  	[sflag:s20] =	ssyncset.done $0x0  }
0x4f: {  	s31 =	sadd.s32 $0x0, s17;
	[sflag:s20] =	ssyncadd.s32 $0xFFFFFFB0  }
0x50: {  	[tilespmem:s21], [sflag:$0x2] =	stream.linear.gather [hbm4b:s31+s3], $0x50, $0x38;
	[tilespmem:$0x18900] =	vst v63  }
0x51: {  	_ =	swait.ge [sflag:s20], $0x50  }
0x52: {  	[sflag:s20] =	ssyncset.done $0x0  }
0x53: {  	[sflag:s20] =	ssyncadd.s32 $0xFFFFFFB0  }
0x54: {  	[tilespmem:s23], [sflag:$0x1] =	stream.indirect.gather [hbm4b:s4+s22], $0x80, s3, s22, $0xb8;
	[tilespmem:$0x18900] =	vst v63  }
0x55: {  	_ =	swait.ge [sflag:s24], $0x2800  }
0x56: {  	[sflag:s24] =	ssyncset.done $0x0  }
0x57: {  	[sflag:s24] =	ssyncadd.s32 $0xFFFFD800  }
0x58: {  	[spmem:s2] =	stream.indirect.scatter.add.f32 [tilespmem:s23], [sflag:$0x2], $0x80, s21, s22, $0xb8;
	[tilespmem:$0x18900] =	vst v63  }
0x59: {  	_ =	swait.ge [sflag:s20], $0x2800  }
0x5a: {  	s26 =	simm.s32 $0xA;
	s28 =	simm.s32 $0x14;
	[sflag:s20] =	ssyncset.done $0x0  }
.LBB2_4:
0x5b: {  	s29 =	sadd.s32 s26, s18  }
0x5c: {  	[sflag:s20] =	ssyncadd.s32 $0xFFFFD800;
	s30 =	smov.u32 s28;
	s31 =	sadd.s32 $0xA, s28  }
0x5d: {  	[tilespmem:s3], [sflag:$0x2] =	stream.linear.gather [hbm4b:s29+s3], $0x50, $0x38;
	[tilespmem:$0x18900] =	vst v63  }
0x5e: {  	p0 =	sne.s32 s28, $0x4D8;
	_ =	swait.ge [sflag:s20], $0x50  }
0x5f: {  	[sflag:s20] =	ssyncset.done $0x0  }
0x60: {  	s28 =	sadd.s32 s26, s17;
	s26 =	smov.u32 s30;
	[sflag:s20] =	ssyncadd.s32 $0xFFFFFFB0  }
0x61: {  	[tilespmem:s21], [sflag:$0x2] =	stream.linear.gather [hbm4b:s28+s3], $0x50, $0x38;
	[tilespmem:$0x18900] =	vst v63  }
0x62: {  	_ =	swait.ge [sflag:s20], $0x50  }
0x63: {  	[sflag:s20] =	ssyncset.done $0x0  }
0x64: {  	[sflag:s20] =	ssyncadd.s32 $0xFFFFFFB0  }
0x65: {  	[tilespmem:s23], [sflag:$0x1] =	stream.indirect.gather [hbm4b:s4+s22], $0x80, s3, s22, $0xb8;
	[tilespmem:$0x18900] =	vst v63  }
0x66: {  	_ =	swait.ge [sflag:s24], $0x2800  }
.Ltmp1:
0x67: {  	[sflag:s24] =	ssyncset.done $0x0;
	(pc) =	sbr.rel @p0 .LBB2_4-.Ltmp1, $4  }
0x68: {  	[sflag:s24] =	ssyncadd.s32 $0xFFFFD800  }
0x69: {  	[spmem:s2] =	stream.indirect.scatter.add.f32 [tilespmem:s23], [sflag:$0x2], $0x80, s21, s22, $0xb8;
	[tilespmem:$0x18900] =	vst v63  }
0x6a: {  	_ =	swait.ge [sflag:s20], $0x2800  }
0x6b: {  	s28 =	smov.u32 s31;
	[sflag:s20] =	ssyncset.done $0x0  }
0x6c: {  	s28 =	sadd.s32 s26, s18;
	[sflag:s20] =	ssyncadd.s32 $0xFFFFD800  }
0x6d: {  	[tilespmem:s3], [sflag:$0x2] =	stream.linear.gather [hbm4b:s28+s3], $0x50, $0x38;
	[tilespmem:$0x18900] =	vst v63  }
0x6e: {  	_ =	swait.ge [sflag:s20], $0x50  }
0x6f: {  	[sflag:s20] =	ssyncset.done $0x0  }
0x70: {  	s29 =	sadd.s32 s26, s17;
	[sflag:s20] =	ssyncadd.s32 $0xFFFFFFB0  }
0x71: {  	[tilespmem:s21], [sflag:$0x2] =	stream.linear.gather [hbm4b:s29+s3], $0x50, $0x38;
	[tilespmem:$0x18900] =	vst v63  }
0x72: {  	_ =	swait.ge [sflag:s20], $0x50  }
0x73: {  	[sflag:s20] =	ssyncset.done $0x0  }
0x74: {  	[sflag:s20] =	ssyncadd.s32 $0xFFFFFFB0  }
0x75: {  	[tilespmem:s23], [sflag:$0x1] =	stream.indirect.gather [hbm4b:s4+s22], $0x80, s3, s22, $0xb8;
	[tilespmem:$0x18900] =	vst v63  }
0x76: {  	_ =	swait.ge [sflag:s24], $0x2800  }
0x77: {  	[sflag:s24] =	ssyncset.done $0x0  }
0x78: {  	[sflag:s24] =	ssyncadd.s32 $0xFFFFD800  }
0x79: {  	[spmem:s2] =	stream.indirect.scatter.add.f32 [tilespmem:s23], [sflag:$0x2], $0x80, s21, s22, $0xb8;
	[tilespmem:$0x18900] =	vst v63  }
0x7a: {  	_ =	swait.ge [sflag:s20], $0x2800  }
0x7b: {  	s30 =	sshll.u32 s0, $0x6;
	s25 =	sadd.s32 $0x1, s25;
	[sflag:s20] =	ssyncset.done $0x0  }
0x7c: {  	s31 =	sshrl.u32 s5, $0x3;
	p0 =	sne.s32 s25, s7;
	[sflag:s20] =	ssyncadd.s32 $0xFFFFD800  }
.Ltmp2:
0x7d: {  	s26 =	sor.u32 $0x1C02, s30;
	[bflag:$0x0] =	sbarrier.arrive $0xFFFF;
	(pc) =	sbr.rel @p0 .LBB2_1-.Ltmp2, $4  }
0x7e: {  	[hbm:s6], [sflag:s26] =	dma.local [spmem:s31], $0x2800  }
0x7f: {  	_ =	swait.ge [sflag:s20], $0x2800  }
0x80: {  	[sflag:s20] =	ssyncset.done $0x0  }
0x81: {  	[sflag:s20] =	ssyncadd.s32 $0xFFFFD800  }
0x82: {  	_ =	sfence.sel $0x180000  }
0x83: {  	[bflag:$0x0] =	sbarrier.arrive $0xFFFF  }
0x84: {  	p0 =	sne.s32 s0, $0x0;
	_ =	strace $0x9000004A  }
0x85: {  	s0 =	sadd.s32 @!p0 $0x100000, s1;
	[bflag:$0x2] =	sbarrier.arrive $0xFFFF  }
0x86: {  	[sflag:s0] =	ssyncadd.tile.s32 @!p0 $0x1;
	_ =	shalt  }
.Lfunc_end2:
_tile_overlayer_lowered:
.L_overlay_start_2:
0x87: {  	(tag) =	ssettag $0x2  }
0x88: {  	s0 =	rddreg [dreg:$0x0];
	s2 =	stileid.u32  }
0x89: {  	s1 =	rddreg [dreg:$0x1];
	p0 =	sne.s32 s2, $0x0  }
0x8a: {  	s3 =	rddreg [dreg:$0x2];
	[bflag:$0x3] =	sbarrier.arrive $0xFFFF;
	s2 =	simm.s32 @!p0 $0x1C02  }
0x8b: {  	[timem:s3], [sflag:s2] =	dma.local @!p0 [hbm:s0], s1  }
0x8c: {  	s0 =	simm.s32 @!p0 $0x2  }
0x8d: {  	_ =	swait.ge @!p0 [sflag:s0], s1  }
0x8e: {  	s1 =	ssub.s32 @!p0 $0x0, s1;
	[sflag:s0] =	ssyncset.done @!p0 $0x0  }
0x8f: {  	[sflag:s0] =	ssyncadd.s32 @!p0 s1  }
0x90: {  	[bflag:$0x3] =	sbarrier.arrive $0xFFFF  }
0x91: {  	_ =	shalt  }

// kernel: kernel.23.cloned.1.call-start
scs
__scs_entry_jumppad:
0x0: {  	(pc) =	sbr.rel $0x88, $3  }
0x1: {  	(tag) =	ssettag $0x0;
	lr =	simm.s32 $0x1  }
0x2: {  	[smem:$0x3F89] =	sst lr;
	_ =	strace $0xD0000000  }
0x3: {  	_ = 	snop  }
0x4: {  	_ = 	snop  }
0x5: {  	_ = 	snop  }
0x6: {  	_ = 	snop  }
0x7: {  	_ = 	snop  }
__scs_overlays_trampoline_lowered:
0x8: {  	[smem:$0x3F98] =	sst s0  }
0x9: {  	[smem:$0x3F99] =	sst s1  }
0xa: {  	[smem:$0x3F9A] =	sst s2  }
0xb: {  	[smem:$0x3F9B] =	sst s3  }
0xc: {  	[smem:$0x3F9C] =	sst s4  }
0xd: {  	[smem:$0x3F9D] =	sst s5  }
0xe: {  	[smem:$0x3F9E] =	sst s6  }
0xf: {  	[smem:$0x3F9F] =	sst s7  }
0x10: {  	[smem:$0x3FA0] =	sst s8  }
0x11: {  	[smem:$0x3FA1] =	sst s9;
	s0 =	simm.s32 @!p0 $0x0  }
0x12: {  	s1 =	sld [smem:$0x3F87];
	s0 =	simm.s32 @p0 $0x1  }
0x13: {  	[smem:$0x3FA2] =	sst s0;
	s0 =	simm.s32 @!p1 $0x0  }
0x14: {  	s2 =	sld [smem:$0x3F86];
	s0 =	simm.s32 @p1 $0x1  }
0x15: {  	[smem:$0x3FA3] =	sst s0;
	s0 =	simm.s32 @!p2 $0x0  }
0x16: {  	s3 =	sld [smem:$0x3FDB];
	s0 =	simm.s32 @p2 $0x1  }
0x17: {  	s4 =	simm.s32 $0x1BF5;
	[smem:$0x3FA5] =	sst s0  }
0x18: {  	s0 =	sld [smem:$0x3F88];
	_ =	swait.ge [sflag:s4], $0x0  }
0x19: {  	s7 =	sld [smem:$0x3F89]  }
0x1a: {  	s8 =	sadd.s32 $0xFFFFE003, lr  }
0x1b: {  	s9 =	sadd.s32 $0xFFFFFEF7, lr;
	s5 =	simm.s32 $0xFFFFFFFF;
	p2 =	slt.u32 s8, $0xFFFFF086  }
0x1c: {  	p1 =	slt.u32 s9, $0xF7A;
	s5 =	simm.s32 @!p2 $0x0  }
0x1d: {  	s5 =	simm.s32 @p1 $0x1;
	p0 =	seq.s32 s7, s2  }
0x1e: {  	s7 =	smul.u32 @!p0 $0xF7A, s2;
	p2 =	seq.s32 @!p0 s5, $0x0  }
0x1f: {  	s9 =	smul.u32 $0xF7A, s1;
	s8 =	simm.s32 @!p0 $0x1BF5;
	p2 =	por !p2, p0  }
0x20: {  	[sflag:s8] =	ssyncset.s32 @!p0 $0xFFFFF086;
	s6 =	sadd.s32 @!p0 s3, s7;
	s7 =	simm.s32 @!p0 $0x108  }
0x21: {  	s3 =	sadd.s32 s3, s9;
	s6 =	sadd.s32 @!p0 $0x88, s6;
	s7 =	simm.s32 @p2 $0x1082  }
0x22: {  	[simem:s7], [sflag:s8] =	dma.local @!p0 [hbm:s6], $0xF7A  }
0x23: {  	s9 =	sor.u32 $0xD0000000, s2;
	s6 =	simm.s32 $0x108;
	_ =	swait.ge @!p0 [sflag:s8], $0x0  }
0x24: {  	s3 =	sadd.s32 $0x88, s3;
	s6 =	simm.s32 @!p1 $0x1082;
	[sflag:s4] =	ssyncset.s32 $0xFFFFF086  }
0x25: {  	[simem:s6], [sflag:s4] =	dma.local [hbm:s3], $0xF7A  }
0x26: {  	[smem:$0x3F89] =	sst s1;
	(tag) =	ssettag s2;
	_ =	strace s9  }
0x27: {  	s1 =	sld [smem:$0x3F99]  }
0x28: {  	s2 =	sld [smem:$0x3F9A]  }
0x29: {  	s4 =	sld [smem:$0x3F9C]  }
0x2a: {  	p0 =	seq.s32 s5, $0x0;
	s5 =	sld [smem:$0x3F9D]  }
0x2b: {  	s6 =	sld [smem:$0x3F9E]  }
0x2c: {  	s7 =	sld [smem:$0x3F9F]  }
0x2d: {  	s3 =	simm.s32 $0x108;
	s8 =	sld [smem:$0x3FA0]  }
0x2e: {  	s3 =	simm.s32 @!p0 $0x1082;
	s9 =	sld [smem:$0x3FA1]  }
0x2f: {  	lr =	sadd.s32 s0, s3;
	s0 =	sld [smem:$0x3F98]  }
0x30: {  	s3 =	sld [smem:$0x3F9B]  }
0x31: {  	[smem:$0x3FA4] =	sst s10  }
0x32: {  	s10 =	sld [smem:$0x3FA2];
	_ =	sdelay $0x3  }
0x33: {  	p0 =	seq.s32 s10, $0x1;
	s10 =	sld [smem:$0x3FA4];
	_ =	sdelay $0x3  }
0x34: {  	[smem:$0x3FA4] =	sst s10  }
0x35: {  	s10 =	sld [smem:$0x3FA3];
	_ =	sdelay $0x3  }
0x36: {  	p1 =	seq.s32 s10, $0x1;
	s10 =	sld [smem:$0x3FA4];
	_ =	sdelay $0x3  }
0x37: {  	[smem:$0x3FA4] =	sst s10  }
0x38: {  	s10 =	sld [smem:$0x3FA5]  }
0x39: {  	_ = 	snop;
	(pc) =	sbr.ind lr, $3  }
0x3a: {  	_ = 	snop  }
0x3b: {  	_ = 	snop  }
0x3c: {  	p2 =	seq.s32 s10, $0x1;
	s10 =	sld [smem:$0x3FA4]  }
0x3d: {  	_ =	shalt  }
0x3e: {  	_ =	shalt  }
0x3f: {  	_ =	shalt  }
0x40: {  	_ =	shalt  }
0x41: {  	_ =	shalt  }
0x42: {  	_ =	shalt  }
0x43: {  	_ =	shalt  }
0x44: {  	_ =	shalt  }
0x45: {  	_ =	shalt  }
0x46: {  	_ =	shalt  }
0x47: {  	_ =	shalt  }
0x48: {  	_ =	shalt  }
0x49: {  	_ =	shalt  }
0x4a: {  	_ =	shalt  }
0x4b: {  	_ =	shalt  }
0x4c: {  	_ =	shalt  }
0x4d: {  	_ =	shalt  }
0x4e: {  	_ =	shalt  }
0x4f: {  	_ =	shalt  }
0x50: {  	_ =	shalt  }
0x51: {  	_ =	shalt  }
0x52: {  	_ =	shalt  }
0x53: {  	_ =	shalt  }
0x54: {  	_ =	shalt  }
0x55: {  	_ =	shalt  }
0x56: {  	_ =	shalt  }
0x57: {  	_ =	shalt  }
0x58: {  	_ =	shalt  }
0x59: {  	_ =	shalt  }
0x5a: {  	_ =	shalt  }
0x5b: {  	_ =	shalt  }
0x5c: {  	_ =	shalt  }
0x5d: {  	_ =	shalt  }
0x5e: {  	_ =	shalt  }
0x5f: {  	_ =	shalt  }
0x60: {  	_ =	shalt  }
0x61: {  	_ =	shalt  }
0x62: {  	_ =	shalt  }
0x63: {  	_ =	shalt  }
0x64: {  	_ =	shalt  }
0x65: {  	_ =	shalt  }
0x66: {  	_ =	shalt  }
0x67: {  	_ =	shalt  }
0x68: {  	_ =	shalt  }
0x69: {  	_ =	shalt  }
0x6a: {  	_ =	shalt  }
0x6b: {  	_ =	shalt  }
0x6c: {  	_ =	shalt  }
0x6d: {  	_ =	shalt  }
0x6e: {  	_ =	shalt  }
0x6f: {  	_ =	shalt  }
0x70: {  	_ =	shalt  }
0x71: {  	_ =	shalt  }
0x72: {  	_ =	shalt  }
0x73: {  	_ =	shalt  }
0x74: {  	_ =	shalt  }
0x75: {  	_ =	shalt  }
0x76: {  	_ =	shalt  }
0x77: {  	_ =	shalt  }
0x78: {  	_ =	shalt  }
0x79: {  	_ =	shalt  }
0x7a: {  	_ =	shalt  }
0x7b: {  	_ =	shalt  }
0x7c: {  	_ =	shalt  }
0x7d: {  	_ =	shalt  }
0x7e: {  	_ =	shalt  }
0x7f: {  	_ =	shalt  }
0x80: {  	_ =	shalt  }
0x81: {  	_ =	shalt  }
0x82: {  	_ =	shalt  }
0x83: {  	_ =	shalt  }
0x84: {  	_ =	shalt  }
0x85: {  	_ =	shalt  }
0x86: {  	_ =	shalt  }
0x87: {  	_ =	shalt  }
.Lfunc_end0:
.L_simem_size_0:
called_computation.2_lowered:
.L_overlay_start_0:
0x88: {  	s2 =	sld [smem:$0x3FD9]  }
0x89: {  	s3 =	sld [smem:$0x3FFE];
	_ =	sdelay $0x1  }
0x8a: {  	s1 =	srdreg.scid  }
0x8b: {  	s0 =	sand.u32 $0x1, s1  }
0x8c: {  	s16 =	sshll.u32 s0, $0xA;
	s2 =	sadd.s32 s3, s2  }
0x8d: {  	s2 =	sadd.s32 s2, s16  }
0x8e: {  	[smem:$0x3FB0] =	sst s2  }
0x8f: {  	_ = 	snop  }
0x90: {  	(tm) =	ssettm $0x1  }
0x91: {  	s17 =	sld [smem:$0x3FFB];
	_ =	sdelay $0x3  }
0x92: {  	_ =	strace s17  }
0x93: {  	s2 =	sld [smem:$0x3FFC];
	_ =	sdelay $0x3  }
0x94: {  	_ =	strace s2  }
0x95: {  	s2 =	sld [smem:$0x3FFD];
	_ =	sdelay $0x3  }
0x96: {  	_ =	strace s2  }
0x97: {  	_ =	strace $0x8FFFFFFF  }
0x98: {  	s18 =	sld [smem:$0x3FDB];
	_ =	sdelay $0x1  }
0x99: {  	s19 =	simm.s32 $_scs_section_size  }
0x9a: {  	s4 =	simm.s32 $_size__tile_overlayer_lowered;
	s5 =	simm.s32 $_tile_overlayer_lowered  }
0x9b: {  	s22 =	simm.s32 $0x1BFF;
	s21 =	sshll.u32 s5, $0x1;
	s2 =	sadd.s32 s19, s18  }
0x9c: {  	s6 =	simm.s32 $0x0;
	s20 =	sshll.u32 s4, $0x1;
	s4 =	sadd.s32 s21, s2  }
0x9d: {  	[timem:s6], [sflag:s22] =	dma.local [hbm:s4], s20  }
0x9e: {  	_ =	swait.ge [sflag:s22], s20  }
0x9f: {  	s3 =	ssub.s32 $0x0, s20;
	[sflag:s22] =	ssyncset.done $0x0  }
0xa0: {  	[sflag:s22] =	ssyncadd.s32 s3;
	_ =	sdelay $0x1  }
0xa1: {  	s23 =	simm.s32 $0x1B8B  }
0xa2: {  	_ =	swait.ge [sflag:s23], $0x1  }
0xa3: {  	[sflag:s23] =	ssyncset.done $0x0  }
0xa4: {  	s25 =	simm.s32 $0x1B8E;
	s24 =	sld [smem:$0x3FFE];
	[sflag:s23] =	ssyncadd.s32 $0xFFFFFFFF  }
0xa5: {  	s26 =	simm.s32 $execute0_lowered;
	[smem:$0x3FD2] =	sst s25  }
0xa6: {  	s4 =	sshll.u32 s26, $0x1;
	_ =	strace $0x8000004C;
	[dreg:$0x1] =	wrdreg $0xFFFFFFFF  }
0xa7: {  	s28 =	simm.s32 $_size_execute0_lowered;
	s2 =	sadd.s32 s2, s4;
	[dreg:$0x0] =	wrdreg $0x0  }
0xa8: {  	s4 =	sshll.u32 s28, $0x1;
	[dreg:$0x2] =	wrdreg s2  }
0xa9: {  	[dreg:$0x3] =	wrdreg s4  }
0xaa: {  	[dreg:$0x4] =	wrdreg $0xC0  }
0xab: {  	_ =	task [dreg:s6], $0x5FFFF  }
0xac: {  	[dreg:$0x1] =	wrdreg $0xFFFFFFFF  }
0xad: {  	[dreg:$0x0] =	wrdreg $0x60  }
0xae: {  	[dreg:$0x2] =	wrdreg s24  }
0xaf: {  	[dreg:$0x3] =	wrdreg $0x49000  }
0xb0: {  	[dreg:$0x4] =	wrdreg $0x9  }
0xb1: {  	_ =	task.clear_ibuf [dreg:s6], $0x5FFFF;
	_ =	strace $0x9000004C  }
0xb2: {  	s29 =	simm.s32 $0x9;
	_ =	strace $0x8000004E  }
0xb3: {  	_ =	swait.ge [sflag:s29], $0x1  }
0xb4: {  	[sflag:s29] =	ssyncadd.s32 $0xFFFFFFFF  }
0xb5: {  	_ =	strace $0x9000004E  }
0xb6: {  	_ =	sfence  }
0xb7: {  	s30 =	sld [smem:$0x0];
	_ =	sdelay $0x2  }
0xb8: {  	s31 =	sshll.u32 s1, $0xD;
	s1 =	sshrl.u32 s1, $0x2  }
0xb9: {  	s3 =	sand.u32 $0x4000, s31;
	s1 =	sadd.s32 s1, s30  }
0xba: {  	s0 =	sor.u32 s3, s0;
	s1 =	sshll.u32 s1, $0x11  }
0xbb: {  	s0 =	sor.u32 s1, s0  }
0xbc: {  	s0 =	sadd.s32 $0x8F2B, s0  }
0xbd: {  	[sflag:s0] =	ssyncadd.remote.s32 $0x1  }
0xbe: {  	_ =	sfence.sel $0xFFFF  }
0xbf: {  	[dreg:$0x0] =	wrdreg $0xFFFFFFFF;
	(pc) =	sbr.abs _section_cstart, $3  }
0xc0: {  	[dreg:$0x1] =	wrdreg $0xFFFFFFFF  }
0xc1: {  	_ =	task.clear_ibuf [dreg:s6], $0x2FFFF;
	_ =	strace $0x9FFFFFFF  }
0xc2: {  	(tm) =	ssettm $0x7FFFFFFF  }
0xc3: {  	_ =	shalt  }
tec
execute0_lowered:
.L_overlay_start_1:
0x0: {  	(tag) =	ssettag $0x1  }
0x1: {  	s5 =	rddreg [dreg:$0x0]  }
0x2: {  	s2 =	rddreg [dreg:$0x1]  }
0x3: {  	s0 =	srdreg.scid;
	s1 =	rddreg [dreg:$0x2]  }
0x4: {  	s3 =	simm.s32 $0x0;
	s19 =	simm.s32 $0x2900;
	s6 =	sand.u32 $0x1, s0  }
0x5: {  	s20 =	simm.s32 $0x2;
	s0 =	stileid.u32;
	s4 =	smul.u32 $0x27100, s6  }
0x6: {  	s21 =	simm.s32 $0x80;
	s22 =	simm.s32 $0x50;
	s7 =	smul.u32 $0x2710, s0  }
0x7: {  	s23 =	simm.s32 $0x100;
	s24 =	simm.s32 $0x1;
	s8 =	smul.u32 $0x140000, s6  }
0x8: {  	s25 =	simm.s32 $0x0;
	[smem:$0x7FF] =	sst s3;
	s9 =	smul.u32 $0x14000, s0  }
0x9: {  	_ =	strace $0x8000004D;
	s6 =	ssub.s32 $0x2, s6;
	s28 =	smul.u32 $0x50000, s0  }
0xa: {  	s30 =	sshrl.u32 s6, $0x1;
	s7 =	sadd.s32 s7, s4;
	s8 =	sadd.s32 s9, s8  }
0xb: {  	s4 =	sadd.s32 $0x19E00, s5;
	s7 =	sshrl.u32 s7, $0x3;
	s29 =	sshrl.u32 s8, $0x3  }
0xc: {  	s31 =	sshrl.u32 s28, $0x2;
	s18 =	sadd.s32 s7, s5;
	s7 =	sadd.s32 s29, s5  }
0xd: {  	s8 =	ssub.s32 s6, s30;
	s5 =	sadd.s32 s31, s2;
	s6 =	sadd.s32 $0x41000, s7  }
0xe: {  	s7 =	smax.u32 s8, $0x1;
	s8 =	sadd.s32 $0x2000, s5;
	s9 =	sadd.s32 $0x4000, s5  }
0xf: {  	s10 =	sadd.s32 $0x6000, s5;
	s11 =	sadd.s32 $0x8000, s5;
	s12 =	sadd.s32 $0xA000, s5  }
0x10: {  	s13 =	sadd.s32 $0xC000, s5;
	s14 =	sadd.s32 $0xE000, s5;
	s15 =	sadd.s32 $0x10000, s5  }
0x11: {  	v0 =	vimm.f32 $0.0e+00;
	s16 =	sadd.s32 $0x12000, s5;
	s17 =	sadd.s32 $0x10000, s18;
	s18 =	sadd.s32 $0x6200, s18  }
.LBB2_1:
0x12: {  	s26 =	simm.s32 $0x0;
	s28 =	simm.s32 $0x200  }
.LBB2_2:
0x13: {  	p0 =	sne.s32 s28, $0x7E00;
	[tilespmem:s26+$0x2970] =	vst v0  }
0x14: {  	[tilespmem:s26+$0x2900] =	vst v0  }
0x15: {  	[tilespmem:s26+$0x2910] =	vst v0  }
.Ltmp0:
0x16: {  	[tilespmem:s26+$0x2920] =	vst v0;
	(pc) =	sbr.rel @p0 .LBB2_2-.Ltmp0, $4  }
0x17: {  	[tilespmem:s26+$0x2930] =	vst v0  }
0x18: {  	[tilespmem:s26+$0x2940] =	vst v0  }
0x19: {  	[tilespmem:s26+$0x2950] =	vst v0  }
0x1a: {  	[tilespmem:s26+$0x2960] =	vst v0;
	s26 =	sshra.s32 s28, $0x2;
	s28 =	sadd.s32 $0x200, s28  }
0x1b: {  	[tilespmem:s26+$0x2970] =	vst v0  }
0x1c: {  	[tilespmem:s26+$0x2900] =	vst v0  }
0x1d: {  	[tilespmem:s26+$0x2910] =	vst v0  }
0x1e: {  	[tilespmem:s26+$0x2920] =	vst v0  }
0x1f: {  	[tilespmem:s26+$0x2930] =	vst v0  }
0x20: {  	[tilespmem:s26+$0x2940] =	vst v0  }
0x21: {  	[tilespmem:s26+$0x2950] =	vst v0  }
0x22: {  	[tilespmem:s26+$0x2960] =	vst v0  }
0x23: {  	[spmem:s5] =	stream.linear.scatter [tilespmem:s19], [sflag:$0x2], $0x2000, $0x38;
	[tilespmem:$0x18900] =	vst v63  }
0x24: {  	_ =	swait.ge [sflag:s20], $0x2000  }
0x25: {  	[sflag:s20] =	ssyncset.done $0x0  }
0x26: {  	[sflag:s20] =	ssyncadd.s32 $0xFFFFE000  }
0x27: {  	[spmem:s8] =	stream.linear.scatter [tilespmem:s19], [sflag:$0x2], $0x2000, $0x38;
	[tilespmem:$0x18900] =	vst v63  }
0x28: {  	_ =	swait.ge [sflag:s20], $0x2000  }
0x29: {  	[sflag:s20] =	ssyncset.done $0x0  }
0x2a: {  	[sflag:s20] =	ssyncadd.s32 $0xFFFFE000  }
0x2b: {  	[spmem:s9] =	stream.linear.scatter [tilespmem:s19], [sflag:$0x2], $0x2000, $0x38;
	[tilespmem:$0x18900] =	vst v63  }
0x2c: {  	_ =	swait.ge [sflag:s20], $0x2000  }
0x2d: {  	[sflag:s20] =	ssyncset.done $0x0  }
0x2e: {  	[sflag:s20] =	ssyncadd.s32 $0xFFFFE000  }
0x2f: {  	[spmem:s10] =	stream.linear.scatter [tilespmem:s19], [sflag:$0x2], $0x2000, $0x38;
	[tilespmem:$0x18900] =	vst v63  }
0x30: {  	_ =	swait.ge [sflag:s20], $0x2000  }
0x31: {  	[sflag:s20] =	ssyncset.done $0x0  }
0x32: {  	[sflag:s20] =	ssyncadd.s32 $0xFFFFE000  }
0x33: {  	[spmem:s11] =	stream.linear.scatter [tilespmem:s19], [sflag:$0x2], $0x2000, $0x38;
	[tilespmem:$0x18900] =	vst v63  }
0x34: {  	_ =	swait.ge [sflag:s20], $0x2000  }
0x35: {  	[sflag:s20] =	ssyncset.done $0x0  }
0x36: {  	[sflag:s20] =	ssyncadd.s32 $0xFFFFE000  }
0x37: {  	[spmem:s12] =	stream.linear.scatter [tilespmem:s19], [sflag:$0x2], $0x2000, $0x38;
	[tilespmem:$0x18900] =	vst v63  }
0x38: {  	_ =	swait.ge [sflag:s20], $0x2000  }
0x39: {  	[sflag:s20] =	ssyncset.done $0x0  }
0x3a: {  	[sflag:s20] =	ssyncadd.s32 $0xFFFFE000  }
0x3b: {  	[spmem:s13] =	stream.linear.scatter [tilespmem:s19], [sflag:$0x2], $0x2000, $0x38;
	[tilespmem:$0x18900] =	vst v63  }
0x3c: {  	_ =	swait.ge [sflag:s20], $0x2000  }
0x3d: {  	[sflag:s20] =	ssyncset.done $0x0  }
0x3e: {  	[sflag:s20] =	ssyncadd.s32 $0xFFFFE000  }
0x3f: {  	[spmem:s14] =	stream.linear.scatter [tilespmem:s19], [sflag:$0x2], $0x2000, $0x38;
	[tilespmem:$0x18900] =	vst v63  }
0x40: {  	_ =	swait.ge [sflag:s20], $0x2000  }
0x41: {  	[sflag:s20] =	ssyncset.done $0x0  }
0x42: {  	[sflag:s20] =	ssyncadd.s32 $0xFFFFE000  }
0x43: {  	[spmem:s15] =	stream.linear.scatter [tilespmem:s19], [sflag:$0x2], $0x2000, $0x38;
	[tilespmem:$0x18900] =	vst v63  }
0x44: {  	_ =	swait.ge [sflag:s20], $0x2000  }
0x45: {  	[sflag:s20] =	ssyncset.done $0x0  }
0x46: {  	[sflag:s20] =	ssyncadd.s32 $0xFFFFE000  }
0x47: {  	[spmem:s16] =	stream.linear.scatter [tilespmem:s19], [sflag:$0x2], $0x2000, $0x38;
	[tilespmem:$0x18900] =	vst v63  }
0x48: {  	_ =	swait.ge [sflag:s20], $0x2000  }
0x49: {  	[sflag:s20] =	ssyncset.done $0x0  }
0x4a: {  	[sflag:s20] =	ssyncadd.s32 $0xFFFFE000  }
0x4b: {  	s30 =	sadd.s32 $0x0, s18;
	[bflag:$0x0] =	sbarrier.arrive $0xFFFF  }
0x4c: {  	[tilespmem:s3], [sflag:$0x2] =	stream.linear.gather [hbm4b:s30+s3], $0x50, $0x38;
	[tilespmem:$0x18900] =	vst v63  }
0x4d: {  	_ =	swait.ge [sflag:s20], $0x50  }
0x4e: {  	[sflag:s20] =	ssyncset.done $0x0  }
0x4f: {  	s31 =	sadd.s32 $0x0, s17;
	[sflag:s20] =	ssyncadd.s32 $0xFFFFFFB0  }
0x50: {  	[tilespmem:s21], [sflag:$0x2] =	stream.linear.gather [hbm4b:s31+s3], $0x50, $0x38;
	[tilespmem:$0x18900] =	vst v63  }
0x51: {  	_ =	swait.ge [sflag:s20], $0x50  }
0x52: {  	[sflag:s20] =	ssyncset.done $0x0  }
0x53: {  	[sflag:s20] =	ssyncadd.s32 $0xFFFFFFB0  }
0x54: {  	[tilespmem:s23], [sflag:$0x1] =	stream.indirect.gather [hbm4b:s4+s22], $0x80, s3, s22, $0xb8;
	[tilespmem:$0x18900] =	vst v63  }
0x55: {  	_ =	swait.ge [sflag:s24], $0x2800  }
0x56: {  	[sflag:s24] =	ssyncset.done $0x0  }
0x57: {  	[sflag:s24] =	ssyncadd.s32 $0xFFFFD800  }
0x58: {  	[spmem:s2] =	stream.indirect.scatter.add.f32 [tilespmem:s23], [sflag:$0x2], $0x80, s21, s22, $0xb8;
	[tilespmem:$0x18900] =	vst v63  }
0x59: {  	_ =	swait.ge [sflag:s20], $0x2800  }
0x5a: {  	s26 =	simm.s32 $0xA;
	s28 =	simm.s32 $0x14;
	[sflag:s20] =	ssyncset.done $0x0  }
.LBB2_4:
0x5b: {  	s29 =	sadd.s32 s26, s18  }
0x5c: {  	[sflag:s20] =	ssyncadd.s32 $0xFFFFD800;
	s30 =	smov.u32 s28;
	s31 =	sadd.s32 $0xA, s28  }
0x5d: {  	[tilespmem:s3], [sflag:$0x2] =	stream.linear.gather [hbm4b:s29+s3], $0x50, $0x38;
	[tilespmem:$0x18900] =	vst v63  }
0x5e: {  	p0 =	sne.s32 s28, $0x4D8;
	_ =	swait.ge [sflag:s20], $0x50  }
0x5f: {  	[sflag:s20] =	ssyncset.done $0x0  }
0x60: {  	s28 =	sadd.s32 s26, s17;
	s26 =	smov.u32 s30;
	[sflag:s20] =	ssyncadd.s32 $0xFFFFFFB0  }
0x61: {  	[tilespmem:s21], [sflag:$0x2] =	stream.linear.gather [hbm4b:s28+s3], $0x50, $0x38;
	[tilespmem:$0x18900] =	vst v63  }
0x62: {  	_ =	swait.ge [sflag:s20], $0x50  }
0x63: {  	[sflag:s20] =	ssyncset.done $0x0  }
0x64: {  	[sflag:s20] =	ssyncadd.s32 $0xFFFFFFB0  }
0x65: {  	[tilespmem:s23], [sflag:$0x1] =	stream.indirect.gather [hbm4b:s4+s22], $0x80, s3, s22, $0xb8;
	[tilespmem:$0x18900] =	vst v63  }
0x66: {  	_ =	swait.ge [sflag:s24], $0x2800  }
.Ltmp1:
0x67: {  	[sflag:s24] =	ssyncset.done $0x0;
	(pc) =	sbr.rel @p0 .LBB2_4-.Ltmp1, $4  }
0x68: {  	[sflag:s24] =	ssyncadd.s32 $0xFFFFD800  }
0x69: {  	[spmem:s2] =	stream.indirect.scatter.add.f32 [tilespmem:s23], [sflag:$0x2], $0x80, s21, s22, $0xb8;
	[tilespmem:$0x18900] =	vst v63  }
0x6a: {  	_ =	swait.ge [sflag:s20], $0x2800  }
0x6b: {  	s28 =	smov.u32 s31;
	[sflag:s20] =	ssyncset.done $0x0  }
0x6c: {  	s28 =	sadd.s32 s26, s18;
	[sflag:s20] =	ssyncadd.s32 $0xFFFFD800  }
0x6d: {  	[tilespmem:s3], [sflag:$0x2] =	stream.linear.gather [hbm4b:s28+s3], $0x50, $0x38;
	[tilespmem:$0x18900] =	vst v63  }
0x6e: {  	_ =	swait.ge [sflag:s20], $0x50  }
0x6f: {  	[sflag:s20] =	ssyncset.done $0x0  }
0x70: {  	s29 =	sadd.s32 s26, s17;
	[sflag:s20] =	ssyncadd.s32 $0xFFFFFFB0  }
0x71: {  	[tilespmem:s21], [sflag:$0x2] =	stream.linear.gather [hbm4b:s29+s3], $0x50, $0x38;
	[tilespmem:$0x18900] =	vst v63  }
0x72: {  	_ =	swait.ge [sflag:s20], $0x50  }
0x73: {  	[sflag:s20] =	ssyncset.done $0x0  }
0x74: {  	[sflag:s20] =	ssyncadd.s32 $0xFFFFFFB0  }
0x75: {  	[tilespmem:s23], [sflag:$0x1] =	stream.indirect.gather [hbm4b:s4+s22], $0x80, s3, s22, $0xb8;
	[tilespmem:$0x18900] =	vst v63  }
0x76: {  	_ =	swait.ge [sflag:s24], $0x2800  }
0x77: {  	[sflag:s24] =	ssyncset.done $0x0  }
0x78: {  	[sflag:s24] =	ssyncadd.s32 $0xFFFFD800  }
0x79: {  	[spmem:s2] =	stream.indirect.scatter.add.f32 [tilespmem:s23], [sflag:$0x2], $0x80, s21, s22, $0xb8;
	[tilespmem:$0x18900] =	vst v63  }
0x7a: {  	_ =	swait.ge [sflag:s20], $0x2800  }
0x7b: {  	s30 =	sshll.u32 s0, $0x6;
	s25 =	sadd.s32 $0x1, s25;
	[sflag:s20] =	ssyncset.done $0x0  }
0x7c: {  	s31 =	sshrl.u32 s5, $0x3;
	p0 =	sne.s32 s25, s7;
	[sflag:s20] =	ssyncadd.s32 $0xFFFFD800  }
.Ltmp2:
0x7d: {  	s26 =	sor.u32 $0x1C02, s30;
	[bflag:$0x0] =	sbarrier.arrive $0xFFFF;
	(pc) =	sbr.rel @p0 .LBB2_1-.Ltmp2, $4  }
0x7e: {  	[hbm:s6], [sflag:s26] =	dma.local [spmem:s31], $0x2800  }
0x7f: {  	_ =	swait.ge [sflag:s20], $0x2800  }
0x80: {  	[sflag:s20] =	ssyncset.done $0x0  }
0x81: {  	[sflag:s20] =	ssyncadd.s32 $0xFFFFD800  }
0x82: {  	_ =	sfence.sel $0x180000  }
0x83: {  	[bflag:$0x0] =	sbarrier.arrive $0xFFFF  }
0x84: {  	p0 =	sne.s32 s0, $0x0;
	_ =	strace $0x9000004D  }
0x85: {  	s0 =	sadd.s32 @!p0 $0x100000, s1;
	[bflag:$0x2] =	sbarrier.arrive $0xFFFF  }
0x86: {  	[sflag:s0] =	ssyncadd.tile.s32 @!p0 $0x1;
	_ =	shalt  }
.Lfunc_end2:
_tile_overlayer_lowered:
.L_overlay_start_2:
0x87: {  	(tag) =	ssettag $0x2  }
0x88: {  	s0 =	rddreg [dreg:$0x0];
	s2 =	stileid.u32  }
0x89: {  	s1 =	rddreg [dreg:$0x1];
	p0 =	sne.s32 s2, $0x0  }
0x8a: {  	s3 =	rddreg [dreg:$0x2];
	[bflag:$0x3] =	sbarrier.arrive $0xFFFF;
	s2 =	simm.s32 @!p0 $0x1C02  }
0x8b: {  	[timem:s3], [sflag:s2] =	dma.local @!p0 [hbm:s0], s1  }
0x8c: {  	s0 =	simm.s32 @!p0 $0x2  }
0x8d: {  	_ =	swait.ge @!p0 [sflag:s0], s1  }
0x8e: {  	s1 =	ssub.s32 @!p0 $0x0, s1;
	[sflag:s0] =	ssyncset.done @!p0 $0x0  }
0x8f: {  	[sflag:s0] =	ssyncadd.s32 @!p0 s1  }
0x90: {  	[bflag:$0x3] =	sbarrier.arrive $0xFFFF  }
0x91: {  	_ =	shalt  }

// kernel: kernel.26.cloned.1.call-start
scs
__scs_entry_jumppad:
0x0: {  	(pc) =	sbr.rel $0x88, $3  }
0x1: {  	(tag) =	ssettag $0x0;
	lr =	simm.s32 $0x1  }
0x2: {  	[smem:$0x3F89] =	sst lr;
	_ =	strace $0xD0000000  }
0x3: {  	_ = 	snop  }
0x4: {  	_ = 	snop  }
0x5: {  	_ = 	snop  }
0x6: {  	_ = 	snop  }
0x7: {  	_ = 	snop  }
__scs_overlays_trampoline_lowered:
0x8: {  	[smem:$0x3F98] =	sst s0  }
0x9: {  	[smem:$0x3F99] =	sst s1  }
0xa: {  	[smem:$0x3F9A] =	sst s2  }
0xb: {  	[smem:$0x3F9B] =	sst s3  }
0xc: {  	[smem:$0x3F9C] =	sst s4  }
0xd: {  	[smem:$0x3F9D] =	sst s5  }
0xe: {  	[smem:$0x3F9E] =	sst s6  }
0xf: {  	[smem:$0x3F9F] =	sst s7  }
0x10: {  	[smem:$0x3FA0] =	sst s8  }
0x11: {  	[smem:$0x3FA1] =	sst s9;
	s0 =	simm.s32 @!p0 $0x0  }
0x12: {  	s1 =	sld [smem:$0x3F87];
	s0 =	simm.s32 @p0 $0x1  }
0x13: {  	[smem:$0x3FA2] =	sst s0;
	s0 =	simm.s32 @!p1 $0x0  }
0x14: {  	s2 =	sld [smem:$0x3F86];
	s0 =	simm.s32 @p1 $0x1  }
0x15: {  	[smem:$0x3FA3] =	sst s0;
	s0 =	simm.s32 @!p2 $0x0  }
0x16: {  	s3 =	sld [smem:$0x3FDB];
	s0 =	simm.s32 @p2 $0x1  }
0x17: {  	s4 =	simm.s32 $0x1BF5;
	[smem:$0x3FA5] =	sst s0  }
0x18: {  	s0 =	sld [smem:$0x3F88];
	_ =	swait.ge [sflag:s4], $0x0  }
0x19: {  	s7 =	sld [smem:$0x3F89]  }
0x1a: {  	s8 =	sadd.s32 $0xFFFFE003, lr  }
0x1b: {  	s9 =	sadd.s32 $0xFFFFFEF7, lr;
	s5 =	simm.s32 $0xFFFFFFFF;
	p2 =	slt.u32 s8, $0xFFFFF086  }
0x1c: {  	p1 =	slt.u32 s9, $0xF7A;
	s5 =	simm.s32 @!p2 $0x0  }
0x1d: {  	s5 =	simm.s32 @p1 $0x1;
	p0 =	seq.s32 s7, s2  }
0x1e: {  	s7 =	smul.u32 @!p0 $0xF7A, s2;
	p2 =	seq.s32 @!p0 s5, $0x0  }
0x1f: {  	s9 =	smul.u32 $0xF7A, s1;
	s8 =	simm.s32 @!p0 $0x1BF5;
	p2 =	por !p2, p0  }
0x20: {  	[sflag:s8] =	ssyncset.s32 @!p0 $0xFFFFF086;
	s6 =	sadd.s32 @!p0 s3, s7;
	s7 =	simm.s32 @!p0 $0x108  }
0x21: {  	s3 =	sadd.s32 s3, s9;
	s6 =	sadd.s32 @!p0 $0x88, s6;
	s7 =	simm.s32 @p2 $0x1082  }
0x22: {  	[simem:s7], [sflag:s8] =	dma.local @!p0 [hbm:s6], $0xF7A  }
0x23: {  	s9 =	sor.u32 $0xD0000000, s2;
	s6 =	simm.s32 $0x108;
	_ =	swait.ge @!p0 [sflag:s8], $0x0  }
0x24: {  	s3 =	sadd.s32 $0x88, s3;
	s6 =	simm.s32 @!p1 $0x1082;
	[sflag:s4] =	ssyncset.s32 $0xFFFFF086  }
0x25: {  	[simem:s6], [sflag:s4] =	dma.local [hbm:s3], $0xF7A  }
0x26: {  	[smem:$0x3F89] =	sst s1;
	(tag) =	ssettag s2;
	_ =	strace s9  }
0x27: {  	s1 =	sld [smem:$0x3F99]  }
0x28: {  	s2 =	sld [smem:$0x3F9A]  }
0x29: {  	s4 =	sld [smem:$0x3F9C]  }
0x2a: {  	p0 =	seq.s32 s5, $0x0;
	s5 =	sld [smem:$0x3F9D]  }
0x2b: {  	s6 =	sld [smem:$0x3F9E]  }
0x2c: {  	s7 =	sld [smem:$0x3F9F]  }
0x2d: {  	s3 =	simm.s32 $0x108;
	s8 =	sld [smem:$0x3FA0]  }
0x2e: {  	s3 =	simm.s32 @!p0 $0x1082;
	s9 =	sld [smem:$0x3FA1]  }
0x2f: {  	lr =	sadd.s32 s0, s3;
	s0 =	sld [smem:$0x3F98]  }
0x30: {  	s3 =	sld [smem:$0x3F9B]  }
0x31: {  	[smem:$0x3FA4] =	sst s10  }
0x32: {  	s10 =	sld [smem:$0x3FA2];
	_ =	sdelay $0x3  }
0x33: {  	p0 =	seq.s32 s10, $0x1;
	s10 =	sld [smem:$0x3FA4];
	_ =	sdelay $0x3  }
0x34: {  	[smem:$0x3FA4] =	sst s10  }
0x35: {  	s10 =	sld [smem:$0x3FA3];
	_ =	sdelay $0x3  }
0x36: {  	p1 =	seq.s32 s10, $0x1;
	s10 =	sld [smem:$0x3FA4];
	_ =	sdelay $0x3  }
0x37: {  	[smem:$0x3FA4] =	sst s10  }
0x38: {  	s10 =	sld [smem:$0x3FA5]  }
0x39: {  	_ = 	snop;
	(pc) =	sbr.ind lr, $3  }
0x3a: {  	_ = 	snop  }
0x3b: {  	_ = 	snop  }
0x3c: {  	p2 =	seq.s32 s10, $0x1;
	s10 =	sld [smem:$0x3FA4]  }
0x3d: {  	_ =	shalt  }
0x3e: {  	_ =	shalt  }
0x3f: {  	_ =	shalt  }
0x40: {  	_ =	shalt  }
0x41: {  	_ =	shalt  }
0x42: {  	_ =	shalt  }
0x43: {  	_ =	shalt  }
0x44: {  	_ =	shalt  }
0x45: {  	_ =	shalt  }
0x46: {  	_ =	shalt  }
0x47: {  	_ =	shalt  }
0x48: {  	_ =	shalt  }
0x49: {  	_ =	shalt  }
0x4a: {  	_ =	shalt  }
0x4b: {  	_ =	shalt  }
0x4c: {  	_ =	shalt  }
0x4d: {  	_ =	shalt  }
0x4e: {  	_ =	shalt  }
0x4f: {  	_ =	shalt  }
0x50: {  	_ =	shalt  }
0x51: {  	_ =	shalt  }
0x52: {  	_ =	shalt  }
0x53: {  	_ =	shalt  }
0x54: {  	_ =	shalt  }
0x55: {  	_ =	shalt  }
0x56: {  	_ =	shalt  }
0x57: {  	_ =	shalt  }
0x58: {  	_ =	shalt  }
0x59: {  	_ =	shalt  }
0x5a: {  	_ =	shalt  }
0x5b: {  	_ =	shalt  }
0x5c: {  	_ =	shalt  }
0x5d: {  	_ =	shalt  }
0x5e: {  	_ =	shalt  }
0x5f: {  	_ =	shalt  }
0x60: {  	_ =	shalt  }
0x61: {  	_ =	shalt  }
0x62: {  	_ =	shalt  }
0x63: {  	_ =	shalt  }
0x64: {  	_ =	shalt  }
0x65: {  	_ =	shalt  }
0x66: {  	_ =	shalt  }
0x67: {  	_ =	shalt  }
0x68: {  	_ =	shalt  }
0x69: {  	_ =	shalt  }
0x6a: {  	_ =	shalt  }
0x6b: {  	_ =	shalt  }
0x6c: {  	_ =	shalt  }
0x6d: {  	_ =	shalt  }
0x6e: {  	_ =	shalt  }
0x6f: {  	_ =	shalt  }
0x70: {  	_ =	shalt  }
0x71: {  	_ =	shalt  }
0x72: {  	_ =	shalt  }
0x73: {  	_ =	shalt  }
0x74: {  	_ =	shalt  }
0x75: {  	_ =	shalt  }
0x76: {  	_ =	shalt  }
0x77: {  	_ =	shalt  }
0x78: {  	_ =	shalt  }
0x79: {  	_ =	shalt  }
0x7a: {  	_ =	shalt  }
0x7b: {  	_ =	shalt  }
0x7c: {  	_ =	shalt  }
0x7d: {  	_ =	shalt  }
0x7e: {  	_ =	shalt  }
0x7f: {  	_ =	shalt  }
0x80: {  	_ =	shalt  }
0x81: {  	_ =	shalt  }
0x82: {  	_ =	shalt  }
0x83: {  	_ =	shalt  }
0x84: {  	_ =	shalt  }
0x85: {  	_ =	shalt  }
0x86: {  	_ =	shalt  }
0x87: {  	_ =	shalt  }
.Lfunc_end0:
.L_simem_size_0:
called_computation.3_lowered:
.L_overlay_start_0:
0x88: {  	s2 =	sld [smem:$0x3FD9]  }
0x89: {  	s3 =	sld [smem:$0x3FFE];
	_ =	sdelay $0x1  }
0x8a: {  	s1 =	srdreg.scid  }
0x8b: {  	s0 =	sand.u32 $0x1, s1  }
0x8c: {  	s16 =	sshll.u32 s0, $0xA;
	s2 =	sadd.s32 s3, s2  }
0x8d: {  	s2 =	sadd.s32 s2, s16  }
0x8e: {  	[smem:$0x3FB0] =	sst s2  }
0x8f: {  	_ = 	snop  }
0x90: {  	(tm) =	ssettm $0x1  }
0x91: {  	s17 =	sld [smem:$0x3FFB];
	_ =	sdelay $0x3  }
0x92: {  	_ =	strace s17  }
0x93: {  	s2 =	sld [smem:$0x3FFC];
	_ =	sdelay $0x3  }
0x94: {  	_ =	strace s2  }
0x95: {  	s2 =	sld [smem:$0x3FFD];
	_ =	sdelay $0x3  }
0x96: {  	_ =	strace s2  }
0x97: {  	_ =	strace $0x8FFFFFFF  }
0x98: {  	s18 =	sld [smem:$0x3FDB];
	_ =	sdelay $0x1  }
0x99: {  	s19 =	simm.s32 $_scs_section_size  }
0x9a: {  	s4 =	simm.s32 $_size__tile_overlayer_lowered;
	s5 =	simm.s32 $_tile_overlayer_lowered  }
0x9b: {  	s22 =	simm.s32 $0x1BFF;
	s21 =	sshll.u32 s5, $0x1;
	s2 =	sadd.s32 s19, s18  }
0x9c: {  	s6 =	simm.s32 $0x0;
	s20 =	sshll.u32 s4, $0x1;
	s4 =	sadd.s32 s21, s2  }
0x9d: {  	[timem:s6], [sflag:s22] =	dma.local [hbm:s4], s20  }
0x9e: {  	_ =	swait.ge [sflag:s22], s20  }
0x9f: {  	s3 =	ssub.s32 $0x0, s20;
	[sflag:s22] =	ssyncset.done $0x0  }
0xa0: {  	[sflag:s22] =	ssyncadd.s32 s3;
	_ =	sdelay $0x1  }
0xa1: {  	s23 =	simm.s32 $0x1B8B  }
0xa2: {  	_ =	swait.ge [sflag:s23], $0x1  }
0xa3: {  	[sflag:s23] =	ssyncset.done $0x0  }
0xa4: {  	s25 =	simm.s32 $0x1B8E;
	s24 =	sld [smem:$0x3FFE];
	[sflag:s23] =	ssyncadd.s32 $0xFFFFFFFF  }
0xa5: {  	s26 =	simm.s32 $execute0_lowered;
	[smem:$0x3FD2] =	sst s25  }
0xa6: {  	s4 =	sshll.u32 s26, $0x1;
	_ =	strace $0x8000004F;
	[dreg:$0x1] =	wrdreg $0xFFFFFFFF  }
0xa7: {  	s28 =	simm.s32 $_size_execute0_lowered;
	s2 =	sadd.s32 s2, s4;
	[dreg:$0x0] =	wrdreg $0x0  }
0xa8: {  	s4 =	sshll.u32 s28, $0x1;
	[dreg:$0x2] =	wrdreg s2  }
0xa9: {  	[dreg:$0x3] =	wrdreg s4  }
0xaa: {  	[dreg:$0x4] =	wrdreg $0xC0  }
0xab: {  	_ =	task [dreg:s6], $0x5FFFF  }
0xac: {  	[dreg:$0x1] =	wrdreg $0xFFFFFFFF  }
0xad: {  	[dreg:$0x0] =	wrdreg $0x60  }
0xae: {  	[dreg:$0x2] =	wrdreg s24  }
0xaf: {  	[dreg:$0x3] =	wrdreg $0x49000  }
0xb0: {  	[dreg:$0x4] =	wrdreg $0x9  }
0xb1: {  	_ =	task.clear_ibuf [dreg:s6], $0x5FFFF;
	_ =	strace $0x9000004F  }
0xb2: {  	s29 =	simm.s32 $0x9;
	_ =	strace $0x80000051  }
0xb3: {  	_ =	swait.ge [sflag:s29], $0x1  }
0xb4: {  	[sflag:s29] =	ssyncadd.s32 $0xFFFFFFFF  }
0xb5: {  	_ =	strace $0x90000051  }
0xb6: {  	_ =	sfence  }
0xb7: {  	s30 =	sld [smem:$0x0];
	_ =	sdelay $0x2  }
0xb8: {  	s31 =	sshll.u32 s1, $0xD;
	s1 =	sshrl.u32 s1, $0x2  }
0xb9: {  	s3 =	sand.u32 $0x4000, s31;
	s1 =	sadd.s32 s1, s30  }
0xba: {  	s0 =	sor.u32 s3, s0;
	s1 =	sshll.u32 s1, $0x11  }
0xbb: {  	s0 =	sor.u32 s1, s0  }
0xbc: {  	s0 =	sadd.s32 $0x8F2B, s0  }
0xbd: {  	[sflag:s0] =	ssyncadd.remote.s32 $0x1  }
0xbe: {  	_ =	sfence.sel $0xFFFF  }
0xbf: {  	[dreg:$0x0] =	wrdreg $0xFFFFFFFF;
	(pc) =	sbr.abs _section_cstart, $3  }
0xc0: {  	[dreg:$0x1] =	wrdreg $0xFFFFFFFF  }
0xc1: {  	_ =	task.clear_ibuf [dreg:s6], $0x2FFFF;
	_ =	strace $0x9FFFFFFF  }
0xc2: {  	(tm) =	ssettm $0x7FFFFFFF  }
0xc3: {  	_ =	shalt  }
tec
execute0_lowered:
.L_overlay_start_1:
0x0: {  	(tag) =	ssettag $0x1  }
0x1: {  	s5 =	rddreg [dreg:$0x0]  }
0x2: {  	s2 =	rddreg [dreg:$0x1]  }
0x3: {  	s0 =	srdreg.scid;
	s1 =	rddreg [dreg:$0x2]  }
0x4: {  	s3 =	simm.s32 $0x0;
	s19 =	simm.s32 $0x2900;
	s6 =	sand.u32 $0x1, s0  }
0x5: {  	s20 =	simm.s32 $0x2;
	s0 =	stileid.u32;
	s4 =	smul.u32 $0x27100, s6  }
0x6: {  	s21 =	simm.s32 $0x80;
	s22 =	simm.s32 $0x50;
	s7 =	smul.u32 $0x2710, s0  }
0x7: {  	s23 =	simm.s32 $0x100;
	s24 =	simm.s32 $0x1;
	s8 =	smul.u32 $0x140000, s6  }
0x8: {  	s25 =	simm.s32 $0x0;
	[smem:$0x7FF] =	sst s3;
	s9 =	smul.u32 $0x14000, s0  }
0x9: {  	_ =	strace $0x80000050;
	s6 =	ssub.s32 $0x2, s6;
	s28 =	smul.u32 $0x50000, s0  }
0xa: {  	s30 =	sshrl.u32 s6, $0x1;
	s7 =	sadd.s32 s7, s4;
	s8 =	sadd.s32 s9, s8  }
0xb: {  	s4 =	sadd.s32 $0x19E00, s5;
	s7 =	sshrl.u32 s7, $0x3;
	s29 =	sshrl.u32 s8, $0x3  }
0xc: {  	s31 =	sshrl.u32 s28, $0x2;
	s18 =	sadd.s32 s7, s5;
	s7 =	sadd.s32 s29, s5  }
0xd: {  	s8 =	ssub.s32 s6, s30;
	s5 =	sadd.s32 s31, s2;
	s6 =	sadd.s32 $0x41000, s7  }
0xe: {  	s7 =	smax.u32 s8, $0x1;
	s8 =	sadd.s32 $0x2000, s5;
	s9 =	sadd.s32 $0x4000, s5  }
0xf: {  	s10 =	sadd.s32 $0x6000, s5;
	s11 =	sadd.s32 $0x8000, s5;
	s12 =	sadd.s32 $0xA000, s5  }
0x10: {  	s13 =	sadd.s32 $0xC000, s5;
	s14 =	sadd.s32 $0xE000, s5;
	s15 =	sadd.s32 $0x10000, s5  }
0x11: {  	v0 =	vimm.f32 $0.0e+00;
	s16 =	sadd.s32 $0x12000, s5;
	s17 =	sadd.s32 $0x10000, s18;
	s18 =	sadd.s32 $0x6200, s18  }
.LBB2_1:
0x12: {  	s26 =	simm.s32 $0x0;
	s28 =	simm.s32 $0x200  }
.LBB2_2:
0x13: {  	p0 =	sne.s32 s28, $0x7E00;
	[tilespmem:s26+$0x2970] =	vst v0  }
0x14: {  	[tilespmem:s26+$0x2900] =	vst v0  }
0x15: {  	[tilespmem:s26+$0x2910] =	vst v0  }
.Ltmp0:
0x16: {  	[tilespmem:s26+$0x2920] =	vst v0;
	(pc) =	sbr.rel @p0 .LBB2_2-.Ltmp0, $4  }
0x17: {  	[tilespmem:s26+$0x2930] =	vst v0  }
0x18: {  	[tilespmem:s26+$0x2940] =	vst v0  }
0x19: {  	[tilespmem:s26+$0x2950] =	vst v0  }
0x1a: {  	[tilespmem:s26+$0x2960] =	vst v0;
	s26 =	sshra.s32 s28, $0x2;
	s28 =	sadd.s32 $0x200, s28  }
0x1b: {  	[tilespmem:s26+$0x2970] =	vst v0  }
0x1c: {  	[tilespmem:s26+$0x2900] =	vst v0  }
0x1d: {  	[tilespmem:s26+$0x2910] =	vst v0  }
0x1e: {  	[tilespmem:s26+$0x2920] =	vst v0  }
0x1f: {  	[tilespmem:s26+$0x2930] =	vst v0  }
0x20: {  	[tilespmem:s26+$0x2940] =	vst v0  }
0x21: {  	[tilespmem:s26+$0x2950] =	vst v0  }
0x22: {  	[tilespmem:s26+$0x2960] =	vst v0  }
0x23: {  	[spmem:s5] =	stream.linear.scatter [tilespmem:s19], [sflag:$0x2], $0x2000, $0x38;
	[tilespmem:$0x18900] =	vst v63  }
0x24: {  	_ =	swait.ge [sflag:s20], $0x2000  }
0x25: {  	[sflag:s20] =	ssyncset.done $0x0  }
0x26: {  	[sflag:s20] =	ssyncadd.s32 $0xFFFFE000  }
0x27: {  	[spmem:s8] =	stream.linear.scatter [tilespmem:s19], [sflag:$0x2], $0x2000, $0x38;
	[tilespmem:$0x18900] =	vst v63  }
0x28: {  	_ =	swait.ge [sflag:s20], $0x2000  }
0x29: {  	[sflag:s20] =	ssyncset.done $0x0  }
0x2a: {  	[sflag:s20] =	ssyncadd.s32 $0xFFFFE000  }
0x2b: {  	[spmem:s9] =	stream.linear.scatter [tilespmem:s19], [sflag:$0x2], $0x2000, $0x38;
	[tilespmem:$0x18900] =	vst v63  }
0x2c: {  	_ =	swait.ge [sflag:s20], $0x2000  }
0x2d: {  	[sflag:s20] =	ssyncset.done $0x0  }
0x2e: {  	[sflag:s20] =	ssyncadd.s32 $0xFFFFE000  }
0x2f: {  	[spmem:s10] =	stream.linear.scatter [tilespmem:s19], [sflag:$0x2], $0x2000, $0x38;
	[tilespmem:$0x18900] =	vst v63  }
0x30: {  	_ =	swait.ge [sflag:s20], $0x2000  }
0x31: {  	[sflag:s20] =	ssyncset.done $0x0  }
0x32: {  	[sflag:s20] =	ssyncadd.s32 $0xFFFFE000  }
0x33: {  	[spmem:s11] =	stream.linear.scatter [tilespmem:s19], [sflag:$0x2], $0x2000, $0x38;
	[tilespmem:$0x18900] =	vst v63  }
0x34: {  	_ =	swait.ge [sflag:s20], $0x2000  }
0x35: {  	[sflag:s20] =	ssyncset.done $0x0  }
0x36: {  	[sflag:s20] =	ssyncadd.s32 $0xFFFFE000  }
0x37: {  	[spmem:s12] =	stream.linear.scatter [tilespmem:s19], [sflag:$0x2], $0x2000, $0x38;
	[tilespmem:$0x18900] =	vst v63  }
0x38: {  	_ =	swait.ge [sflag:s20], $0x2000  }
0x39: {  	[sflag:s20] =	ssyncset.done $0x0  }
0x3a: {  	[sflag:s20] =	ssyncadd.s32 $0xFFFFE000  }
0x3b: {  	[spmem:s13] =	stream.linear.scatter [tilespmem:s19], [sflag:$0x2], $0x2000, $0x38;
	[tilespmem:$0x18900] =	vst v63  }
0x3c: {  	_ =	swait.ge [sflag:s20], $0x2000  }
0x3d: {  	[sflag:s20] =	ssyncset.done $0x0  }
0x3e: {  	[sflag:s20] =	ssyncadd.s32 $0xFFFFE000  }
0x3f: {  	[spmem:s14] =	stream.linear.scatter [tilespmem:s19], [sflag:$0x2], $0x2000, $0x38;
	[tilespmem:$0x18900] =	vst v63  }
0x40: {  	_ =	swait.ge [sflag:s20], $0x2000  }
0x41: {  	[sflag:s20] =	ssyncset.done $0x0  }
0x42: {  	[sflag:s20] =	ssyncadd.s32 $0xFFFFE000  }
0x43: {  	[spmem:s15] =	stream.linear.scatter [tilespmem:s19], [sflag:$0x2], $0x2000, $0x38;
	[tilespmem:$0x18900] =	vst v63  }
0x44: {  	_ =	swait.ge [sflag:s20], $0x2000  }
0x45: {  	[sflag:s20] =	ssyncset.done $0x0  }
0x46: {  	[sflag:s20] =	ssyncadd.s32 $0xFFFFE000  }
0x47: {  	[spmem:s16] =	stream.linear.scatter [tilespmem:s19], [sflag:$0x2], $0x2000, $0x38;
	[tilespmem:$0x18900] =	vst v63  }
0x48: {  	_ =	swait.ge [sflag:s20], $0x2000  }
0x49: {  	[sflag:s20] =	ssyncset.done $0x0  }
0x4a: {  	[sflag:s20] =	ssyncadd.s32 $0xFFFFE000  }
0x4b: {  	s30 =	sadd.s32 $0x0, s18;
	[bflag:$0x0] =	sbarrier.arrive $0xFFFF  }
0x4c: {  	[tilespmem:s3], [sflag:$0x2] =	stream.linear.gather [hbm4b:s30+s3], $0x50, $0x38;
	[tilespmem:$0x18900] =	vst v63  }
0x4d: {  	_ =	swait.ge [sflag:s20], $0x50  }
0x4e: {  	[sflag:s20] =	ssyncset.done $0x0  }
0x4f: {  	s31 =	sadd.s32 $0x0, s17;
	[sflag:s20] =	ssyncadd.s32 $0xFFFFFFB0  }
0x50: {  	[tilespmem:s21], [sflag:$0x2] =	stream.linear.gather [hbm4b:s31+s3], $0x50, $0x38;
	[tilespmem:$0x18900] =	vst v63  }
0x51: {  	_ =	swait.ge [sflag:s20], $0x50  }
0x52: {  	[sflag:s20] =	ssyncset.done $0x0  }
0x53: {  	[sflag:s20] =	ssyncadd.s32 $0xFFFFFFB0  }
0x54: {  	[tilespmem:s23], [sflag:$0x1] =	stream.indirect.gather [hbm4b:s4+s22], $0x80, s3, s22, $0xb8;
	[tilespmem:$0x18900] =	vst v63  }
0x55: {  	_ =	swait.ge [sflag:s24], $0x2800  }
0x56: {  	[sflag:s24] =	ssyncset.done $0x0  }
0x57: {  	[sflag:s24] =	ssyncadd.s32 $0xFFFFD800  }
0x58: {  	[spmem:s2] =	stream.indirect.scatter.add.f32 [tilespmem:s23], [sflag:$0x2], $0x80, s21, s22, $0xb8;
	[tilespmem:$0x18900] =	vst v63  }
0x59: {  	_ =	swait.ge [sflag:s20], $0x2800  }
0x5a: {  	s26 =	simm.s32 $0xA;
	s28 =	simm.s32 $0x14;
	[sflag:s20] =	ssyncset.done $0x0  }
.LBB2_4:
0x5b: {  	s29 =	sadd.s32 s26, s18  }
0x5c: {  	[sflag:s20] =	ssyncadd.s32 $0xFFFFD800;
	s30 =	smov.u32 s28;
	s31 =	sadd.s32 $0xA, s28  }
0x5d: {  	[tilespmem:s3], [sflag:$0x2] =	stream.linear.gather [hbm4b:s29+s3], $0x50, $0x38;
	[tilespmem:$0x18900] =	vst v63  }
0x5e: {  	p0 =	sne.s32 s28, $0x4D8;
	_ =	swait.ge [sflag:s20], $0x50  }
0x5f: {  	[sflag:s20] =	ssyncset.done $0x0  }
0x60: {  	s28 =	sadd.s32 s26, s17;
	s26 =	smov.u32 s30;
	[sflag:s20] =	ssyncadd.s32 $0xFFFFFFB0  }
0x61: {  	[tilespmem:s21], [sflag:$0x2] =	stream.linear.gather [hbm4b:s28+s3], $0x50, $0x38;
	[tilespmem:$0x18900] =	vst v63  }
0x62: {  	_ =	swait.ge [sflag:s20], $0x50  }
0x63: {  	[sflag:s20] =	ssyncset.done $0x0  }
0x64: {  	[sflag:s20] =	ssyncadd.s32 $0xFFFFFFB0  }
0x65: {  	[tilespmem:s23], [sflag:$0x1] =	stream.indirect.gather [hbm4b:s4+s22], $0x80, s3, s22, $0xb8;
	[tilespmem:$0x18900] =	vst v63  }
0x66: {  	_ =	swait.ge [sflag:s24], $0x2800  }
.Ltmp1:
0x67: {  	[sflag:s24] =	ssyncset.done $0x0;
	(pc) =	sbr.rel @p0 .LBB2_4-.Ltmp1, $4  }
0x68: {  	[sflag:s24] =	ssyncadd.s32 $0xFFFFD800  }
0x69: {  	[spmem:s2] =	stream.indirect.scatter.add.f32 [tilespmem:s23], [sflag:$0x2], $0x80, s21, s22, $0xb8;
	[tilespmem:$0x18900] =	vst v63  }
0x6a: {  	_ =	swait.ge [sflag:s20], $0x2800  }
0x6b: {  	s28 =	smov.u32 s31;
	[sflag:s20] =	ssyncset.done $0x0  }
0x6c: {  	s28 =	sadd.s32 s26, s18;
	[sflag:s20] =	ssyncadd.s32 $0xFFFFD800  }
0x6d: {  	[tilespmem:s3], [sflag:$0x2] =	stream.linear.gather [hbm4b:s28+s3], $0x50, $0x38;
	[tilespmem:$0x18900] =	vst v63  }
0x6e: {  	_ =	swait.ge [sflag:s20], $0x50  }
0x6f: {  	[sflag:s20] =	ssyncset.done $0x0  }
0x70: {  	s29 =	sadd.s32 s26, s17;
	[sflag:s20] =	ssyncadd.s32 $0xFFFFFFB0  }
0x71: {  	[tilespmem:s21], [sflag:$0x2] =	stream.linear.gather [hbm4b:s29+s3], $0x50, $0x38;
	[tilespmem:$0x18900] =	vst v63  }
0x72: {  	_ =	swait.ge [sflag:s20], $0x50  }
0x73: {  	[sflag:s20] =	ssyncset.done $0x0  }
0x74: {  	[sflag:s20] =	ssyncadd.s32 $0xFFFFFFB0  }
0x75: {  	[tilespmem:s23], [sflag:$0x1] =	stream.indirect.gather [hbm4b:s4+s22], $0x80, s3, s22, $0xb8;
	[tilespmem:$0x18900] =	vst v63  }
0x76: {  	_ =	swait.ge [sflag:s24], $0x2800  }
0x77: {  	[sflag:s24] =	ssyncset.done $0x0  }
0x78: {  	[sflag:s24] =	ssyncadd.s32 $0xFFFFD800  }
0x79: {  	[spmem:s2] =	stream.indirect.scatter.add.f32 [tilespmem:s23], [sflag:$0x2], $0x80, s21, s22, $0xb8;
	[tilespmem:$0x18900] =	vst v63  }
0x7a: {  	_ =	swait.ge [sflag:s20], $0x2800  }
0x7b: {  	s30 =	sshll.u32 s0, $0x6;
	s25 =	sadd.s32 $0x1, s25;
	[sflag:s20] =	ssyncset.done $0x0  }
0x7c: {  	s31 =	sshrl.u32 s5, $0x3;
	p0 =	sne.s32 s25, s7;
	[sflag:s20] =	ssyncadd.s32 $0xFFFFD800  }
.Ltmp2:
0x7d: {  	s26 =	sor.u32 $0x1C02, s30;
	[bflag:$0x0] =	sbarrier.arrive $0xFFFF;
	(pc) =	sbr.rel @p0 .LBB2_1-.Ltmp2, $4  }
0x7e: {  	[hbm:s6], [sflag:s26] =	dma.local [spmem:s31], $0x2800  }
0x7f: {  	_ =	swait.ge [sflag:s20], $0x2800  }
0x80: {  	[sflag:s20] =	ssyncset.done $0x0  }
0x81: {  	[sflag:s20] =	ssyncadd.s32 $0xFFFFD800  }
0x82: {  	_ =	sfence.sel $0x180000  }
0x83: {  	[bflag:$0x0] =	sbarrier.arrive $0xFFFF  }
0x84: {  	p0 =	sne.s32 s0, $0x0;
	_ =	strace $0x90000050  }
0x85: {  	s0 =	sadd.s32 @!p0 $0x100000, s1;
	[bflag:$0x2] =	sbarrier.arrive $0xFFFF  }
0x86: {  	[sflag:s0] =	ssyncadd.tile.s32 @!p0 $0x1;
	_ =	shalt  }
.Lfunc_end2:
_tile_overlayer_lowered:
.L_overlay_start_2:
0x87: {  	(tag) =	ssettag $0x2  }
0x88: {  	s0 =	rddreg [dreg:$0x0];
	s2 =	stileid.u32  }
0x89: {  	s1 =	rddreg [dreg:$0x1];
	p0 =	sne.s32 s2, $0x0  }
0x8a: {  	s3 =	rddreg [dreg:$0x2];
	[bflag:$0x3] =	sbarrier.arrive $0xFFFF;
	s2 =	simm.s32 @!p0 $0x1C02  }
0x8b: {  	[timem:s3], [sflag:s2] =	dma.local @!p0 [hbm:s0], s1  }
0x8c: {  	s0 =	simm.s32 @!p0 $0x2  }
0x8d: {  	_ =	swait.ge @!p0 [sflag:s0], s1  }
0x8e: {  	s1 =	ssub.s32 @!p0 $0x0, s1;
	[sflag:s0] =	ssyncset.done @!p0 $0x0  }
0x8f: {  	[sflag:s0] =	ssyncadd.s32 @!p0 s1  }
0x90: {  	[bflag:$0x3] =	sbarrier.arrive $0xFFFF  }
0x91: {  	_ =	shalt  }

// kernel: kernel.29.cloned.1.call-start
scs
__scs_entry_jumppad:
0x0: {  	(pc) =	sbr.rel $0x88, $3  }
0x1: {  	(tag) =	ssettag $0x0;
	lr =	simm.s32 $0x1  }
0x2: {  	[smem:$0x3F89] =	sst lr;
	_ =	strace $0xD0000000  }
0x3: {  	_ = 	snop  }
0x4: {  	_ = 	snop  }
0x5: {  	_ = 	snop  }
0x6: {  	_ = 	snop  }
0x7: {  	_ = 	snop  }
__scs_overlays_trampoline_lowered:
0x8: {  	[smem:$0x3F98] =	sst s0  }
0x9: {  	[smem:$0x3F99] =	sst s1  }
0xa: {  	[smem:$0x3F9A] =	sst s2  }
0xb: {  	[smem:$0x3F9B] =	sst s3  }
0xc: {  	[smem:$0x3F9C] =	sst s4  }
0xd: {  	[smem:$0x3F9D] =	sst s5  }
0xe: {  	[smem:$0x3F9E] =	sst s6  }
0xf: {  	[smem:$0x3F9F] =	sst s7  }
0x10: {  	[smem:$0x3FA0] =	sst s8  }
0x11: {  	[smem:$0x3FA1] =	sst s9;
	s0 =	simm.s32 @!p0 $0x0  }
0x12: {  	s1 =	sld [smem:$0x3F87];
	s0 =	simm.s32 @p0 $0x1  }
0x13: {  	[smem:$0x3FA2] =	sst s0;
	s0 =	simm.s32 @!p1 $0x0  }
0x14: {  	s2 =	sld [smem:$0x3F86];
	s0 =	simm.s32 @p1 $0x1  }
0x15: {  	[smem:$0x3FA3] =	sst s0;
	s0 =	simm.s32 @!p2 $0x0  }
0x16: {  	s3 =	sld [smem:$0x3FDB];
	s0 =	simm.s32 @p2 $0x1  }
0x17: {  	s4 =	simm.s32 $0x1BF5;
	[smem:$0x3FA5] =	sst s0  }
0x18: {  	s0 =	sld [smem:$0x3F88];
	_ =	swait.ge [sflag:s4], $0x0  }
0x19: {  	s7 =	sld [smem:$0x3F89]  }
0x1a: {  	s8 =	sadd.s32 $0xFFFFE003, lr  }
0x1b: {  	s9 =	sadd.s32 $0xFFFFFEF7, lr;
	s5 =	simm.s32 $0xFFFFFFFF;
	p2 =	slt.u32 s8, $0xFFFFF086  }
0x1c: {  	p1 =	slt.u32 s9, $0xF7A;
	s5 =	simm.s32 @!p2 $0x0  }
0x1d: {  	s5 =	simm.s32 @p1 $0x1;
	p0 =	seq.s32 s7, s2  }
0x1e: {  	s7 =	smul.u32 @!p0 $0xF7A, s2;
	p2 =	seq.s32 @!p0 s5, $0x0  }
0x1f: {  	s9 =	smul.u32 $0xF7A, s1;
	s8 =	simm.s32 @!p0 $0x1BF5;
	p2 =	por !p2, p0  }
0x20: {  	[sflag:s8] =	ssyncset.s32 @!p0 $0xFFFFF086;
	s6 =	sadd.s32 @!p0 s3, s7;
	s7 =	simm.s32 @!p0 $0x108  }
0x21: {  	s3 =	sadd.s32 s3, s9;
	s6 =	sadd.s32 @!p0 $0x88, s6;
	s7 =	simm.s32 @p2 $0x1082  }
0x22: {  	[simem:s7], [sflag:s8] =	dma.local @!p0 [hbm:s6], $0xF7A  }
0x23: {  	s9 =	sor.u32 $0xD0000000, s2;
	s6 =	simm.s32 $0x108;
	_ =	swait.ge @!p0 [sflag:s8], $0x0  }
0x24: {  	s3 =	sadd.s32 $0x88, s3;
	s6 =	simm.s32 @!p1 $0x1082;
	[sflag:s4] =	ssyncset.s32 $0xFFFFF086  }
0x25: {  	[simem:s6], [sflag:s4] =	dma.local [hbm:s3], $0xF7A  }
0x26: {  	[smem:$0x3F89] =	sst s1;
	(tag) =	ssettag s2;
	_ =	strace s9  }
0x27: {  	s1 =	sld [smem:$0x3F99]  }
0x28: {  	s2 =	sld [smem:$0x3F9A]  }
0x29: {  	s4 =	sld [smem:$0x3F9C]  }
0x2a: {  	p0 =	seq.s32 s5, $0x0;
	s5 =	sld [smem:$0x3F9D]  }
0x2b: {  	s6 =	sld [smem:$0x3F9E]  }
0x2c: {  	s7 =	sld [smem:$0x3F9F]  }
0x2d: {  	s3 =	simm.s32 $0x108;
	s8 =	sld [smem:$0x3FA0]  }
0x2e: {  	s3 =	simm.s32 @!p0 $0x1082;
	s9 =	sld [smem:$0x3FA1]  }
0x2f: {  	lr =	sadd.s32 s0, s3;
	s0 =	sld [smem:$0x3F98]  }
0x30: {  	s3 =	sld [smem:$0x3F9B]  }
0x31: {  	[smem:$0x3FA4] =	sst s10  }
0x32: {  	s10 =	sld [smem:$0x3FA2];
	_ =	sdelay $0x3  }
0x33: {  	p0 =	seq.s32 s10, $0x1;
	s10 =	sld [smem:$0x3FA4];
	_ =	sdelay $0x3  }
0x34: {  	[smem:$0x3FA4] =	sst s10  }
0x35: {  	s10 =	sld [smem:$0x3FA3];
	_ =	sdelay $0x3  }
0x36: {  	p1 =	seq.s32 s10, $0x1;
	s10 =	sld [smem:$0x3FA4];
	_ =	sdelay $0x3  }
0x37: {  	[smem:$0x3FA4] =	sst s10  }
0x38: {  	s10 =	sld [smem:$0x3FA5]  }
0x39: {  	_ = 	snop;
	(pc) =	sbr.ind lr, $3  }
0x3a: {  	_ = 	snop  }
0x3b: {  	_ = 	snop  }
0x3c: {  	p2 =	seq.s32 s10, $0x1;
	s10 =	sld [smem:$0x3FA4]  }
0x3d: {  	_ =	shalt  }
0x3e: {  	_ =	shalt  }
0x3f: {  	_ =	shalt  }
0x40: {  	_ =	shalt  }
0x41: {  	_ =	shalt  }
0x42: {  	_ =	shalt  }
0x43: {  	_ =	shalt  }
0x44: {  	_ =	shalt  }
0x45: {  	_ =	shalt  }
0x46: {  	_ =	shalt  }
0x47: {  	_ =	shalt  }
0x48: {  	_ =	shalt  }
0x49: {  	_ =	shalt  }
0x4a: {  	_ =	shalt  }
0x4b: {  	_ =	shalt  }
0x4c: {  	_ =	shalt  }
0x4d: {  	_ =	shalt  }
0x4e: {  	_ =	shalt  }
0x4f: {  	_ =	shalt  }
0x50: {  	_ =	shalt  }
0x51: {  	_ =	shalt  }
0x52: {  	_ =	shalt  }
0x53: {  	_ =	shalt  }
0x54: {  	_ =	shalt  }
0x55: {  	_ =	shalt  }
0x56: {  	_ =	shalt  }
0x57: {  	_ =	shalt  }
0x58: {  	_ =	shalt  }
0x59: {  	_ =	shalt  }
0x5a: {  	_ =	shalt  }
0x5b: {  	_ =	shalt  }
0x5c: {  	_ =	shalt  }
0x5d: {  	_ =	shalt  }
0x5e: {  	_ =	shalt  }
0x5f: {  	_ =	shalt  }
0x60: {  	_ =	shalt  }
0x61: {  	_ =	shalt  }
0x62: {  	_ =	shalt  }
0x63: {  	_ =	shalt  }
0x64: {  	_ =	shalt  }
0x65: {  	_ =	shalt  }
0x66: {  	_ =	shalt  }
0x67: {  	_ =	shalt  }
0x68: {  	_ =	shalt  }
0x69: {  	_ =	shalt  }
0x6a: {  	_ =	shalt  }
0x6b: {  	_ =	shalt  }
0x6c: {  	_ =	shalt  }
0x6d: {  	_ =	shalt  }
0x6e: {  	_ =	shalt  }
0x6f: {  	_ =	shalt  }
0x70: {  	_ =	shalt  }
0x71: {  	_ =	shalt  }
0x72: {  	_ =	shalt  }
0x73: {  	_ =	shalt  }
0x74: {  	_ =	shalt  }
0x75: {  	_ =	shalt  }
0x76: {  	_ =	shalt  }
0x77: {  	_ =	shalt  }
0x78: {  	_ =	shalt  }
0x79: {  	_ =	shalt  }
0x7a: {  	_ =	shalt  }
0x7b: {  	_ =	shalt  }
0x7c: {  	_ =	shalt  }
0x7d: {  	_ =	shalt  }
0x7e: {  	_ =	shalt  }
0x7f: {  	_ =	shalt  }
0x80: {  	_ =	shalt  }
0x81: {  	_ =	shalt  }
0x82: {  	_ =	shalt  }
0x83: {  	_ =	shalt  }
0x84: {  	_ =	shalt  }
0x85: {  	_ =	shalt  }
0x86: {  	_ =	shalt  }
0x87: {  	_ =	shalt  }
.Lfunc_end0:
.L_simem_size_0:
called_computation.4_lowered:
.L_overlay_start_0:
0x88: {  	s2 =	sld [smem:$0x3FD9]  }
0x89: {  	s3 =	sld [smem:$0x3FFE];
	_ =	sdelay $0x1  }
0x8a: {  	s1 =	srdreg.scid  }
0x8b: {  	s0 =	sand.u32 $0x1, s1  }
0x8c: {  	s16 =	sshll.u32 s0, $0xA;
	s2 =	sadd.s32 s3, s2  }
0x8d: {  	s2 =	sadd.s32 s2, s16  }
0x8e: {  	[smem:$0x3FB0] =	sst s2  }
0x8f: {  	_ = 	snop  }
0x90: {  	(tm) =	ssettm $0x1  }
0x91: {  	s17 =	sld [smem:$0x3FFB];
	_ =	sdelay $0x3  }
0x92: {  	_ =	strace s17  }
0x93: {  	s2 =	sld [smem:$0x3FFC];
	_ =	sdelay $0x3  }
0x94: {  	_ =	strace s2  }
0x95: {  	s2 =	sld [smem:$0x3FFD];
	_ =	sdelay $0x3  }
0x96: {  	_ =	strace s2  }
0x97: {  	_ =	strace $0x8FFFFFFF  }
0x98: {  	s18 =	sld [smem:$0x3FDB];
	_ =	sdelay $0x1  }
0x99: {  	s19 =	simm.s32 $_scs_section_size  }
0x9a: {  	s4 =	simm.s32 $_size__tile_overlayer_lowered;
	s5 =	simm.s32 $_tile_overlayer_lowered  }
0x9b: {  	s22 =	simm.s32 $0x1BFF;
	s21 =	sshll.u32 s5, $0x1;
	s2 =	sadd.s32 s19, s18  }
0x9c: {  	s6 =	simm.s32 $0x0;
	s20 =	sshll.u32 s4, $0x1;
	s4 =	sadd.s32 s21, s2  }
0x9d: {  	[timem:s6], [sflag:s22] =	dma.local [hbm:s4], s20  }
0x9e: {  	_ =	swait.ge [sflag:s22], s20  }
0x9f: {  	s3 =	ssub.s32 $0x0, s20;
	[sflag:s22] =	ssyncset.done $0x0  }
0xa0: {  	[sflag:s22] =	ssyncadd.s32 s3;
	_ =	sdelay $0x1  }
0xa1: {  	s23 =	simm.s32 $0x1B8B  }
0xa2: {  	_ =	swait.ge [sflag:s23], $0x1  }
0xa3: {  	[sflag:s23] =	ssyncset.done $0x0  }
0xa4: {  	s25 =	simm.s32 $0x1B8E;
	s24 =	sld [smem:$0x3FFE];
	[sflag:s23] =	ssyncadd.s32 $0xFFFFFFFF  }
0xa5: {  	s26 =	simm.s32 $execute0_lowered;
	[smem:$0x3FD2] =	sst s25  }
0xa6: {  	s4 =	sshll.u32 s26, $0x1;
	_ =	strace $0x80000052;
	[dreg:$0x1] =	wrdreg $0xFFFFFFFF  }
0xa7: {  	s28 =	simm.s32 $_size_execute0_lowered;
	s2 =	sadd.s32 s2, s4;
	[dreg:$0x0] =	wrdreg $0x0  }
0xa8: {  	s4 =	sshll.u32 s28, $0x1;
	[dreg:$0x2] =	wrdreg s2  }
0xa9: {  	[dreg:$0x3] =	wrdreg s4  }
0xaa: {  	[dreg:$0x4] =	wrdreg $0xC0  }
0xab: {  	_ =	task [dreg:s6], $0x5FFFF  }
0xac: {  	[dreg:$0x1] =	wrdreg $0xFFFFFFFF  }
0xad: {  	[dreg:$0x0] =	wrdreg $0x60  }
0xae: {  	[dreg:$0x2] =	wrdreg s24  }
0xaf: {  	[dreg:$0x3] =	wrdreg $0x49000  }
0xb0: {  	[dreg:$0x4] =	wrdreg $0x9  }
0xb1: {  	_ =	task.clear_ibuf [dreg:s6], $0x5FFFF;
	_ =	strace $0x90000052  }
0xb2: {  	s29 =	simm.s32 $0x9;
	_ =	strace $0x80000054  }
0xb3: {  	_ =	swait.ge [sflag:s29], $0x1  }
0xb4: {  	[sflag:s29] =	ssyncadd.s32 $0xFFFFFFFF  }
0xb5: {  	_ =	strace $0x90000054  }
0xb6: {  	_ =	sfence  }
0xb7: {  	s30 =	sld [smem:$0x0];
	_ =	sdelay $0x2  }
0xb8: {  	s31 =	sshll.u32 s1, $0xD;
	s1 =	sshrl.u32 s1, $0x2  }
0xb9: {  	s3 =	sand.u32 $0x4000, s31;
	s1 =	sadd.s32 s1, s30  }
0xba: {  	s0 =	sor.u32 s3, s0;
	s1 =	sshll.u32 s1, $0x11  }
0xbb: {  	s0 =	sor.u32 s1, s0  }
0xbc: {  	s0 =	sadd.s32 $0x8F2B, s0  }
0xbd: {  	[sflag:s0] =	ssyncadd.remote.s32 $0x1  }
0xbe: {  	_ =	sfence.sel $0xFFFF  }
0xbf: {  	[dreg:$0x0] =	wrdreg $0xFFFFFFFF;
	(pc) =	sbr.abs _section_cstart, $3  }
0xc0: {  	[dreg:$0x1] =	wrdreg $0xFFFFFFFF  }
0xc1: {  	_ =	task.clear_ibuf [dreg:s6], $0x2FFFF;
	_ =	strace $0x9FFFFFFF  }
0xc2: {  	(tm) =	ssettm $0x7FFFFFFF  }
0xc3: {  	_ =	shalt  }
tec
execute0_lowered:
.L_overlay_start_1:
0x0: {  	(tag) =	ssettag $0x1  }
0x1: {  	s5 =	rddreg [dreg:$0x0]  }
0x2: {  	s2 =	rddreg [dreg:$0x1]  }
0x3: {  	s0 =	srdreg.scid;
	s1 =	rddreg [dreg:$0x2]  }
0x4: {  	s3 =	simm.s32 $0x0;
	s19 =	simm.s32 $0x2900;
	s6 =	sand.u32 $0x1, s0  }
0x5: {  	s20 =	simm.s32 $0x2;
	s0 =	stileid.u32;
	s4 =	smul.u32 $0x27100, s6  }
0x6: {  	s21 =	simm.s32 $0x80;
	s22 =	simm.s32 $0x50;
	s7 =	smul.u32 $0x2710, s0  }
0x7: {  	s23 =	simm.s32 $0x100;
	s24 =	simm.s32 $0x1;
	s8 =	smul.u32 $0x140000, s6  }
0x8: {  	s25 =	simm.s32 $0x0;
	[smem:$0x7FF] =	sst s3;
	s9 =	smul.u32 $0x14000, s0  }
0x9: {  	_ =	strace $0x80000053;
	s6 =	ssub.s32 $0x2, s6;
	s28 =	smul.u32 $0x50000, s0  }
0xa: {  	s30 =	sshrl.u32 s6, $0x1;
	s7 =	sadd.s32 s7, s4;
	s8 =	sadd.s32 s9, s8  }
0xb: {  	s4 =	sadd.s32 $0x19E00, s5;
	s7 =	sshrl.u32 s7, $0x3;
	s29 =	sshrl.u32 s8, $0x3  }
0xc: {  	s31 =	sshrl.u32 s28, $0x2;
	s18 =	sadd.s32 s7, s5;
	s7 =	sadd.s32 s29, s5  }
0xd: {  	s8 =	ssub.s32 s6, s30;
	s5 =	sadd.s32 s31, s2;
	s6 =	sadd.s32 $0x41000, s7  }
0xe: {  	s7 =	smax.u32 s8, $0x1;
	s8 =	sadd.s32 $0x2000, s5;
	s9 =	sadd.s32 $0x4000, s5  }
0xf: {  	s10 =	sadd.s32 $0x6000, s5;
	s11 =	sadd.s32 $0x8000, s5;
	s12 =	sadd.s32 $0xA000, s5  }
0x10: {  	s13 =	sadd.s32 $0xC000, s5;
	s14 =	sadd.s32 $0xE000, s5;
	s15 =	sadd.s32 $0x10000, s5  }
0x11: {  	v0 =	vimm.f32 $0.0e+00;
	s16 =	sadd.s32 $0x12000, s5;
	s17 =	sadd.s32 $0x10000, s18;
	s18 =	sadd.s32 $0x6200, s18  }
.LBB2_1:
0x12: {  	s26 =	simm.s32 $0x0;
	s28 =	simm.s32 $0x200  }
.LBB2_2:
0x13: {  	p0 =	sne.s32 s28, $0x7E00;
	[tilespmem:s26+$0x2970] =	vst v0  }
0x14: {  	[tilespmem:s26+$0x2900] =	vst v0  }
0x15: {  	[tilespmem:s26+$0x2910] =	vst v0  }
.Ltmp0:
0x16: {  	[tilespmem:s26+$0x2920] =	vst v0;
	(pc) =	sbr.rel @p0 .LBB2_2-.Ltmp0, $4  }
0x17: {  	[tilespmem:s26+$0x2930] =	vst v0  }
0x18: {  	[tilespmem:s26+$0x2940] =	vst v0  }
0x19: {  	[tilespmem:s26+$0x2950] =	vst v0  }
0x1a: {  	[tilespmem:s26+$0x2960] =	vst v0;
	s26 =	sshra.s32 s28, $0x2;
	s28 =	sadd.s32 $0x200, s28  }
0x1b: {  	[tilespmem:s26+$0x2970] =	vst v0  }
0x1c: {  	[tilespmem:s26+$0x2900] =	vst v0  }
0x1d: {  	[tilespmem:s26+$0x2910] =	vst v0  }
0x1e: {  	[tilespmem:s26+$0x2920] =	vst v0  }
0x1f: {  	[tilespmem:s26+$0x2930] =	vst v0  }
0x20: {  	[tilespmem:s26+$0x2940] =	vst v0  }
0x21: {  	[tilespmem:s26+$0x2950] =	vst v0  }
0x22: {  	[tilespmem:s26+$0x2960] =	vst v0  }
0x23: {  	[spmem:s5] =	stream.linear.scatter [tilespmem:s19], [sflag:$0x2], $0x2000, $0x38;
	[tilespmem:$0x18900] =	vst v63  }
0x24: {  	_ =	swait.ge [sflag:s20], $0x2000  }
0x25: {  	[sflag:s20] =	ssyncset.done $0x0  }
0x26: {  	[sflag:s20] =	ssyncadd.s32 $0xFFFFE000  }
0x27: {  	[spmem:s8] =	stream.linear.scatter [tilespmem:s19], [sflag:$0x2], $0x2000, $0x38;
	[tilespmem:$0x18900] =	vst v63  }
0x28: {  	_ =	swait.ge [sflag:s20], $0x2000  }
0x29: {  	[sflag:s20] =	ssyncset.done $0x0  }
0x2a: {  	[sflag:s20] =	ssyncadd.s32 $0xFFFFE000  }
0x2b: {  	[spmem:s9] =	stream.linear.scatter [tilespmem:s19], [sflag:$0x2], $0x2000, $0x38;
	[tilespmem:$0x18900] =	vst v63  }
0x2c: {  	_ =	swait.ge [sflag:s20], $0x2000  }
0x2d: {  	[sflag:s20] =	ssyncset.done $0x0  }
0x2e: {  	[sflag:s20] =	ssyncadd.s32 $0xFFFFE000  }
0x2f: {  	[spmem:s10] =	stream.linear.scatter [tilespmem:s19], [sflag:$0x2], $0x2000, $0x38;
	[tilespmem:$0x18900] =	vst v63  }
0x30: {  	_ =	swait.ge [sflag:s20], $0x2000  }
0x31: {  	[sflag:s20] =	ssyncset.done $0x0  }
0x32: {  	[sflag:s20] =	ssyncadd.s32 $0xFFFFE000  }
0x33: {  	[spmem:s11] =	stream.linear.scatter [tilespmem:s19], [sflag:$0x2], $0x2000, $0x38;
	[tilespmem:$0x18900] =	vst v63  }
0x34: {  	_ =	swait.ge [sflag:s20], $0x2000  }
0x35: {  	[sflag:s20] =	ssyncset.done $0x0  }
0x36: {  	[sflag:s20] =	ssyncadd.s32 $0xFFFFE000  }
0x37: {  	[spmem:s12] =	stream.linear.scatter [tilespmem:s19], [sflag:$0x2], $0x2000, $0x38;
	[tilespmem:$0x18900] =	vst v63  }
0x38: {  	_ =	swait.ge [sflag:s20], $0x2000  }
0x39: {  	[sflag:s20] =	ssyncset.done $0x0  }
0x3a: {  	[sflag:s20] =	ssyncadd.s32 $0xFFFFE000  }
0x3b: {  	[spmem:s13] =	stream.linear.scatter [tilespmem:s19], [sflag:$0x2], $0x2000, $0x38;
	[tilespmem:$0x18900] =	vst v63  }
0x3c: {  	_ =	swait.ge [sflag:s20], $0x2000  }
0x3d: {  	[sflag:s20] =	ssyncset.done $0x0  }
0x3e: {  	[sflag:s20] =	ssyncadd.s32 $0xFFFFE000  }
0x3f: {  	[spmem:s14] =	stream.linear.scatter [tilespmem:s19], [sflag:$0x2], $0x2000, $0x38;
	[tilespmem:$0x18900] =	vst v63  }
0x40: {  	_ =	swait.ge [sflag:s20], $0x2000  }
0x41: {  	[sflag:s20] =	ssyncset.done $0x0  }
0x42: {  	[sflag:s20] =	ssyncadd.s32 $0xFFFFE000  }
0x43: {  	[spmem:s15] =	stream.linear.scatter [tilespmem:s19], [sflag:$0x2], $0x2000, $0x38;
	[tilespmem:$0x18900] =	vst v63  }
0x44: {  	_ =	swait.ge [sflag:s20], $0x2000  }
0x45: {  	[sflag:s20] =	ssyncset.done $0x0  }
0x46: {  	[sflag:s20] =	ssyncadd.s32 $0xFFFFE000  }
0x47: {  	[spmem:s16] =	stream.linear.scatter [tilespmem:s19], [sflag:$0x2], $0x2000, $0x38;
	[tilespmem:$0x18900] =	vst v63  }
0x48: {  	_ =	swait.ge [sflag:s20], $0x2000  }
0x49: {  	[sflag:s20] =	ssyncset.done $0x0  }
0x4a: {  	[sflag:s20] =	ssyncadd.s32 $0xFFFFE000  }
0x4b: {  	s30 =	sadd.s32 $0x0, s18;
	[bflag:$0x0] =	sbarrier.arrive $0xFFFF  }
0x4c: {  	[tilespmem:s3], [sflag:$0x2] =	stream.linear.gather [hbm4b:s30+s3], $0x50, $0x38;
	[tilespmem:$0x18900] =	vst v63  }
0x4d: {  	_ =	swait.ge [sflag:s20], $0x50  }
0x4e: {  	[sflag:s20] =	ssyncset.done $0x0  }
0x4f: {  	s31 =	sadd.s32 $0x0, s17;
	[sflag:s20] =	ssyncadd.s32 $0xFFFFFFB0  }
0x50: {  	[tilespmem:s21], [sflag:$0x2] =	stream.linear.gather [hbm4b:s31+s3], $0x50, $0x38;
	[tilespmem:$0x18900] =	vst v63  }
0x51: {  	_ =	swait.ge [sflag:s20], $0x50  }
0x52: {  	[sflag:s20] =	ssyncset.done $0x0  }
0x53: {  	[sflag:s20] =	ssyncadd.s32 $0xFFFFFFB0  }
0x54: {  	[tilespmem:s23], [sflag:$0x1] =	stream.indirect.gather [hbm4b:s4+s22], $0x80, s3, s22, $0xb8;
	[tilespmem:$0x18900] =	vst v63  }
0x55: {  	_ =	swait.ge [sflag:s24], $0x2800  }
0x56: {  	[sflag:s24] =	ssyncset.done $0x0  }
0x57: {  	[sflag:s24] =	ssyncadd.s32 $0xFFFFD800  }
0x58: {  	[spmem:s2] =	stream.indirect.scatter.add.f32 [tilespmem:s23], [sflag:$0x2], $0x80, s21, s22, $0xb8;
	[tilespmem:$0x18900] =	vst v63  }
0x59: {  	_ =	swait.ge [sflag:s20], $0x2800  }
0x5a: {  	s26 =	simm.s32 $0xA;
	s28 =	simm.s32 $0x14;
	[sflag:s20] =	ssyncset.done $0x0  }
.LBB2_4:
0x5b: {  	s29 =	sadd.s32 s26, s18  }
0x5c: {  	[sflag:s20] =	ssyncadd.s32 $0xFFFFD800;
	s30 =	smov.u32 s28;
	s31 =	sadd.s32 $0xA, s28  }
0x5d: {  	[tilespmem:s3], [sflag:$0x2] =	stream.linear.gather [hbm4b:s29+s3], $0x50, $0x38;
	[tilespmem:$0x18900] =	vst v63  }
0x5e: {  	p0 =	sne.s32 s28, $0x4D8;
	_ =	swait.ge [sflag:s20], $0x50  }
0x5f: {  	[sflag:s20] =	ssyncset.done $0x0  }
0x60: {  	s28 =	sadd.s32 s26, s17;
	s26 =	smov.u32 s30;
	[sflag:s20] =	ssyncadd.s32 $0xFFFFFFB0  }
0x61: {  	[tilespmem:s21], [sflag:$0x2] =	stream.linear.gather [hbm4b:s28+s3], $0x50, $0x38;
	[tilespmem:$0x18900] =	vst v63  }
0x62: {  	_ =	swait.ge [sflag:s20], $0x50  }
0x63: {  	[sflag:s20] =	ssyncset.done $0x0  }
0x64: {  	[sflag:s20] =	ssyncadd.s32 $0xFFFFFFB0  }
0x65: {  	[tilespmem:s23], [sflag:$0x1] =	stream.indirect.gather [hbm4b:s4+s22], $0x80, s3, s22, $0xb8;
	[tilespmem:$0x18900] =	vst v63  }
0x66: {  	_ =	swait.ge [sflag:s24], $0x2800  }
.Ltmp1:
0x67: {  	[sflag:s24] =	ssyncset.done $0x0;
	(pc) =	sbr.rel @p0 .LBB2_4-.Ltmp1, $4  }
0x68: {  	[sflag:s24] =	ssyncadd.s32 $0xFFFFD800  }
0x69: {  	[spmem:s2] =	stream.indirect.scatter.add.f32 [tilespmem:s23], [sflag:$0x2], $0x80, s21, s22, $0xb8;
	[tilespmem:$0x18900] =	vst v63  }
0x6a: {  	_ =	swait.ge [sflag:s20], $0x2800  }
0x6b: {  	s28 =	smov.u32 s31;
	[sflag:s20] =	ssyncset.done $0x0  }
0x6c: {  	s28 =	sadd.s32 s26, s18;
	[sflag:s20] =	ssyncadd.s32 $0xFFFFD800  }
0x6d: {  	[tilespmem:s3], [sflag:$0x2] =	stream.linear.gather [hbm4b:s28+s3], $0x50, $0x38;
	[tilespmem:$0x18900] =	vst v63  }
0x6e: {  	_ =	swait.ge [sflag:s20], $0x50  }
0x6f: {  	[sflag:s20] =	ssyncset.done $0x0  }
0x70: {  	s29 =	sadd.s32 s26, s17;
	[sflag:s20] =	ssyncadd.s32 $0xFFFFFFB0  }
0x71: {  	[tilespmem:s21], [sflag:$0x2] =	stream.linear.gather [hbm4b:s29+s3], $0x50, $0x38;
	[tilespmem:$0x18900] =	vst v63  }
0x72: {  	_ =	swait.ge [sflag:s20], $0x50  }
0x73: {  	[sflag:s20] =	ssyncset.done $0x0  }
0x74: {  	[sflag:s20] =	ssyncadd.s32 $0xFFFFFFB0  }
0x75: {  	[tilespmem:s23], [sflag:$0x1] =	stream.indirect.gather [hbm4b:s4+s22], $0x80, s3, s22, $0xb8;
	[tilespmem:$0x18900] =	vst v63  }
0x76: {  	_ =	swait.ge [sflag:s24], $0x2800  }
0x77: {  	[sflag:s24] =	ssyncset.done $0x0  }
0x78: {  	[sflag:s24] =	ssyncadd.s32 $0xFFFFD800  }
0x79: {  	[spmem:s2] =	stream.indirect.scatter.add.f32 [tilespmem:s23], [sflag:$0x2], $0x80, s21, s22, $0xb8;
	[tilespmem:$0x18900] =	vst v63  }
0x7a: {  	_ =	swait.ge [sflag:s20], $0x2800  }
0x7b: {  	s30 =	sshll.u32 s0, $0x6;
	s25 =	sadd.s32 $0x1, s25;
	[sflag:s20] =	ssyncset.done $0x0  }
0x7c: {  	s31 =	sshrl.u32 s5, $0x3;
	p0 =	sne.s32 s25, s7;
	[sflag:s20] =	ssyncadd.s32 $0xFFFFD800  }
.Ltmp2:
0x7d: {  	s26 =	sor.u32 $0x1C02, s30;
	[bflag:$0x0] =	sbarrier.arrive $0xFFFF;
	(pc) =	sbr.rel @p0 .LBB2_1-.Ltmp2, $4  }
0x7e: {  	[hbm:s6], [sflag:s26] =	dma.local [spmem:s31], $0x2800  }
0x7f: {  	_ =	swait.ge [sflag:s20], $0x2800  }
0x80: {  	[sflag:s20] =	ssyncset.done $0x0  }
0x81: {  	[sflag:s20] =	ssyncadd.s32 $0xFFFFD800  }
0x82: {  	_ =	sfence.sel $0x180000  }
0x83: {  	[bflag:$0x0] =	sbarrier.arrive $0xFFFF  }
0x84: {  	p0 =	sne.s32 s0, $0x0;
	_ =	strace $0x90000053  }
0x85: {  	s0 =	sadd.s32 @!p0 $0x100000, s1;
	[bflag:$0x2] =	sbarrier.arrive $0xFFFF  }
0x86: {  	[sflag:s0] =	ssyncadd.tile.s32 @!p0 $0x1;
	_ =	shalt  }
.Lfunc_end2:
_tile_overlayer_lowered:
.L_overlay_start_2:
0x87: {  	(tag) =	ssettag $0x2  }
0x88: {  	s0 =	rddreg [dreg:$0x0];
	s2 =	stileid.u32  }
0x89: {  	s1 =	rddreg [dreg:$0x1];
	p0 =	sne.s32 s2, $0x0  }
0x8a: {  	s3 =	rddreg [dreg:$0x2];
	[bflag:$0x3] =	sbarrier.arrive $0xFFFF;
	s2 =	simm.s32 @!p0 $0x1C02  }
0x8b: {  	[timem:s3], [sflag:s2] =	dma.local @!p0 [hbm:s0], s1  }
0x8c: {  	s0 =	simm.s32 @!p0 $0x2  }
0x8d: {  	_ =	swait.ge @!p0 [sflag:s0], s1  }
0x8e: {  	s1 =	ssub.s32 @!p0 $0x0, s1;
	[sflag:s0] =	ssyncset.done @!p0 $0x0  }
0x8f: {  	[sflag:s0] =	ssyncadd.s32 @!p0 s1  }
0x90: {  	[bflag:$0x3] =	sbarrier.arrive $0xFFFF  }
0x91: {  	_ =	shalt  }

// kernel: kernel.32.cloned.1.call-start
scs
__scs_entry_jumppad:
0x0: {  	(pc) =	sbr.rel $0x88, $3  }
0x1: {  	(tag) =	ssettag $0x0;
	lr =	simm.s32 $0x1  }
0x2: {  	[smem:$0x3F89] =	sst lr;
	_ =	strace $0xD0000000  }
0x3: {  	_ = 	snop  }
0x4: {  	_ = 	snop  }
0x5: {  	_ = 	snop  }
0x6: {  	_ = 	snop  }
0x7: {  	_ = 	snop  }
__scs_overlays_trampoline_lowered:
0x8: {  	[smem:$0x3F98] =	sst s0  }
0x9: {  	[smem:$0x3F99] =	sst s1  }
0xa: {  	[smem:$0x3F9A] =	sst s2  }
0xb: {  	[smem:$0x3F9B] =	sst s3  }
0xc: {  	[smem:$0x3F9C] =	sst s4  }
0xd: {  	[smem:$0x3F9D] =	sst s5  }
0xe: {  	[smem:$0x3F9E] =	sst s6  }
0xf: {  	[smem:$0x3F9F] =	sst s7  }
0x10: {  	[smem:$0x3FA0] =	sst s8  }
0x11: {  	[smem:$0x3FA1] =	sst s9;
	s0 =	simm.s32 @!p0 $0x0  }
0x12: {  	s1 =	sld [smem:$0x3F87];
	s0 =	simm.s32 @p0 $0x1  }
0x13: {  	[smem:$0x3FA2] =	sst s0;
	s0 =	simm.s32 @!p1 $0x0  }
0x14: {  	s2 =	sld [smem:$0x3F86];
	s0 =	simm.s32 @p1 $0x1  }
0x15: {  	[smem:$0x3FA3] =	sst s0;
	s0 =	simm.s32 @!p2 $0x0  }
0x16: {  	s3 =	sld [smem:$0x3FDB];
	s0 =	simm.s32 @p2 $0x1  }
0x17: {  	s4 =	simm.s32 $0x1BF5;
	[smem:$0x3FA5] =	sst s0  }
0x18: {  	s0 =	sld [smem:$0x3F88];
	_ =	swait.ge [sflag:s4], $0x0  }
0x19: {  	s7 =	sld [smem:$0x3F89]  }
0x1a: {  	s8 =	sadd.s32 $0xFFFFE003, lr  }
0x1b: {  	s9 =	sadd.s32 $0xFFFFFEF7, lr;
	s5 =	simm.s32 $0xFFFFFFFF;
	p2 =	slt.u32 s8, $0xFFFFF086  }
0x1c: {  	p1 =	slt.u32 s9, $0xF7A;
	s5 =	simm.s32 @!p2 $0x0  }
0x1d: {  	s5 =	simm.s32 @p1 $0x1;
	p0 =	seq.s32 s7, s2  }
0x1e: {  	s7 =	smul.u32 @!p0 $0xF7A, s2;
	p2 =	seq.s32 @!p0 s5, $0x0  }
0x1f: {  	s9 =	smul.u32 $0xF7A, s1;
	s8 =	simm.s32 @!p0 $0x1BF5;
	p2 =	por !p2, p0  }
0x20: {  	[sflag:s8] =	ssyncset.s32 @!p0 $0xFFFFF086;
	s6 =	sadd.s32 @!p0 s3, s7;
	s7 =	simm.s32 @!p0 $0x108  }
0x21: {  	s3 =	sadd.s32 s3, s9;
	s6 =	sadd.s32 @!p0 $0x88, s6;
	s7 =	simm.s32 @p2 $0x1082  }
0x22: {  	[simem:s7], [sflag:s8] =	dma.local @!p0 [hbm:s6], $0xF7A  }
0x23: {  	s9 =	sor.u32 $0xD0000000, s2;
	s6 =	simm.s32 $0x108;
	_ =	swait.ge @!p0 [sflag:s8], $0x0  }
0x24: {  	s3 =	sadd.s32 $0x88, s3;
	s6 =	simm.s32 @!p1 $0x1082;
	[sflag:s4] =	ssyncset.s32 $0xFFFFF086  }
0x25: {  	[simem:s6], [sflag:s4] =	dma.local [hbm:s3], $0xF7A  }
0x26: {  	[smem:$0x3F89] =	sst s1;
	(tag) =	ssettag s2;
	_ =	strace s9  }
0x27: {  	s1 =	sld [smem:$0x3F99]  }
0x28: {  	s2 =	sld [smem:$0x3F9A]  }
0x29: {  	s4 =	sld [smem:$0x3F9C]  }
0x2a: {  	p0 =	seq.s32 s5, $0x0;
	s5 =	sld [smem:$0x3F9D]  }
0x2b: {  	s6 =	sld [smem:$0x3F9E]  }
0x2c: {  	s7 =	sld [smem:$0x3F9F]  }
0x2d: {  	s3 =	simm.s32 $0x108;
	s8 =	sld [smem:$0x3FA0]  }
0x2e: {  	s3 =	simm.s32 @!p0 $0x1082;
	s9 =	sld [smem:$0x3FA1]  }
0x2f: {  	lr =	sadd.s32 s0, s3;
	s0 =	sld [smem:$0x3F98]  }
0x30: {  	s3 =	sld [smem:$0x3F9B]  }
0x31: {  	[smem:$0x3FA4] =	sst s10  }
0x32: {  	s10 =	sld [smem:$0x3FA2];
	_ =	sdelay $0x3  }
0x33: {  	p0 =	seq.s32 s10, $0x1;
	s10 =	sld [smem:$0x3FA4];
	_ =	sdelay $0x3  }
0x34: {  	[smem:$0x3FA4] =	sst s10  }
0x35: {  	s10 =	sld [smem:$0x3FA3];
	_ =	sdelay $0x3  }
0x36: {  	p1 =	seq.s32 s10, $0x1;
	s10 =	sld [smem:$0x3FA4];
	_ =	sdelay $0x3  }
0x37: {  	[smem:$0x3FA4] =	sst s10  }
0x38: {  	s10 =	sld [smem:$0x3FA5]  }
0x39: {  	_ = 	snop;
	(pc) =	sbr.ind lr, $3  }
0x3a: {  	_ = 	snop  }
0x3b: {  	_ = 	snop  }
0x3c: {  	p2 =	seq.s32 s10, $0x1;
	s10 =	sld [smem:$0x3FA4]  }
0x3d: {  	_ =	shalt  }
0x3e: {  	_ =	shalt  }
0x3f: {  	_ =	shalt  }
0x40: {  	_ =	shalt  }
0x41: {  	_ =	shalt  }
0x42: {  	_ =	shalt  }
0x43: {  	_ =	shalt  }
0x44: {  	_ =	shalt  }
0x45: {  	_ =	shalt  }
0x46: {  	_ =	shalt  }
0x47: {  	_ =	shalt  }
0x48: {  	_ =	shalt  }
0x49: {  	_ =	shalt  }
0x4a: {  	_ =	shalt  }
0x4b: {  	_ =	shalt  }
0x4c: {  	_ =	shalt  }
0x4d: {  	_ =	shalt  }
0x4e: {  	_ =	shalt  }
0x4f: {  	_ =	shalt  }
0x50: {  	_ =	shalt  }
0x51: {  	_ =	shalt  }
0x52: {  	_ =	shalt  }
0x53: {  	_ =	shalt  }
0x54: {  	_ =	shalt  }
0x55: {  	_ =	shalt  }
0x56: {  	_ =	shalt  }
0x57: {  	_ =	shalt  }
0x58: {  	_ =	shalt  }
0x59: {  	_ =	shalt  }
0x5a: {  	_ =	shalt  }
0x5b: {  	_ =	shalt  }
0x5c: {  	_ =	shalt  }
0x5d: {  	_ =	shalt  }
0x5e: {  	_ =	shalt  }
0x5f: {  	_ =	shalt  }
0x60: {  	_ =	shalt  }
0x61: {  	_ =	shalt  }
0x62: {  	_ =	shalt  }
0x63: {  	_ =	shalt  }
0x64: {  	_ =	shalt  }
0x65: {  	_ =	shalt  }
0x66: {  	_ =	shalt  }
0x67: {  	_ =	shalt  }
0x68: {  	_ =	shalt  }
0x69: {  	_ =	shalt  }
0x6a: {  	_ =	shalt  }
0x6b: {  	_ =	shalt  }
0x6c: {  	_ =	shalt  }
0x6d: {  	_ =	shalt  }
0x6e: {  	_ =	shalt  }
0x6f: {  	_ =	shalt  }
0x70: {  	_ =	shalt  }
0x71: {  	_ =	shalt  }
0x72: {  	_ =	shalt  }
0x73: {  	_ =	shalt  }
0x74: {  	_ =	shalt  }
0x75: {  	_ =	shalt  }
0x76: {  	_ =	shalt  }
0x77: {  	_ =	shalt  }
0x78: {  	_ =	shalt  }
0x79: {  	_ =	shalt  }
0x7a: {  	_ =	shalt  }
0x7b: {  	_ =	shalt  }
0x7c: {  	_ =	shalt  }
0x7d: {  	_ =	shalt  }
0x7e: {  	_ =	shalt  }
0x7f: {  	_ =	shalt  }
0x80: {  	_ =	shalt  }
0x81: {  	_ =	shalt  }
0x82: {  	_ =	shalt  }
0x83: {  	_ =	shalt  }
0x84: {  	_ =	shalt  }
0x85: {  	_ =	shalt  }
0x86: {  	_ =	shalt  }
0x87: {  	_ =	shalt  }
.Lfunc_end0:
.L_simem_size_0:
called_computation.5_lowered:
.L_overlay_start_0:
0x88: {  	s2 =	sld [smem:$0x3FD9]  }
0x89: {  	s3 =	sld [smem:$0x3FFE];
	_ =	sdelay $0x1  }
0x8a: {  	s1 =	srdreg.scid  }
0x8b: {  	s0 =	sand.u32 $0x1, s1  }
0x8c: {  	s16 =	sshll.u32 s0, $0xA;
	s2 =	sadd.s32 s3, s2  }
0x8d: {  	s2 =	sadd.s32 s2, s16  }
0x8e: {  	[smem:$0x3FB0] =	sst s2  }
0x8f: {  	_ = 	snop  }
0x90: {  	(tm) =	ssettm $0x1  }
0x91: {  	s17 =	sld [smem:$0x3FFB];
	_ =	sdelay $0x3  }
0x92: {  	_ =	strace s17  }
0x93: {  	s2 =	sld [smem:$0x3FFC];
	_ =	sdelay $0x3  }
0x94: {  	_ =	strace s2  }
0x95: {  	s2 =	sld [smem:$0x3FFD];
	_ =	sdelay $0x3  }
0x96: {  	_ =	strace s2  }
0x97: {  	_ =	strace $0x8FFFFFFF  }
0x98: {  	s18 =	sld [smem:$0x3FDB];
	_ =	sdelay $0x1  }
0x99: {  	s19 =	simm.s32 $_scs_section_size  }
0x9a: {  	s4 =	simm.s32 $_size__tile_overlayer_lowered;
	s5 =	simm.s32 $_tile_overlayer_lowered  }
0x9b: {  	s22 =	simm.s32 $0x1BFF;
	s21 =	sshll.u32 s5, $0x1;
	s2 =	sadd.s32 s19, s18  }
0x9c: {  	s6 =	simm.s32 $0x0;
	s20 =	sshll.u32 s4, $0x1;
	s4 =	sadd.s32 s21, s2  }
0x9d: {  	[timem:s6], [sflag:s22] =	dma.local [hbm:s4], s20  }
0x9e: {  	_ =	swait.ge [sflag:s22], s20  }
0x9f: {  	s3 =	ssub.s32 $0x0, s20;
	[sflag:s22] =	ssyncset.done $0x0  }
0xa0: {  	[sflag:s22] =	ssyncadd.s32 s3;
	_ =	sdelay $0x1  }
0xa1: {  	s23 =	simm.s32 $0x1B8B  }
0xa2: {  	_ =	swait.ge [sflag:s23], $0x1  }
0xa3: {  	[sflag:s23] =	ssyncset.done $0x0  }
0xa4: {  	s25 =	simm.s32 $0x1B8E;
	s24 =	sld [smem:$0x3FFE];
	[sflag:s23] =	ssyncadd.s32 $0xFFFFFFFF  }
0xa5: {  	s26 =	simm.s32 $execute0_lowered;
	[smem:$0x3FD2] =	sst s25  }
0xa6: {  	s4 =	sshll.u32 s26, $0x1;
	_ =	strace $0x80000055;
	[dreg:$0x1] =	wrdreg $0xFFFFFFFF  }
0xa7: {  	s28 =	simm.s32 $_size_execute0_lowered;
	s2 =	sadd.s32 s2, s4;
	[dreg:$0x0] =	wrdreg $0x0  }
0xa8: {  	s4 =	sshll.u32 s28, $0x1;
	[dreg:$0x2] =	wrdreg s2  }
0xa9: {  	[dreg:$0x3] =	wrdreg s4  }
0xaa: {  	[dreg:$0x4] =	wrdreg $0xC0  }
0xab: {  	_ =	task [dreg:s6], $0x5FFFF  }
0xac: {  	[dreg:$0x1] =	wrdreg $0xFFFFFFFF  }
0xad: {  	[dreg:$0x0] =	wrdreg $0x60  }
0xae: {  	[dreg:$0x2] =	wrdreg s24  }
0xaf: {  	[dreg:$0x3] =	wrdreg $0x49000  }
0xb0: {  	[dreg:$0x4] =	wrdreg $0x9  }
0xb1: {  	_ =	task.clear_ibuf [dreg:s6], $0x5FFFF;
	_ =	strace $0x90000055  }
0xb2: {  	s29 =	simm.s32 $0x9;
	_ =	strace $0x80000057  }
0xb3: {  	_ =	swait.ge [sflag:s29], $0x1  }
0xb4: {  	[sflag:s29] =	ssyncadd.s32 $0xFFFFFFFF  }
0xb5: {  	_ =	strace $0x90000057  }
0xb6: {  	_ =	sfence  }
0xb7: {  	s30 =	sld [smem:$0x0];
	_ =	sdelay $0x2  }
0xb8: {  	s31 =	sshll.u32 s1, $0xD;
	s1 =	sshrl.u32 s1, $0x2  }
0xb9: {  	s3 =	sand.u32 $0x4000, s31;
	s1 =	sadd.s32 s1, s30  }
0xba: {  	s0 =	sor.u32 s3, s0;
	s1 =	sshll.u32 s1, $0x11  }
0xbb: {  	s0 =	sor.u32 s1, s0  }
0xbc: {  	s0 =	sadd.s32 $0x8F2B, s0  }
0xbd: {  	[sflag:s0] =	ssyncadd.remote.s32 $0x1  }
0xbe: {  	_ =	sfence.sel $0xFFFF  }
0xbf: {  	[dreg:$0x0] =	wrdreg $0xFFFFFFFF;
	(pc) =	sbr.abs _section_cstart, $3  }
0xc0: {  	[dreg:$0x1] =	wrdreg $0xFFFFFFFF  }
0xc1: {  	_ =	task.clear_ibuf [dreg:s6], $0x2FFFF;
	_ =	strace $0x9FFFFFFF  }
0xc2: {  	(tm) =	ssettm $0x7FFFFFFF  }
0xc3: {  	_ =	shalt  }
tec
execute0_lowered:
.L_overlay_start_1:
0x0: {  	(tag) =	ssettag $0x1  }
0x1: {  	s5 =	rddreg [dreg:$0x0]  }
0x2: {  	s2 =	rddreg [dreg:$0x1]  }
0x3: {  	s0 =	srdreg.scid;
	s1 =	rddreg [dreg:$0x2]  }
0x4: {  	s3 =	simm.s32 $0x0;
	s19 =	simm.s32 $0x2900;
	s6 =	sand.u32 $0x1, s0  }
0x5: {  	s20 =	simm.s32 $0x2;
	s0 =	stileid.u32;
	s4 =	smul.u32 $0x27100, s6  }
0x6: {  	s21 =	simm.s32 $0x80;
	s22 =	simm.s32 $0x50;
	s7 =	smul.u32 $0x2710, s0  }
0x7: {  	s23 =	simm.s32 $0x100;
	s24 =	simm.s32 $0x1;
	s8 =	smul.u32 $0x140000, s6  }
0x8: {  	s25 =	simm.s32 $0x0;
	[smem:$0x7FF] =	sst s3;
	s9 =	smul.u32 $0x14000, s0  }
0x9: {  	_ =	strace $0x80000056;
	s6 =	ssub.s32 $0x2, s6;
	s28 =	smul.u32 $0x50000, s0  }
0xa: {  	s30 =	sshrl.u32 s6, $0x1;
	s7 =	sadd.s32 s7, s4;
	s8 =	sadd.s32 s9, s8  }
0xb: {  	s4 =	sadd.s32 $0x19E00, s5;
	s7 =	sshrl.u32 s7, $0x3;
	s29 =	sshrl.u32 s8, $0x3  }
0xc: {  	s31 =	sshrl.u32 s28, $0x2;
	s18 =	sadd.s32 s7, s5;
	s7 =	sadd.s32 s29, s5  }
0xd: {  	s8 =	ssub.s32 s6, s30;
	s5 =	sadd.s32 s31, s2;
	s6 =	sadd.s32 $0x41000, s7  }
0xe: {  	s7 =	smax.u32 s8, $0x1;
	s8 =	sadd.s32 $0x2000, s5;
	s9 =	sadd.s32 $0x4000, s5  }
0xf: {  	s10 =	sadd.s32 $0x6000, s5;
	s11 =	sadd.s32 $0x8000, s5;
	s12 =	sadd.s32 $0xA000, s5  }
0x10: {  	s13 =	sadd.s32 $0xC000, s5;
	s14 =	sadd.s32 $0xE000, s5;
	s15 =	sadd.s32 $0x10000, s5  }
0x11: {  	v0 =	vimm.f32 $0.0e+00;
	s16 =	sadd.s32 $0x12000, s5;
	s17 =	sadd.s32 $0x10000, s18;
	s18 =	sadd.s32 $0x6200, s18  }
.LBB2_1:
0x12: {  	s26 =	simm.s32 $0x0;
	s28 =	simm.s32 $0x200  }
.LBB2_2:
0x13: {  	p0 =	sne.s32 s28, $0x7E00;
	[tilespmem:s26+$0x2970] =	vst v0  }
0x14: {  	[tilespmem:s26+$0x2900] =	vst v0  }
0x15: {  	[tilespmem:s26+$0x2910] =	vst v0  }
.Ltmp0:
0x16: {  	[tilespmem:s26+$0x2920] =	vst v0;
	(pc) =	sbr.rel @p0 .LBB2_2-.Ltmp0, $4  }
0x17: {  	[tilespmem:s26+$0x2930] =	vst v0  }
0x18: {  	[tilespmem:s26+$0x2940] =	vst v0  }
0x19: {  	[tilespmem:s26+$0x2950] =	vst v0  }
0x1a: {  	[tilespmem:s26+$0x2960] =	vst v0;
	s26 =	sshra.s32 s28, $0x2;
	s28 =	sadd.s32 $0x200, s28  }
0x1b: {  	[tilespmem:s26+$0x2970] =	vst v0  }
0x1c: {  	[tilespmem:s26+$0x2900] =	vst v0  }
0x1d: {  	[tilespmem:s26+$0x2910] =	vst v0  }
0x1e: {  	[tilespmem:s26+$0x2920] =	vst v0  }
0x1f: {  	[tilespmem:s26+$0x2930] =	vst v0  }
0x20: {  	[tilespmem:s26+$0x2940] =	vst v0  }
0x21: {  	[tilespmem:s26+$0x2950] =	vst v0  }
0x22: {  	[tilespmem:s26+$0x2960] =	vst v0  }
0x23: {  	[spmem:s5] =	stream.linear.scatter [tilespmem:s19], [sflag:$0x2], $0x2000, $0x38;
	[tilespmem:$0x18900] =	vst v63  }
0x24: {  	_ =	swait.ge [sflag:s20], $0x2000  }
0x25: {  	[sflag:s20] =	ssyncset.done $0x0  }
0x26: {  	[sflag:s20] =	ssyncadd.s32 $0xFFFFE000  }
0x27: {  	[spmem:s8] =	stream.linear.scatter [tilespmem:s19], [sflag:$0x2], $0x2000, $0x38;
	[tilespmem:$0x18900] =	vst v63  }
0x28: {  	_ =	swait.ge [sflag:s20], $0x2000  }
0x29: {  	[sflag:s20] =	ssyncset.done $0x0  }
0x2a: {  	[sflag:s20] =	ssyncadd.s32 $0xFFFFE000  }
0x2b: {  	[spmem:s9] =	stream.linear.scatter [tilespmem:s19], [sflag:$0x2], $0x2000, $0x38;
	[tilespmem:$0x18900] =	vst v63  }
0x2c: {  	_ =	swait.ge [sflag:s20], $0x2000  }
0x2d: {  	[sflag:s20] =	ssyncset.done $0x0  }
0x2e: {  	[sflag:s20] =	ssyncadd.s32 $0xFFFFE000  }
0x2f: {  	[spmem:s10] =	stream.linear.scatter [tilespmem:s19], [sflag:$0x2], $0x2000, $0x38;
	[tilespmem:$0x18900] =	vst v63  }
0x30: {  	_ =	swait.ge [sflag:s20], $0x2000  }
0x31: {  	[sflag:s20] =	ssyncset.done $0x0  }
0x32: {  	[sflag:s20] =	ssyncadd.s32 $0xFFFFE000  }
0x33: {  	[spmem:s11] =	stream.linear.scatter [tilespmem:s19], [sflag:$0x2], $0x2000, $0x38;
	[tilespmem:$0x18900] =	vst v63  }
0x34: {  	_ =	swait.ge [sflag:s20], $0x2000  }
0x35: {  	[sflag:s20] =	ssyncset.done $0x0  }
0x36: {  	[sflag:s20] =	ssyncadd.s32 $0xFFFFE000  }
0x37: {  	[spmem:s12] =	stream.linear.scatter [tilespmem:s19], [sflag:$0x2], $0x2000, $0x38;
	[tilespmem:$0x18900] =	vst v63  }
0x38: {  	_ =	swait.ge [sflag:s20], $0x2000  }
0x39: {  	[sflag:s20] =	ssyncset.done $0x0  }
0x3a: {  	[sflag:s20] =	ssyncadd.s32 $0xFFFFE000  }
0x3b: {  	[spmem:s13] =	stream.linear.scatter [tilespmem:s19], [sflag:$0x2], $0x2000, $0x38;
	[tilespmem:$0x18900] =	vst v63  }
0x3c: {  	_ =	swait.ge [sflag:s20], $0x2000  }
0x3d: {  	[sflag:s20] =	ssyncset.done $0x0  }
0x3e: {  	[sflag:s20] =	ssyncadd.s32 $0xFFFFE000  }
0x3f: {  	[spmem:s14] =	stream.linear.scatter [tilespmem:s19], [sflag:$0x2], $0x2000, $0x38;
	[tilespmem:$0x18900] =	vst v63  }
0x40: {  	_ =	swait.ge [sflag:s20], $0x2000  }
0x41: {  	[sflag:s20] =	ssyncset.done $0x0  }
0x42: {  	[sflag:s20] =	ssyncadd.s32 $0xFFFFE000  }
0x43: {  	[spmem:s15] =	stream.linear.scatter [tilespmem:s19], [sflag:$0x2], $0x2000, $0x38;
	[tilespmem:$0x18900] =	vst v63  }
0x44: {  	_ =	swait.ge [sflag:s20], $0x2000  }
0x45: {  	[sflag:s20] =	ssyncset.done $0x0  }
0x46: {  	[sflag:s20] =	ssyncadd.s32 $0xFFFFE000  }
0x47: {  	[spmem:s16] =	stream.linear.scatter [tilespmem:s19], [sflag:$0x2], $0x2000, $0x38;
	[tilespmem:$0x18900] =	vst v63  }
0x48: {  	_ =	swait.ge [sflag:s20], $0x2000  }
0x49: {  	[sflag:s20] =	ssyncset.done $0x0  }
0x4a: {  	[sflag:s20] =	ssyncadd.s32 $0xFFFFE000  }
0x4b: {  	s30 =	sadd.s32 $0x0, s18;
	[bflag:$0x0] =	sbarrier.arrive $0xFFFF  }
0x4c: {  	[tilespmem:s3], [sflag:$0x2] =	stream.linear.gather [hbm4b:s30+s3], $0x50, $0x38;
	[tilespmem:$0x18900] =	vst v63  }
0x4d: {  	_ =	swait.ge [sflag:s20], $0x50  }
0x4e: {  	[sflag:s20] =	ssyncset.done $0x0  }
0x4f: {  	s31 =	sadd.s32 $0x0, s17;
	[sflag:s20] =	ssyncadd.s32 $0xFFFFFFB0  }
0x50: {  	[tilespmem:s21], [sflag:$0x2] =	stream.linear.gather [hbm4b:s31+s3], $0x50, $0x38;
	[tilespmem:$0x18900] =	vst v63  }
0x51: {  	_ =	swait.ge [sflag:s20], $0x50  }
0x52: {  	[sflag:s20] =	ssyncset.done $0x0  }
0x53: {  	[sflag:s20] =	ssyncadd.s32 $0xFFFFFFB0  }
0x54: {  	[tilespmem:s23], [sflag:$0x1] =	stream.indirect.gather [hbm4b:s4+s22], $0x80, s3, s22, $0xb8;
	[tilespmem:$0x18900] =	vst v63  }
0x55: {  	_ =	swait.ge [sflag:s24], $0x2800  }
0x56: {  	[sflag:s24] =	ssyncset.done $0x0  }
0x57: {  	[sflag:s24] =	ssyncadd.s32 $0xFFFFD800  }
0x58: {  	[spmem:s2] =	stream.indirect.scatter.add.f32 [tilespmem:s23], [sflag:$0x2], $0x80, s21, s22, $0xb8;
	[tilespmem:$0x18900] =	vst v63  }
0x59: {  	_ =	swait.ge [sflag:s20], $0x2800  }
0x5a: {  	s26 =	simm.s32 $0xA;
	s28 =	simm.s32 $0x14;
	[sflag:s20] =	ssyncset.done $0x0  }
.LBB2_4:
0x5b: {  	s29 =	sadd.s32 s26, s18  }
0x5c: {  	[sflag:s20] =	ssyncadd.s32 $0xFFFFD800;
	s30 =	smov.u32 s28;
	s31 =	sadd.s32 $0xA, s28  }
0x5d: {  	[tilespmem:s3], [sflag:$0x2] =	stream.linear.gather [hbm4b:s29+s3], $0x50, $0x38;
	[tilespmem:$0x18900] =	vst v63  }
0x5e: {  	p0 =	sne.s32 s28, $0x4D8;
	_ =	swait.ge [sflag:s20], $0x50  }
0x5f: {  	[sflag:s20] =	ssyncset.done $0x0  }
0x60: {  	s28 =	sadd.s32 s26, s17;
	s26 =	smov.u32 s30;
	[sflag:s20] =	ssyncadd.s32 $0xFFFFFFB0  }
0x61: {  	[tilespmem:s21], [sflag:$0x2] =	stream.linear.gather [hbm4b:s28+s3], $0x50, $0x38;
	[tilespmem:$0x18900] =	vst v63  }
0x62: {  	_ =	swait.ge [sflag:s20], $0x50  }
0x63: {  	[sflag:s20] =	ssyncset.done $0x0  }
0x64: {  	[sflag:s20] =	ssyncadd.s32 $0xFFFFFFB0  }
0x65: {  	[tilespmem:s23], [sflag:$0x1] =	stream.indirect.gather [hbm4b:s4+s22], $0x80, s3, s22, $0xb8;
	[tilespmem:$0x18900] =	vst v63  }
0x66: {  	_ =	swait.ge [sflag:s24], $0x2800  }
.Ltmp1:
0x67: {  	[sflag:s24] =	ssyncset.done $0x0;
	(pc) =	sbr.rel @p0 .LBB2_4-.Ltmp1, $4  }
0x68: {  	[sflag:s24] =	ssyncadd.s32 $0xFFFFD800  }
0x69: {  	[spmem:s2] =	stream.indirect.scatter.add.f32 [tilespmem:s23], [sflag:$0x2], $0x80, s21, s22, $0xb8;
	[tilespmem:$0x18900] =	vst v63  }
0x6a: {  	_ =	swait.ge [sflag:s20], $0x2800  }
0x6b: {  	s28 =	smov.u32 s31;
	[sflag:s20] =	ssyncset.done $0x0  }
0x6c: {  	s28 =	sadd.s32 s26, s18;
	[sflag:s20] =	ssyncadd.s32 $0xFFFFD800  }
0x6d: {  	[tilespmem:s3], [sflag:$0x2] =	stream.linear.gather [hbm4b:s28+s3], $0x50, $0x38;
	[tilespmem:$0x18900] =	vst v63  }
0x6e: {  	_ =	swait.ge [sflag:s20], $0x50  }
0x6f: {  	[sflag:s20] =	ssyncset.done $0x0  }
0x70: {  	s29 =	sadd.s32 s26, s17;
	[sflag:s20] =	ssyncadd.s32 $0xFFFFFFB0  }
0x71: {  	[tilespmem:s21], [sflag:$0x2] =	stream.linear.gather [hbm4b:s29+s3], $0x50, $0x38;
	[tilespmem:$0x18900] =	vst v63  }
0x72: {  	_ =	swait.ge [sflag:s20], $0x50  }
0x73: {  	[sflag:s20] =	ssyncset.done $0x0  }
0x74: {  	[sflag:s20] =	ssyncadd.s32 $0xFFFFFFB0  }
0x75: {  	[tilespmem:s23], [sflag:$0x1] =	stream.indirect.gather [hbm4b:s4+s22], $0x80, s3, s22, $0xb8;
	[tilespmem:$0x18900] =	vst v63  }
0x76: {  	_ =	swait.ge [sflag:s24], $0x2800  }
0x77: {  	[sflag:s24] =	ssyncset.done $0x0  }
0x78: {  	[sflag:s24] =	ssyncadd.s32 $0xFFFFD800  }
0x79: {  	[spmem:s2] =	stream.indirect.scatter.add.f32 [tilespmem:s23], [sflag:$0x2], $0x80, s21, s22, $0xb8;
	[tilespmem:$0x18900] =	vst v63  }
0x7a: {  	_ =	swait.ge [sflag:s20], $0x2800  }
0x7b: {  	s30 =	sshll.u32 s0, $0x6;
	s25 =	sadd.s32 $0x1, s25;
	[sflag:s20] =	ssyncset.done $0x0  }
0x7c: {  	s31 =	sshrl.u32 s5, $0x3;
	p0 =	sne.s32 s25, s7;
	[sflag:s20] =	ssyncadd.s32 $0xFFFFD800  }
.Ltmp2:
0x7d: {  	s26 =	sor.u32 $0x1C02, s30;
	[bflag:$0x0] =	sbarrier.arrive $0xFFFF;
	(pc) =	sbr.rel @p0 .LBB2_1-.Ltmp2, $4  }
0x7e: {  	[hbm:s6], [sflag:s26] =	dma.local [spmem:s31], $0x2800  }
0x7f: {  	_ =	swait.ge [sflag:s20], $0x2800  }
0x80: {  	[sflag:s20] =	ssyncset.done $0x0  }
0x81: {  	[sflag:s20] =	ssyncadd.s32 $0xFFFFD800  }
0x82: {  	_ =	sfence.sel $0x180000  }
0x83: {  	[bflag:$0x0] =	sbarrier.arrive $0xFFFF  }
0x84: {  	p0 =	sne.s32 s0, $0x0;
	_ =	strace $0x90000056  }
0x85: {  	s0 =	sadd.s32 @!p0 $0x100000, s1;
	[bflag:$0x2] =	sbarrier.arrive $0xFFFF  }
0x86: {  	[sflag:s0] =	ssyncadd.tile.s32 @!p0 $0x1;
	_ =	shalt  }
.Lfunc_end2:
_tile_overlayer_lowered:
.L_overlay_start_2:
0x87: {  	(tag) =	ssettag $0x2  }
0x88: {  	s0 =	rddreg [dreg:$0x0];
	s2 =	stileid.u32  }
0x89: {  	s1 =	rddreg [dreg:$0x1];
	p0 =	sne.s32 s2, $0x0  }
0x8a: {  	s3 =	rddreg [dreg:$0x2];
	[bflag:$0x3] =	sbarrier.arrive $0xFFFF;
	s2 =	simm.s32 @!p0 $0x1C02  }
0x8b: {  	[timem:s3], [sflag:s2] =	dma.local @!p0 [hbm:s0], s1  }
0x8c: {  	s0 =	simm.s32 @!p0 $0x2  }
0x8d: {  	_ =	swait.ge @!p0 [sflag:s0], s1  }
0x8e: {  	s1 =	ssub.s32 @!p0 $0x0, s1;
	[sflag:s0] =	ssyncset.done @!p0 $0x0  }
0x8f: {  	[sflag:s0] =	ssyncadd.s32 @!p0 s1  }
0x90: {  	[bflag:$0x3] =	sbarrier.arrive $0xFFFF  }
0x91: {  	_ =	shalt  }

// kernel: kernel.35.cloned.1.call-start
scs
__scs_entry_jumppad:
0x0: {  	(pc) =	sbr.rel $0x88, $3  }
0x1: {  	(tag) =	ssettag $0x0;
	lr =	simm.s32 $0x1  }
0x2: {  	[smem:$0x3F89] =	sst lr;
	_ =	strace $0xD0000000  }
0x3: {  	_ = 	snop  }
0x4: {  	_ = 	snop  }
0x5: {  	_ = 	snop  }
0x6: {  	_ = 	snop  }
0x7: {  	_ = 	snop  }
__scs_overlays_trampoline_lowered:
0x8: {  	[smem:$0x3F98] =	sst s0  }
0x9: {  	[smem:$0x3F99] =	sst s1  }
0xa: {  	[smem:$0x3F9A] =	sst s2  }
0xb: {  	[smem:$0x3F9B] =	sst s3  }
0xc: {  	[smem:$0x3F9C] =	sst s4  }
0xd: {  	[smem:$0x3F9D] =	sst s5  }
0xe: {  	[smem:$0x3F9E] =	sst s6  }
0xf: {  	[smem:$0x3F9F] =	sst s7  }
0x10: {  	[smem:$0x3FA0] =	sst s8  }
0x11: {  	[smem:$0x3FA1] =	sst s9;
	s0 =	simm.s32 @!p0 $0x0  }
0x12: {  	s1 =	sld [smem:$0x3F87];
	s0 =	simm.s32 @p0 $0x1  }
0x13: {  	[smem:$0x3FA2] =	sst s0;
	s0 =	simm.s32 @!p1 $0x0  }
0x14: {  	s2 =	sld [smem:$0x3F86];
	s0 =	simm.s32 @p1 $0x1  }
0x15: {  	[smem:$0x3FA3] =	sst s0;
	s0 =	simm.s32 @!p2 $0x0  }
0x16: {  	s3 =	sld [smem:$0x3FDB];
	s0 =	simm.s32 @p2 $0x1  }
0x17: {  	s4 =	simm.s32 $0x1BF5;
	[smem:$0x3FA5] =	sst s0  }
0x18: {  	s0 =	sld [smem:$0x3F88];
	_ =	swait.ge [sflag:s4], $0x0  }
0x19: {  	s7 =	sld [smem:$0x3F89]  }
0x1a: {  	s8 =	sadd.s32 $0xFFFFE003, lr  }
0x1b: {  	s9 =	sadd.s32 $0xFFFFFEF7, lr;
	s5 =	simm.s32 $0xFFFFFFFF;
	p2 =	slt.u32 s8, $0xFFFFF086  }
0x1c: {  	p1 =	slt.u32 s9, $0xF7A;
	s5 =	simm.s32 @!p2 $0x0  }
0x1d: {  	s5 =	simm.s32 @p1 $0x1;
	p0 =	seq.s32 s7, s2  }
0x1e: {  	s7 =	smul.u32 @!p0 $0xF7A, s2;
	p2 =	seq.s32 @!p0 s5, $0x0  }
0x1f: {  	s9 =	smul.u32 $0xF7A, s1;
	s8 =	simm.s32 @!p0 $0x1BF5;
	p2 =	por !p2, p0  }
0x20: {  	[sflag:s8] =	ssyncset.s32 @!p0 $0xFFFFF086;
	s6 =	sadd.s32 @!p0 s3, s7;
	s7 =	simm.s32 @!p0 $0x108  }
0x21: {  	s3 =	sadd.s32 s3, s9;
	s6 =	sadd.s32 @!p0 $0x88, s6;
	s7 =	simm.s32 @p2 $0x1082  }
0x22: {  	[simem:s7], [sflag:s8] =	dma.local @!p0 [hbm:s6], $0xF7A  }
0x23: {  	s9 =	sor.u32 $0xD0000000, s2;
	s6 =	simm.s32 $0x108;
	_ =	swait.ge @!p0 [sflag:s8], $0x0  }
0x24: {  	s3 =	sadd.s32 $0x88, s3;
	s6 =	simm.s32 @!p1 $0x1082;
	[sflag:s4] =	ssyncset.s32 $0xFFFFF086  }
0x25: {  	[simem:s6], [sflag:s4] =	dma.local [hbm:s3], $0xF7A  }
0x26: {  	[smem:$0x3F89] =	sst s1;
	(tag) =	ssettag s2;
	_ =	strace s9  }
0x27: {  	s1 =	sld [smem:$0x3F99]  }
0x28: {  	s2 =	sld [smem:$0x3F9A]  }
0x29: {  	s4 =	sld [smem:$0x3F9C]  }
0x2a: {  	p0 =	seq.s32 s5, $0x0;
	s5 =	sld [smem:$0x3F9D]  }
0x2b: {  	s6 =	sld [smem:$0x3F9E]  }
0x2c: {  	s7 =	sld [smem:$0x3F9F]  }
0x2d: {  	s3 =	simm.s32 $0x108;
	s8 =	sld [smem:$0x3FA0]  }
0x2e: {  	s3 =	simm.s32 @!p0 $0x1082;
	s9 =	sld [smem:$0x3FA1]  }
0x2f: {  	lr =	sadd.s32 s0, s3;
	s0 =	sld [smem:$0x3F98]  }
0x30: {  	s3 =	sld [smem:$0x3F9B]  }
0x31: {  	[smem:$0x3FA4] =	sst s10  }
0x32: {  	s10 =	sld [smem:$0x3FA2];
	_ =	sdelay $0x3  }
0x33: {  	p0 =	seq.s32 s10, $0x1;
	s10 =	sld [smem:$0x3FA4];
	_ =	sdelay $0x3  }
0x34: {  	[smem:$0x3FA4] =	sst s10  }
0x35: {  	s10 =	sld [smem:$0x3FA3];
	_ =	sdelay $0x3  }
0x36: {  	p1 =	seq.s32 s10, $0x1;
	s10 =	sld [smem:$0x3FA4];
	_ =	sdelay $0x3  }
0x37: {  	[smem:$0x3FA4] =	sst s10  }
0x38: {  	s10 =	sld [smem:$0x3FA5]  }
0x39: {  	_ = 	snop;
	(pc) =	sbr.ind lr, $3  }
0x3a: {  	_ = 	snop  }
0x3b: {  	_ = 	snop  }
0x3c: {  	p2 =	seq.s32 s10, $0x1;
	s10 =	sld [smem:$0x3FA4]  }
0x3d: {  	_ =	shalt  }
0x3e: {  	_ =	shalt  }
0x3f: {  	_ =	shalt  }
0x40: {  	_ =	shalt  }
0x41: {  	_ =	shalt  }
0x42: {  	_ =	shalt  }
0x43: {  	_ =	shalt  }
0x44: {  	_ =	shalt  }
0x45: {  	_ =	shalt  }
0x46: {  	_ =	shalt  }
0x47: {  	_ =	shalt  }
0x48: {  	_ =	shalt  }
0x49: {  	_ =	shalt  }
0x4a: {  	_ =	shalt  }
0x4b: {  	_ =	shalt  }
0x4c: {  	_ =	shalt  }
0x4d: {  	_ =	shalt  }
0x4e: {  	_ =	shalt  }
0x4f: {  	_ =	shalt  }
0x50: {  	_ =	shalt  }
0x51: {  	_ =	shalt  }
0x52: {  	_ =	shalt  }
0x53: {  	_ =	shalt  }
0x54: {  	_ =	shalt  }
0x55: {  	_ =	shalt  }
0x56: {  	_ =	shalt  }
0x57: {  	_ =	shalt  }
0x58: {  	_ =	shalt  }
0x59: {  	_ =	shalt  }
0x5a: {  	_ =	shalt  }
0x5b: {  	_ =	shalt  }
0x5c: {  	_ =	shalt  }
0x5d: {  	_ =	shalt  }
0x5e: {  	_ =	shalt  }
0x5f: {  	_ =	shalt  }
0x60: {  	_ =	shalt  }
0x61: {  	_ =	shalt  }
0x62: {  	_ =	shalt  }
0x63: {  	_ =	shalt  }
0x64: {  	_ =	shalt  }
0x65: {  	_ =	shalt  }
0x66: {  	_ =	shalt  }
0x67: {  	_ =	shalt  }
0x68: {  	_ =	shalt  }
0x69: {  	_ =	shalt  }
0x6a: {  	_ =	shalt  }
0x6b: {  	_ =	shalt  }
0x6c: {  	_ =	shalt  }
0x6d: {  	_ =	shalt  }
0x6e: {  	_ =	shalt  }
0x6f: {  	_ =	shalt  }
0x70: {  	_ =	shalt  }
0x71: {  	_ =	shalt  }
0x72: {  	_ =	shalt  }
0x73: {  	_ =	shalt  }
0x74: {  	_ =	shalt  }
0x75: {  	_ =	shalt  }
0x76: {  	_ =	shalt  }
0x77: {  	_ =	shalt  }
0x78: {  	_ =	shalt  }
0x79: {  	_ =	shalt  }
0x7a: {  	_ =	shalt  }
0x7b: {  	_ =	shalt  }
0x7c: {  	_ =	shalt  }
0x7d: {  	_ =	shalt  }
0x7e: {  	_ =	shalt  }
0x7f: {  	_ =	shalt  }
0x80: {  	_ =	shalt  }
0x81: {  	_ =	shalt  }
0x82: {  	_ =	shalt  }
0x83: {  	_ =	shalt  }
0x84: {  	_ =	shalt  }
0x85: {  	_ =	shalt  }
0x86: {  	_ =	shalt  }
0x87: {  	_ =	shalt  }
.Lfunc_end0:
.L_simem_size_0:
called_computation.6_lowered:
.L_overlay_start_0:
0x88: {  	s2 =	sld [smem:$0x3FD9]  }
0x89: {  	s3 =	sld [smem:$0x3FFE];
	_ =	sdelay $0x1  }
0x8a: {  	s1 =	srdreg.scid  }
0x8b: {  	s0 =	sand.u32 $0x1, s1  }
0x8c: {  	s16 =	sshll.u32 s0, $0xA;
	s2 =	sadd.s32 s3, s2  }
0x8d: {  	s2 =	sadd.s32 s2, s16  }
0x8e: {  	[smem:$0x3FB0] =	sst s2  }
0x8f: {  	_ = 	snop  }
0x90: {  	(tm) =	ssettm $0x1  }
0x91: {  	s17 =	sld [smem:$0x3FFB];
	_ =	sdelay $0x3  }
0x92: {  	_ =	strace s17  }
0x93: {  	s2 =	sld [smem:$0x3FFC];
	_ =	sdelay $0x3  }
0x94: {  	_ =	strace s2  }
0x95: {  	s2 =	sld [smem:$0x3FFD];
	_ =	sdelay $0x3  }
0x96: {  	_ =	strace s2  }
0x97: {  	_ =	strace $0x8FFFFFFF  }
0x98: {  	s18 =	sld [smem:$0x3FDB];
	_ =	sdelay $0x1  }
0x99: {  	s19 =	simm.s32 $_scs_section_size  }
0x9a: {  	s4 =	simm.s32 $_size__tile_overlayer_lowered;
	s5 =	simm.s32 $_tile_overlayer_lowered  }
0x9b: {  	s22 =	simm.s32 $0x1BFF;
	s21 =	sshll.u32 s5, $0x1;
	s2 =	sadd.s32 s19, s18  }
0x9c: {  	s6 =	simm.s32 $0x0;
	s20 =	sshll.u32 s4, $0x1;
	s4 =	sadd.s32 s21, s2  }
0x9d: {  	[timem:s6], [sflag:s22] =	dma.local [hbm:s4], s20  }
0x9e: {  	_ =	swait.ge [sflag:s22], s20  }
0x9f: {  	s3 =	ssub.s32 $0x0, s20;
	[sflag:s22] =	ssyncset.done $0x0  }
0xa0: {  	[sflag:s22] =	ssyncadd.s32 s3;
	_ =	sdelay $0x1  }
0xa1: {  	s23 =	simm.s32 $0x1B8B  }
0xa2: {  	_ =	swait.ge [sflag:s23], $0x1  }
0xa3: {  	[sflag:s23] =	ssyncset.done $0x0  }
0xa4: {  	s25 =	simm.s32 $0x1B8E;
	s24 =	sld [smem:$0x3FFE];
	[sflag:s23] =	ssyncadd.s32 $0xFFFFFFFF  }
0xa5: {  	s26 =	simm.s32 $execute0_lowered;
	[smem:$0x3FD2] =	sst s25  }
0xa6: {  	s4 =	sshll.u32 s26, $0x1;
	_ =	strace $0x80000058;
	[dreg:$0x1] =	wrdreg $0xFFFFFFFF  }
0xa7: {  	s28 =	simm.s32 $_size_execute0_lowered;
	s2 =	sadd.s32 s2, s4;
	[dreg:$0x0] =	wrdreg $0x0  }
0xa8: {  	s4 =	sshll.u32 s28, $0x1;
	[dreg:$0x2] =	wrdreg s2  }
0xa9: {  	[dreg:$0x3] =	wrdreg s4  }
0xaa: {  	[dreg:$0x4] =	wrdreg $0xC0  }
0xab: {  	_ =	task [dreg:s6], $0x5FFFF  }
0xac: {  	[dreg:$0x1] =	wrdreg $0xFFFFFFFF  }
0xad: {  	[dreg:$0x0] =	wrdreg $0x60  }
0xae: {  	[dreg:$0x2] =	wrdreg s24  }
0xaf: {  	[dreg:$0x3] =	wrdreg $0x49000  }
0xb0: {  	[dreg:$0x4] =	wrdreg $0x9  }
0xb1: {  	_ =	task.clear_ibuf [dreg:s6], $0x5FFFF;
	_ =	strace $0x90000058  }
0xb2: {  	s29 =	simm.s32 $0x9;
	_ =	strace $0x8000005A  }
0xb3: {  	_ =	swait.ge [sflag:s29], $0x1  }
0xb4: {  	[sflag:s29] =	ssyncadd.s32 $0xFFFFFFFF  }
0xb5: {  	_ =	strace $0x9000005A  }
0xb6: {  	_ =	sfence  }
0xb7: {  	s30 =	sld [smem:$0x0];
	_ =	sdelay $0x2  }
0xb8: {  	s31 =	sshll.u32 s1, $0xD;
	s1 =	sshrl.u32 s1, $0x2  }
0xb9: {  	s3 =	sand.u32 $0x4000, s31;
	s1 =	sadd.s32 s1, s30  }
0xba: {  	s0 =	sor.u32 s3, s0;
	s1 =	sshll.u32 s1, $0x11  }
0xbb: {  	s0 =	sor.u32 s1, s0  }
0xbc: {  	s0 =	sadd.s32 $0x8F2B, s0  }
0xbd: {  	[sflag:s0] =	ssyncadd.remote.s32 $0x1  }
0xbe: {  	_ =	sfence.sel $0xFFFF  }
0xbf: {  	[dreg:$0x0] =	wrdreg $0xFFFFFFFF;
	(pc) =	sbr.abs _section_cstart, $3  }
0xc0: {  	[dreg:$0x1] =	wrdreg $0xFFFFFFFF  }
0xc1: {  	_ =	task.clear_ibuf [dreg:s6], $0x2FFFF;
	_ =	strace $0x9FFFFFFF  }
0xc2: {  	(tm) =	ssettm $0x7FFFFFFF  }
0xc3: {  	_ =	shalt  }
tec
execute0_lowered:
.L_overlay_start_1:
0x0: {  	(tag) =	ssettag $0x1  }
0x1: {  	s5 =	rddreg [dreg:$0x0]  }
0x2: {  	s2 =	rddreg [dreg:$0x1]  }
0x3: {  	s0 =	srdreg.scid;
	s1 =	rddreg [dreg:$0x2]  }
0x4: {  	s3 =	simm.s32 $0x0;
	s19 =	simm.s32 $0x2900;
	s6 =	sand.u32 $0x1, s0  }
0x5: {  	s20 =	simm.s32 $0x2;
	s0 =	stileid.u32;
	s4 =	smul.u32 $0x27100, s6  }
0x6: {  	s21 =	simm.s32 $0x80;
	s22 =	simm.s32 $0x50;
	s7 =	smul.u32 $0x2710, s0  }
0x7: {  	s23 =	simm.s32 $0x100;
	s24 =	simm.s32 $0x1;
	s8 =	smul.u32 $0x140000, s6  }
0x8: {  	s25 =	simm.s32 $0x0;
	[smem:$0x7FF] =	sst s3;
	s9 =	smul.u32 $0x14000, s0  }
0x9: {  	_ =	strace $0x80000059;
	s6 =	ssub.s32 $0x2, s6;
	s28 =	smul.u32 $0x50000, s0  }
0xa: {  	s30 =	sshrl.u32 s6, $0x1;
	s7 =	sadd.s32 s7, s4;
	s8 =	sadd.s32 s9, s8  }
0xb: {  	s4 =	sadd.s32 $0x19E00, s5;
	s7 =	sshrl.u32 s7, $0x3;
	s29 =	sshrl.u32 s8, $0x3  }
0xc: {  	s31 =	sshrl.u32 s28, $0x2;
	s18 =	sadd.s32 s7, s5;
	s7 =	sadd.s32 s29, s5  }
0xd: {  	s8 =	ssub.s32 s6, s30;
	s5 =	sadd.s32 s31, s2;
	s6 =	sadd.s32 $0x41000, s7  }
0xe: {  	s7 =	smax.u32 s8, $0x1;
	s8 =	sadd.s32 $0x2000, s5;
	s9 =	sadd.s32 $0x4000, s5  }
0xf: {  	s10 =	sadd.s32 $0x6000, s5;
	s11 =	sadd.s32 $0x8000, s5;
	s12 =	sadd.s32 $0xA000, s5  }
0x10: {  	s13 =	sadd.s32 $0xC000, s5;
	s14 =	sadd.s32 $0xE000, s5;
	s15 =	sadd.s32 $0x10000, s5  }
0x11: {  	v0 =	vimm.f32 $0.0e+00;
	s16 =	sadd.s32 $0x12000, s5;
	s17 =	sadd.s32 $0x10000, s18;
	s18 =	sadd.s32 $0x6200, s18  }
.LBB2_1:
0x12: {  	s26 =	simm.s32 $0x0;
	s28 =	simm.s32 $0x200  }
.LBB2_2:
0x13: {  	p0 =	sne.s32 s28, $0x7E00;
	[tilespmem:s26+$0x2970] =	vst v0  }
0x14: {  	[tilespmem:s26+$0x2900] =	vst v0  }
0x15: {  	[tilespmem:s26+$0x2910] =	vst v0  }
.Ltmp0:
0x16: {  	[tilespmem:s26+$0x2920] =	vst v0;
	(pc) =	sbr.rel @p0 .LBB2_2-.Ltmp0, $4  }
0x17: {  	[tilespmem:s26+$0x2930] =	vst v0  }
0x18: {  	[tilespmem:s26+$0x2940] =	vst v0  }
0x19: {  	[tilespmem:s26+$0x2950] =	vst v0  }
0x1a: {  	[tilespmem:s26+$0x2960] =	vst v0;
	s26 =	sshra.s32 s28, $0x2;
	s28 =	sadd.s32 $0x200, s28  }
0x1b: {  	[tilespmem:s26+$0x2970] =	vst v0  }
0x1c: {  	[tilespmem:s26+$0x2900] =	vst v0  }
0x1d: {  	[tilespmem:s26+$0x2910] =	vst v0  }
0x1e: {  	[tilespmem:s26+$0x2920] =	vst v0  }
0x1f: {  	[tilespmem:s26+$0x2930] =	vst v0  }
0x20: {  	[tilespmem:s26+$0x2940] =	vst v0  }
0x21: {  	[tilespmem:s26+$0x2950] =	vst v0  }
0x22: {  	[tilespmem:s26+$0x2960] =	vst v0  }
0x23: {  	[spmem:s5] =	stream.linear.scatter [tilespmem:s19], [sflag:$0x2], $0x2000, $0x38;
	[tilespmem:$0x18900] =	vst v63  }
0x24: {  	_ =	swait.ge [sflag:s20], $0x2000  }
0x25: {  	[sflag:s20] =	ssyncset.done $0x0  }
0x26: {  	[sflag:s20] =	ssyncadd.s32 $0xFFFFE000  }
0x27: {  	[spmem:s8] =	stream.linear.scatter [tilespmem:s19], [sflag:$0x2], $0x2000, $0x38;
	[tilespmem:$0x18900] =	vst v63  }
0x28: {  	_ =	swait.ge [sflag:s20], $0x2000  }
0x29: {  	[sflag:s20] =	ssyncset.done $0x0  }
0x2a: {  	[sflag:s20] =	ssyncadd.s32 $0xFFFFE000  }
0x2b: {  	[spmem:s9] =	stream.linear.scatter [tilespmem:s19], [sflag:$0x2], $0x2000, $0x38;
	[tilespmem:$0x18900] =	vst v63  }
0x2c: {  	_ =	swait.ge [sflag:s20], $0x2000  }
0x2d: {  	[sflag:s20] =	ssyncset.done $0x0  }
0x2e: {  	[sflag:s20] =	ssyncadd.s32 $0xFFFFE000  }
0x2f: {  	[spmem:s10] =	stream.linear.scatter [tilespmem:s19], [sflag:$0x2], $0x2000, $0x38;
	[tilespmem:$0x18900] =	vst v63  }
0x30: {  	_ =	swait.ge [sflag:s20], $0x2000  }
0x31: {  	[sflag:s20] =	ssyncset.done $0x0  }
0x32: {  	[sflag:s20] =	ssyncadd.s32 $0xFFFFE000  }
0x33: {  	[spmem:s11] =	stream.linear.scatter [tilespmem:s19], [sflag:$0x2], $0x2000, $0x38;
	[tilespmem:$0x18900] =	vst v63  }
0x34: {  	_ =	swait.ge [sflag:s20], $0x2000  }
0x35: {  	[sflag:s20] =	ssyncset.done $0x0  }
0x36: {  	[sflag:s20] =	ssyncadd.s32 $0xFFFFE000  }
0x37: {  	[spmem:s12] =	stream.linear.scatter [tilespmem:s19], [sflag:$0x2], $0x2000, $0x38;
	[tilespmem:$0x18900] =	vst v63  }
0x38: {  	_ =	swait.ge [sflag:s20], $0x2000  }
0x39: {  	[sflag:s20] =	ssyncset.done $0x0  }
0x3a: {  	[sflag:s20] =	ssyncadd.s32 $0xFFFFE000  }
0x3b: {  	[spmem:s13] =	stream.linear.scatter [tilespmem:s19], [sflag:$0x2], $0x2000, $0x38;
	[tilespmem:$0x18900] =	vst v63  }
0x3c: {  	_ =	swait.ge [sflag:s20], $0x2000  }
0x3d: {  	[sflag:s20] =	ssyncset.done $0x0  }
0x3e: {  	[sflag:s20] =	ssyncadd.s32 $0xFFFFE000  }
0x3f: {  	[spmem:s14] =	stream.linear.scatter [tilespmem:s19], [sflag:$0x2], $0x2000, $0x38;
	[tilespmem:$0x18900] =	vst v63  }
0x40: {  	_ =	swait.ge [sflag:s20], $0x2000  }
0x41: {  	[sflag:s20] =	ssyncset.done $0x0  }
0x42: {  	[sflag:s20] =	ssyncadd.s32 $0xFFFFE000  }
0x43: {  	[spmem:s15] =	stream.linear.scatter [tilespmem:s19], [sflag:$0x2], $0x2000, $0x38;
	[tilespmem:$0x18900] =	vst v63  }
0x44: {  	_ =	swait.ge [sflag:s20], $0x2000  }
0x45: {  	[sflag:s20] =	ssyncset.done $0x0  }
0x46: {  	[sflag:s20] =	ssyncadd.s32 $0xFFFFE000  }
0x47: {  	[spmem:s16] =	stream.linear.scatter [tilespmem:s19], [sflag:$0x2], $0x2000, $0x38;
	[tilespmem:$0x18900] =	vst v63  }
0x48: {  	_ =	swait.ge [sflag:s20], $0x2000  }
0x49: {  	[sflag:s20] =	ssyncset.done $0x0  }
0x4a: {  	[sflag:s20] =	ssyncadd.s32 $0xFFFFE000  }
0x4b: {  	s30 =	sadd.s32 $0x0, s18;
	[bflag:$0x0] =	sbarrier.arrive $0xFFFF  }
0x4c: {  	[tilespmem:s3], [sflag:$0x2] =	stream.linear.gather [hbm4b:s30+s3], $0x50, $0x38;
	[tilespmem:$0x18900] =	vst v63  }
0x4d: {  	_ =	swait.ge [sflag:s20], $0x50  }
0x4e: {  	[sflag:s20] =	ssyncset.done $0x0  }
0x4f: {  	s31 =	sadd.s32 $0x0, s17;
	[sflag:s20] =	ssyncadd.s32 $0xFFFFFFB0  }
0x50: {  	[tilespmem:s21], [sflag:$0x2] =	stream.linear.gather [hbm4b:s31+s3], $0x50, $0x38;
	[tilespmem:$0x18900] =	vst v63  }
0x51: {  	_ =	swait.ge [sflag:s20], $0x50  }
0x52: {  	[sflag:s20] =	ssyncset.done $0x0  }
0x53: {  	[sflag:s20] =	ssyncadd.s32 $0xFFFFFFB0  }
0x54: {  	[tilespmem:s23], [sflag:$0x1] =	stream.indirect.gather [hbm4b:s4+s22], $0x80, s3, s22, $0xb8;
	[tilespmem:$0x18900] =	vst v63  }
0x55: {  	_ =	swait.ge [sflag:s24], $0x2800  }
0x56: {  	[sflag:s24] =	ssyncset.done $0x0  }
0x57: {  	[sflag:s24] =	ssyncadd.s32 $0xFFFFD800  }
0x58: {  	[spmem:s2] =	stream.indirect.scatter.add.f32 [tilespmem:s23], [sflag:$0x2], $0x80, s21, s22, $0xb8;
	[tilespmem:$0x18900] =	vst v63  }
0x59: {  	_ =	swait.ge [sflag:s20], $0x2800  }
0x5a: {  	s26 =	simm.s32 $0xA;
	s28 =	simm.s32 $0x14;
	[sflag:s20] =	ssyncset.done $0x0  }
.LBB2_4:
0x5b: {  	s29 =	sadd.s32 s26, s18  }
0x5c: {  	[sflag:s20] =	ssyncadd.s32 $0xFFFFD800;
	s30 =	smov.u32 s28;
	s31 =	sadd.s32 $0xA, s28  }
0x5d: {  	[tilespmem:s3], [sflag:$0x2] =	stream.linear.gather [hbm4b:s29+s3], $0x50, $0x38;
	[tilespmem:$0x18900] =	vst v63  }
0x5e: {  	p0 =	sne.s32 s28, $0x4D8;
	_ =	swait.ge [sflag:s20], $0x50  }
0x5f: {  	[sflag:s20] =	ssyncset.done $0x0  }
0x60: {  	s28 =	sadd.s32 s26, s17;
	s26 =	smov.u32 s30;
	[sflag:s20] =	ssyncadd.s32 $0xFFFFFFB0  }
0x61: {  	[tilespmem:s21], [sflag:$0x2] =	stream.linear.gather [hbm4b:s28+s3], $0x50, $0x38;
	[tilespmem:$0x18900] =	vst v63  }
0x62: {  	_ =	swait.ge [sflag:s20], $0x50  }
0x63: {  	[sflag:s20] =	ssyncset.done $0x0  }
0x64: {  	[sflag:s20] =	ssyncadd.s32 $0xFFFFFFB0  }
0x65: {  	[tilespmem:s23], [sflag:$0x1] =	stream.indirect.gather [hbm4b:s4+s22], $0x80, s3, s22, $0xb8;
	[tilespmem:$0x18900] =	vst v63  }
0x66: {  	_ =	swait.ge [sflag:s24], $0x2800  }
.Ltmp1:
0x67: {  	[sflag:s24] =	ssyncset.done $0x0;
	(pc) =	sbr.rel @p0 .LBB2_4-.Ltmp1, $4  }
0x68: {  	[sflag:s24] =	ssyncadd.s32 $0xFFFFD800  }
0x69: {  	[spmem:s2] =	stream.indirect.scatter.add.f32 [tilespmem:s23], [sflag:$0x2], $0x80, s21, s22, $0xb8;
	[tilespmem:$0x18900] =	vst v63  }
0x6a: {  	_ =	swait.ge [sflag:s20], $0x2800  }
0x6b: {  	s28 =	smov.u32 s31;
	[sflag:s20] =	ssyncset.done $0x0  }
0x6c: {  	s28 =	sadd.s32 s26, s18;
	[sflag:s20] =	ssyncadd.s32 $0xFFFFD800  }
0x6d: {  	[tilespmem:s3], [sflag:$0x2] =	stream.linear.gather [hbm4b:s28+s3], $0x50, $0x38;
	[tilespmem:$0x18900] =	vst v63  }
0x6e: {  	_ =	swait.ge [sflag:s20], $0x50  }
0x6f: {  	[sflag:s20] =	ssyncset.done $0x0  }
0x70: {  	s29 =	sadd.s32 s26, s17;
	[sflag:s20] =	ssyncadd.s32 $0xFFFFFFB0  }
0x71: {  	[tilespmem:s21], [sflag:$0x2] =	stream.linear.gather [hbm4b:s29+s3], $0x50, $0x38;
	[tilespmem:$0x18900] =	vst v63  }
0x72: {  	_ =	swait.ge [sflag:s20], $0x50  }
0x73: {  	[sflag:s20] =	ssyncset.done $0x0  }
0x74: {  	[sflag:s20] =	ssyncadd.s32 $0xFFFFFFB0  }
0x75: {  	[tilespmem:s23], [sflag:$0x1] =	stream.indirect.gather [hbm4b:s4+s22], $0x80, s3, s22, $0xb8;
	[tilespmem:$0x18900] =	vst v63  }
0x76: {  	_ =	swait.ge [sflag:s24], $0x2800  }
0x77: {  	[sflag:s24] =	ssyncset.done $0x0  }
0x78: {  	[sflag:s24] =	ssyncadd.s32 $0xFFFFD800  }
0x79: {  	[spmem:s2] =	stream.indirect.scatter.add.f32 [tilespmem:s23], [sflag:$0x2], $0x80, s21, s22, $0xb8;
	[tilespmem:$0x18900] =	vst v63  }
0x7a: {  	_ =	swait.ge [sflag:s20], $0x2800  }
0x7b: {  	s30 =	sshll.u32 s0, $0x6;
	s25 =	sadd.s32 $0x1, s25;
	[sflag:s20] =	ssyncset.done $0x0  }
0x7c: {  	s31 =	sshrl.u32 s5, $0x3;
	p0 =	sne.s32 s25, s7;
	[sflag:s20] =	ssyncadd.s32 $0xFFFFD800  }
.Ltmp2:
0x7d: {  	s26 =	sor.u32 $0x1C02, s30;
	[bflag:$0x0] =	sbarrier.arrive $0xFFFF;
	(pc) =	sbr.rel @p0 .LBB2_1-.Ltmp2, $4  }
0x7e: {  	[hbm:s6], [sflag:s26] =	dma.local [spmem:s31], $0x2800  }
0x7f: {  	_ =	swait.ge [sflag:s20], $0x2800  }
0x80: {  	[sflag:s20] =	ssyncset.done $0x0  }
0x81: {  	[sflag:s20] =	ssyncadd.s32 $0xFFFFD800  }
0x82: {  	_ =	sfence.sel $0x180000  }
0x83: {  	[bflag:$0x0] =	sbarrier.arrive $0xFFFF  }
0x84: {  	p0 =	sne.s32 s0, $0x0;
	_ =	strace $0x90000059  }
0x85: {  	s0 =	sadd.s32 @!p0 $0x100000, s1;
	[bflag:$0x2] =	sbarrier.arrive $0xFFFF  }
0x86: {  	[sflag:s0] =	ssyncadd.tile.s32 @!p0 $0x1;
	_ =	shalt  }
.Lfunc_end2:
_tile_overlayer_lowered:
.L_overlay_start_2:
0x87: {  	(tag) =	ssettag $0x2  }
0x88: {  	s0 =	rddreg [dreg:$0x0];
	s2 =	stileid.u32  }
0x89: {  	s1 =	rddreg [dreg:$0x1];
	p0 =	sne.s32 s2, $0x0  }
0x8a: {  	s3 =	rddreg [dreg:$0x2];
	[bflag:$0x3] =	sbarrier.arrive $0xFFFF;
	s2 =	simm.s32 @!p0 $0x1C02  }
0x8b: {  	[timem:s3], [sflag:s2] =	dma.local @!p0 [hbm:s0], s1  }
0x8c: {  	s0 =	simm.s32 @!p0 $0x2  }
0x8d: {  	_ =	swait.ge @!p0 [sflag:s0], s1  }
0x8e: {  	s1 =	ssub.s32 @!p0 $0x0, s1;
	[sflag:s0] =	ssyncset.done @!p0 $0x0  }
0x8f: {  	[sflag:s0] =	ssyncadd.s32 @!p0 s1  }
0x90: {  	[bflag:$0x3] =	sbarrier.arrive $0xFFFF  }
0x91: {  	_ =	shalt  }

</sc_bundles>
